<compile_context>
chip_gen: v7x
topology: tpu7x:2x2x1
jax: 0.10.2.dev20260603
libtpu: 0.0.44.dev20260713+nightly
codegen_flags: <defaults>
</compile_context>

<pallas_src>
import functools

import jax
import jax.numpy as jnp
from jax import lax
from jax.experimental import pallas as pl
from jax.experimental.pallas import tpu as pltpu
from jax.experimental.pallas import tpu_sc as plsc

N = 10000
NP = 10240
E = 160000
EP = 163840
D = 64
B = 1024
NW = 32
EPW = EP // NW
CH = 128
NCH = EPW // CH
RPT = NP // 16

_f32 = jnp.float32

def _mesh():
    return plsc.VectorSubcoreMesh(core_axis_name="c", subcore_axis_name="s")



def _sc_gather(table, idx3):

    @functools.partial(
        pl.kernel,
        mesh=_mesh(),
        out_type=jax.ShapeDtypeStruct((EP, 2 * D), _f32),
        scratch_types=[
            pltpu.VMEM((NCH, CH), jnp.int32),
            pltpu.VMEM((CH, 2 * D), _f32),
            pltpu.VMEM((CH, 2 * D), _f32),
            pltpu.VMEM((CH, 2 * D), _f32),
            pltpu.VMEM((CH, 2 * D), _f32),
            pltpu.SemaphoreType.DMA,
        ],
    )
    def k(table_hbm, idx_hbm, out_hbm, idx_v, r0, r1, r2, r3, sem):
        c = lax.axis_index("c")
        s = lax.axis_index("s")
        wid = s * 2 + c
        pltpu.sync_copy(idx_hbm.at[wid], idx_v)
        base = wid * EPW
        bufs = (r0, r1, r2, r3)

        def body(p, carry):
            c0 = 4 * p
            for j in range(4):
                pltpu.async_copy(table_hbm.at[idx_v.at[c0 + j]], bufs[j], sem)
            for j in range(4):
                pltpu.make_async_copy(table_hbm.at[idx_v.at[c0 + j]], bufs[j],
                                      sem).wait()
            for j in range(4):
                pltpu.sync_copy(bufs[j], out_hbm.at[pl.ds(base + (c0 + j) * CH, CH)])
            return carry

        lax.fori_loop(0, NCH // 4, body, 0)

    return k(table, idx3)


def _sc_scatter_add(values, idx3, zeros_tile):
    width = 2 * D

    @functools.partial(
        pl.kernel,
        mesh=_mesh(),
        out_type=jax.ShapeDtypeStruct((2, NP, width), _f32),
        scratch_types=[
            pltpu.VMEM((CH,), jnp.int32),
            pltpu.VMEM((CH,), jnp.int32),
            pltpu.VMEM((CH, width), _f32),
            pltpu.VMEM((CH, width), _f32),
            pltpu.SemaphoreType.DMA,
            pltpu.SemaphoreType.DMA,
            pltpu.VMEM_SHARED((NP, width), _f32),
        ],
    )
    def k(val_hbm, idx_hbm, z_hbm, out_hbm, idx_a, idx_b, val_a, val_b,
          sem_a, sem_b, agg_sh):
        c = lax.axis_index("c")
        s = lax.axis_index("s")
        wid = s * 2 + c
        base = wid * EPW
        row0 = s * RPT
        pltpu.sync_copy(idx_hbm.at[wid, 0], idx_a)
        pltpu.async_copy(val_hbm.at[pl.ds(base, CH)], val_a, sem_a)
        pltpu.sync_copy(z_hbm, agg_sh.at[pl.ds(row0, RPT)])
        plsc.subcore_barrier()

        def body(p, carry):
            c0 = 2 * p
            c1 = c0 + 1
            pltpu.sync_copy(idx_hbm.at[wid, c1], idx_b)
            pltpu.async_copy(val_hbm.at[pl.ds(base + c1 * CH, CH)], val_b, sem_b)
            pltpu.make_async_copy(val_hbm.at[pl.ds(base + c0 * CH, CH)], val_a,
                                  sem_a).wait()
            pltpu.sync_copy(val_a, agg_sh.at[idx_a], add=True)

            @pl.when(p < NCH // 2 - 1)
            def _():
                pltpu.sync_copy(idx_hbm.at[wid, c0 + 2], idx_a)
                pltpu.async_copy(val_hbm.at[pl.ds(base + (c0 + 2) * CH, CH)],
                                 val_a, sem_a)

            pltpu.make_async_copy(val_hbm.at[pl.ds(base + c1 * CH, CH)], val_b,
                                  sem_b).wait()
            pltpu.sync_copy(val_b, agg_sh.at[idx_b], add=True)
            return carry

        lax.fori_loop(0, NCH // 2, body, 0)
        plsc.subcore_barrier()
        pltpu.sync_copy(agg_sh.at[pl.ds(row0, RPT)], out_hbm.at[c, pl.ds(row0, RPT)])

    return k(values, idx3, zeros_tile)



def _lin_relu_body(x_ref, w_ref, b_ref, o_ref):
    o_ref[...] = jnp.maximum(
        jnp.dot(x_ref[...], w_ref[...], preferred_element_type=_f32) + b_ref[...],
        0.0)


def _wide_lin_relu_body(x_ref, w_ref, b_ref, o_ref):
    res = jnp.maximum(
        jnp.dot(x_ref[...], w_ref[...], preferred_element_type=_f32) + b_ref[...],
        0.0)
    o_ref[...] = jnp.concatenate([res, jnp.zeros_like(res)], axis=1)


def _pre(xp, w, b):
    return pl.pallas_call(
        _wide_lin_relu_body,
        out_shape=jax.ShapeDtypeStruct((NP, 2 * D), _f32),
    )(xp, w, b)


def _mlp1_body(x_ref, w_ref, b_ref, o_ref):
    o_ref[...] = jnp.maximum(
        jnp.dot(x_ref[...], w_ref[...], preferred_element_type=_f32) + b_ref[...],
        0.0).astype(jnp.bfloat16)


def _mlp1(eap, w, b):
    blk = 4096
    return pl.pallas_call(
        _mlp1_body,
        grid=(EP // blk,),
        in_specs=[
            pl.BlockSpec((blk, 16), lambda i: (i, 0)),
            pl.BlockSpec((16, 128), lambda i: (0, 0)),
            pl.BlockSpec((1, 128), lambda i: (0, 0)),
        ],
        out_specs=pl.BlockSpec((blk, 128), lambda i: (i, 0)),
        out_shape=jax.ShapeDtypeStruct((EP, 128), jnp.bfloat16),
    )(eap, w, b)


_EB = 512


def _msg_body(xj_ref, h1_ref, w2_ref, rsum_ref, bmat_ref, o_ref):
    w = jnp.dot(h1_ref[...], w2_ref[...],
                preferred_element_type=_f32).astype(jnp.bfloat16)
    xj = xj_ref[...][:, 0:D]
    xjb = xj.astype(jnp.bfloat16)
    xjt = jnp.concatenate([xjb] * D, axis=1)
    acc = jnp.dot(w * xjt, rsum_ref[...], preferred_element_type=_f32)
    acc = acc + jnp.dot(xj, bmat_ref[...], preferred_element_type=_f32)
    ones = jnp.ones((acc.shape[0], 1), _f32)
    zeros = jnp.zeros((acc.shape[0], D - 1), _f32)
    o_ref[...] = jnp.concatenate([acc, ones, zeros], axis=1)


def _msg(xj, h1, w2, rsum, bmat):
    return pl.pallas_call(
        _msg_body,
        grid=(EP // _EB,),
        in_specs=[
            pl.BlockSpec((_EB, 2 * D), lambda i: (i, 0)),
            pl.BlockSpec((_EB, 128), lambda i: (i, 0)),
            pl.BlockSpec((128, D * D), lambda i: (0, 0)),
            pl.BlockSpec((D * D, D), lambda i: (0, 0)),
            pl.BlockSpec((D, D), lambda i: (0, 0)),
        ],
        out_specs=pl.BlockSpec((_EB, 2 * D), lambda i: (i, 0)),
        out_shape=jax.ShapeDtypeStruct((EP, 2 * D), _f32),
    )(xj, h1, w2, rsum, bmat)


def _update_body(a0, a1, h_ref, cw, cb, wir, wiz, win, whr, whz, whn,
                 br, bz, bi_n, bh_n, o_ref):
    asum = a0[...] + a1[...]
    cnt = jnp.maximum(asum[:, D:D + 1], 1.0)
    mean = asum[:, 0:D] / cnt
    h = h_ref[...][:, 0:D]
    m = jnp.maximum(
        mean + jnp.dot(h, cw[...], preferred_element_type=_f32) + cb[...], 0.0)
    r = jax.nn.sigmoid(jnp.dot(m, wir[...], preferred_element_type=_f32)
                       + jnp.dot(h, whr[...], preferred_element_type=_f32)
                       + br[...])
    z = jax.nn.sigmoid(jnp.dot(m, wiz[...], preferred_element_type=_f32)
                       + jnp.dot(h, whz[...], preferred_element_type=_f32)
                       + bz[...])
    hn = jnp.dot(h, whn[...], preferred_element_type=_f32) + bh_n[...]
    n = jnp.tanh(jnp.dot(m, win[...], preferred_element_type=_f32)
                 + bi_n[...] + r * hn)
    res = (1.0 - z) * n + z * h
    o_ref[...] = jnp.concatenate([res, jnp.zeros_like(res)], axis=1)


def _update(a0, a1, h, cw, cb, giw, ghw, gb):
    blk = 1024
    mat = pl.BlockSpec((D, D), lambda i: (0, 0))
    row = pl.BlockSpec((1, D), lambda i: (0, 0))
    wide = pl.BlockSpec((blk, 2 * D), lambda i: (i, 0))
    return pl.pallas_call(
        _update_body,
        grid=(NP // blk,),
        in_specs=[
            wide, wide, wide, mat, row,
            mat, mat, mat, mat, mat, mat,
            row, row, row, row,
        ],
        out_specs=wide,
        out_shape=jax.ShapeDtypeStruct((NP, 2 * D), _f32),
    )(a0, a1, h, cw, cb, *giw, *ghw, *gb)


def _attn_body(out_ref, bt_ref, q_ref, a_ref, ao_ref):
    bt = bt_ref[...]
    cols = lax.broadcasted_iota(jnp.int32, (bt.shape[0], B), 1)
    sm = (bt == cols).astype(_f32)
    qn = jnp.dot(sm, q_ref[...], preferred_element_type=_f32)
    o = out_ref[...][:, 0:D]
    e = jnp.sum(o * qn, axis=1, keepdims=True)
    a = jnp.exp(e)
    a_ref[...] = a
    ao_ref[...] = a * o


def _attn(out, bt2, q):
    blk = 1024
    return pl.pallas_call(
        _attn_body,
        grid=(NP // blk,),
        in_specs=[
            pl.BlockSpec((blk, 2 * D), lambda i: (i, 0)),
            pl.BlockSpec((blk, 1), lambda i: (i, 0)),
            pl.BlockSpec((B, D), lambda i: (0, 0)),
        ],
        out_specs=[
            pl.BlockSpec((blk, 1), lambda i: (i, 0)),
            pl.BlockSpec((blk, D), lambda i: (i, 0)),
        ],
        out_shape=[
            jax.ShapeDtypeStruct((NP, 1), _f32),
            jax.ShapeDtypeStruct((NP, D), _f32),
        ],
    )(out, bt2, q)


def _seg_body(a_ref, ao_ref, bt_ref, rv_ref, as_ref):
    i = pl.program_id(0)

    @pl.when(i == 0)
    def _():
        rv_ref[...] = jnp.zeros_like(rv_ref)
        as_ref[...] = jnp.zeros_like(as_ref)

    bt = bt_ref[0]
    rows = lax.broadcasted_iota(jnp.int32, (B, bt.shape[1]), 0)
    sm = (rows == bt).astype(_f32)
    rv_ref[...] += jnp.dot(sm, ao_ref[...], preferred_element_type=_f32)
    as_ref[...] += jnp.dot(sm, a_ref[...], preferred_element_type=_f32)

    @pl.when(i == pl.num_programs(0) - 1)
    def _():
        rv_ref[...] = rv_ref[...] / (as_ref[...] + 1e-16)


def _seg(a, ao, bt3):
    blk = 1024
    rv, _ = pl.pallas_call(
        _seg_body,
        grid=(NP // blk,),
        in_specs=[
            pl.BlockSpec((blk, 1), lambda i: (i, 0)),
            pl.BlockSpec((blk, D), lambda i: (i, 0)),
            pl.BlockSpec((1, 1, blk), lambda i: (i, 0, 0)),
        ],
        out_specs=[
            pl.BlockSpec((B, D), lambda i: (0, 0)),
            pl.BlockSpec((B, 1), lambda i: (0, 0)),
        ],
        out_shape=[
            jax.ShapeDtypeStruct((B, D), _f32),
            jax.ShapeDtypeStruct((B, 1), _f32),
        ],
        compiler_params=pltpu.CompilerParams(
            dimension_semantics=("arbitrary",)),
    )(a, ao, bt3)
    return rv


def _lstm_body(qs_ref, h_ref, c_ref, wii, wif, wig, wio, whi, whf, whg, who,
               bi, bf, bg, bo, ho_ref, co_ref):
    qs = qs_ref[...]
    h = h_ref[...]

    def gate(wi, wh, bb):
        return (jnp.dot(qs, wi[...], preferred_element_type=_f32)
                + jnp.dot(h, wh[...], preferred_element_type=_f32) + bb[...])

    gi = jax.nn.sigmoid(gate(wii, whi, bi))
    gf = jax.nn.sigmoid(gate(wif, whf, bf))
    gg = jnp.tanh(gate(wig, whg, bg))
    go = jax.nn.sigmoid(gate(wio, who, bo))
    cc = gf * c_ref[...] + gi * gg
    co_ref[...] = cc
    ho_ref[...] = go * jnp.tanh(cc)


def _lstm(qs, h, c, wi, wh, bs):
    return pl.pallas_call(
        _lstm_body,
        out_shape=[
            jax.ShapeDtypeStruct((B, D), _f32),
            jax.ShapeDtypeStruct((B, D), _f32),
        ],
    )(qs, h, c, *wi, *wh, *bs)


def _head_body(qs_ref, w1, b1, w2r, b2, y_ref):
    t = jnp.maximum(
        jnp.dot(qs_ref[...], w1[...], preferred_element_type=_f32) + b1[...],
        0.0)
    y_ref[...] = jnp.sum(t * w2r[...], axis=1, keepdims=True) + b2[...]


def _head(qs, w1, b1, w2r, b2):
    return pl.pallas_call(
        _head_body,
        out_shape=jax.ShapeDtypeStruct((B, 1), _f32),
    )(qs, w1, b1, w2r, b2)



def kernel(x, edge_index, edge_attr, batch, lin0_W, lin0_b, nn1_W, nn1_b,
           nn2_W, nn2_b, conv_root, conv_bias, gru_Wih, gru_Whh, gru_bih,
           gru_bhh, lstm_Wih, lstm_Whh, lstm_bih, lstm_bhh, lin1_W, lin1_b,
           lin2_W, lin2_b):
    i32 = jnp.int32
    src = edge_index[0]
    dst = edge_index[1]
    src3 = jnp.concatenate([src, jnp.zeros((EP - E,), i32)]).reshape(NW, NCH, CH)
    dst3 = jnp.concatenate([dst, jnp.full((EP - E,), N, i32)]).reshape(NW, NCH, CH)
    eap = jnp.pad(edge_attr, ((0, EP - E), (0, 0)))
    xp = jnp.pad(x, ((0, NP - N), (0, 11)))
    batp = jnp.pad(batch, (0, NP - N), constant_values=B)
    bt2 = batp.reshape(NP, 1)
    bt3 = batp.reshape(NP // 1024, 1, 1024)

    lin0_Wp = jnp.pad(lin0_W.T, ((0, 11), (0, 0)))
    out = _pre(xp, lin0_Wp, lin0_b[None, :])
    h1 = _mlp1(eap, nn1_W.T, nn1_b[None, :])

    wir = gru_Wih[0:D].T
    wiz = gru_Wih[D:2 * D].T
    win = gru_Wih[2 * D:].T
    whr = gru_Whh[0:D].T
    whz = gru_Whh[D:2 * D].T
    whn = gru_Whh[2 * D:].T
    br = (gru_bih[0:D] + gru_bhh[0:D])[None, :]
    bz = (gru_bih[D:2 * D] + gru_bhh[D:2 * D])[None, :]
    bi_n = gru_bih[2 * D:][None, :]
    bh_n = gru_bhh[2 * D:][None, :]

    zm = jnp.zeros((RPT, 2 * D), _f32)
    w2 = jnp.transpose(nn2_W.reshape(D, D, 128), (1, 0, 2)).reshape(D * D, 128)
    w2 = w2.T.astype(jnp.bfloat16)
    rsum = jnp.repeat(jnp.eye(D, dtype=jnp.bfloat16), D, axis=0)
    bmat = nn2_b.reshape(D, D)
    cw = conv_root.T
    cb = conv_bias[None, :]
    for _ in range(3):
        xj = _sc_gather(out, src3)
        msg = _msg(xj, h1, w2, rsum, bmat)
        aggs = _sc_scatter_add(msg, dst3, zm)
        out = _update(aggs[0], aggs[1], out, cw, cb,
                      (wir, wiz, win), (whr, whz, whn), (br, bz, bi_n, bh_n))

    wi_g = tuple(lstm_Wih[k * D:(k + 1) * D].T for k in range(4))
    wh_g = tuple(lstm_Whh[k * D:(k + 1) * D].T for k in range(4))
    b_g = tuple((lstm_bih[k * D:(k + 1) * D] + lstm_bhh[k * D:(k + 1) * D])[None, :]
                for k in range(4))
    hB = jnp.zeros((B, D), _f32)
    cB = jnp.zeros((B, D), _f32)
    qs = jnp.zeros((B, 2 * D), _f32)
    for _ in range(3):
        hB, cB = _lstm(qs, hB, cB, wi_g, wh_g, b_g)
        a, ao = _attn(out, bt2, hB)
        rvec = _seg(a, ao, bt3)
        qs = jnp.concatenate([hB, rvec], axis=1)

    y = _head(qs, lin1_W.T, lin1_b[None, :], lin2_W[0][None, :], lin2_b[None, :])
    return y.reshape(-1)

# --- scband reference (transcript-rebuilt; emitter-appended) ---
"""Pipeline reference for scband-net-6416681140530 (READ-ONLY COPY).

The authoritative reference and input builder live on the scoring server;
editing this copy changes nothing except your own understanding.
"""

import jax, jax.numpy as jnp
import numpy as np

N = 10000
E = 160000
DIM = 64
B = 1024


def setup_inputs(seed: int = 0):
    key = jax.random.key(seed)
    ks = jax.random.split(key, 24)
    def p(k, shape, scale):
        return jax.random.normal(k, shape, dtype=jnp.float32) * scale
    inp = {}
    inp['x'] = jax.random.normal(ks[0], (N, 21), dtype=jnp.float32)
    inp['edge_index'] = jax.random.randint(ks[1], (2, E), 0, N, dtype=jnp.int32)
    inp['edge_attr'] = jax.random.uniform(ks[2], (E, 16), dtype=jnp.float32)
    inp['batch'] = jnp.sort(jax.random.randint(ks[3], (N,), 0, B, dtype=jnp.int32))
    inp['lin0_W'] = p(ks[4], (DIM, 21), 0.1)
    inp['lin0_b'] = p(ks[5], (DIM,), 0.1)
    inp['nn1_W'] = p(ks[6], (128, 16), 0.1)
    inp['nn1_b'] = p(ks[7], (128,), 0.1)
    inp['nn2_W'] = p(ks[8], (DIM * DIM, 128), 0.05)
    inp['nn2_b'] = p(ks[9], (DIM * DIM,), 0.05)
    inp['conv_root'] = p(ks[10], (DIM, DIM), 0.05)
    inp['conv_bias'] = p(ks[11], (DIM,), 0.05)
    inp['gru_Wih'] = p(ks[12], (3 * DIM, DIM), 0.05)
    inp['gru_Whh'] = p(ks[13], (3 * DIM, DIM), 0.05)
    inp['gru_bih'] = p(ks[14], (3 * DIM,), 0.05)
    inp['gru_bhh'] = p(ks[15], (3 * DIM,), 0.05)
    inp['lstm_Wih'] = p(ks[16], (4 * DIM, 2 * DIM), 0.05)
    inp['lstm_Whh'] = p(ks[17], (4 * DIM, DIM), 0.05)
    inp['lstm_bih'] = p(ks[18], (4 * DIM,), 0.05)
    inp['lstm_bhh'] = p(ks[19], (4 * DIM,), 0.05)
    inp['lin1_W'] = p(ks[20], (DIM, 2 * DIM), 0.05)
    inp['lin1_b'] = p(ks[21], (DIM,), 0.05)
    inp['lin2_W'] = p(ks[22], (1, DIM), 0.05)
    inp['lin2_b'] = p(ks[23], (1,), 0.05)
    return inp


def reference(x, edge_index, edge_attr, batch, lin0_W, lin0_b, nn1_W, nn1_b, nn2_W, nn2_b, conv_root, conv_bias, gru_Wih, gru_Whh, gru_bih, gru_bhh, lstm_Wih, lstm_Whh, lstm_bih, lstm_bhh, lin1_W, lin1_b, lin2_W, lin2_b):
    src = edge_index[0]
    dst = edge_index[1]
    out = jax.nn.relu(x @ lin0_W.T + lin0_b)
    h = out
    # per-edge weight matrices from the edge MLP (NNConv)
    w_edge = jax.nn.relu(edge_attr @ nn1_W.T + nn1_b) @ nn2_W.T + nn2_b
    w_edge = w_edge.reshape(E, DIM, DIM)
    cnt = jax.ops.segment_sum(jnp.ones((E,), dtype=jnp.float32), dst, num_segments=N)
    cnt = jnp.maximum(cnt, 1.0)[:, None]
    for _ in range(3):
        xj = out[src]
        msg = jnp.einsum('ei,eio->eo', xj, w_edge)
        agg = jax.ops.segment_sum(msg, dst, num_segments=N)
        mean = agg / cnt
        m = jax.nn.relu(mean + out @ conv_root.T + conv_bias)
        # GRU step (PyTorch gate order: r, z, n)
        gi = m @ gru_Wih.T + gru_bih
        gh = h @ gru_Whh.T + gru_bhh
        ir, iz, inn = jnp.split(gi, 3, axis=1)
        hr, hz, hn = jnp.split(gh, 3, axis=1)
        r = jax.nn.sigmoid(ir + hr)
        z = jax.nn.sigmoid(iz + hz)
        n = jnp.tanh(inn + r * hn)
        h = (1.0 - z) * n + z * h
        out = h
    # Set2Set with 3 processing steps (LSTM gate order: i, f, g, o)
    hB = jnp.zeros((B, DIM), dtype=jnp.float32)
    cB = jnp.zeros((B, DIM), dtype=jnp.float32)
    q_star = jnp.zeros((B, 2 * DIM), dtype=jnp.float32)
    for _ in range(3):
        gates = q_star @ lstm_Wih.T + lstm_bih + hB @ lstm_Whh.T + lstm_bhh
        gi_, gf_, gg_, go_ = jnp.split(gates, 4, axis=1)
        cB = jax.nn.sigmoid(gf_) * cB + jax.nn.sigmoid(gi_) * jnp.tanh(gg_)
        hB = jax.nn.sigmoid(go_) * jnp.tanh(cB)
        q = hB
        e = jnp.sum(out * q[batch], axis=1)
        emax = jax.ops.segment_max(e, batch, num_segments=B)
        emax = jnp.where(jnp.isfinite(emax), emax, 0.0)
        a = jnp.exp(e - emax[batch])
        asum = jax.ops.segment_sum(a, batch, num_segments=B)
        a = a / (asum[batch] + 1e-16)
        rvec = jax.ops.segment_sum(a[:, None] * out, batch, num_segments=B)
        q_star = jnp.concatenate([q, rvec], axis=1)
    y = jax.nn.relu(q_star @ lin1_W.T + lin1_b)
    y = y @ lin2_W.T + lin2_b
    return y.reshape(-1)

if __name__ == "__main__":
    import jax
    _d = setup_inputs()
    print(jax.jit(kernel)(*tuple(_d.values())))

</pallas_src>

<mosaic_0001>
#map = affine_map<(d0, d1) -> (0, 0)>
#map1 = affine_map<(d0, d1) -> (0, 0, 0)>
module attributes {stable_mosaic.version = 14 : i64} {
  func.func @k(%arg0: i32, %arg1: i32, %arg2: memref<10240x128xf32, #tpu.memory_space<hbm>>, %arg3: memref<32x40x128xi32, #tpu.memory_space<hbm>>, %arg4: memref<163840x128xf32, #tpu.memory_space<hbm>>, %arg5: memref<40x128xi32, #tpu.memory_space<vmem>>, %arg6: memref<128x128xf32, #tpu.memory_space<vmem>>, %arg7: memref<128x128xf32, #tpu.memory_space<vmem>>, %arg8: memref<128x128xf32, #tpu.memory_space<vmem>>, %arg9: memref<128x128xf32, #tpu.memory_space<vmem>>, %arg10: memref<!tpu.dma_semaphore, #tpu.memory_space<semaphore_mem>>) attributes {dimension_semantics = [#tpu.dimension_semantics<core_parallel>, #tpu.dimension_semantics<subcore_parallel>], iteration_bounds = array<i64: 2, 16>, scalar_prefetch = 0 : i64, scratch_operands = 6 : i64, tpu.core_type = #tpu.core_type<sc_vector_subcore>, window_params = [{transform_indices = #map}, {transform_indices = #map1}, {transform_indices = #map}]} {
    %mul3A = arith.constant 2 : i32
    %mul3A_0 = arith.muli %arg1, %mul3A : i32
    %add3A = arith.addi %mul3A_0, %arg0 : i32
    "tpu.region"() ({
      %run_scoped3A = tpu.sem_alloc : memref<!tpu.dma_semaphore, #tpu.memory_space<semaphore_mem>>
      %dma_start3A = arith.constant 0 : i32
      %dma_start3A_8 = arith.constant 0 : i32
      %dma_start3A_9 = tpu.memref_slice %arg3[%add3A, %dma_start3A, %dma_start3A_8] : memref<32x40x128xi32, #tpu.memory_space<hbm>> -> memref<1x40x128xi32, #tpu.memory_space<hbm>>
      %dma_start3A_10 = tpu.memref_squeeze %dma_start3A_9 : memref<1x40x128xi32, #tpu.memory_space<hbm>> -> memref<40x128xi32, #tpu.memory_space<hbm>>
      %dma_start3A_11 = arith.constant 0 : i32
      %dma_start3A_12 = arith.constant 0 : i32
      %dma_start3A_13 = tpu.memref_slice %arg3[%add3A, %dma_start3A_11, %dma_start3A_12] : memref<32x40x128xi32, #tpu.memory_space<hbm>> -> memref<1x40x128xi32, #tpu.memory_space<hbm>>
      %dma_start3A_14 = tpu.memref_squeeze %dma_start3A_13 : memref<1x40x128xi32, #tpu.memory_space<hbm>> -> memref<40x128xi32, #tpu.memory_space<hbm>>
      tpu.enqueue_dma source(%dma_start3A_14 : memref<40x128xi32, #tpu.memory_space<hbm>>) target(%arg5 : memref<40x128xi32, #tpu.memory_space<vmem>>) target_semaphore(%run_scoped3A : memref<!tpu.dma_semaphore, #tpu.memory_space<semaphore_mem>>)
      %dma_wait3A = arith.constant 0 : i32
      %dma_wait3A_15 = arith.constant 0 : i32
      %dma_wait3A_16 = tpu.memref_slice %arg3[%add3A, %dma_wait3A, %dma_wait3A_15] : memref<32x40x128xi32, #tpu.memory_space<hbm>> -> memref<1x40x128xi32, #tpu.memory_space<hbm>>
      %dma_wait3A_17 = tpu.memref_squeeze %dma_wait3A_16 : memref<1x40x128xi32, #tpu.memory_space<hbm>> -> memref<40x128xi32, #tpu.memory_space<hbm>>
      %dma_wait3A_18 = arith.constant 0 : i32
      %dma_wait3A_19 = arith.constant 0 : i32
      %dma_wait3A_20 = tpu.memref_slice %arg3[%add3A, %dma_wait3A_18, %dma_wait3A_19] : memref<32x40x128xi32, #tpu.memory_space<hbm>> -> memref<1x40x128xi32, #tpu.memory_space<hbm>>
      %dma_wait3A_21 = tpu.memref_squeeze %dma_wait3A_20 : memref<1x40x128xi32, #tpu.memory_space<hbm>> -> memref<40x128xi32, #tpu.memory_space<hbm>>
      tpu.wait_dma2 semaphore(%run_scoped3A : memref<!tpu.dma_semaphore, #tpu.memory_space<semaphore_mem>>) src(%dma_wait3A_21 : memref<40x128xi32, #tpu.memory_space<hbm>>) dst(%arg5 : memref<40x128xi32, #tpu.memory_space<vmem>>)
      tpu.yield
    }) : () -> ()
    %mul3A_1 = arith.constant 5120 : i32
    %mul3A_2 = arith.muli %add3A, %mul3A_1 : i32
    %scan3A = arith.constant 0 : i32
    %scan3A_3 = arith.constant 0 : i32
    %scan3A_4 = arith.constant 10 : i32
    %scan3A_5 = arith.addi %scan3A_3, %scan3A_4 : i32
    %scan3A_6 = arith.constant 1 : i32
    scf.for %scan3A_8 = %scan3A_3 to %scan3A_5 step %scan3A_6  : i32 {
      %mul3A_9 = arith.constant 4 : i32
      %mul3A_10 = arith.muli %mul3A_9, %scan3A_8 : i32
      %add3A_11 = arith.constant 0 : i32
      %add3A_12 = arith.addi %mul3A_10, %add3A_11 : i32
      %dma_start3A = arith.constant 0 : i32
      %dma_start3A_13 = tpu.memref_slice %arg5[%add3A_12, %dma_start3A] : memref<40x128xi32, #tpu.memory_space<vmem>> -> memref<1x128xi32, #tpu.memory_space<vmem>>
      %dma_start3A_14 = tpu.memref_squeeze %dma_start3A_13 : memref<1x128xi32, #tpu.memory_space<vmem>> -> memref<128xi32, #tpu.memory_space<vmem>>
      %dma_start3A_15 = arith.constant 0 : i32
      %dma_start3A_16 = arith.constant 0 : i32
      %dma_start3A_17 = tpu.memref_slice %arg2[%dma_start3A_15, %dma_start3A_16] : memref<10240x128xf32, #tpu.memory_space<hbm>> -> memref<10240x128xf32, #tpu.memory_space<hbm>>
      tpu.enqueue_indirect_dma source(%dma_start3A_17 : memref<10240x128xf32, #tpu.memory_space<hbm>>) target(%arg6 : memref<128x128xf32, #tpu.memory_space<vmem>>) offsets(%dma_start3A_14 : memref<128xi32, #tpu.memory_space<vmem>>) semaphore(%arg10 : memref<!tpu.dma_semaphore, #tpu.memory_space<semaphore_mem>>)
      %add3A_18 = arith.constant 1 : i32
      %add3A_19 = arith.addi %mul3A_10, %add3A_18 : i32
      %dma_start3A_20 = arith.constant 0 : i32
      %dma_start3A_21 = tpu.memref_slice %arg5[%add3A_19, %dma_start3A_20] : memref<40x128xi32, #tpu.memory_space<vmem>> -> memref<1x128xi32, #tpu.memory_space<vmem>>
      %dma_start3A_22 = tpu.memref_squeeze %dma_start3A_21 : memref<1x128xi32, #tpu.memory_space<vmem>> -> memref<128xi32, #tpu.memory_space<vmem>>
      %dma_start3A_23 = arith.constant 0 : i32
      %dma_start3A_24 = arith.constant 0 : i32
      %dma_start3A_25 = tpu.memref_slice %arg2[%dma_start3A_23, %dma_start3A_24] : memref<10240x128xf32, #tpu.memory_space<hbm>> -> memref<10240x128xf32, #tpu.memory_space<hbm>>
      tpu.enqueue_indirect_dma source(%dma_start3A_25 : memref<10240x128xf32, #tpu.memory_space<hbm>>) target(%arg7 : memref<128x128xf32, #tpu.memory_space<vmem>>) offsets(%dma_start3A_22 : memref<128xi32, #tpu.memory_space<vmem>>) semaphore(%arg10 : memref<!tpu.dma_semaphore, #tpu.memory_space<semaphore_mem>>)
      %add3A_26 = arith.constant 2 : i32
      %add3A_27 = arith.addi %mul3A_10, %add3A_26 : i32
      %dma_start3A_28 = arith.constant 0 : i32
      %dma_start3A_29 = tpu.memref_slice %arg5[%add3A_27, %dma_start3A_28] : memref<40x128xi32, #tpu.memory_space<vmem>> -> memref<1x128xi32, #tpu.memory_space<vmem>>
      %dma_start3A_30 = tpu.memref_squeeze %dma_start3A_29 : memref<1x128xi32, #tpu.memory_space<vmem>> -> memref<128xi32, #tpu.memory_space<vmem>>
      %dma_start3A_31 = arith.constant 0 : i32
      %dma_start3A_32 = arith.constant 0 : i32
      %dma_start3A_33 = tpu.memref_slice %arg2[%dma_start3A_31, %dma_start3A_32] : memref<10240x128xf32, #tpu.memory_space<hbm>> -> memref<10240x128xf32, #tpu.memory_space<hbm>>
      tpu.enqueue_indirect_dma source(%dma_start3A_33 : memref<10240x128xf32, #tpu.memory_space<hbm>>) target(%arg8 : memref<128x128xf32, #tpu.memory_space<vmem>>) offsets(%dma_start3A_30 : memref<128xi32, #tpu.memory_space<vmem>>) semaphore(%arg10 : memref<!tpu.dma_semaphore, #tpu.memory_space<semaphore_mem>>)
      %add3A_34 = arith.constant 3 : i32
      %add3A_35 = arith.addi %mul3A_10, %add3A_34 : i32
      %dma_start3A_36 = arith.constant 0 : i32
      %dma_start3A_37 = tpu.memref_slice %arg5[%add3A_35, %dma_start3A_36] : memref<40x128xi32, #tpu.memory_space<vmem>> -> memref<1x128xi32, #tpu.memory_space<vmem>>
      %dma_start3A_38 = tpu.memref_squeeze %dma_start3A_37 : memref<1x128xi32, #tpu.memory_space<vmem>> -> memref<128xi32, #tpu.memory_space<vmem>>
      %dma_start3A_39 = arith.constant 0 : i32
      %dma_start3A_40 = arith.constant 0 : i32
      %dma_start3A_41 = tpu.memref_slice %arg2[%dma_start3A_39, %dma_start3A_40] : memref<10240x128xf32, #tpu.memory_space<hbm>> -> memref<10240x128xf32, #tpu.memory_space<hbm>>
      tpu.enqueue_indirect_dma source(%dma_start3A_41 : memref<10240x128xf32, #tpu.memory_space<hbm>>) target(%arg9 : memref<128x128xf32, #tpu.memory_space<vmem>>) offsets(%dma_start3A_38 : memref<128xi32, #tpu.memory_space<vmem>>) semaphore(%arg10 : memref<!tpu.dma_semaphore, #tpu.memory_space<semaphore_mem>>)
      %add3A_42 = arith.constant 0 : i32
      %add3A_43 = arith.addi %mul3A_10, %add3A_42 : i32
      %dma_wait3A = arith.constant 0 : i32
      %dma_wait3A_44 = tpu.memref_slice %arg5[%add3A_43, %dma_wait3A] : memref<40x128xi32, #tpu.memory_space<vmem>> -> memref<1x128xi32, #tpu.memory_space<vmem>>
      %dma_wait3A_45 = tpu.memref_squeeze %dma_wait3A_44 : memref<1x128xi32, #tpu.memory_space<vmem>> -> memref<128xi32, #tpu.memory_space<vmem>>
      %dma_wait3A_46 = arith.constant 0 : i32
      %dma_wait3A_47 = arith.constant 0 : i32
      %dma_wait3A_48 = tpu.memref_slice %arg2[%dma_wait3A_46, %dma_wait3A_47] : memref<10240x128xf32, #tpu.memory_space<hbm>> -> memref<10240x128xf32, #tpu.memory_space<hbm>>
      tpu.wait_indirect_dma semaphore(%arg10 : memref<!tpu.dma_semaphore, #tpu.memory_space<semaphore_mem>>) src(%dma_wait3A_48 : memref<10240x128xf32, #tpu.memory_space<hbm>>) dst(%arg6 : memref<128x128xf32, #tpu.memory_space<vmem>>)
      %add3A_49 = arith.constant 1 : i32
      %add3A_50 = arith.addi %mul3A_10, %add3A_49 : i32
      %dma_wait3A_51 = arith.constant 0 : i32
      %dma_wait3A_52 = tpu.memref_slice %arg5[%add3A_50, %dma_wait3A_51] : memref<40x128xi32, #tpu.memory_space<vmem>> -> memref<1x128xi32, #tpu.memory_space<vmem>>
      %dma_wait3A_53 = tpu.memref_squeeze %dma_wait3A_52 : memref<1x128xi32, #tpu.memory_space<vmem>> -> memref<128xi32, #tpu.memory_space<vmem>>
      %dma_wait3A_54 = arith.constant 0 : i32
      %dma_wait3A_55 = arith.constant 0 : i32
      %dma_wait3A_56 = tpu.memref_slice %arg2[%dma_wait3A_54, %dma_wait3A_55] : memref<10240x128xf32, #tpu.memory_space<hbm>> -> memref<10240x128xf32, #tpu.memory_space<hbm>>
      tpu.wait_indirect_dma semaphore(%arg10 : memref<!tpu.dma_semaphore, #tpu.memory_space<semaphore_mem>>) src(%dma_wait3A_56 : memref<10240x128xf32, #tpu.memory_space<hbm>>) dst(%arg7 : memref<128x128xf32, #tpu.memory_space<vmem>>)
      %add3A_57 = arith.constant 2 : i32
      %add3A_58 = arith.addi %mul3A_10, %add3A_57 : i32
      %dma_wait3A_59 = arith.constant 0 : i32
      %dma_wait3A_60 = tpu.memref_slice %arg5[%add3A_58, %dma_wait3A_59] : memref<40x128xi32, #tpu.memory_space<vmem>> -> memref<1x128xi32, #tpu.memory_space<vmem>>
      %dma_wait3A_61 = tpu.memref_squeeze %dma_wait3A_60 : memref<1x128xi32, #tpu.memory_space<vmem>> -> memref<128xi32, #tpu.memory_space<vmem>>
      %dma_wait3A_62 = arith.constant 0 : i32
      %dma_wait3A_63 = arith.constant 0 : i32
      %dma_wait3A_64 = tpu.memref_slice %arg2[%dma_wait3A_62, %dma_wait3A_63] : memref<10240x128xf32, #tpu.memory_space<hbm>> -> memref<10240x128xf32, #tpu.memory_space<hbm>>
      tpu.wait_indirect_dma semaphore(%arg10 : memref<!tpu.dma_semaphore, #tpu.memory_space<semaphore_mem>>) src(%dma_wait3A_64 : memref<10240x128xf32, #tpu.memory_space<hbm>>) dst(%arg8 : memref<128x128xf32, #tpu.memory_space<vmem>>)
      %add3A_65 = arith.constant 3 : i32
      %add3A_66 = arith.addi %mul3A_10, %add3A_65 : i32
      %dma_wait3A_67 = arith.constant 0 : i32
      %dma_wait3A_68 = tpu.memref_slice %arg5[%add3A_66, %dma_wait3A_67] : memref<40x128xi32, #tpu.memory_space<vmem>> -> memref<1x128xi32, #tpu.memory_space<vmem>>
      %dma_wait3A_69 = tpu.memref_squeeze %dma_wait3A_68 : memref<1x128xi32, #tpu.memory_space<vmem>> -> memref<128xi32, #tpu.memory_space<vmem>>
      %dma_wait3A_70 = arith.constant 0 : i32
      %dma_wait3A_71 = arith.constant 0 : i32
      %dma_wait3A_72 = tpu.memref_slice %arg2[%dma_wait3A_70, %dma_wait3A_71] : memref<10240x128xf32, #tpu.memory_space<hbm>> -> memref<10240x128xf32, #tpu.memory_space<hbm>>
      tpu.wait_indirect_dma semaphore(%arg10 : memref<!tpu.dma_semaphore, #tpu.memory_space<semaphore_mem>>) src(%dma_wait3A_72 : memref<10240x128xf32, #tpu.memory_space<hbm>>) dst(%arg9 : memref<128x128xf32, #tpu.memory_space<vmem>>)
      %add3A_73 = arith.constant 0 : i32
      %add3A_74 = arith.addi %mul3A_10, %add3A_73 : i32
      %mul3A_75 = arith.constant 128 : i32
      %mul3A_76 = arith.muli %add3A_74, %mul3A_75 : i32
      %add3A_77 = arith.addi %mul3A_2, %mul3A_76 : i32
      "tpu.region"() ({
        %run_scoped3A = tpu.sem_alloc : memref<!tpu.dma_semaphore, #tpu.memory_space<semaphore_mem>>
        %dma_start3A_93 = arith.constant 0 : i32
        %dma_start3A_94 = tpu.memref_slice %arg4[%add3A_77, %dma_start3A_93] : memref<163840x128xf32, #tpu.memory_space<hbm>> -> memref<128x128xf32, #tpu.memory_space<hbm>>
        %dma_start3A_95 = arith.constant 0 : i32
        %dma_start3A_96 = tpu.memref_slice %arg4[%add3A_77, %dma_start3A_95] : memref<163840x128xf32, #tpu.memory_space<hbm>> -> memref<128x128xf32, #tpu.memory_space<hbm>>
        tpu.enqueue_dma source(%arg6 : memref<128x128xf32, #tpu.memory_space<vmem>>) target(%dma_start3A_96 : memref<128x128xf32, #tpu.memory_space<hbm>>) target_semaphore(%run_scoped3A : memref<!tpu.dma_semaphore, #tpu.memory_space<semaphore_mem>>)
        %dma_wait3A_97 = arith.constant 0 : i32
        %dma_wait3A_98 = tpu.memref_slice %arg4[%add3A_77, %dma_wait3A_97] : memref<163840x128xf32, #tpu.memory_space<hbm>> -> memref<128x128xf32, #tpu.memory_space<hbm>>
        %dma_wait3A_99 = arith.constant 0 : i32
        %dma_wait3A_100 = tpu.memref_slice %arg4[%add3A_77, %dma_wait3A_99] : memref<163840x128xf32, #tpu.memory_space<hbm>> -> memref<128x128xf32, #tpu.memory_space<hbm>>
        tpu.wait_dma2 semaphore(%run_scoped3A : memref<!tpu.dma_semaphore, #tpu.memory_space<semaphore_mem>>) src(%arg6 : memref<128x128xf32, #tpu.memory_space<vmem>>) dst(%dma_wait3A_100 : memref<128x128xf32, #tpu.memory_space<hbm>>)
        tpu.yield
      }) : () -> ()
      %add3A_78 = arith.constant 1 : i32
      %add3A_79 = arith.addi %mul3A_10, %add3A_78 : i32
      %mul3A_80 = arith.constant 128 : i32
      %mul3A_81 = arith.muli %add3A_79, %mul3A_80 : i32
      %add3A_82 = arith.addi %mul3A_2, %mul3A_81 : i32
      "tpu.region"() ({
        %run_scoped3A = tpu.sem_alloc : memref<!tpu.dma_semaphore, #tpu.memory_space<semaphore_mem>>
        %dma_start3A_93 = arith.constant 0 : i32
        %dma_start3A_94 = tpu.memref_slice %arg4[%add3A_82, %dma_start3A_93] : memref<163840x128xf32, #tpu.memory_space<hbm>> -> memref<128x128xf32, #tpu.memory_space<hbm>>
        %dma_start3A_95 = arith.constant 0 : i32
        %dma_start3A_96 = tpu.memref_slice %arg4[%add3A_82, %dma_start3A_95] : memref<163840x128xf32, #tpu.memory_space<hbm>> -> memref<128x128xf32, #tpu.memory_space<hbm>>
        tpu.enqueue_dma source(%arg7 : memref<128x128xf32, #tpu.memory_space<vmem>>) target(%dma_start3A_96 : memref<128x128xf32, #tpu.memory_space<hbm>>) target_semaphore(%run_scoped3A : memref<!tpu.dma_semaphore, #tpu.memory_space<semaphore_mem>>)
        %dma_wait3A_97 = arith.constant 0 : i32
        %dma_wait3A_98 = tpu.memref_slice %arg4[%add3A_82, %dma_wait3A_97] : memref<163840x128xf32, #tpu.memory_space<hbm>> -> memref<128x128xf32, #tpu.memory_space<hbm>>
        %dma_wait3A_99 = arith.constant 0 : i32
        %dma_wait3A_100 = tpu.memref_slice %arg4[%add3A_82, %dma_wait3A_99] : memref<163840x128xf32, #tpu.memory_space<hbm>> -> memref<128x128xf32, #tpu.memory_space<hbm>>
        tpu.wait_dma2 semaphore(%run_scoped3A : memref<!tpu.dma_semaphore, #tpu.memory_space<semaphore_mem>>) src(%arg7 : memref<128x128xf32, #tpu.memory_space<vmem>>) dst(%dma_wait3A_100 : memref<128x128xf32, #tpu.memory_space<hbm>>)
        tpu.yield
      }) : () -> ()
      %add3A_83 = arith.constant 2 : i32
      %add3A_84 = arith.addi %mul3A_10, %add3A_83 : i32
      %mul3A_85 = arith.constant 128 : i32
      %mul3A_86 = arith.muli %add3A_84, %mul3A_85 : i32
      %add3A_87 = arith.addi %mul3A_2, %mul3A_86 : i32
      "tpu.region"() ({
        %run_scoped3A = tpu.sem_alloc : memref<!tpu.dma_semaphore, #tpu.memory_space<semaphore_mem>>
        %dma_start3A_93 = arith.constant 0 : i32
        %dma_start3A_94 = tpu.memref_slice %arg4[%add3A_87, %dma_start3A_93] : memref<163840x128xf32, #tpu.memory_space<hbm>> -> memref<128x128xf32, #tpu.memory_space<hbm>>
        %dma_start3A_95 = arith.constant 0 : i32
        %dma_start3A_96 = tpu.memref_slice %arg4[%add3A_87, %dma_start3A_95] : memref<163840x128xf32, #tpu.memory_space<hbm>> -> memref<128x128xf32, #tpu.memory_space<hbm>>
        tpu.enqueue_dma source(%arg8 : memref<128x128xf32, #tpu.memory_space<vmem>>) target(%dma_start3A_96 : memref<128x128xf32, #tpu.memory_space<hbm>>) target_semaphore(%run_scoped3A : memref<!tpu.dma_semaphore, #tpu.memory_space<semaphore_mem>>)
        %dma_wait3A_97 = arith.constant 0 : i32
        %dma_wait3A_98 = tpu.memref_slice %arg4[%add3A_87, %dma_wait3A_97] : memref<163840x128xf32, #tpu.memory_space<hbm>> -> memref<128x128xf32, #tpu.memory_space<hbm>>
        %dma_wait3A_99 = arith.constant 0 : i32
        %dma_wait3A_100 = tpu.memref_slice %arg4[%add3A_87, %dma_wait3A_99] : memref<163840x128xf32, #tpu.memory_space<hbm>> -> memref<128x128xf32, #tpu.memory_space<hbm>>
        tpu.wait_dma2 semaphore(%run_scoped3A : memref<!tpu.dma_semaphore, #tpu.memory_space<semaphore_mem>>) src(%arg8 : memref<128x128xf32, #tpu.memory_space<vmem>>) dst(%dma_wait3A_100 : memref<128x128xf32, #tpu.memory_space<hbm>>)
        tpu.yield
      }) : () -> ()
      %add3A_88 = arith.constant 3 : i32
      %add3A_89 = arith.addi %mul3A_10, %add3A_88 : i32
      %mul3A_90 = arith.constant 128 : i32
      %mul3A_91 = arith.muli %add3A_89, %mul3A_90 : i32
      %add3A_92 = arith.addi %mul3A_2, %mul3A_91 : i32
      "tpu.region"() ({
        %run_scoped3A = tpu.sem_alloc : memref<!tpu.dma_semaphore, #tpu.memory_space<semaphore_mem>>
        %dma_start3A_93 = arith.constant 0 : i32
        %dma_start3A_94 = tpu.memref_slice %arg4[%add3A_92, %dma_start3A_93] : memref<163840x128xf32, #tpu.memory_space<hbm>> -> memref<128x128xf32, #tpu.memory_space<hbm>>
        %dma_start3A_95 = arith.constant 0 : i32
        %dma_start3A_96 = tpu.memref_slice %arg4[%add3A_92, %dma_start3A_95] : memref<163840x128xf32, #tpu.memory_space<hbm>> -> memref<128x128xf32, #tpu.memory_space<hbm>>
        tpu.enqueue_dma source(%arg9 : memref<128x128xf32, #tpu.memory_space<vmem>>) target(%dma_start3A_96 : memref<128x128xf32, #tpu.memory_space<hbm>>) target_semaphore(%run_scoped3A : memref<!tpu.dma_semaphore, #tpu.memory_space<semaphore_mem>>)
        %dma_wait3A_97 = arith.constant 0 : i32
        %dma_wait3A_98 = tpu.memref_slice %arg4[%add3A_92, %dma_wait3A_97] : memref<163840x128xf32, #tpu.memory_space<hbm>> -> memref<128x128xf32, #tpu.memory_space<hbm>>
        %dma_wait3A_99 = arith.constant 0 : i32
        %dma_wait3A_100 = tpu.memref_slice %arg4[%add3A_92, %dma_wait3A_99] : memref<163840x128xf32, #tpu.memory_space<hbm>> -> memref<128x128xf32, #tpu.memory_space<hbm>>
        tpu.wait_dma2 semaphore(%run_scoped3A : memref<!tpu.dma_semaphore, #tpu.memory_space<semaphore_mem>>) src(%arg9 : memref<128x128xf32, #tpu.memory_space<vmem>>) dst(%dma_wait3A_100 : memref<128x128xf32, #tpu.memory_space<hbm>>)
        tpu.yield
      }) : () -> ()
    }
    %scan3A_7 = arith.constant 10 : i32
    return
  }
}

#map = affine_map<(d0, d1) -> (0, 0)>
#map1 = affine_map<(d0, d1) -> (0, 0, 0)>
module attributes {stable_mosaic.version = 14 : i64} {
  func.func @k(%arg0: i32, %arg1: i32, %arg2: memref<10240x128xf32, #tpu.memory_space<hbm>>, %arg3: memref<32x40x128xi32, #tpu.memory_space<hbm>>, %arg4: memref<163840x128xf32, #tpu.memory_space<hbm>>, %arg5: memref<40x128xi32, #tpu.memory_space<vmem>>, %arg6: memref<128x128xf32, #tpu.memory_space<vmem>>, %arg7: memref<128x128xf32, #tpu.memory_space<vmem>>, %arg8: memref<128x128xf32, #tpu.memory_space<vmem>>, %arg9: memref<128x128xf32, #tpu.memory_space<vmem>>, %arg10: memref<!tpu.dma_semaphore, #tpu.memory_space<semaphore_mem>>) attributes {dimension_semantics = [#tpu.dimension_semantics<core_parallel>, #tpu.dimension_semantics<subcore_parallel>], iteration_bounds = array<i64: 2, 16>, scalar_prefetch = 0 : i64, scratch_operands = 6 : i64, tpu.core_type = #tpu.core_type<sc_vector_subcore>, window_params = [{transform_indices = #map}, {transform_indices = #map1}, {transform_indices = #map}]} {
    %mul3A = arith.constant 2 : i32
    %mul3A_0 = arith.muli %arg1, %mul3A : i32
    %add3A = arith.addi %mul3A_0, %arg0 : i32
    "tpu.region"() ({
      %run_scoped3A = tpu.sem_alloc : memref<!tpu.dma_semaphore, #tpu.memory_space<semaphore_mem>>
      %dma_start3A = arith.constant 0 : i32
      %dma_start3A_8 = arith.constant 0 : i32
      %dma_start3A_9 = tpu.memref_slice %arg3[%add3A, %dma_start3A, %dma_start3A_8] : memref<32x40x128xi32, #tpu.memory_space<hbm>> -> memref<1x40x128xi32, #tpu.memory_space<hbm>>
      %dma_start3A_10 = tpu.memref_squeeze %dma_start3A_9 : memref<1x40x128xi32, #tpu.memory_space<hbm>> -> memref<40x128xi32, #tpu.memory_space<hbm>>
      %dma_start3A_11 = arith.constant 0 : i32
      %dma_start3A_12 = arith.constant 0 : i32
      %dma_start3A_13 = tpu.memref_slice %arg3[%add3A, %dma_start3A_11, %dma_start3A_12] : memref<32x40x128xi32, #tpu.memory_space<hbm>> -> memref<1x40x128xi32, #tpu.memory_space<hbm>>
      %dma_start3A_14 = tpu.memref_squeeze %dma_start3A_13 : memref<1x40x128xi32, #tpu.memory_space<hbm>> -> memref<40x128xi32, #tpu.memory_space<hbm>>
      tpu.enqueue_dma source(%dma_start3A_14 : memref<40x128xi32, #tpu.memory_space<hbm>>) target(%arg5 : memref<40x128xi32, #tpu.memory_space<vmem>>) target_semaphore(%run_scoped3A : memref<!tpu.dma_semaphore, #tpu.memory_space<semaphore_mem>>)
      %dma_wait3A = arith.constant 0 : i32
      %dma_wait3A_15 = arith.constant 0 : i32
      %dma_wait3A_16 = tpu.memref_slice %arg3[%add3A, %dma_wait3A, %dma_wait3A_15] : memref<32x40x128xi32, #tpu.memory_space<hbm>> -> memref<1x40x128xi32, #tpu.memory_space<hbm>>
      %dma_wait3A_17 = tpu.memref_squeeze %dma_wait3A_16 : memref<1x40x128xi32, #tpu.memory_space<hbm>> -> memref<40x128xi32, #tpu.memory_space<hbm>>
      %dma_wait3A_18 = arith.constant 0 : i32
      %dma_wait3A_19 = arith.constant 0 : i32
      %dma_wait3A_20 = tpu.memref_slice %arg3[%add3A, %dma_wait3A_18, %dma_wait3A_19] : memref<32x40x128xi32, #tpu.memory_space<hbm>> -> memref<1x40x128xi32, #tpu.memory_space<hbm>>
      %dma_wait3A_21 = tpu.memref_squeeze %dma_wait3A_20 : memref<1x40x128xi32, #tpu.memory_space<hbm>> -> memref<40x128xi32, #tpu.memory_space<hbm>>
      tpu.wait_dma2 semaphore(%run_scoped3A : memref<!tpu.dma_semaphore, #tpu.memory_space<semaphore_mem>>) src(%dma_wait3A_21 : memref<40x128xi32, #tpu.memory_space<hbm>>) dst(%arg5 : memref<40x128xi32, #tpu.memory_space<vmem>>)
      tpu.yield
    }) : () -> ()
    %mul3A_1 = arith.constant 5120 : i32
    %mul3A_2 = arith.muli %add3A, %mul3A_1 : i32
    %scan3A = arith.constant 0 : i32
    %scan3A_3 = arith.constant 0 : i32
    %scan3A_4 = arith.constant 10 : i32
    %scan3A_5 = arith.addi %scan3A_3, %scan3A_4 : i32
    %scan3A_6 = arith.constant 1 : i32
    scf.for %scan3A_8 = %scan3A_3 to %scan3A_5 step %scan3A_6  : i32 {
      %mul3A_9 = arith.constant 4 : i32
      %mul3A_10 = arith.muli %mul3A_9, %scan3A_8 : i32
      %add3A_11 = arith.constant 0 : i32
      %add3A_12 = arith.addi %mul3A_10, %add3A_11 : i32
      %dma_start3A = arith.constant 0 : i32
      %dma_start3A_13 = tpu.memref_slice %arg5[%add3A_12, %dma_start3A] : memref<40x128xi32, #tpu.memory_space<vmem>> -> memref<1x128xi32, #tpu.memory_space<vmem>>
      %dma_start3A_14 = tpu.memref_squeeze %dma_start3A_13 : memref<1x128xi32, #tpu.memory_space<vmem>> -> memref<128xi32, #tpu.memory_space<vmem>>
      %dma_start3A_15 = arith.constant 0 : i32
      %dma_start3A_16 = arith.constant 0 : i32
      %dma_start3A_17 = tpu.memref_slice %arg2[%dma_start3A_15, %dma_start3A_16] : memref<10240x128xf32, #tpu.memory_space<hbm>> -> memref<10240x128xf32, #tpu.memory_space<hbm>>
      tpu.enqueue_indirect_dma source(%dma_start3A_17 : memref<10240x128xf32, #tpu.memory_space<hbm>>) target(%arg6 : memref<128x128xf32, #tpu.memory_space<vmem>>) offsets(%dma_start3A_14 : memref<128xi32, #tpu.memory_space<vmem>>) semaphore(%arg10 : memref<!tpu.dma_semaphore, #tpu.memory_space<semaphore_mem>>)
      %add3A_18 = arith.constant 1 : i32
      %add3A_19 = arith.addi %mul3A_10, %add3A_18 : i32
      %dma_start3A_20 = arith.constant 0 : i32
      %dma_start3A_21 = tpu.memref_slice %arg5[%add3A_19, %dma_start3A_20] : memref<40x128xi32, #tpu.memory_space<vmem>> -> memref<1x128xi32, #tpu.memory_space<vmem>>
      %dma_start3A_22 = tpu.memref_squeeze %dma_start3A_21 : memref<1x128xi32, #tpu.memory_space<vmem>> -> memref<128xi32, #tpu.memory_space<vmem>>
      %dma_start3A_23 = arith.constant 0 : i32
      %dma_start3A_24 = arith.constant 0 : i32
      %dma_start3A_25 = tpu.memref_slice %arg2[%dma_start3A_23, %dma_start3A_24] : memref<10240x128xf32, #tpu.memory_space<hbm>> -> memref<10240x128xf32, #tpu.memory_space<hbm>>
      tpu.enqueue_indirect_dma source(%dma_start3A_25 : memref<10240x128xf32, #tpu.memory_space<hbm>>) target(%arg7 : memref<128x128xf32, #tpu.memory_space<vmem>>) offsets(%dma_start3A_22 : memref<128xi32, #tpu.memory_space<vmem>>) semaphore(%arg10 : memref<!tpu.dma_semaphore, #tpu.memory_space<semaphore_mem>>)
      %add3A_26 = arith.constant 2 : i32
      %add3A_27 = arith.addi %mul3A_10, %add3A_26 : i32
      %dma_start3A_28 = arith.constant 0 : i32
      %dma_start3A_29 = tpu.memref_slice %arg5[%add3A_27, %dma_start3A_28] : memref<40x128xi32, #tpu.memory_space<vmem>> -> memref<1x128xi32, #tpu.memory_space<vmem>>
      %dma_start3A_30 = tpu.memref_squeeze %dma_start3A_29 : memref<1x128xi32, #tpu.memory_space<vmem>> -> memref<128xi32, #tpu.memory_space<vmem>>
      %dma_start3A_31 = arith.constant 0 : i32
      %dma_start3A_32 = arith.constant 0 : i32
      %dma_start3A_33 = tpu.memref_slice %arg2[%dma_start3A_31, %dma_start3A_32] : memref<10240x128xf32, #tpu.memory_space<hbm>> -> memref<10240x128xf32, #tpu.memory_space<hbm>>
      tpu.enqueue_indirect_dma source(%dma_start3A_33 : memref<10240x128xf32, #tpu.memory_space<hbm>>) target(%arg8 : memref<128x128xf32, #tpu.memory_space<vmem>>) offsets(%dma_start3A_30 : memref<128xi32, #tpu.memory_space<vmem>>) semaphore(%arg10 : memref<!tpu.dma_semaphore, #tpu.memory_space<semaphore_mem>>)
      %add3A_34 = arith.constant 3 : i32
      %add3A_35 = arith.addi %mul3A_10, %add3A_34 : i32
      %dma_start3A_36 = arith.constant 0 : i32
      %dma_start3A_37 = tpu.memref_slice %arg5[%add3A_35, %dma_start3A_36] : memref<40x128xi32, #tpu.memory_space<vmem>> -> memref<1x128xi32, #tpu.memory_space<vmem>>
      %dma_start3A_38 = tpu.memref_squeeze %dma_start3A_37 : memref<1x128xi32, #tpu.memory_space<vmem>> -> memref<128xi32, #tpu.memory_space<vmem>>
      %dma_start3A_39 = arith.constant 0 : i32
      %dma_start3A_40 = arith.constant 0 : i32
      %dma_start3A_41 = tpu.memref_slice %arg2[%dma_start3A_39, %dma_start3A_40] : memref<10240x128xf32, #tpu.memory_space<hbm>> -> memref<10240x128xf32, #tpu.memory_space<hbm>>
      tpu.enqueue_indirect_dma source(%dma_start3A_41 : memref<10240x128xf32, #tpu.memory_space<hbm>>) target(%arg9 : memref<128x128xf32, #tpu.memory_space<vmem>>) offsets(%dma_start3A_38 : memref<128xi32, #tpu.memory_space<vmem>>) semaphore(%arg10 : memref<!tpu.dma_semaphore, #tpu.memory_space<semaphore_mem>>)
      %add3A_42 = arith.constant 0 : i32
      %add3A_43 = arith.addi %mul3A_10, %add3A_42 : i32
      %dma_wait3A = arith.constant 0 : i32
      %dma_wait3A_44 = tpu.memref_slice %arg5[%add3A_43, %dma_wait3A] : memref<40x128xi32, #tpu.memory_space<vmem>> -> memref<1x128xi32, #tpu.memory_space<vmem>>
      %dma_wait3A_45 = tpu.memref_squeeze %dma_wait3A_44 : memref<1x128xi32, #tpu.memory_space<vmem>> -> memref<128xi32, #tpu.memory_space<vmem>>
      %dma_wait3A_46 = arith.constant 0 : i32
      %dma_wait3A_47 = arith.constant 0 : i32
      %dma_wait3A_48 = tpu.memref_slice %arg2[%dma_wait3A_46, %dma_wait3A_47] : memref<10240x128xf32, #tpu.memory_space<hbm>> -> memref<10240x128xf32, #tpu.memory_space<hbm>>
      tpu.wait_indirect_dma semaphore(%arg10 : memref<!tpu.dma_semaphore, #tpu.memory_space<semaphore_mem>>) src(%dma_wait3A_48 : memref<10240x128xf32, #tpu.memory_space<hbm>>) dst(%arg6 : memref<128x128xf32, #tpu.memory_space<vmem>>)
      %add3A_49 = arith.constant 1 : i32
      %add3A_50 = arith.addi %mul3A_10, %add3A_49 : i32
      %dma_wait3A_51 = arith.constant 0 : i32
      %dma_wait3A_52 = tpu.memref_slice %arg5[%add3A_50, %dma_wait3A_51] : memref<40x128xi32, #tpu.memory_space<vmem>> -> memref<1x128xi32, #tpu.memory_space<vmem>>
      %dma_wait3A_53 = tpu.memref_squeeze %dma_wait3A_52 : memref<1x128xi32, #tpu.memory_space<vmem>> -> memref<128xi32, #tpu.memory_space<vmem>>
      %dma_wait3A_54 = arith.constant 0 : i32
      %dma_wait3A_55 = arith.constant 0 : i32
      %dma_wait3A_56 = tpu.memref_slice %arg2[%dma_wait3A_54, %dma_wait3A_55] : memref<10240x128xf32, #tpu.memory_space<hbm>> -> memref<10240x128xf32, #tpu.memory_space<hbm>>
      tpu.wait_indirect_dma semaphore(%arg10 : memref<!tpu.dma_semaphore, #tpu.memory_space<semaphore_mem>>) src(%dma_wait3A_56 : memref<10240x128xf32, #tpu.memory_space<hbm>>) dst(%arg7 : memref<128x128xf32, #tpu.memory_space<vmem>>)
      %add3A_57 = arith.constant 2 : i32
      %add3A_58 = arith.addi %mul3A_10, %add3A_57 : i32
      %dma_wait3A_59 = arith.constant 0 : i32
      %dma_wait3A_60 = tpu.memref_slice %arg5[%add3A_58, %dma_wait3A_59] : memref<40x128xi32, #tpu.memory_space<vmem>> -> memref<1x128xi32, #tpu.memory_space<vmem>>
      %dma_wait3A_61 = tpu.memref_squeeze %dma_wait3A_60 : memref<1x128xi32, #tpu.memory_space<vmem>> -> memref<128xi32, #tpu.memory_space<vmem>>
      %dma_wait3A_62 = arith.constant 0 : i32
      %dma_wait3A_63 = arith.constant 0 : i32
      %dma_wait3A_64 = tpu.memref_slice %arg2[%dma_wait3A_62, %dma_wait3A_63] : memref<10240x128xf32, #tpu.memory_space<hbm>> -> memref<10240x128xf32, #tpu.memory_space<hbm>>
      tpu.wait_indirect_dma semaphore(%arg10 : memref<!tpu.dma_semaphore, #tpu.memory_space<semaphore_mem>>) src(%dma_wait3A_64 : memref<10240x128xf32, #tpu.memory_space<hbm>>) dst(%arg8 : memref<128x128xf32, #tpu.memory_space<vmem>>)
      %add3A_65 = arith.constant 3 : i32
      %add3A_66 = arith.addi %mul3A_10, %add3A_65 : i32
      %dma_wait3A_67 = arith.constant 0 : i32
      %dma_wait3A_68 = tpu.memref_slice %arg5[%add3A_66, %dma_wait3A_67] : memref<40x128xi32, #tpu.memory_space<vmem>> -> memref<1x128xi32, #tpu.memory_space<vmem>>
      %dma_wait3A_69 = tpu.memref_squeeze %dma_wait3A_68 : memref<1x128xi32, #tpu.memory_space<vmem>> -> memref<128xi32, #tpu.memory_space<vmem>>
      %dma_wait3A_70 = arith.constant 0 : i32
      %dma_wait3A_71 = arith.constant 0 : i32
      %dma_wait3A_72 = tpu.memref_slice %arg2[%dma_wait3A_70, %dma_wait3A_71] : memref<10240x128xf32, #tpu.memory_space<hbm>> -> memref<10240x128xf32, #tpu.memory_space<hbm>>
      tpu.wait_indirect_dma semaphore(%arg10 : memref<!tpu.dma_semaphore, #tpu.memory_space<semaphore_mem>>) src(%dma_wait3A_72 : memref<10240x128xf32, #tpu.memory_space<hbm>>) dst(%arg9 : memref<128x128xf32, #tpu.memory_space<vmem>>)
      %add3A_73 = arith.constant 0 : i32
      %add3A_74 = arith.addi %mul3A_10, %add3A_73 : i32
      %mul3A_75 = arith.constant 128 : i32
      %mul3A_76 = arith.muli %add3A_74, %mul3A_75 : i32
      %add3A_77 = arith.addi %mul3A_2, %mul3A_76 : i32
      "tpu.region"() ({
        %run_scoped3A = tpu.sem_alloc : memref<!tpu.dma_semaphore, #tpu.memory_space<semaphore_mem>>
        %dma_start3A_93 = arith.constant 0 : i32
        %dma_start3A_94 = tpu.memref_slice %arg4[%add3A_77, %dma_start3A_93] : memref<163840x128xf32, #tpu.memory_space<hbm>> -> memref<128x128xf32, #tpu.memory_space<hbm>>
        %dma_start3A_95 = arith.constant 0 : i32
        %dma_start3A_96 = tpu.memref_slice %arg4[%add3A_77, %dma_start3A_95] : memref<163840x128xf32, #tpu.memory_space<hbm>> -> memref<128x128xf32, #tpu.memory_space<hbm>>
        tpu.enqueue_dma source(%arg6 : memref<128x128xf32, #tpu.memory_space<vmem>>) target(%dma_start3A_96 : memref<128x128xf32, #tpu.memory_space<hbm>>) target_semaphore(%run_scoped3A : memref<!tpu.dma_semaphore, #tpu.memory_space<semaphore_mem>>)
        %dma_wait3A_97 = arith.constant 0 : i32
        %dma_wait3A_98 = tpu.memref_slice %arg4[%add3A_77, %dma_wait3A_97] : memref<163840x128xf32, #tpu.memory_space<hbm>> -> memref<128x128xf32, #tpu.memory_space<hbm>>
        %dma_wait3A_99 = arith.constant 0 : i32
        %dma_wait3A_100 = tpu.memref_slice %arg4[%add3A_77, %dma_wait3A_99] : memref<163840x128xf32, #tpu.memory_space<hbm>> -> memref<128x128xf32, #tpu.memory_space<hbm>>
        tpu.wait_dma2 semaphore(%run_scoped3A : memref<!tpu.dma_semaphore, #tpu.memory_space<semaphore_mem>>) src(%arg6 : memref<128x128xf32, #tpu.memory_space<vmem>>) dst(%dma_wait3A_100 : memref<128x128xf32, #tpu.memory_space<hbm>>)
        tpu.yield
      }) : () -> ()
      %add3A_78 = arith.constant 1 : i32
      %add3A_79 = arith.addi %mul3A_10, %add3A_78 : i32
      %mul3A_80 = arith.constant 128 : i32
      %mul3A_81 = arith.muli %add3A_79, %mul3A_80 : i32
      %add3A_82 = arith.addi %mul3A_2, %mul3A_81 : i32
      "tpu.region"() ({
        %run_scoped3A = tpu.sem_alloc : memref<!tpu.dma_semaphore, #tpu.memory_space<semaphore_mem>>
        %dma_start3A_93 = arith.constant 0 : i32
        %dma_start3A_94 = tpu.memref_slice %arg4[%add3A_82, %dma_start3A_93] : memref<163840x128xf32, #tpu.memory_space<hbm>> -> memref<128x128xf32, #tpu.memory_space<hbm>>
        %dma_start3A_95 = arith.constant 0 : i32
        %dma_start3A_96 = tpu.memref_slice %arg4[%add3A_82, %dma_start3A_95] : memref<163840x128xf32, #tpu.memory_space<hbm>> -> memref<128x128xf32, #tpu.memory_space<hbm>>
        tpu.enqueue_dma source(%arg7 : memref<128x128xf32, #tpu.memory_space<vmem>>) target(%dma_start3A_96 : memref<128x128xf32, #tpu.memory_space<hbm>>) target_semaphore(%run_scoped3A : memref<!tpu.dma_semaphore, #tpu.memory_space<semaphore_mem>>)
        %dma_wait3A_97 = arith.constant 0 : i32
        %dma_wait3A_98 = tpu.memref_slice %arg4[%add3A_82, %dma_wait3A_97] : memref<163840x128xf32, #tpu.memory_space<hbm>> -> memref<128x128xf32, #tpu.memory_space<hbm>>
        %dma_wait3A_99 = arith.constant 0 : i32
        %dma_wait3A_100 = tpu.memref_slice %arg4[%add3A_82, %dma_wait3A_99] : memref<163840x128xf32, #tpu.memory_space<hbm>> -> memref<128x128xf32, #tpu.memory_space<hbm>>
        tpu.wait_dma2 semaphore(%run_scoped3A : memref<!tpu.dma_semaphore, #tpu.memory_space<semaphore_mem>>) src(%arg7 : memref<128x128xf32, #tpu.memory_space<vmem>>) dst(%dma_wait3A_100 : memref<128x128xf32, #tpu.memory_space<hbm>>)
        tpu.yield
      }) : () -> ()
      %add3A_83 = arith.constant 2 : i32
      %add3A_84 = arith.addi %mul3A_10, %add3A_83 : i32
      %mul3A_85 = arith.constant 128 : i32
      %mul3A_86 = arith.muli %add3A_84, %mul3A_85 : i32
      %add3A_87 = arith.addi %mul3A_2, %mul3A_86 : i32
      "tpu.region"() ({
        %run_scoped3A = tpu.sem_alloc : memref<!tpu.dma_semaphore, #tpu.memory_space<semaphore_mem>>
        %dma_start3A_93 = arith.constant 0 : i32
        %dma_start3A_94 = tpu.memref_slice %arg4[%add3A_87, %dma_start3A_93] : memref<163840x128xf32, #tpu.memory_space<hbm>> -> memref<128x128xf32, #tpu.memory_space<hbm>>
        %dma_start3A_95 = arith.constant 0 : i32
        %dma_start3A_96 = tpu.memref_slice %arg4[%add3A_87, %dma_start3A_95] : memref<163840x128xf32, #tpu.memory_space<hbm>> -> memref<128x128xf32, #tpu.memory_space<hbm>>
        tpu.enqueue_dma source(%arg8 : memref<128x128xf32, #tpu.memory_space<vmem>>) target(%dma_start3A_96 : memref<128x128xf32, #tpu.memory_space<hbm>>) target_semaphore(%run_scoped3A : memref<!tpu.dma_semaphore, #tpu.memory_space<semaphore_mem>>)
        %dma_wait3A_97 = arith.constant 0 : i32
        %dma_wait3A_98 = tpu.memref_slice %arg4[%add3A_87, %dma_wait3A_97] : memref<163840x128xf32, #tpu.memory_space<hbm>> -> memref<128x128xf32, #tpu.memory_space<hbm>>
        %dma_wait3A_99 = arith.constant 0 : i32
        %dma_wait3A_100 = tpu.memref_slice %arg4[%add3A_87, %dma_wait3A_99] : memref<163840x128xf32, #tpu.memory_space<hbm>> -> memref<128x128xf32, #tpu.memory_space<hbm>>
        tpu.wait_dma2 semaphore(%run_scoped3A : memref<!tpu.dma_semaphore, #tpu.memory_space<semaphore_mem>>) src(%arg8 : memref<128x128xf32, #tpu.memory_space<vmem>>) dst(%dma_wait3A_100 : memref<128x128xf32, #tpu.memory_space<hbm>>)
        tpu.yield
      }) : () -> ()
      %add3A_88 = arith.constant 3 : i32
      %add3A_89 = arith.addi %mul3A_10, %add3A_88 : i32
      %mul3A_90 = arith.constant 128 : i32
      %mul3A_91 = arith.muli %add3A_89, %mul3A_90 : i32
      %add3A_92 = arith.addi %mul3A_2, %mul3A_91 : i32
      "tpu.region"() ({
        %run_scoped3A = tpu.sem_alloc : memref<!tpu.dma_semaphore, #tpu.memory_space<semaphore_mem>>
        %dma_start3A_93 = arith.constant 0 : i32
        %dma_start3A_94 = tpu.memref_slice %arg4[%add3A_92, %dma_start3A_93] : memref<163840x128xf32, #tpu.memory_space<hbm>> -> memref<128x128xf32, #tpu.memory_space<hbm>>
        %dma_start3A_95 = arith.constant 0 : i32
        %dma_start3A_96 = tpu.memref_slice %arg4[%add3A_92, %dma_start3A_95] : memref<163840x128xf32, #tpu.memory_space<hbm>> -> memref<128x128xf32, #tpu.memory_space<hbm>>
        tpu.enqueue_dma source(%arg9 : memref<128x128xf32, #tpu.memory_space<vmem>>) target(%dma_start3A_96 : memref<128x128xf32, #tpu.memory_space<hbm>>) target_semaphore(%run_scoped3A : memref<!tpu.dma_semaphore, #tpu.memory_space<semaphore_mem>>)
        %dma_wait3A_97 = arith.constant 0 : i32
        %dma_wait3A_98 = tpu.memref_slice %arg4[%add3A_92, %dma_wait3A_97] : memref<163840x128xf32, #tpu.memory_space<hbm>> -> memref<128x128xf32, #tpu.memory_space<hbm>>
        %dma_wait3A_99 = arith.constant 0 : i32
        %dma_wait3A_100 = tpu.memref_slice %arg4[%add3A_92, %dma_wait3A_99] : memref<163840x128xf32, #tpu.memory_space<hbm>> -> memref<128x128xf32, #tpu.memory_space<hbm>>
        tpu.wait_dma2 semaphore(%run_scoped3A : memref<!tpu.dma_semaphore, #tpu.memory_space<semaphore_mem>>) src(%arg9 : memref<128x128xf32, #tpu.memory_space<vmem>>) dst(%dma_wait3A_100 : memref<128x128xf32, #tpu.memory_space<hbm>>)
        tpu.yield
      }) : () -> ()
    }
    %scan3A_7 = arith.constant 10 : i32
    return
  }
}

#map = affine_map<(d0, d1) -> (0, 0)>
#map1 = affine_map<(d0, d1) -> (0, 0, 0)>
module attributes {stable_mosaic.version = 14 : i64} {
  func.func @k(%arg0: i32, %arg1: i32, %arg2: memref<163840x128xf32, #tpu.memory_space<hbm>>, %arg3: memref<32x40x128xi32, #tpu.memory_space<hbm>>, %arg4: memref<640x128xf32, #tpu.memory_space<hbm>>, %arg5: memref<2x10240x128xf32, #tpu.memory_space<hbm>>, %arg6: memref<128xi32, #tpu.memory_space<vmem>>, %arg7: memref<128xi32, #tpu.memory_space<vmem>>, %arg8: memref<128x128xf32, #tpu.memory_space<vmem>>, %arg9: memref<128x128xf32, #tpu.memory_space<vmem>>, %arg10: memref<!tpu.dma_semaphore, #tpu.memory_space<semaphore_mem>>, %arg11: memref<!tpu.dma_semaphore, #tpu.memory_space<semaphore_mem>>, %arg12: memref<10240x128xf32, #tpu.memory_space<vmem_shared>>) attributes {dimension_semantics = [#tpu.dimension_semantics<core_parallel>, #tpu.dimension_semantics<subcore_parallel>], iteration_bounds = array<i64: 2, 16>, scalar_prefetch = 0 : i64, scratch_operands = 7 : i64, tpu.core_type = #tpu.core_type<sc_vector_subcore>, window_params = [{transform_indices = #map}, {transform_indices = #map1}, {transform_indices = #map}, {transform_indices = #map1}]} {
    %mul3A = arith.constant 2 : i32
    %mul3A_0 = arith.muli %arg1, %mul3A : i32
    %add3A = arith.addi %mul3A_0, %arg0 : i32
    %mul3A_1 = arith.constant 5120 : i32
    %mul3A_2 = arith.muli %add3A, %mul3A_1 : i32
    %mul3A_3 = arith.constant 640 : i32
    %mul3A_4 = arith.muli %arg1, %mul3A_3 : i32
    %run_scoped3A = arith.constant 0 : i32
    "tpu.region"() ({
      %run_scoped3A_14 = tpu.sem_alloc : memref<!tpu.dma_semaphore, #tpu.memory_space<semaphore_mem>>
      %dma_start3A_15 = arith.constant 0 : i32
      %dma_start3A_16 = tpu.memref_slice %arg3[%add3A, %run_scoped3A, %dma_start3A_15] : memref<32x40x128xi32, #tpu.memory_space<hbm>> -> memref<1x1x128xi32, #tpu.memory_space<hbm>>
      %dma_start3A_17 = tpu.memref_squeeze %dma_start3A_16 : memref<1x1x128xi32, #tpu.memory_space<hbm>> -> memref<128xi32, #tpu.memory_space<hbm>>
      %dma_start3A_18 = arith.constant 0 : i32
      %dma_start3A_19 = tpu.memref_slice %arg3[%add3A, %run_scoped3A, %dma_start3A_18] : memref<32x40x128xi32, #tpu.memory_space<hbm>> -> memref<1x1x128xi32, #tpu.memory_space<hbm>>
      %dma_start3A_20 = tpu.memref_squeeze %dma_start3A_19 : memref<1x1x128xi32, #tpu.memory_space<hbm>> -> memref<128xi32, #tpu.memory_space<hbm>>
      tpu.enqueue_dma source(%dma_start3A_20 : memref<128xi32, #tpu.memory_space<hbm>>) target(%arg6 : memref<128xi32, #tpu.memory_space<vmem>>) target_semaphore(%run_scoped3A_14 : memref<!tpu.dma_semaphore, #tpu.memory_space<semaphore_mem>>)
      %dma_wait3A = arith.constant 0 : i32
      %dma_wait3A_21 = tpu.memref_slice %arg3[%add3A, %run_scoped3A, %dma_wait3A] : memref<32x40x128xi32, #tpu.memory_space<hbm>> -> memref<1x1x128xi32, #tpu.memory_space<hbm>>
      %dma_wait3A_22 = tpu.memref_squeeze %dma_wait3A_21 : memref<1x1x128xi32, #tpu.memory_space<hbm>> -> memref<128xi32, #tpu.memory_space<hbm>>
      %dma_wait3A_23 = arith.constant 0 : i32
      %dma_wait3A_24 = tpu.memref_slice %arg3[%add3A, %run_scoped3A, %dma_wait3A_23] : memref<32x40x128xi32, #tpu.memory_space<hbm>> -> memref<1x1x128xi32, #tpu.memory_space<hbm>>
      %dma_wait3A_25 = tpu.memref_squeeze %dma_wait3A_24 : memref<1x1x128xi32, #tpu.memory_space<hbm>> -> memref<128xi32, #tpu.memory_space<hbm>>
      tpu.wait_dma2 semaphore(%run_scoped3A_14 : memref<!tpu.dma_semaphore, #tpu.memory_space<semaphore_mem>>) src(%dma_wait3A_25 : memref<128xi32, #tpu.memory_space<hbm>>) dst(%arg6 : memref<128xi32, #tpu.memory_space<vmem>>)
      tpu.yield
    }) : () -> ()
    %dma_start3A = arith.constant 0 : i32
    %dma_start3A_5 = tpu.memref_slice %arg2[%mul3A_2, %dma_start3A] : memref<163840x128xf32, #tpu.memory_space<hbm>> -> memref<128x128xf32, #tpu.memory_space<hbm>>
    %dma_start3A_6 = arith.constant 0 : i32
    %dma_start3A_7 = tpu.memref_slice %arg2[%mul3A_2, %dma_start3A_6] : memref<163840x128xf32, #tpu.memory_space<hbm>> -> memref<128x128xf32, #tpu.memory_space<hbm>>
    tpu.enqueue_dma source(%dma_start3A_7 : memref<128x128xf32, #tpu.memory_space<hbm>>) target(%arg8 : memref<128x128xf32, #tpu.memory_space<vmem>>) target_semaphore(%arg10 : memref<!tpu.dma_semaphore, #tpu.memory_space<semaphore_mem>>)
    "tpu.region"() ({
      %run_scoped3A_14 = tpu.sem_alloc : memref<!tpu.dma_semaphore, #tpu.memory_space<semaphore_mem>>
      %dma_start3A_15 = arith.constant 0 : i32
      %dma_start3A_16 = tpu.memref_slice %arg12[%mul3A_4, %dma_start3A_15] : memref<10240x128xf32, #tpu.memory_space<vmem_shared>> -> memref<640x128xf32, #tpu.memory_space<vmem_shared>>
      tpu.enqueue_dma source(%arg4 : memref<640x128xf32, #tpu.memory_space<hbm>>) target(%dma_start3A_16 : memref<640x128xf32, #tpu.memory_space<vmem_shared>>) target_semaphore(%run_scoped3A_14 : memref<!tpu.dma_semaphore, #tpu.memory_space<semaphore_mem>>)
      %dma_wait3A = arith.constant 0 : i32
      %dma_wait3A_17 = tpu.memref_slice %arg12[%mul3A_4, %dma_wait3A] : memref<10240x128xf32, #tpu.memory_space<vmem_shared>> -> memref<640x128xf32, #tpu.memory_space<vmem_shared>>
      tpu.wait_dma2 semaphore(%run_scoped3A_14 : memref<!tpu.dma_semaphore, #tpu.memory_space<semaphore_mem>>) src(%arg4 : memref<640x128xf32, #tpu.memory_space<hbm>>) dst(%dma_wait3A_17 : memref<640x128xf32, #tpu.memory_space<vmem_shared>>)
      tpu.yield
    }) : () -> ()
    %barrier3A = arith.constant 0 : index
    tpu.barrier barrier_id(%barrier3A)
    %scan3A = arith.constant 0 : i32
    %scan3A_8 = arith.constant 0 : i32
    %scan3A_9 = arith.constant 20 : i32
    %scan3A_10 = arith.addi %scan3A_8, %scan3A_9 : i32
    %scan3A_11 = arith.constant 1 : i32
    scf.for %scan3A_14 = %scan3A_8 to %scan3A_10 step %scan3A_11  : i32 {
      %mul3A_15 = arith.constant 2 : i32
      %mul3A_16 = arith.muli %mul3A_15, %scan3A_14 : i32
      %add3A_17 = arith.constant 1 : i32
      %add3A_18 = arith.addi %mul3A_16, %add3A_17 : i32
      "tpu.region"() ({
        %run_scoped3A_41 = tpu.sem_alloc : memref<!tpu.dma_semaphore, #tpu.memory_space<semaphore_mem>>
        %dma_start3A_42 = arith.constant 0 : i32
        %dma_start3A_43 = tpu.memref_slice %arg3[%add3A, %add3A_18, %dma_start3A_42] : memref<32x40x128xi32, #tpu.memory_space<hbm>> -> memref<1x1x128xi32, #tpu.memory_space<hbm>>
        %dma_start3A_44 = tpu.memref_squeeze %dma_start3A_43 : memref<1x1x128xi32, #tpu.memory_space<hbm>> -> memref<128xi32, #tpu.memory_space<hbm>>
        %dma_start3A_45 = arith.constant 0 : i32
        %dma_start3A_46 = tpu.memref_slice %arg3[%add3A, %add3A_18, %dma_start3A_45] : memref<32x40x128xi32, #tpu.memory_space<hbm>> -> memref<1x1x128xi32, #tpu.memory_space<hbm>>
        %dma_start3A_47 = tpu.memref_squeeze %dma_start3A_46 : memref<1x1x128xi32, #tpu.memory_space<hbm>> -> memref<128xi32, #tpu.memory_space<hbm>>
        tpu.enqueue_dma source(%dma_start3A_47 : memref<128xi32, #tpu.memory_space<hbm>>) target(%arg7 : memref<128xi32, #tpu.memory_space<vmem>>) target_semaphore(%run_scoped3A_41 : memref<!tpu.dma_semaphore, #tpu.memory_space<semaphore_mem>>)
        %dma_wait3A_48 = arith.constant 0 : i32
        %dma_wait3A_49 = tpu.memref_slice %arg3[%add3A, %add3A_18, %dma_wait3A_48] : memref<32x40x128xi32, #tpu.memory_space<hbm>> -> memref<1x1x128xi32, #tpu.memory_space<hbm>>
        %dma_wait3A_50 = tpu.memref_squeeze %dma_wait3A_49 : memref<1x1x128xi32, #tpu.memory_space<hbm>> -> memref<128xi32, #tpu.memory_space<hbm>>
        %dma_wait3A_51 = arith.constant 0 : i32
        %dma_wait3A_52 = tpu.memref_slice %arg3[%add3A, %add3A_18, %dma_wait3A_51] : memref<32x40x128xi32, #tpu.memory_space<hbm>> -> memref<1x1x128xi32, #tpu.memory_space<hbm>>
        %dma_wait3A_53 = tpu.memref_squeeze %dma_wait3A_52 : memref<1x1x128xi32, #tpu.memory_space<hbm>> -> memref<128xi32, #tpu.memory_space<hbm>>
        tpu.wait_dma2 semaphore(%run_scoped3A_41 : memref<!tpu.dma_semaphore, #tpu.memory_space<semaphore_mem>>) src(%dma_wait3A_53 : memref<128xi32, #tpu.memory_space<hbm>>) dst(%arg7 : memref<128xi32, #tpu.memory_space<vmem>>)
        tpu.yield
      }) : () -> ()
      %mul3A_19 = arith.constant 128 : i32
      %mul3A_20 = arith.muli %add3A_18, %mul3A_19 : i32
      %add3A_21 = arith.addi %mul3A_2, %mul3A_20 : i32
      %dma_start3A_22 = arith.constant 0 : i32
      %dma_start3A_23 = tpu.memref_slice %arg2[%add3A_21, %dma_start3A_22] : memref<163840x128xf32, #tpu.memory_space<hbm>> -> memref<128x128xf32, #tpu.memory_space<hbm>>
      %dma_start3A_24 = arith.constant 0 : i32
      %dma_start3A_25 = tpu.memref_slice %arg2[%add3A_21, %dma_start3A_24] : memref<163840x128xf32, #tpu.memory_space<hbm>> -> memref<128x128xf32, #tpu.memory_space<hbm>>
      tpu.enqueue_dma source(%dma_start3A_25 : memref<128x128xf32, #tpu.memory_space<hbm>>) target(%arg9 : memref<128x128xf32, #tpu.memory_space<vmem>>) target_semaphore(%arg11 : memref<!tpu.dma_semaphore, #tpu.memory_space<semaphore_mem>>)
      %mul3A_26 = arith.constant 128 : i32
      %mul3A_27 = arith.muli %mul3A_16, %mul3A_26 : i32
      %add3A_28 = arith.addi %mul3A_2, %mul3A_27 : i32
      %dma_wait3A = arith.constant 0 : i32
      %dma_wait3A_29 = tpu.memref_slice %arg2[%add3A_28, %dma_wait3A] : memref<163840x128xf32, #tpu.memory_space<hbm>> -> memref<128x128xf32, #tpu.memory_space<hbm>>
      %dma_wait3A_30 = arith.constant 0 : i32
      %dma_wait3A_31 = tpu.memref_slice %arg2[%add3A_28, %dma_wait3A_30] : memref<163840x128xf32, #tpu.memory_space<hbm>> -> memref<128x128xf32, #tpu.memory_space<hbm>>
      tpu.wait_dma2 semaphore(%arg10 : memref<!tpu.dma_semaphore, #tpu.memory_space<semaphore_mem>>) src(%dma_wait3A_31 : memref<128x128xf32, #tpu.memory_space<hbm>>) dst(%arg8 : memref<128x128xf32, #tpu.memory_space<vmem>>)
      "tpu.region"() ({
        %run_scoped3A_41 = tpu.sem_alloc : memref<!tpu.dma_semaphore, #tpu.memory_space<semaphore_mem>>
        %dma_start3A_42 = arith.constant 0 : i32
        %dma_start3A_43 = arith.constant 0 : i32
        %dma_start3A_44 = tpu.memref_slice %arg12[%dma_start3A_42, %dma_start3A_43] : memref<10240x128xf32, #tpu.memory_space<vmem_shared>> -> memref<10240x128xf32, #tpu.memory_space<vmem_shared>>
        tpu.enqueue_indirect_dma source(%arg8 : memref<128x128xf32, #tpu.memory_space<vmem>>) target(%dma_start3A_44 : memref<10240x128xf32, #tpu.memory_space<vmem_shared>>) offsets(%arg6 : memref<128xi32, #tpu.memory_space<vmem>>) semaphore(%run_scoped3A_41 : memref<!tpu.dma_semaphore, #tpu.memory_space<semaphore_mem>>) {add = true}
        %dma_wait3A_45 = arith.constant 0 : i32
        %dma_wait3A_46 = arith.constant 0 : i32
        %dma_wait3A_47 = tpu.memref_slice %arg12[%dma_wait3A_45, %dma_wait3A_46] : memref<10240x128xf32, #tpu.memory_space<vmem_shared>> -> memref<10240x128xf32, #tpu.memory_space<vmem_shared>>
        tpu.wait_indirect_dma semaphore(%run_scoped3A_41 : memref<!tpu.dma_semaphore, #tpu.memory_space<semaphore_mem>>) src(%arg8 : memref<128x128xf32, #tpu.memory_space<vmem>>) dst(%dma_wait3A_47 : memref<10240x128xf32, #tpu.memory_space<vmem_shared>>)
        tpu.yield
      }) : () -> ()
      %lt3A = arith.constant 19 : i32
      %lt3A_32 = arith.cmpi slt, %scan3A_14, %lt3A : i32
      %convert_element_type3A = arith.extui %lt3A_32 : i1 to i32
      %cond3A = arith.constant 0 : i32
      %cond3A_33 = arith.cmpi ne, %convert_element_type3A, %cond3A : i32
      scf.if %cond3A_33 {
        %add3A_41 = arith.constant 2 : i32
        %add3A_42 = arith.addi %mul3A_16, %add3A_41 : i32
        "tpu.region"() ({
          %run_scoped3A_52 = tpu.sem_alloc : memref<!tpu.dma_semaphore, #tpu.memory_space<semaphore_mem>>
          %dma_start3A_53 = arith.constant 0 : i32
          %dma_start3A_54 = tpu.memref_slice %arg3[%add3A, %add3A_42, %dma_start3A_53] : memref<32x40x128xi32, #tpu.memory_space<hbm>> -> memref<1x1x128xi32, #tpu.memory_space<hbm>>
          %dma_start3A_55 = tpu.memref_squeeze %dma_start3A_54 : memref<1x1x128xi32, #tpu.memory_space<hbm>> -> memref<128xi32, #tpu.memory_space<hbm>>
          %dma_start3A_56 = arith.constant 0 : i32
          %dma_start3A_57 = tpu.memref_slice %arg3[%add3A, %add3A_42, %dma_start3A_56] : memref<32x40x128xi32, #tpu.memory_space<hbm>> -> memref<1x1x128xi32, #tpu.memory_space<hbm>>
          %dma_start3A_58 = tpu.memref_squeeze %dma_start3A_57 : memref<1x1x128xi32, #tpu.memory_space<hbm>> -> memref<128xi32, #tpu.memory_space<hbm>>
          tpu.enqueue_dma source(%dma_start3A_58 : memref<128xi32, #tpu.memory_space<hbm>>) target(%arg6 : memref<128xi32, #tpu.memory_space<vmem>>) target_semaphore(%run_scoped3A_52 : memref<!tpu.dma_semaphore, #tpu.memory_space<semaphore_mem>>)
          %dma_wait3A_59 = arith.constant 0 : i32
          %dma_wait3A_60 = tpu.memref_slice %arg3[%add3A, %add3A_42, %dma_wait3A_59] : memref<32x40x128xi32, #tpu.memory_space<hbm>> -> memref<1x1x128xi32, #tpu.memory_space<hbm>>
          %dma_wait3A_61 = tpu.memref_squeeze %dma_wait3A_60 : memref<1x1x128xi32, #tpu.memory_space<hbm>> -> memref<128xi32, #tpu.memory_space<hbm>>
          %dma_wait3A_62 = arith.constant 0 : i32
          %dma_wait3A_63 = tpu.memref_slice %arg3[%add3A, %add3A_42, %dma_wait3A_62] : memref<32x40x128xi32, #tpu.memory_space<hbm>> -> memref<1x1x128xi32, #tpu.memory_space<hbm>>
          %dma_wait3A_64 = tpu.memref_squeeze %dma_wait3A_63 : memref<1x1x128xi32, #tpu.memory_space<hbm>> -> memref<128xi32, #tpu.memory_space<hbm>>
          tpu.wait_dma2 semaphore(%run_scoped3A_52 : memref<!tpu.dma_semaphore, #tpu.memory_space<semaphore_mem>>) src(%dma_wait3A_64 : memref<128xi32, #tpu.memory_space<hbm>>) dst(%arg6 : memref<128xi32, #tpu.memory_space<vmem>>)
          tpu.yield
        }) : () -> ()
        %add3A_43 = arith.constant 2 : i32
        %add3A_44 = arith.addi %mul3A_16, %add3A_43 : i32
        %mul3A_45 = arith.constant 128 : i32
        %mul3A_46 = arith.muli %add3A_44, %mul3A_45 : i32
        %add3A_47 = arith.addi %mul3A_2, %mul3A_46 : i32
        %dma_start3A_48 = arith.constant 0 : i32
        %dma_start3A_49 = tpu.memref_slice %arg2[%add3A_47, %dma_start3A_48] : memref<163840x128xf32, #tpu.memory_space<hbm>> -> memref<128x128xf32, #tpu.memory_space<hbm>>
        %dma_start3A_50 = arith.constant 0 : i32
        %dma_start3A_51 = tpu.memref_slice %arg2[%add3A_47, %dma_start3A_50] : memref<163840x128xf32, #tpu.memory_space<hbm>> -> memref<128x128xf32, #tpu.memory_space<hbm>>
        tpu.enqueue_dma source(%dma_start3A_51 : memref<128x128xf32, #tpu.memory_space<hbm>>) target(%arg8 : memref<128x128xf32, #tpu.memory_space<vmem>>) target_semaphore(%arg10 : memref<!tpu.dma_semaphore, #tpu.memory_space<semaphore_mem>>)
      } else {
      }
      %mul3A_34 = arith.constant 128 : i32
      %mul3A_35 = arith.muli %add3A_18, %mul3A_34 : i32
      %add3A_36 = arith.addi %mul3A_2, %mul3A_35 : i32
      %dma_wait3A_37 = arith.constant 0 : i32
      %dma_wait3A_38 = tpu.memref_slice %arg2[%add3A_36, %dma_wait3A_37] : memref<163840x128xf32, #tpu.memory_space<hbm>> -> memref<128x128xf32, #tpu.memory_space<hbm>>
      %dma_wait3A_39 = arith.constant 0 : i32
      %dma_wait3A_40 = tpu.memref_slice %arg2[%add3A_36, %dma_wait3A_39] : memref<163840x128xf32, #tpu.memory_space<hbm>> -> memref<128x128xf32, #tpu.memory_space<hbm>>
      tpu.wait_dma2 semaphore(%arg11 : memref<!tpu.dma_semaphore, #tpu.memory_space<semaphore_mem>>) src(%dma_wait3A_40 : memref<128x128xf32, #tpu.memory_space<hbm>>) dst(%arg9 : memref<128x128xf32, #tpu.memory_space<vmem>>)
      "tpu.region"() ({
        %run_scoped3A_41 = tpu.sem_alloc : memref<!tpu.dma_semaphore, #tpu.memory_space<semaphore_mem>>
        %dma_start3A_42 = arith.constant 0 : i32
        %dma_start3A_43 = arith.constant 0 : i32
        %dma_start3A_44 = tpu.memref_slice %arg12[%dma_start3A_42, %dma_start3A_43] : memref<10240x128xf32, #tpu.memory_space<vmem_shared>> -> memref<10240x128xf32, #tpu.memory_space<vmem_shared>>
        tpu.enqueue_indirect_dma source(%arg9 : memref<128x128xf32, #tpu.memory_space<vmem>>) target(%dma_start3A_44 : memref<10240x128xf32, #tpu.memory_space<vmem_shared>>) offsets(%arg7 : memref<128xi32, #tpu.memory_space<vmem>>) semaphore(%run_scoped3A_41 : memref<!tpu.dma_semaphore, #tpu.memory_space<semaphore_mem>>) {add = true}
        %dma_wait3A_45 = arith.constant 0 : i32
        %dma_wait3A_46 = arith.constant 0 : i32
        %dma_wait3A_47 = tpu.memref_slice %arg12[%dma_wait3A_45, %dma_wait3A_46] : memref<10240x128xf32, #tpu.memory_space<vmem_shared>> -> memref<10240x128xf32, #tpu.memory_space<vmem_shared>>
        tpu.wait_indirect_dma semaphore(%run_scoped3A_41 : memref<!tpu.dma_semaphore, #tpu.memory_space<semaphore_mem>>) src(%arg9 : memref<128x128xf32, #tpu.memory_space<vmem>>) dst(%dma_wait3A_47 : memref<10240x128xf32, #tpu.memory_space<vmem_shared>>)
        tpu.yield
      }) : () -> ()
    }
    %scan3A_12 = arith.constant 20 : i32
    %barrier3A_13 = arith.constant 0 : index
    tpu.barrier barrier_id(%barrier3A_13)
    "tpu.region"() ({
      %run_scoped3A_14 = tpu.sem_alloc : memref<!tpu.dma_semaphore, #tpu.memory_space<semaphore_mem>>
      %dma_start3A_15 = arith.constant 0 : i32
      %dma_start3A_16 = tpu.memref_slice %arg5[%arg0, %mul3A_4, %dma_start3A_15] : memref<2x10240x128xf32, #tpu.memory_space<hbm>> -> memref<1x640x128xf32, #tpu.memory_space<hbm>>
      %dma_start3A_17 = tpu.memref_squeeze %dma_start3A_16 : memref<1x640x128xf32, #tpu.memory_space<hbm>> -> memref<640x128xf32, #tpu.memory_space<hbm>>
      %dma_start3A_18 = arith.constant 0 : i32
      %dma_start3A_19 = tpu.memref_slice %arg12[%mul3A_4, %dma_start3A_18] : memref<10240x128xf32, #tpu.memory_space<vmem_shared>> -> memref<640x128xf32, #tpu.memory_space<vmem_shared>>
      tpu.enqueue_dma source(%dma_start3A_19 : memref<640x128xf32, #tpu.memory_space<vmem_shared>>) target(%dma_start3A_17 : memref<640x128xf32, #tpu.memory_space<hbm>>) target_semaphore(%run_scoped3A_14 : memref<!tpu.dma_semaphore, #tpu.memory_space<semaphore_mem>>)
      %dma_wait3A = arith.constant 0 : i32
      %dma_wait3A_20 = tpu.memref_slice %arg5[%arg0, %mul3A_4, %dma_wait3A] : memref<2x10240x128xf32, #tpu.memory_space<hbm>> -> memref<1x640x128xf32, #tpu.memory_space<hbm>>
      %dma_wait3A_21 = tpu.memref_squeeze %dma_wait3A_20 : memref<1x640x128xf32, #tpu.memory_space<hbm>> -> memref<640x128xf32, #tpu.memory_space<hbm>>
      %dma_wait3A_22 = arith.constant 0 : i32
      %dma_wait3A_23 = tpu.memref_slice %arg12[%mul3A_4, %dma_wait3A_22] : memref<10240x128xf32, #tpu.memory_space<vmem_shared>> -> memref<640x128xf32, #tpu.memory_space<vmem_shared>>
      tpu.wait_dma2 semaphore(%run_scoped3A_14 : memref<!tpu.dma_semaphore, #tpu.memory_space<semaphore_mem>>) src(%dma_wait3A_23 : memref<640x128xf32, #tpu.memory_space<vmem_shared>>) dst(%dma_wait3A_21 : memref<640x128xf32, #tpu.memory_space<hbm>>)
      tpu.yield
    }) : () -> ()
    return
  }
}

#map = affine_map<(d0, d1) -> (0, 0)>
#map1 = affine_map<(d0, d1) -> (0, 0, 0)>
module attributes {stable_mosaic.version = 14 : i64} {
  func.func @k(%arg0: i32, %arg1: i32, %arg2: memref<163840x128xf32, #tpu.memory_space<hbm>>, %arg3: memref<32x40x128xi32, #tpu.memory_space<hbm>>, %arg4: memref<640x128xf32, #tpu.memory_space<hbm>>, %arg5: memref<2x10240x128xf32, #tpu.memory_space<hbm>>, %arg6: memref<128xi32, #tpu.memory_space<vmem>>, %arg7: memref<128xi32, #tpu.memory_space<vmem>>, %arg8: memref<128x128xf32, #tpu.memory_space<vmem>>, %arg9: memref<128x128xf32, #tpu.memory_space<vmem>>, %arg10: memref<!tpu.dma_semaphore, #tpu.memory_space<semaphore_mem>>, %arg11: memref<!tpu.dma_semaphore, #tpu.memory_space<semaphore_mem>>, %arg12: memref<10240x128xf32, #tpu.memory_space<vmem_shared>>) attributes {dimension_semantics = [#tpu.dimension_semantics<core_parallel>, #tpu.dimension_semantics<subcore_parallel>], iteration_bounds = array<i64: 2, 16>, scalar_prefetch = 0 : i64, scratch_operands = 7 : i64, tpu.core_type = #tpu.core_type<sc_vector_subcore>, window_params = [{transform_indices = #map}, {transform_indices = #map1}, {transform_indices = #map}, {transform_indices = #map1}]} {
    %mul3A = arith.constant 2 : i32
    %mul3A_0 = arith.muli %arg1, %mul3A : i32
    %add3A = arith.addi %mul3A_0, %arg0 : i32
    %mul3A_1 = arith.constant 5120 : i32
    %mul3A_2 = arith.muli %add3A, %mul3A_1 : i32
    %mul3A_3 = arith.constant 640 : i32
    %mul3A_4 = arith.muli %arg1, %mul3A_3 : i32
    %run_scoped3A = arith.constant 0 : i32
    "tpu.region"() ({
      %run_scoped3A_14 = tpu.sem_alloc : memref<!tpu.dma_semaphore, #tpu.memory_space<semaphore_mem>>
      %dma_start3A_15 = arith.constant 0 : i32
      %dma_start3A_16 = tpu.memref_slice %arg3[%add3A, %run_scoped3A, %dma_start3A_15] : memref<32x40x128xi32, #tpu.memory_space<hbm>> -> memref<1x1x128xi32, #tpu.memory_space<hbm>>
      %dma_start3A_17 = tpu.memref_squeeze %dma_start3A_16 : memref<1x1x128xi32, #tpu.memory_space<hbm>> -> memref<128xi32, #tpu.memory_space<hbm>>
      %dma_start3A_18 = arith.constant 0 : i32
      %dma_start3A_19 = tpu.memref_slice %arg3[%add3A, %run_scoped3A, %dma_start3A_18] : memref<32x40x128xi32, #tpu.memory_space<hbm>> -> memref<1x1x128xi32, #tpu.memory_space<hbm>>
      %dma_start3A_20 = tpu.memref_squeeze %dma_start3A_19 : memref<1x1x128xi32, #tpu.memory_space<hbm>> -> memref<128xi32, #tpu.memory_space<hbm>>
      tpu.enqueue_dma source(%dma_start3A_20 : memref<128xi32, #tpu.memory_space<hbm>>) target(%arg6 : memref<128xi32, #tpu.memory_space<vmem>>) target_semaphore(%run_scoped3A_14 : memref<!tpu.dma_semaphore, #tpu.memory_space<semaphore_mem>>)
      %dma_wait3A = arith.constant 0 : i32
      %dma_wait3A_21 = tpu.memref_slice %arg3[%add3A, %run_scoped3A, %dma_wait3A] : memref<32x40x128xi32, #tpu.memory_space<hbm>> -> memref<1x1x128xi32, #tpu.memory_space<hbm>>
      %dma_wait3A_22 = tpu.memref_squeeze %dma_wait3A_21 : memref<1x1x128xi32, #tpu.memory_space<hbm>> -> memref<128xi32, #tpu.memory_space<hbm>>
      %dma_wait3A_23 = arith.constant 0 : i32
      %dma_wait3A_24 = tpu.memref_slice %arg3[%add3A, %run_scoped3A, %dma_wait3A_23] : memref<32x40x128xi32, #tpu.memory_space<hbm>> -> memref<1x1x128xi32, #tpu.memory_space<hbm>>
      %dma_wait3A_25 = tpu.memref_squeeze %dma_wait3A_24 : memref<1x1x128xi32, #tpu.memory_space<hbm>> -> memref<128xi32, #tpu.memory_space<hbm>>
      tpu.wait_dma2 semaphore(%run_scoped3A_14 : memref<!tpu.dma_semaphore, #tpu.memory_space<semaphore_mem>>) src(%dma_wait3A_25 : memref<128xi32, #tpu.memory_space<hbm>>) dst(%arg6 : memref<128xi32, #tpu.memory_space<vmem>>)
      tpu.yield
    }) : () -> ()
    %dma_start3A = arith.constant 0 : i32
    %dma_start3A_5 = tpu.memref_slice %arg2[%mul3A_2, %dma_start3A] : memref<163840x128xf32, #tpu.memory_space<hbm>> -> memref<128x128xf32, #tpu.memory_space<hbm>>
    %dma_start3A_6 = arith.constant 0 : i32
    %dma_start3A_7 = tpu.memref_slice %arg2[%mul3A_2, %dma_start3A_6] : memref<163840x128xf32, #tpu.memory_space<hbm>> -> memref<128x128xf32, #tpu.memory_space<hbm>>
    tpu.enqueue_dma source(%dma_start3A_7 : memref<128x128xf32, #tpu.memory_space<hbm>>) target(%arg8 : memref<128x128xf32, #tpu.memory_space<vmem>>) target_semaphore(%arg10 : memref<!tpu.dma_semaphore, #tpu.memory_space<semaphore_mem>>)
    "tpu.region"() ({
      %run_scoped3A_14 = tpu.sem_alloc : memref<!tpu.dma_semaphore, #tpu.memory_space<semaphore_mem>>
      %dma_start3A_15 = arith.constant 0 : i32
      %dma_start3A_16 = tpu.memref_slice %arg12[%mul3A_4, %dma_start3A_15] : memref<10240x128xf32, #tpu.memory_space<vmem_shared>> -> memref<640x128xf32, #tpu.memory_space<vmem_shared>>
      tpu.enqueue_dma source(%arg4 : memref<640x128xf32, #tpu.memory_space<hbm>>) target(%dma_start3A_16 : memref<640x128xf32, #tpu.memory_space<vmem_shared>>) target_semaphore(%run_scoped3A_14 : memref<!tpu.dma_semaphore, #tpu.memory_space<semaphore_mem>>)
      %dma_wait3A = arith.constant 0 : i32
      %dma_wait3A_17 = tpu.memref_slice %arg12[%mul3A_4, %dma_wait3A] : memref<10240x128xf32, #tpu.memory_space<vmem_shared>> -> memref<640x128xf32, #tpu.memory_space<vmem_shared>>
      tpu.wait_dma2 semaphore(%run_scoped3A_14 : memref<!tpu.dma_semaphore, #tpu.memory_space<semaphore_mem>>) src(%arg4 : memref<640x128xf32, #tpu.memory_space<hbm>>) dst(%dma_wait3A_17 : memref<640x128xf32, #tpu.memory_space<vmem_shared>>)
      tpu.yield
    }) : () -> ()
    %barrier3A = arith.constant 0 : index
    tpu.barrier barrier_id(%barrier3A)
    %scan3A = arith.constant 0 : i32
    %scan3A_8 = arith.constant 0 : i32
    %scan3A_9 = arith.constant 20 : i32
    %scan3A_10 = arith.addi %scan3A_8, %scan3A_9 : i32
    %scan3A_11 = arith.constant 1 : i32
    scf.for %scan3A_14 = %scan3A_8 to %scan3A_10 step %scan3A_11  : i32 {
      %mul3A_15 = arith.constant 2 : i32
      %mul3A_16 = arith.muli %mul3A_15, %scan3A_14 : i32
      %add3A_17 = arith.constant 1 : i32
      %add3A_18 = arith.addi %mul3A_16, %add3A_17 : i32
      "tpu.region"() ({
        %run_scoped3A_41 = tpu.sem_alloc : memref<!tpu.dma_semaphore, #tpu.memory_space<semaphore_mem>>
        %dma_start3A_42 = arith.constant 0 : i32
        %dma_start3A_43 = tpu.memref_slice %arg3[%add3A, %add3A_18, %dma_start3A_42] : memref<32x40x128xi32, #tpu.memory_space<hbm>> -> memref<1x1x128xi32, #tpu.memory_space<hbm>>
        %dma_start3A_44 = tpu.memref_squeeze %dma_start3A_43 : memref<1x1x128xi32, #tpu.memory_space<hbm>> -> memref<128xi32, #tpu.memory_space<hbm>>
        %dma_start3A_45 = arith.constant 0 : i32
        %dma_start3A_46 = tpu.memref_slice %arg3[%add3A, %add3A_18, %dma_start3A_45] : memref<32x40x128xi32, #tpu.memory_space<hbm>> -> memref<1x1x128xi32, #tpu.memory_space<hbm>>
        %dma_start3A_47 = tpu.memref_squeeze %dma_start3A_46 : memref<1x1x128xi32, #tpu.memory_space<hbm>> -> memref<128xi32, #tpu.memory_space<hbm>>
        tpu.enqueue_dma source(%dma_start3A_47 : memref<128xi32, #tpu.memory_space<hbm>>) target(%arg7 : memref<128xi32, #tpu.memory_space<vmem>>) target_semaphore(%run_scoped3A_41 : memref<!tpu.dma_semaphore, #tpu.memory_space<semaphore_mem>>)
        %dma_wait3A_48 = arith.constant 0 : i32
        %dma_wait3A_49 = tpu.memref_slice %arg3[%add3A, %add3A_18, %dma_wait3A_48] : memref<32x40x128xi32, #tpu.memory_space<hbm>> -> memref<1x1x128xi32, #tpu.memory_space<hbm>>
        %dma_wait3A_50 = tpu.memref_squeeze %dma_wait3A_49 : memref<1x1x128xi32, #tpu.memory_space<hbm>> -> memref<128xi32, #tpu.memory_space<hbm>>
        %dma_wait3A_51 = arith.constant 0 : i32
        %dma_wait3A_52 = tpu.memref_slice %arg3[%add3A, %add3A_18, %dma_wait3A_51] : memref<32x40x128xi32, #tpu.memory_space<hbm>> -> memref<1x1x128xi32, #tpu.memory_space<hbm>>
        %dma_wait3A_53 = tpu.memref_squeeze %dma_wait3A_52 : memref<1x1x128xi32, #tpu.memory_space<hbm>> -> memref<128xi32, #tpu.memory_space<hbm>>
        tpu.wait_dma2 semaphore(%run_scoped3A_41 : memref<!tpu.dma_semaphore, #tpu.memory_space<semaphore_mem>>) src(%dma_wait3A_53 : memref<128xi32, #tpu.memory_space<hbm>>) dst(%arg7 : memref<128xi32, #tpu.memory_space<vmem>>)
        tpu.yield
      }) : () -> ()
      %mul3A_19 = arith.constant 128 : i32
      %mul3A_20 = arith.muli %add3A_18, %mul3A_19 : i32
      %add3A_21 = arith.addi %mul3A_2, %mul3A_20 : i32
      %dma_start3A_22 = arith.constant 0 : i32
      %dma_start3A_23 = tpu.memref_slice %arg2[%add3A_21, %dma_start3A_22] : memref<163840x128xf32, #tpu.memory_space<hbm>> -> memref<128x128xf32, #tpu.memory_space<hbm>>
      %dma_start3A_24 = arith.constant 0 : i32
      %dma_start3A_25 = tpu.memref_slice %arg2[%add3A_21, %dma_start3A_24] : memref<163840x128xf32, #tpu.memory_space<hbm>> -> memref<128x128xf32, #tpu.memory_space<hbm>>
      tpu.enqueue_dma source(%dma_start3A_25 : memref<128x128xf32, #tpu.memory_space<hbm>>) target(%arg9 : memref<128x128xf32, #tpu.memory_space<vmem>>) target_semaphore(%arg11 : memref<!tpu.dma_semaphore, #tpu.memory_space<semaphore_mem>>)
      %mul3A_26 = arith.constant 128 : i32
      %mul3A_27 = arith.muli %mul3A_16, %mul3A_26 : i32
      %add3A_28 = arith.addi %mul3A_2, %mul3A_27 : i32
      %dma_wait3A = arith.constant 0 : i32
      %dma_wait3A_29 = tpu.memref_slice %arg2[%add3A_28, %dma_wait3A] : memref<163840x128xf32, #tpu.memory_space<hbm>> -> memref<128x128xf32, #tpu.memory_space<hbm>>
      %dma_wait3A_30 = arith.constant 0 : i32
      %dma_wait3A_31 = tpu.memref_slice %arg2[%add3A_28, %dma_wait3A_30] : memref<163840x128xf32, #tpu.memory_space<hbm>> -> memref<128x128xf32, #tpu.memory_space<hbm>>
      tpu.wait_dma2 semaphore(%arg10 : memref<!tpu.dma_semaphore, #tpu.memory_space<semaphore_mem>>) src(%dma_wait3A_31 : memref<128x128xf32, #tpu.memory_space<hbm>>) dst(%arg8 : memref<128x128xf32, #tpu.memory_space<vmem>>)
      "tpu.region"() ({
        %run_scoped3A_41 = tpu.sem_alloc : memref<!tpu.dma_semaphore, #tpu.memory_space<semaphore_mem>>
        %dma_start3A_42 = arith.constant 0 : i32
        %dma_start3A_43 = arith.constant 0 : i32
        %dma_start3A_44 = tpu.memref_slice %arg12[%dma_start3A_42, %dma_start3A_43] : memref<10240x128xf32, #tpu.memory_space<vmem_shared>> -> memref<10240x128xf32, #tpu.memory_space<vmem_shared>>
        tpu.enqueue_indirect_dma source(%arg8 : memref<128x128xf32, #tpu.memory_space<vmem>>) target(%dma_start3A_44 : memref<10240x128xf32, #tpu.memory_space<vmem_shared>>) offsets(%arg6 : memref<128xi32, #tpu.memory_space<vmem>>) semaphore(%run_scoped3A_41 : memref<!tpu.dma_semaphore, #tpu.memory_space<semaphore_mem>>) {add = true}
        %dma_wait3A_45 = arith.constant 0 : i32
        %dma_wait3A_46 = arith.constant 0 : i32
        %dma_wait3A_47 = tpu.memref_slice %arg12[%dma_wait3A_45, %dma_wait3A_46] : memref<10240x128xf32, #tpu.memory_space<vmem_shared>> -> memref<10240x128xf32, #tpu.memory_space<vmem_shared>>
        tpu.wait_indirect_dma semaphore(%run_scoped3A_41 : memref<!tpu.dma_semaphore, #tpu.memory_space<semaphore_mem>>) src(%arg8 : memref<128x128xf32, #tpu.memory_space<vmem>>) dst(%dma_wait3A_47 : memref<10240x128xf32, #tpu.memory_space<vmem_shared>>)
        tpu.yield
      }) : () -> ()
      %lt3A = arith.constant 19 : i32
      %lt3A_32 = arith.cmpi slt, %scan3A_14, %lt3A : i32
      %convert_element_type3A = arith.extui %lt3A_32 : i1 to i32
      %cond3A = arith.constant 0 : i32
      %cond3A_33 = arith.cmpi ne, %convert_element_type3A, %cond3A : i32
      scf.if %cond3A_33 {
        %add3A_41 = arith.constant 2 : i32
        %add3A_42 = arith.addi %mul3A_16, %add3A_41 : i32
        "tpu.region"() ({
          %run_scoped3A_52 = tpu.sem_alloc : memref<!tpu.dma_semaphore, #tpu.memory_space<semaphore_mem>>
          %dma_start3A_53 = arith.constant 0 : i32
          %dma_start3A_54 = tpu.memref_slice %arg3[%add3A, %add3A_42, %dma_start3A_53] : memref<32x40x128xi32, #tpu.memory_space<hbm>> -> memref<1x1x128xi32, #tpu.memory_space<hbm>>
          %dma_start3A_55 = tpu.memref_squeeze %dma_start3A_54 : memref<1x1x128xi32, #tpu.memory_space<hbm>> -> memref<128xi32, #tpu.memory_space<hbm>>
          %dma_start3A_56 = arith.constant 0 : i32
          %dma_start3A_57 = tpu.memref_slice %arg3[%add3A, %add3A_42, %dma_start3A_56] : memref<32x40x128xi32, #tpu.memory_space<hbm>> -> memref<1x1x128xi32, #tpu.memory_space<hbm>>
          %dma_start3A_58 = tpu.memref_squeeze %dma_start3A_57 : memref<1x1x128xi32, #tpu.memory_space<hbm>> -> memref<128xi32, #tpu.memory_space<hbm>>
          tpu.enqueue_dma source(%dma_start3A_58 : memref<128xi32, #tpu.memory_space<hbm>>) target(%arg6 : memref<128xi32, #tpu.memory_space<vmem>>) target_semaphore(%run_scoped3A_52 : memref<!tpu.dma_semaphore, #tpu.memory_space<semaphore_mem>>)
          %dma_wait3A_59 = arith.constant 0 : i32
          %dma_wait3A_60 = tpu.memref_slice %arg3[%add3A, %add3A_42, %dma_wait3A_59] : memref<32x40x128xi32, #tpu.memory_space<hbm>> -> memref<1x1x128xi32, #tpu.memory_space<hbm>>
          %dma_wait3A_61 = tpu.memref_squeeze %dma_wait3A_60 : memref<1x1x128xi32, #tpu.memory_space<hbm>> -> memref<128xi32, #tpu.memory_space<hbm>>
          %dma_wait3A_62 = arith.constant 0 : i32
          %dma_wait3A_63 = tpu.memref_slice %arg3[%add3A, %add3A_42, %dma_wait3A_62] : memref<32x40x128xi32, #tpu.memory_space<hbm>> -> memref<1x1x128xi32, #tpu.memory_space<hbm>>
          %dma_wait3A_64 = tpu.memref_squeeze %dma_wait3A_63 : memref<1x1x128xi32, #tpu.memory_space<hbm>> -> memref<128xi32, #tpu.memory_space<hbm>>
          tpu.wait_dma2 semaphore(%run_scoped3A_52 : memref<!tpu.dma_semaphore, #tpu.memory_space<semaphore_mem>>) src(%dma_wait3A_64 : memref<128xi32, #tpu.memory_space<hbm>>) dst(%arg6 : memref<128xi32, #tpu.memory_space<vmem>>)
          tpu.yield
        }) : () -> ()
        %add3A_43 = arith.constant 2 : i32
        %add3A_44 = arith.addi %mul3A_16, %add3A_43 : i32
        %mul3A_45 = arith.constant 128 : i32
        %mul3A_46 = arith.muli %add3A_44, %mul3A_45 : i32
        %add3A_47 = arith.addi %mul3A_2, %mul3A_46 : i32
        %dma_start3A_48 = arith.constant 0 : i32
        %dma_start3A_49 = tpu.memref_slice %arg2[%add3A_47, %dma_start3A_48] : memref<163840x128xf32, #tpu.memory_space<hbm>> -> memref<128x128xf32, #tpu.memory_space<hbm>>
        %dma_start3A_50 = arith.constant 0 : i32
        %dma_start3A_51 = tpu.memref_slice %arg2[%add3A_47, %dma_start3A_50] : memref<163840x128xf32, #tpu.memory_space<hbm>> -> memref<128x128xf32, #tpu.memory_space<hbm>>
        tpu.enqueue_dma source(%dma_start3A_51 : memref<128x128xf32, #tpu.memory_space<hbm>>) target(%arg8 : memref<128x128xf32, #tpu.memory_space<vmem>>) target_semaphore(%arg10 : memref<!tpu.dma_semaphore, #tpu.memory_space<semaphore_mem>>)
      } else {
      }
      %mul3A_34 = arith.constant 128 : i32
      %mul3A_35 = arith.muli %add3A_18, %mul3A_34 : i32
      %add3A_36 = arith.addi %mul3A_2, %mul3A_35 : i32
      %dma_wait3A_37 = arith.constant 0 : i32
      %dma_wait3A_38 = tpu.memref_slice %arg2[%add3A_36, %dma_wait3A_37] : memref<163840x128xf32, #tpu.memory_space<hbm>> -> memref<128x128xf32, #tpu.memory_space<hbm>>
      %dma_wait3A_39 = arith.constant 0 : i32
      %dma_wait3A_40 = tpu.memref_slice %arg2[%add3A_36, %dma_wait3A_39] : memref<163840x128xf32, #tpu.memory_space<hbm>> -> memref<128x128xf32, #tpu.memory_space<hbm>>
      tpu.wait_dma2 semaphore(%arg11 : memref<!tpu.dma_semaphore, #tpu.memory_space<semaphore_mem>>) src(%dma_wait3A_40 : memref<128x128xf32, #tpu.memory_space<hbm>>) dst(%arg9 : memref<128x128xf32, #tpu.memory_space<vmem>>)
      "tpu.region"() ({
        %run_scoped3A_41 = tpu.sem_alloc : memref<!tpu.dma_semaphore, #tpu.memory_space<semaphore_mem>>
        %dma_start3A_42 = arith.constant 0 : i32
        %dma_start3A_43 = arith.constant 0 : i32
        %dma_start3A_44 = tpu.memref_slice %arg12[%dma_start3A_42, %dma_start3A_43] : memref<10240x128xf32, #tpu.memory_space<vmem_shared>> -> memref<10240x128xf32, #tpu.memory_space<vmem_shared>>
        tpu.enqueue_indirect_dma source(%arg9 : memref<128x128xf32, #tpu.memory_space<vmem>>) target(%dma_start3A_44 : memref<10240x128xf32, #tpu.memory_space<vmem_shared>>) offsets(%arg7 : memref<128xi32, #tpu.memory_space<vmem>>) semaphore(%run_scoped3A_41 : memref<!tpu.dma_semaphore, #tpu.memory_space<semaphore_mem>>) {add = true}
        %dma_wait3A_45 = arith.constant 0 : i32
        %dma_wait3A_46 = arith.constant 0 : i32
        %dma_wait3A_47 = tpu.memref_slice %arg12[%dma_wait3A_45, %dma_wait3A_46] : memref<10240x128xf32, #tpu.memory_space<vmem_shared>> -> memref<10240x128xf32, #tpu.memory_space<vmem_shared>>
        tpu.wait_indirect_dma semaphore(%run_scoped3A_41 : memref<!tpu.dma_semaphore, #tpu.memory_space<semaphore_mem>>) src(%arg9 : memref<128x128xf32, #tpu.memory_space<vmem>>) dst(%dma_wait3A_47 : memref<10240x128xf32, #tpu.memory_space<vmem_shared>>)
        tpu.yield
      }) : () -> ()
    }
    %scan3A_12 = arith.constant 20 : i32
    %barrier3A_13 = arith.constant 0 : index
    tpu.barrier barrier_id(%barrier3A_13)
    "tpu.region"() ({
      %run_scoped3A_14 = tpu.sem_alloc : memref<!tpu.dma_semaphore, #tpu.memory_space<semaphore_mem>>
      %dma_start3A_15 = arith.constant 0 : i32
      %dma_start3A_16 = tpu.memref_slice %arg5[%arg0, %mul3A_4, %dma_start3A_15] : memref<2x10240x128xf32, #tpu.memory_space<hbm>> -> memref<1x640x128xf32, #tpu.memory_space<hbm>>
      %dma_start3A_17 = tpu.memref_squeeze %dma_start3A_16 : memref<1x640x128xf32, #tpu.memory_space<hbm>> -> memref<640x128xf32, #tpu.memory_space<hbm>>
      %dma_start3A_18 = arith.constant 0 : i32
      %dma_start3A_19 = tpu.memref_slice %arg12[%mul3A_4, %dma_start3A_18] : memref<10240x128xf32, #tpu.memory_space<vmem_shared>> -> memref<640x128xf32, #tpu.memory_space<vmem_shared>>
      tpu.enqueue_dma source(%dma_start3A_19 : memref<640x128xf32, #tpu.memory_space<vmem_shared>>) target(%dma_start3A_17 : memref<640x128xf32, #tpu.memory_space<hbm>>) target_semaphore(%run_scoped3A_14 : memref<!tpu.dma_semaphore, #tpu.memory_space<semaphore_mem>>)
      %dma_wait3A = arith.constant 0 : i32
      %dma_wait3A_20 = tpu.memref_slice %arg5[%arg0, %mul3A_4, %dma_wait3A] : memref<2x10240x128xf32, #tpu.memory_space<hbm>> -> memref<1x640x128xf32, #tpu.memory_space<hbm>>
      %dma_wait3A_21 = tpu.memref_squeeze %dma_wait3A_20 : memref<1x640x128xf32, #tpu.memory_space<hbm>> -> memref<640x128xf32, #tpu.memory_space<hbm>>
      %dma_wait3A_22 = arith.constant 0 : i32
      %dma_wait3A_23 = tpu.memref_slice %arg12[%mul3A_4, %dma_wait3A_22] : memref<10240x128xf32, #tpu.memory_space<vmem_shared>> -> memref<640x128xf32, #tpu.memory_space<vmem_shared>>
      tpu.wait_dma2 semaphore(%run_scoped3A_14 : memref<!tpu.dma_semaphore, #tpu.memory_space<semaphore_mem>>) src(%dma_wait3A_23 : memref<640x128xf32, #tpu.memory_space<vmem_shared>>) dst(%dma_wait3A_21 : memref<640x128xf32, #tpu.memory_space<hbm>>)
      tpu.yield
    }) : () -> ()
    return
  }
}

#map = affine_map<(d0, d1) -> (0, 0)>
#map1 = affine_map<(d0, d1) -> (0, 0, 0)>
module attributes {stable_mosaic.version = 14 : i64} {
  func.func @k(%arg0: i32, %arg1: i32, %arg2: memref<10240x128xf32, #tpu.memory_space<hbm>>, %arg3: memref<32x40x128xi32, #tpu.memory_space<hbm>>, %arg4: memref<163840x128xf32, #tpu.memory_space<hbm>>, %arg5: memref<40x128xi32, #tpu.memory_space<vmem>>, %arg6: memref<128x128xf32, #tpu.memory_space<vmem>>, %arg7: memref<128x128xf32, #tpu.memory_space<vmem>>, %arg8: memref<128x128xf32, #tpu.memory_space<vmem>>, %arg9: memref<128x128xf32, #tpu.memory_space<vmem>>, %arg10: memref<!tpu.dma_semaphore, #tpu.memory_space<semaphore_mem>>) attributes {dimension_semantics = [#tpu.dimension_semantics<core_parallel>, #tpu.dimension_semantics<subcore_parallel>], iteration_bounds = array<i64: 2, 16>, scalar_prefetch = 0 : i64, scratch_operands = 6 : i64, tpu.core_type = #tpu.core_type<sc_vector_subcore>, window_params = [{transform_indices = #map}, {transform_indices = #map1}, {transform_indices = #map}]} {
    %mul3A = arith.constant 2 : i32
    %mul3A_0 = arith.muli %arg1, %mul3A : i32
    %add3A = arith.addi %mul3A_0, %arg0 : i32
    "tpu.region"() ({
      %run_scoped3A = tpu.sem_alloc : memref<!tpu.dma_semaphore, #tpu.memory_space<semaphore_mem>>
      %dma_start3A = arith.constant 0 : i32
      %dma_start3A_8 = arith.constant 0 : i32
      %dma_start3A_9 = tpu.memref_slice %arg3[%add3A, %dma_start3A, %dma_start3A_8] : memref<32x40x128xi32, #tpu.memory_space<hbm>> -> memref<1x40x128xi32, #tpu.memory_space<hbm>>
      %dma_start3A_10 = tpu.memref_squeeze %dma_start3A_9 : memref<1x40x128xi32, #tpu.memory_space<hbm>> -> memref<40x128xi32, #tpu.memory_space<hbm>>
      %dma_start3A_11 = arith.constant 0 : i32
      %dma_start3A_12 = arith.constant 0 : i32
      %dma_start3A_13 = tpu.memref_slice %arg3[%add3A, %dma_start3A_11, %dma_start3A_12] : memref<32x40x128xi32, #tpu.memory_space<hbm>> -> memref<1x40x128xi32, #tpu.memory_space<hbm>>
      %dma_start3A_14 = tpu.memref_squeeze %dma_start3A_13 : memref<1x40x128xi32, #tpu.memory_space<hbm>> -> memref<40x128xi32, #tpu.memory_space<hbm>>
      tpu.enqueue_dma source(%dma_start3A_14 : memref<40x128xi32, #tpu.memory_space<hbm>>) target(%arg5 : memref<40x128xi32, #tpu.memory_space<vmem>>) target_semaphore(%run_scoped3A : memref<!tpu.dma_semaphore, #tpu.memory_space<semaphore_mem>>)
      %dma_wait3A = arith.constant 0 : i32
      %dma_wait3A_15 = arith.constant 0 : i32
      %dma_wait3A_16 = tpu.memref_slice %arg3[%add3A, %dma_wait3A, %dma_wait3A_15] : memref<32x40x128xi32, #tpu.memory_space<hbm>> -> memref<1x40x128xi32, #tpu.memory_space<hbm>>
      %dma_wait3A_17 = tpu.memref_squeeze %dma_wait3A_16 : memref<1x40x128xi32, #tpu.memory_space<hbm>> -> memref<40x128xi32, #tpu.memory_space<hbm>>
      %dma_wait3A_18 = arith.constant 0 : i32
      %dma_wait3A_19 = arith.constant 0 : i32
      %dma_wait3A_20 = tpu.memref_slice %arg3[%add3A, %dma_wait3A_18, %dma_wait3A_19] : memref<32x40x128xi32, #tpu.memory_space<hbm>> -> memref<1x40x128xi32, #tpu.memory_space<hbm>>
      %dma_wait3A_21 = tpu.memref_squeeze %dma_wait3A_20 : memref<1x40x128xi32, #tpu.memory_space<hbm>> -> memref<40x128xi32, #tpu.memory_space<hbm>>
      tpu.wait_dma2 semaphore(%run_scoped3A : memref<!tpu.dma_semaphore, #tpu.memory_space<semaphore_mem>>) src(%dma_wait3A_21 : memref<40x128xi32, #tpu.memory_space<hbm>>) dst(%arg5 : memref<40x128xi32, #tpu.memory_space<vmem>>)
      tpu.yield
    }) : () -> ()
    %mul3A_1 = arith.constant 5120 : i32
    %mul3A_2 = arith.muli %add3A, %mul3A_1 : i32
    %scan3A = arith.constant 0 : i32
    %scan3A_3 = arith.constant 0 : i32
    %scan3A_4 = arith.constant 10 : i32
    %scan3A_5 = arith.addi %scan3A_3, %scan3A_4 : i32
    %scan3A_6 = arith.constant 1 : i32
    scf.for %scan3A_8 = %scan3A_3 to %scan3A_5 step %scan3A_6  : i32 {
      %mul3A_9 = arith.constant 4 : i32
      %mul3A_10 = arith.muli %mul3A_9, %scan3A_8 : i32
      %add3A_11 = arith.constant 0 : i32
      %add3A_12 = arith.addi %mul3A_10, %add3A_11 : i32
      %dma_start3A = arith.constant 0 : i32
      %dma_start3A_13 = tpu.memref_slice %arg5[%add3A_12, %dma_start3A] : memref<40x128xi32, #tpu.memory_space<vmem>> -> memref<1x128xi32, #tpu.memory_space<vmem>>
      %dma_start3A_14 = tpu.memref_squeeze %dma_start3A_13 : memref<1x128xi32, #tpu.memory_space<vmem>> -> memref<128xi32, #tpu.memory_space<vmem>>
      %dma_start3A_15 = arith.constant 0 : i32
      %dma_start3A_16 = arith.constant 0 : i32
      %dma_start3A_17 = tpu.memref_slice %arg2[%dma_start3A_15, %dma_start3A_16] : memref<10240x128xf32, #tpu.memory_space<hbm>> -> memref<10240x128xf32, #tpu.memory_space<hbm>>
      tpu.enqueue_indirect_dma source(%dma_start3A_17 : memref<10240x128xf32, #tpu.memory_space<hbm>>) target(%arg6 : memref<128x128xf32, #tpu.memory_space<vmem>>) offsets(%dma_start3A_14 : memref<128xi32, #tpu.memory_space<vmem>>) semaphore(%arg10 : memref<!tpu.dma_semaphore, #tpu.memory_space<semaphore_mem>>)
      %add3A_18 = arith.constant 1 : i32
      %add3A_19 = arith.addi %mul3A_10, %add3A_18 : i32
      %dma_start3A_20 = arith.constant 0 : i32
      %dma_start3A_21 = tpu.memref_slice %arg5[%add3A_19, %dma_start3A_20] : memref<40x128xi32, #tpu.memory_space<vmem>> -> memref<1x128xi32, #tpu.memory_space<vmem>>
      %dma_start3A_22 = tpu.memref_squeeze %dma_start3A_21 : memref<1x128xi32, #tpu.memory_space<vmem>> -> memref<128xi32, #tpu.memory_space<vmem>>
      %dma_start3A_23 = arith.constant 0 : i32
      %dma_start3A_24 = arith.constant 0 : i32
      %dma_start3A_25 = tpu.memref_slice %arg2[%dma_start3A_23, %dma_start3A_24] : memref<10240x128xf32, #tpu.memory_space<hbm>> -> memref<10240x128xf32, #tpu.memory_space<hbm>>
      tpu.enqueue_indirect_dma source(%dma_start3A_25 : memref<10240x128xf32, #tpu.memory_space<hbm>>) target(%arg7 : memref<128x128xf32, #tpu.memory_space<vmem>>) offsets(%dma_start3A_22 : memref<128xi32, #tpu.memory_space<vmem>>) semaphore(%arg10 : memref<!tpu.dma_semaphore, #tpu.memory_space<semaphore_mem>>)
      %add3A_26 = arith.constant 2 : i32
      %add3A_27 = arith.addi %mul3A_10, %add3A_26 : i32
      %dma_start3A_28 = arith.constant 0 : i32
      %dma_start3A_29 = tpu.memref_slice %arg5[%add3A_27, %dma_start3A_28] : memref<40x128xi32, #tpu.memory_space<vmem>> -> memref<1x128xi32, #tpu.memory_space<vmem>>
      %dma_start3A_30 = tpu.memref_squeeze %dma_start3A_29 : memref<1x128xi32, #tpu.memory_space<vmem>> -> memref<128xi32, #tpu.memory_space<vmem>>
      %dma_start3A_31 = arith.constant 0 : i32
      %dma_start3A_32 = arith.constant 0 : i32
      %dma_start3A_33 = tpu.memref_slice %arg2[%dma_start3A_31, %dma_start3A_32] : memref<10240x128xf32, #tpu.memory_space<hbm>> -> memref<10240x128xf32, #tpu.memory_space<hbm>>
      tpu.enqueue_indirect_dma source(%dma_start3A_33 : memref<10240x128xf32, #tpu.memory_space<hbm>>) target(%arg8 : memref<128x128xf32, #tpu.memory_space<vmem>>) offsets(%dma_start3A_30 : memref<128xi32, #tpu.memory_space<vmem>>) semaphore(%arg10 : memref<!tpu.dma_semaphore, #tpu.memory_space<semaphore_mem>>)
      %add3A_34 = arith.constant 3 : i32
      %add3A_35 = arith.addi %mul3A_10, %add3A_34 : i32
      %dma_start3A_36 = arith.constant 0 : i32
      %dma_start3A_37 = tpu.memref_slice %arg5[%add3A_35, %dma_start3A_36] : memref<40x128xi32, #tpu.memory_space<vmem>> -> memref<1x128xi32, #tpu.memory_space<vmem>>
      %dma_start3A_38 = tpu.memref_squeeze %dma_start3A_37 : memref<1x128xi32, #tpu.memory_space<vmem>> -> memref<128xi32, #tpu.memory_space<vmem>>
      %dma_start3A_39 = arith.constant 0 : i32
      %dma_start3A_40 = arith.constant 0 : i32
      %dma_start3A_41 = tpu.memref_slice %arg2[%dma_start3A_39, %dma_start3A_40] : memref<10240x128xf32, #tpu.memory_space<hbm>> -> memref<10240x128xf32, #tpu.memory_space<hbm>>
      tpu.enqueue_indirect_dma source(%dma_start3A_41 : memref<10240x128xf32, #tpu.memory_space<hbm>>) target(%arg9 : memref<128x128xf32, #tpu.memory_space<vmem>>) offsets(%dma_start3A_38 : memref<128xi32, #tpu.memory_space<vmem>>) semaphore(%arg10 : memref<!tpu.dma_semaphore, #tpu.memory_space<semaphore_mem>>)
      %add3A_42 = arith.constant 0 : i32
      %add3A_43 = arith.addi %mul3A_10, %add3A_42 : i32
      %dma_wait3A = arith.constant 0 : i32
      %dma_wait3A_44 = tpu.memref_slice %arg5[%add3A_43, %dma_wait3A] : memref<40x128xi32, #tpu.memory_space<vmem>> -> memref<1x128xi32, #tpu.memory_space<vmem>>
      %dma_wait3A_45 = tpu.memref_squeeze %dma_wait3A_44 : memref<1x128xi32, #tpu.memory_space<vmem>> -> memref<128xi32, #tpu.memory_space<vmem>>
      %dma_wait3A_46 = arith.constant 0 : i32
      %dma_wait3A_47 = arith.constant 0 : i32
      %dma_wait3A_48 = tpu.memref_slice %arg2[%dma_wait3A_46, %dma_wait3A_47] : memref<10240x128xf32, #tpu.memory_space<hbm>> -> memref<10240x128xf32, #tpu.memory_space<hbm>>
      tpu.wait_indirect_dma semaphore(%arg10 : memref<!tpu.dma_semaphore, #tpu.memory_space<semaphore_mem>>) src(%dma_wait3A_48 : memref<10240x128xf32, #tpu.memory_space<hbm>>) dst(%arg6 : memref<128x128xf32, #tpu.memory_space<vmem>>)
      %add3A_49 = arith.constant 1 : i32
      %add3A_50 = arith.addi %mul3A_10, %add3A_49 : i32
      %dma_wait3A_51 = arith.constant 0 : i32
      %dma_wait3A_52 = tpu.memref_slice %arg5[%add3A_50, %dma_wait3A_51] : memref<40x128xi32, #tpu.memory_space<vmem>> -> memref<1x128xi32, #tpu.memory_space<vmem>>
      %dma_wait3A_53 = tpu.memref_squeeze %dma_wait3A_52 : memref<1x128xi32, #tpu.memory_space<vmem>> -> memref<128xi32, #tpu.memory_space<vmem>>
      %dma_wait3A_54 = arith.constant 0 : i32
      %dma_wait3A_55 = arith.constant 0 : i32
      %dma_wait3A_56 = tpu.memref_slice %arg2[%dma_wait3A_54, %dma_wait3A_55] : memref<10240x128xf32, #tpu.memory_space<hbm>> -> memref<10240x128xf32, #tpu.memory_space<hbm>>
      tpu.wait_indirect_dma semaphore(%arg10 : memref<!tpu.dma_semaphore, #tpu.memory_space<semaphore_mem>>) src(%dma_wait3A_56 : memref<10240x128xf32, #tpu.memory_space<hbm>>) dst(%arg7 : memref<128x128xf32, #tpu.memory_space<vmem>>)
      %add3A_57 = arith.constant 2 : i32
      %add3A_58 = arith.addi %mul3A_10, %add3A_57 : i32
      %dma_wait3A_59 = arith.constant 0 : i32
      %dma_wait3A_60 = tpu.memref_slice %arg5[%add3A_58, %dma_wait3A_59] : memref<40x128xi32, #tpu.memory_space<vmem>> -> memref<1x128xi32, #tpu.memory_space<vmem>>
      %dma_wait3A_61 = tpu.memref_squeeze %dma_wait3A_60 : memref<1x128xi32, #tpu.memory_space<vmem>> -> memref<128xi32, #tpu.memory_space<vmem>>
      %dma_wait3A_62 = arith.constant 0 : i32
      %dma_wait3A_63 = arith.constant 0 : i32
      %dma_wait3A_64 = tpu.memref_slice %arg2[%dma_wait3A_62, %dma_wait3A_63] : memref<10240x128xf32, #tpu.memory_space<hbm>> -> memref<10240x128xf32, #tpu.memory_space<hbm>>
      tpu.wait_indirect_dma semaphore(%arg10 : memref<!tpu.dma_semaphore, #tpu.memory_space<semaphore_mem>>) src(%dma_wait3A_64 : memref<10240x128xf32, #tpu.memory_space<hbm>>) dst(%arg8 : memref<128x128xf32, #tpu.memory_space<vmem>>)
      %add3A_65 = arith.constant 3 : i32
      %add3A_66 = arith.addi %mul3A_10, %add3A_65 : i32
      %dma_wait3A_67 = arith.constant 0 : i32
      %dma_wait3A_68 = tpu.memref_slice %arg5[%add3A_66, %dma_wait3A_67] : memref<40x128xi32, #tpu.memory_space<vmem>> -> memref<1x128xi32, #tpu.memory_space<vmem>>
      %dma_wait3A_69 = tpu.memref_squeeze %dma_wait3A_68 : memref<1x128xi32, #tpu.memory_space<vmem>> -> memref<128xi32, #tpu.memory_space<vmem>>
      %dma_wait3A_70 = arith.constant 0 : i32
      %dma_wait3A_71 = arith.constant 0 : i32
      %dma_wait3A_72 = tpu.memref_slice %arg2[%dma_wait3A_70, %dma_wait3A_71] : memref<10240x128xf32, #tpu.memory_space<hbm>> -> memref<10240x128xf32, #tpu.memory_space<hbm>>
      tpu.wait_indirect_dma semaphore(%arg10 : memref<!tpu.dma_semaphore, #tpu.memory_space<semaphore_mem>>) src(%dma_wait3A_72 : memref<10240x128xf32, #tpu.memory_space<hbm>>) dst(%arg9 : memref<128x128xf32, #tpu.memory_space<vmem>>)
      %add3A_73 = arith.constant 0 : i32
      %add3A_74 = arith.addi %mul3A_10, %add3A_73 : i32
      %mul3A_75 = arith.constant 128 : i32
      %mul3A_76 = arith.muli %add3A_74, %mul3A_75 : i32
      %add3A_77 = arith.addi %mul3A_2, %mul3A_76 : i32
      "tpu.region"() ({
        %run_scoped3A = tpu.sem_alloc : memref<!tpu.dma_semaphore, #tpu.memory_space<semaphore_mem>>
        %dma_start3A_93 = arith.constant 0 : i32
        %dma_start3A_94 = tpu.memref_slice %arg4[%add3A_77, %dma_start3A_93] : memref<163840x128xf32, #tpu.memory_space<hbm>> -> memref<128x128xf32, #tpu.memory_space<hbm>>
        %dma_start3A_95 = arith.constant 0 : i32
        %dma_start3A_96 = tpu.memref_slice %arg4[%add3A_77, %dma_start3A_95] : memref<163840x128xf32, #tpu.memory_space<hbm>> -> memref<128x128xf32, #tpu.memory_space<hbm>>
        tpu.enqueue_dma source(%arg6 : memref<128x128xf32, #tpu.memory_space<vmem>>) target(%dma_start3A_96 : memref<128x128xf32, #tpu.memory_space<hbm>>) target_semaphore(%run_scoped3A : memref<!tpu.dma_semaphore, #tpu.memory_space<semaphore_mem>>)
        %dma_wait3A_97 = arith.constant 0 : i32
        %dma_wait3A_98 = tpu.memref_slice %arg4[%add3A_77, %dma_wait3A_97] : memref<163840x128xf32, #tpu.memory_space<hbm>> -> memref<128x128xf32, #tpu.memory_space<hbm>>
        %dma_wait3A_99 = arith.constant 0 : i32
        %dma_wait3A_100 = tpu.memref_slice %arg4[%add3A_77, %dma_wait3A_99] : memref<163840x128xf32, #tpu.memory_space<hbm>> -> memref<128x128xf32, #tpu.memory_space<hbm>>
        tpu.wait_dma2 semaphore(%run_scoped3A : memref<!tpu.dma_semaphore, #tpu.memory_space<semaphore_mem>>) src(%arg6 : memref<128x128xf32, #tpu.memory_space<vmem>>) dst(%dma_wait3A_100 : memref<128x128xf32, #tpu.memory_space<hbm>>)
        tpu.yield
      }) : () -> ()
      %add3A_78 = arith.constant 1 : i32
      %add3A_79 = arith.addi %mul3A_10, %add3A_78 : i32
      %mul3A_80 = arith.constant 128 : i32
      %mul3A_81 = arith.muli %add3A_79, %mul3A_80 : i32
      %add3A_82 = arith.addi %mul3A_2, %mul3A_81 : i32
      "tpu.region"() ({
        %run_scoped3A = tpu.sem_alloc : memref<!tpu.dma_semaphore, #tpu.memory_space<semaphore_mem>>
        %dma_start3A_93 = arith.constant 0 : i32
        %dma_start3A_94 = tpu.memref_slice %arg4[%add3A_82, %dma_start3A_93] : memref<163840x128xf32, #tpu.memory_space<hbm>> -> memref<128x128xf32, #tpu.memory_space<hbm>>
        %dma_start3A_95 = arith.constant 0 : i32
        %dma_start3A_96 = tpu.memref_slice %arg4[%add3A_82, %dma_start3A_95] : memref<163840x128xf32, #tpu.memory_space<hbm>> -> memref<128x128xf32, #tpu.memory_space<hbm>>
        tpu.enqueue_dma source(%arg7 : memref<128x128xf32, #tpu.memory_space<vmem>>) target(%dma_start3A_96 : memref<128x128xf32, #tpu.memory_space<hbm>>) target_semaphore(%run_scoped3A : memref<!tpu.dma_semaphore, #tpu.memory_space<semaphore_mem>>)
        %dma_wait3A_97 = arith.constant 0 : i32
        %dma_wait3A_98 = tpu.memref_slice %arg4[%add3A_82, %dma_wait3A_97] : memref<163840x128xf32, #tpu.memory_space<hbm>> -> memref<128x128xf32, #tpu.memory_space<hbm>>
        %dma_wait3A_99 = arith.constant 0 : i32
        %dma_wait3A_100 = tpu.memref_slice %arg4[%add3A_82, %dma_wait3A_99] : memref<163840x128xf32, #tpu.memory_space<hbm>> -> memref<128x128xf32, #tpu.memory_space<hbm>>
        tpu.wait_dma2 semaphore(%run_scoped3A : memref<!tpu.dma_semaphore, #tpu.memory_space<semaphore_mem>>) src(%arg7 : memref<128x128xf32, #tpu.memory_space<vmem>>) dst(%dma_wait3A_100 : memref<128x128xf32, #tpu.memory_space<hbm>>)
        tpu.yield
      }) : () -> ()
      %add3A_83 = arith.constant 2 : i32
      %add3A_84 = arith.addi %mul3A_10, %add3A_83 : i32
      %mul3A_85 = arith.constant 128 : i32
      %mul3A_86 = arith.muli %add3A_84, %mul3A_85 : i32
      %add3A_87 = arith.addi %mul3A_2, %mul3A_86 : i32
      "tpu.region"() ({
        %run_scoped3A = tpu.sem_alloc : memref<!tpu.dma_semaphore, #tpu.memory_space<semaphore_mem>>
        %dma_start3A_93 = arith.constant 0 : i32
        %dma_start3A_94 = tpu.memref_slice %arg4[%add3A_87, %dma_start3A_93] : memref<163840x128xf32, #tpu.memory_space<hbm>> -> memref<128x128xf32, #tpu.memory_space<hbm>>
        %dma_start3A_95 = arith.constant 0 : i32
        %dma_start3A_96 = tpu.memref_slice %arg4[%add3A_87, %dma_start3A_95] : memref<163840x128xf32, #tpu.memory_space<hbm>> -> memref<128x128xf32, #tpu.memory_space<hbm>>
        tpu.enqueue_dma source(%arg8 : memref<128x128xf32, #tpu.memory_space<vmem>>) target(%dma_start3A_96 : memref<128x128xf32, #tpu.memory_space<hbm>>) target_semaphore(%run_scoped3A : memref<!tpu.dma_semaphore, #tpu.memory_space<semaphore_mem>>)
        %dma_wait3A_97 = arith.constant 0 : i32
        %dma_wait3A_98 = tpu.memref_slice %arg4[%add3A_87, %dma_wait3A_97] : memref<163840x128xf32, #tpu.memory_space<hbm>> -> memref<128x128xf32, #tpu.memory_space<hbm>>
        %dma_wait3A_99 = arith.constant 0 : i32
        %dma_wait3A_100 = tpu.memref_slice %arg4[%add3A_87, %dma_wait3A_99] : memref<163840x128xf32, #tpu.memory_space<hbm>> -> memref<128x128xf32, #tpu.memory_space<hbm>>
        tpu.wait_dma2 semaphore(%run_scoped3A : memref<!tpu.dma_semaphore, #tpu.memory_space<semaphore_mem>>) src(%arg8 : memref<128x128xf32, #tpu.memory_space<vmem>>) dst(%dma_wait3A_100 : memref<128x128xf32, #tpu.memory_space<hbm>>)
        tpu.yield
      }) : () -> ()
      %add3A_88 = arith.constant 3 : i32
      %add3A_89 = arith.addi %mul3A_10, %add3A_88 : i32
      %mul3A_90 = arith.constant 128 : i32
      %mul3A_91 = arith.muli %add3A_89, %mul3A_90 : i32
      %add3A_92 = arith.addi %mul3A_2, %mul3A_91 : i32
      "tpu.region"() ({
        %run_scoped3A = tpu.sem_alloc : memref<!tpu.dma_semaphore, #tpu.memory_space<semaphore_mem>>
        %dma_start3A_93 = arith.constant 0 : i32
        %dma_start3A_94 = tpu.memref_slice %arg4[%add3A_92, %dma_start3A_93] : memref<163840x128xf32, #tpu.memory_space<hbm>> -> memref<128x128xf32, #tpu.memory_space<hbm>>
        %dma_start3A_95 = arith.constant 0 : i32
        %dma_start3A_96 = tpu.memref_slice %arg4[%add3A_92, %dma_start3A_95] : memref<163840x128xf32, #tpu.memory_space<hbm>> -> memref<128x128xf32, #tpu.memory_space<hbm>>
        tpu.enqueue_dma source(%arg9 : memref<128x128xf32, #tpu.memory_space<vmem>>) target(%dma_start3A_96 : memref<128x128xf32, #tpu.memory_space<hbm>>) target_semaphore(%run_scoped3A : memref<!tpu.dma_semaphore, #tpu.memory_space<semaphore_mem>>)
        %dma_wait3A_97 = arith.constant 0 : i32
        %dma_wait3A_98 = tpu.memref_slice %arg4[%add3A_92, %dma_wait3A_97] : memref<163840x128xf32, #tpu.memory_space<hbm>> -> memref<128x128xf32, #tpu.memory_space<hbm>>
        %dma_wait3A_99 = arith.constant 0 : i32
        %dma_wait3A_100 = tpu.memref_slice %arg4[%add3A_92, %dma_wait3A_99] : memref<163840x128xf32, #tpu.memory_space<hbm>> -> memref<128x128xf32, #tpu.memory_space<hbm>>
        tpu.wait_dma2 semaphore(%run_scoped3A : memref<!tpu.dma_semaphore, #tpu.memory_space<semaphore_mem>>) src(%arg9 : memref<128x128xf32, #tpu.memory_space<vmem>>) dst(%dma_wait3A_100 : memref<128x128xf32, #tpu.memory_space<hbm>>)
        tpu.yield
      }) : () -> ()
    }
    %scan3A_7 = arith.constant 10 : i32
    return
  }
}

#map = affine_map<(d0, d1) -> (0, 0)>
#map1 = affine_map<(d0, d1) -> (0, 0, 0)>
module attributes {stable_mosaic.version = 14 : i64} {
  func.func @k(%arg0: i32, %arg1: i32, %arg2: memref<163840x128xf32, #tpu.memory_space<hbm>>, %arg3: memref<32x40x128xi32, #tpu.memory_space<hbm>>, %arg4: memref<640x128xf32, #tpu.memory_space<hbm>>, %arg5: memref<2x10240x128xf32, #tpu.memory_space<hbm>>, %arg6: memref<128xi32, #tpu.memory_space<vmem>>, %arg7: memref<128xi32, #tpu.memory_space<vmem>>, %arg8: memref<128x128xf32, #tpu.memory_space<vmem>>, %arg9: memref<128x128xf32, #tpu.memory_space<vmem>>, %arg10: memref<!tpu.dma_semaphore, #tpu.memory_space<semaphore_mem>>, %arg11: memref<!tpu.dma_semaphore, #tpu.memory_space<semaphore_mem>>, %arg12: memref<10240x128xf32, #tpu.memory_space<vmem_shared>>) attributes {dimension_semantics = [#tpu.dimension_semantics<core_parallel>, #tpu.dimension_semantics<subcore_parallel>], iteration_bounds = array<i64: 2, 16>, scalar_prefetch = 0 : i64, scratch_operands = 7 : i64, tpu.core_type = #tpu.core_type<sc_vector_subcore>, window_params = [{transform_indices = #map}, {transform_indices = #map1}, {transform_indices = #map}, {transform_indices = #map1}]} {
    %mul3A = arith.constant 2 : i32
    %mul3A_0 = arith.muli %arg1, %mul3A : i32
    %add3A = arith.addi %mul3A_0, %arg0 : i32
    %mul3A_1 = arith.constant 5120 : i32
    %mul3A_2 = arith.muli %add3A, %mul3A_1 : i32
    %mul3A_3 = arith.constant 640 : i32
    %mul3A_4 = arith.muli %arg1, %mul3A_3 : i32
    %run_scoped3A = arith.constant 0 : i32
    "tpu.region"() ({
      %run_scoped3A_14 = tpu.sem_alloc : memref<!tpu.dma_semaphore, #tpu.memory_space<semaphore_mem>>
      %dma_start3A_15 = arith.constant 0 : i32
      %dma_start3A_16 = tpu.memref_slice %arg3[%add3A, %run_scoped3A, %dma_start3A_15] : memref<32x40x128xi32, #tpu.memory_space<hbm>> -> memref<1x1x128xi32, #tpu.memory_space<hbm>>
      %dma_start3A_17 = tpu.memref_squeeze %dma_start3A_16 : memref<1x1x128xi32, #tpu.memory_space<hbm>> -> memref<128xi32, #tpu.memory_space<hbm>>
      %dma_start3A_18 = arith.constant 0 : i32
      %dma_start3A_19 = tpu.memref_slice %arg3[%add3A, %run_scoped3A, %dma_start3A_18] : memref<32x40x128xi32, #tpu.memory_space<hbm>> -> memref<1x1x128xi32, #tpu.memory_space<hbm>>
      %dma_start3A_20 = tpu.memref_squeeze %dma_start3A_19 : memref<1x1x128xi32, #tpu.memory_space<hbm>> -> memref<128xi32, #tpu.memory_space<hbm>>
      tpu.enqueue_dma source(%dma_start3A_20 : memref<128xi32, #tpu.memory_space<hbm>>) target(%arg6 : memref<128xi32, #tpu.memory_space<vmem>>) target_semaphore(%run_scoped3A_14 : memref<!tpu.dma_semaphore, #tpu.memory_space<semaphore_mem>>)
      %dma_wait3A = arith.constant 0 : i32
      %dma_wait3A_21 = tpu.memref_slice %arg3[%add3A, %run_scoped3A, %dma_wait3A] : memref<32x40x128xi32, #tpu.memory_space<hbm>> -> memref<1x1x128xi32, #tpu.memory_space<hbm>>
      %dma_wait3A_22 = tpu.memref_squeeze %dma_wait3A_21 : memref<1x1x128xi32, #tpu.memory_space<hbm>> -> memref<128xi32, #tpu.memory_space<hbm>>
      %dma_wait3A_23 = arith.constant 0 : i32
      %dma_wait3A_24 = tpu.memref_slice %arg3[%add3A, %run_scoped3A, %dma_wait3A_23] : memref<32x40x128xi32, #tpu.memory_space<hbm>> -> memref<1x1x128xi32, #tpu.memory_space<hbm>>
      %dma_wait3A_25 = tpu.memref_squeeze %dma_wait3A_24 : memref<1x1x128xi32, #tpu.memory_space<hbm>> -> memref<128xi32, #tpu.memory_space<hbm>>
      tpu.wait_dma2 semaphore(%run_scoped3A_14 : memref<!tpu.dma_semaphore, #tpu.memory_space<semaphore_mem>>) src(%dma_wait3A_25 : memref<128xi32, #tpu.memory_space<hbm>>) dst(%arg6 : memref<128xi32, #tpu.memory_space<vmem>>)
      tpu.yield
    }) : () -> ()
    %dma_start3A = arith.constant 0 : i32
    %dma_start3A_5 = tpu.memref_slice %arg2[%mul3A_2, %dma_start3A] : memref<163840x128xf32, #tpu.memory_space<hbm>> -> memref<128x128xf32, #tpu.memory_space<hbm>>
    %dma_start3A_6 = arith.constant 0 : i32
    %dma_start3A_7 = tpu.memref_slice %arg2[%mul3A_2, %dma_start3A_6] : memref<163840x128xf32, #tpu.memory_space<hbm>> -> memref<128x128xf32, #tpu.memory_space<hbm>>
    tpu.enqueue_dma source(%dma_start3A_7 : memref<128x128xf32, #tpu.memory_space<hbm>>) target(%arg8 : memref<128x128xf32, #tpu.memory_space<vmem>>) target_semaphore(%arg10 : memref<!tpu.dma_semaphore, #tpu.memory_space<semaphore_mem>>)
    "tpu.region"() ({
      %run_scoped3A_14 = tpu.sem_alloc : memref<!tpu.dma_semaphore, #tpu.memory_space<semaphore_mem>>
      %dma_start3A_15 = arith.constant 0 : i32
      %dma_start3A_16 = tpu.memref_slice %arg12[%mul3A_4, %dma_start3A_15] : memref<10240x128xf32, #tpu.memory_space<vmem_shared>> -> memref<640x128xf32, #tpu.memory_space<vmem_shared>>
      tpu.enqueue_dma source(%arg4 : memref<640x128xf32, #tpu.memory_space<hbm>>) target(%dma_start3A_16 : memref<640x128xf32, #tpu.memory_space<vmem_shared>>) target_semaphore(%run_scoped3A_14 : memref<!tpu.dma_semaphore, #tpu.memory_space<semaphore_mem>>)
      %dma_wait3A = arith.constant 0 : i32
      %dma_wait3A_17 = tpu.memref_slice %arg12[%mul3A_4, %dma_wait3A] : memref<10240x128xf32, #tpu.memory_space<vmem_shared>> -> memref<640x128xf32, #tpu.memory_space<vmem_shared>>
      tpu.wait_dma2 semaphore(%run_scoped3A_14 : memref<!tpu.dma_semaphore, #tpu.memory_space<semaphore_mem>>) src(%arg4 : memref<640x128xf32, #tpu.memory_space<hbm>>) dst(%dma_wait3A_17 : memref<640x128xf32, #tpu.memory_space<vmem_shared>>)
      tpu.yield
    }) : () -> ()
    %barrier3A = arith.constant 0 : index
    tpu.barrier barrier_id(%barrier3A)
    %scan3A = arith.constant 0 : i32
    %scan3A_8 = arith.constant 0 : i32
    %scan3A_9 = arith.constant 20 : i32
    %scan3A_10 = arith.addi %scan3A_8, %scan3A_9 : i32
    %scan3A_11 = arith.constant 1 : i32
    scf.for %scan3A_14 = %scan3A_8 to %scan3A_10 step %scan3A_11  : i32 {
      %mul3A_15 = arith.constant 2 : i32
      %mul3A_16 = arith.muli %mul3A_15, %scan3A_14 : i32
      %add3A_17 = arith.constant 1 : i32
      %add3A_18 = arith.addi %mul3A_16, %add3A_17 : i32
      "tpu.region"() ({
        %run_scoped3A_41 = tpu.sem_alloc : memref<!tpu.dma_semaphore, #tpu.memory_space<semaphore_mem>>
        %dma_start3A_42 = arith.constant 0 : i32
        %dma_start3A_43 = tpu.memref_slice %arg3[%add3A, %add3A_18, %dma_start3A_42] : memref<32x40x128xi32, #tpu.memory_space<hbm>> -> memref<1x1x128xi32, #tpu.memory_space<hbm>>
        %dma_start3A_44 = tpu.memref_squeeze %dma_start3A_43 : memref<1x1x128xi32, #tpu.memory_space<hbm>> -> memref<128xi32, #tpu.memory_space<hbm>>
        %dma_start3A_45 = arith.constant 0 : i32
        %dma_start3A_46 = tpu.memref_slice %arg3[%add3A, %add3A_18, %dma_start3A_45] : memref<32x40x128xi32, #tpu.memory_space<hbm>> -> memref<1x1x128xi32, #tpu.memory_space<hbm>>
        %dma_start3A_47 = tpu.memref_squeeze %dma_start3A_46 : memref<1x1x128xi32, #tpu.memory_space<hbm>> -> memref<128xi32, #tpu.memory_space<hbm>>
        tpu.enqueue_dma source(%dma_start3A_47 : memref<128xi32, #tpu.memory_space<hbm>>) target(%arg7 : memref<128xi32, #tpu.memory_space<vmem>>) target_semaphore(%run_scoped3A_41 : memref<!tpu.dma_semaphore, #tpu.memory_space<semaphore_mem>>)
        %dma_wait3A_48 = arith.constant 0 : i32
        %dma_wait3A_49 = tpu.memref_slice %arg3[%add3A, %add3A_18, %dma_wait3A_48] : memref<32x40x128xi32, #tpu.memory_space<hbm>> -> memref<1x1x128xi32, #tpu.memory_space<hbm>>
        %dma_wait3A_50 = tpu.memref_squeeze %dma_wait3A_49 : memref<1x1x128xi32, #tpu.memory_space<hbm>> -> memref<128xi32, #tpu.memory_space<hbm>>
        %dma_wait3A_51 = arith.constant 0 : i32
        %dma_wait3A_52 = tpu.memref_slice %arg3[%add3A, %add3A_18, %dma_wait3A_51] : memref<32x40x128xi32, #tpu.memory_space<hbm>> -> memref<1x1x128xi32, #tpu.memory_space<hbm>>
        %dma_wait3A_53 = tpu.memref_squeeze %dma_wait3A_52 : memref<1x1x128xi32, #tpu.memory_space<hbm>> -> memref<128xi32, #tpu.memory_space<hbm>>
        tpu.wait_dma2 semaphore(%run_scoped3A_41 : memref<!tpu.dma_semaphore, #tpu.memory_space<semaphore_mem>>) src(%dma_wait3A_53 : memref<128xi32, #tpu.memory_space<hbm>>) dst(%arg7 : memref<128xi32, #tpu.memory_space<vmem>>)
        tpu.yield
      }) : () -> ()
      %mul3A_19 = arith.constant 128 : i32
      %mul3A_20 = arith.muli %add3A_18, %mul3A_19 : i32
      %add3A_21 = arith.addi %mul3A_2, %mul3A_20 : i32
      %dma_start3A_22 = arith.constant 0 : i32
      %dma_start3A_23 = tpu.memref_slice %arg2[%add3A_21, %dma_start3A_22] : memref<163840x128xf32, #tpu.memory_space<hbm>> -> memref<128x128xf32, #tpu.memory_space<hbm>>
      %dma_start3A_24 = arith.constant 0 : i32
      %dma_start3A_25 = tpu.memref_slice %arg2[%add3A_21, %dma_start3A_24] : memref<163840x128xf32, #tpu.memory_space<hbm>> -> memref<128x128xf32, #tpu.memory_space<hbm>>
      tpu.enqueue_dma source(%dma_start3A_25 : memref<128x128xf32, #tpu.memory_space<hbm>>) target(%arg9 : memref<128x128xf32, #tpu.memory_space<vmem>>) target_semaphore(%arg11 : memref<!tpu.dma_semaphore, #tpu.memory_space<semaphore_mem>>)
      %mul3A_26 = arith.constant 128 : i32
      %mul3A_27 = arith.muli %mul3A_16, %mul3A_26 : i32
      %add3A_28 = arith.addi %mul3A_2, %mul3A_27 : i32
      %dma_wait3A = arith.constant 0 : i32
      %dma_wait3A_29 = tpu.memref_slice %arg2[%add3A_28, %dma_wait3A] : memref<163840x128xf32, #tpu.memory_space<hbm>> -> memref<128x128xf32, #tpu.memory_space<hbm>>
      %dma_wait3A_30 = arith.constant 0 : i32
      %dma_wait3A_31 = tpu.memref_slice %arg2[%add3A_28, %dma_wait3A_30] : memref<163840x128xf32, #tpu.memory_space<hbm>> -> memref<128x128xf32, #tpu.memory_space<hbm>>
      tpu.wait_dma2 semaphore(%arg10 : memref<!tpu.dma_semaphore, #tpu.memory_space<semaphore_mem>>) src(%dma_wait3A_31 : memref<128x128xf32, #tpu.memory_space<hbm>>) dst(%arg8 : memref<128x128xf32, #tpu.memory_space<vmem>>)
      "tpu.region"() ({
        %run_scoped3A_41 = tpu.sem_alloc : memref<!tpu.dma_semaphore, #tpu.memory_space<semaphore_mem>>
        %dma_start3A_42 = arith.constant 0 : i32
        %dma_start3A_43 = arith.constant 0 : i32
        %dma_start3A_44 = tpu.memref_slice %arg12[%dma_start3A_42, %dma_start3A_43] : memref<10240x128xf32, #tpu.memory_space<vmem_shared>> -> memref<10240x128xf32, #tpu.memory_space<vmem_shared>>
        tpu.enqueue_indirect_dma source(%arg8 : memref<128x128xf32, #tpu.memory_space<vmem>>) target(%dma_start3A_44 : memref<10240x128xf32, #tpu.memory_space<vmem_shared>>) offsets(%arg6 : memref<128xi32, #tpu.memory_space<vmem>>) semaphore(%run_scoped3A_41 : memref<!tpu.dma_semaphore, #tpu.memory_space<semaphore_mem>>) {add = true}
        %dma_wait3A_45 = arith.constant 0 : i32
        %dma_wait3A_46 = arith.constant 0 : i32
        %dma_wait3A_47 = tpu.memref_slice %arg12[%dma_wait3A_45, %dma_wait3A_46] : memref<10240x128xf32, #tpu.memory_space<vmem_shared>> -> memref<10240x128xf32, #tpu.memory_space<vmem_shared>>
        tpu.wait_indirect_dma semaphore(%run_scoped3A_41 : memref<!tpu.dma_semaphore, #tpu.memory_space<semaphore_mem>>) src(%arg8 : memref<128x128xf32, #tpu.memory_space<vmem>>) dst(%dma_wait3A_47 : memref<10240x128xf32, #tpu.memory_space<vmem_shared>>)
        tpu.yield
      }) : () -> ()
      %lt3A = arith.constant 19 : i32
      %lt3A_32 = arith.cmpi slt, %scan3A_14, %lt3A : i32
      %convert_element_type3A = arith.extui %lt3A_32 : i1 to i32
      %cond3A = arith.constant 0 : i32
      %cond3A_33 = arith.cmpi ne, %convert_element_type3A, %cond3A : i32
      scf.if %cond3A_33 {
        %add3A_41 = arith.constant 2 : i32
        %add3A_42 = arith.addi %mul3A_16, %add3A_41 : i32
        "tpu.region"() ({
          %run_scoped3A_52 = tpu.sem_alloc : memref<!tpu.dma_semaphore, #tpu.memory_space<semaphore_mem>>
          %dma_start3A_53 = arith.constant 0 : i32
          %dma_start3A_54 = tpu.memref_slice %arg3[%add3A, %add3A_42, %dma_start3A_53] : memref<32x40x128xi32, #tpu.memory_space<hbm>> -> memref<1x1x128xi32, #tpu.memory_space<hbm>>
          %dma_start3A_55 = tpu.memref_squeeze %dma_start3A_54 : memref<1x1x128xi32, #tpu.memory_space<hbm>> -> memref<128xi32, #tpu.memory_space<hbm>>
          %dma_start3A_56 = arith.constant 0 : i32
          %dma_start3A_57 = tpu.memref_slice %arg3[%add3A, %add3A_42, %dma_start3A_56] : memref<32x40x128xi32, #tpu.memory_space<hbm>> -> memref<1x1x128xi32, #tpu.memory_space<hbm>>
          %dma_start3A_58 = tpu.memref_squeeze %dma_start3A_57 : memref<1x1x128xi32, #tpu.memory_space<hbm>> -> memref<128xi32, #tpu.memory_space<hbm>>
          tpu.enqueue_dma source(%dma_start3A_58 : memref<128xi32, #tpu.memory_space<hbm>>) target(%arg6 : memref<128xi32, #tpu.memory_space<vmem>>) target_semaphore(%run_scoped3A_52 : memref<!tpu.dma_semaphore, #tpu.memory_space<semaphore_mem>>)
          %dma_wait3A_59 = arith.constant 0 : i32
          %dma_wait3A_60 = tpu.memref_slice %arg3[%add3A, %add3A_42, %dma_wait3A_59] : memref<32x40x128xi32, #tpu.memory_space<hbm>> -> memref<1x1x128xi32, #tpu.memory_space<hbm>>
          %dma_wait3A_61 = tpu.memref_squeeze %dma_wait3A_60 : memref<1x1x128xi32, #tpu.memory_space<hbm>> -> memref<128xi32, #tpu.memory_space<hbm>>
          %dma_wait3A_62 = arith.constant 0 : i32
          %dma_wait3A_63 = tpu.memref_slice %arg3[%add3A, %add3A_42, %dma_wait3A_62] : memref<32x40x128xi32, #tpu.memory_space<hbm>> -> memref<1x1x128xi32, #tpu.memory_space<hbm>>
          %dma_wait3A_64 = tpu.memref_squeeze %dma_wait3A_63 : memref<1x1x128xi32, #tpu.memory_space<hbm>> -> memref<128xi32, #tpu.memory_space<hbm>>
          tpu.wait_dma2 semaphore(%run_scoped3A_52 : memref<!tpu.dma_semaphore, #tpu.memory_space<semaphore_mem>>) src(%dma_wait3A_64 : memref<128xi32, #tpu.memory_space<hbm>>) dst(%arg6 : memref<128xi32, #tpu.memory_space<vmem>>)
          tpu.yield
        }) : () -> ()
        %add3A_43 = arith.constant 2 : i32
        %add3A_44 = arith.addi %mul3A_16, %add3A_43 : i32
        %mul3A_45 = arith.constant 128 : i32
        %mul3A_46 = arith.muli %add3A_44, %mul3A_45 : i32
        %add3A_47 = arith.addi %mul3A_2, %mul3A_46 : i32
        %dma_start3A_48 = arith.constant 0 : i32
        %dma_start3A_49 = tpu.memref_slice %arg2[%add3A_47, %dma_start3A_48] : memref<163840x128xf32, #tpu.memory_space<hbm>> -> memref<128x128xf32, #tpu.memory_space<hbm>>
        %dma_start3A_50 = arith.constant 0 : i32
        %dma_start3A_51 = tpu.memref_slice %arg2[%add3A_47, %dma_start3A_50] : memref<163840x128xf32, #tpu.memory_space<hbm>> -> memref<128x128xf32, #tpu.memory_space<hbm>>
        tpu.enqueue_dma source(%dma_start3A_51 : memref<128x128xf32, #tpu.memory_space<hbm>>) target(%arg8 : memref<128x128xf32, #tpu.memory_space<vmem>>) target_semaphore(%arg10 : memref<!tpu.dma_semaphore, #tpu.memory_space<semaphore_mem>>)
      } else {
      }
      %mul3A_34 = arith.constant 128 : i32
      %mul3A_35 = arith.muli %add3A_18, %mul3A_34 : i32
      %add3A_36 = arith.addi %mul3A_2, %mul3A_35 : i32
      %dma_wait3A_37 = arith.constant 0 : i32
      %dma_wait3A_38 = tpu.memref_slice %arg2[%add3A_36, %dma_wait3A_37] : memref<163840x128xf32, #tpu.memory_space<hbm>> -> memref<128x128xf32, #tpu.memory_space<hbm>>
      %dma_wait3A_39 = arith.constant 0 : i32
      %dma_wait3A_40 = tpu.memref_slice %arg2[%add3A_36, %dma_wait3A_39] : memref<163840x128xf32, #tpu.memory_space<hbm>> -> memref<128x128xf32, #tpu.memory_space<hbm>>
      tpu.wait_dma2 semaphore(%arg11 : memref<!tpu.dma_semaphore, #tpu.memory_space<semaphore_mem>>) src(%dma_wait3A_40 : memref<128x128xf32, #tpu.memory_space<hbm>>) dst(%arg9 : memref<128x128xf32, #tpu.memory_space<vmem>>)
      "tpu.region"() ({
        %run_scoped3A_41 = tpu.sem_alloc : memref<!tpu.dma_semaphore, #tpu.memory_space<semaphore_mem>>
        %dma_start3A_42 = arith.constant 0 : i32
        %dma_start3A_43 = arith.constant 0 : i32
        %dma_start3A_44 = tpu.memref_slice %arg12[%dma_start3A_42, %dma_start3A_43] : memref<10240x128xf32, #tpu.memory_space<vmem_shared>> -> memref<10240x128xf32, #tpu.memory_space<vmem_shared>>
        tpu.enqueue_indirect_dma source(%arg9 : memref<128x128xf32, #tpu.memory_space<vmem>>) target(%dma_start3A_44 : memref<10240x128xf32, #tpu.memory_space<vmem_shared>>) offsets(%arg7 : memref<128xi32, #tpu.memory_space<vmem>>) semaphore(%run_scoped3A_41 : memref<!tpu.dma_semaphore, #tpu.memory_space<semaphore_mem>>) {add = true}
        %dma_wait3A_45 = arith.constant 0 : i32
        %dma_wait3A_46 = arith.constant 0 : i32
        %dma_wait3A_47 = tpu.memref_slice %arg12[%dma_wait3A_45, %dma_wait3A_46] : memref<10240x128xf32, #tpu.memory_space<vmem_shared>> -> memref<10240x128xf32, #tpu.memory_space<vmem_shared>>
        tpu.wait_indirect_dma semaphore(%run_scoped3A_41 : memref<!tpu.dma_semaphore, #tpu.memory_space<semaphore_mem>>) src(%arg9 : memref<128x128xf32, #tpu.memory_space<vmem>>) dst(%dma_wait3A_47 : memref<10240x128xf32, #tpu.memory_space<vmem_shared>>)
        tpu.yield
      }) : () -> ()
    }
    %scan3A_12 = arith.constant 20 : i32
    %barrier3A_13 = arith.constant 0 : index
    tpu.barrier barrier_id(%barrier3A_13)
    "tpu.region"() ({
      %run_scoped3A_14 = tpu.sem_alloc : memref<!tpu.dma_semaphore, #tpu.memory_space<semaphore_mem>>
      %dma_start3A_15 = arith.constant 0 : i32
      %dma_start3A_16 = tpu.memref_slice %arg5[%arg0, %mul3A_4, %dma_start3A_15] : memref<2x10240x128xf32, #tpu.memory_space<hbm>> -> memref<1x640x128xf32, #tpu.memory_space<hbm>>
      %dma_start3A_17 = tpu.memref_squeeze %dma_start3A_16 : memref<1x640x128xf32, #tpu.memory_space<hbm>> -> memref<640x128xf32, #tpu.memory_space<hbm>>
      %dma_start3A_18 = arith.constant 0 : i32
      %dma_start3A_19 = tpu.memref_slice %arg12[%mul3A_4, %dma_start3A_18] : memref<10240x128xf32, #tpu.memory_space<vmem_shared>> -> memref<640x128xf32, #tpu.memory_space<vmem_shared>>
      tpu.enqueue_dma source(%dma_start3A_19 : memref<640x128xf32, #tpu.memory_space<vmem_shared>>) target(%dma_start3A_17 : memref<640x128xf32, #tpu.memory_space<hbm>>) target_semaphore(%run_scoped3A_14 : memref<!tpu.dma_semaphore, #tpu.memory_space<semaphore_mem>>)
      %dma_wait3A = arith.constant 0 : i32
      %dma_wait3A_20 = tpu.memref_slice %arg5[%arg0, %mul3A_4, %dma_wait3A] : memref<2x10240x128xf32, #tpu.memory_space<hbm>> -> memref<1x640x128xf32, #tpu.memory_space<hbm>>
      %dma_wait3A_21 = tpu.memref_squeeze %dma_wait3A_20 : memref<1x640x128xf32, #tpu.memory_space<hbm>> -> memref<640x128xf32, #tpu.memory_space<hbm>>
      %dma_wait3A_22 = arith.constant 0 : i32
      %dma_wait3A_23 = tpu.memref_slice %arg12[%mul3A_4, %dma_wait3A_22] : memref<10240x128xf32, #tpu.memory_space<vmem_shared>> -> memref<640x128xf32, #tpu.memory_space<vmem_shared>>
      tpu.wait_dma2 semaphore(%run_scoped3A_14 : memref<!tpu.dma_semaphore, #tpu.memory_space<semaphore_mem>>) src(%dma_wait3A_23 : memref<640x128xf32, #tpu.memory_space<vmem_shared>>) dst(%dma_wait3A_21 : memref<640x128xf32, #tpu.memory_space<hbm>>)
      tpu.yield
    }) : () -> ()
    return
  }
}

module attributes {stable_mosaic.version = 14 : i64} {
  func.func @_wide_lin_relu_body(%arg0: memref<10240x32xf32, #tpu.memory_space<vmem>>, %arg1: memref<32x64xf32, #tpu.memory_space<vmem>>, %arg2: memref<1x64xf32, #tpu.memory_space<vmem>>, %arg3: memref<10240x128xf32, #tpu.memory_space<vmem>>) attributes {dimension_semantics = [], scalar_prefetch = 0 : i64, scratch_operands = 0 : i64, tpu.core_type = #tpu.core_type<tc>} {
    %get3A = arith.constant 0 : index
    %get3A_0 = arith.constant 0 : index
    %get3A_1 = vector.load %arg0[%get3A, %get3A_0] : memref<10240x32xf32, #tpu.memory_space<vmem>>, vector<10240x32xf32>
    %get3A_2 = arith.constant 0 : index
    %get3A_3 = arith.constant 0 : index
    %get3A_4 = vector.load %arg1[%get3A_2, %get3A_3] : memref<32x64xf32, #tpu.memory_space<vmem>>, vector<32x64xf32>
    %dot_general3A = arith.constant dense<0.000000e+00> : vector<10240x64xf32>
    %dot_general3A_5 = tpu.matmul %get3A_1, %get3A_4, %dot_general3A {dimension_numbers = #tpu.dot_dimension_numbers<[1], [0], [0], [1], [0, 0, 1, 1], [], []>, transpose_lhs_hint = false} : vector<10240x32xf32>, vector<32x64xf32>, vector<10240x64xf32> -> vector<10240x64xf32>
    %get3A_6 = arith.constant 0 : index
    %get3A_7 = arith.constant 0 : index
    %get3A_8 = vector.load %arg2[%get3A_6, %get3A_7] : memref<1x64xf32, #tpu.memory_space<vmem>>, vector<1x64xf32>
    %add3A = vector.broadcast %get3A_8 : vector<1x64xf32> to vector<10240x64xf32>
    %add3A_9 = arith.addf %dot_general3A_5, %add3A : vector<10240x64xf32>
    %max3A = arith.constant 0.000000e+00 : f32
    %max3A_10 = vector.broadcast %max3A : f32 to vector<10240x64xf32>
    %max3A_11 = arith.maximumf %add3A_9, %max3A_10 : vector<10240x64xf32>
    %broadcast_in_dim3A = arith.constant 0.000000e+00 : f32
    %broadcast_in_dim3A_12 = vector.broadcast %broadcast_in_dim3A : f32 to vector<10240x64xf32>
    %concatenate3A = tpu.concatenate %max3A_11, %broadcast_in_dim3A_12 in 1 : vector<10240x64xf32>, vector<10240x64xf32> -> vector<10240x128xf32>
    %swap3A = arith.constant 0 : index
    %swap3A_13 = arith.constant 0 : index
    %swap3A_14 = vector.load %arg3[%swap3A, %swap3A_13] : memref<10240x128xf32, #tpu.memory_space<vmem>>, vector<10240x128xf32>
    tpu.vector_store %arg3[%swap3A, %swap3A_13], %concatenate3A {strides = array<i32>} : memref<10240x128xf32, #tpu.memory_space<vmem>>, vector<10240x128xf32>,
    return
  }
}

module attributes {stable_mosaic.version = 14 : i64} {
  func.func @_mlp1_body(%arg0: i32, %arg1: memref<4096x16xf32, #tpu.memory_space<vmem>>, %arg2: memref<16x128xf32, #tpu.memory_space<vmem>>, %arg3: memref<1x128xf32, #tpu.memory_space<vmem>>, %arg4: memref<4096x128xbf16, #tpu.memory_space<vmem>>) attributes {dimension_semantics = [#tpu.dimension_semantics<arbitrary>], iteration_bounds = array<i64: 40>, scalar_prefetch = 0 : i64, scratch_operands = 0 : i64, tpu.core_type = #tpu.core_type<tc>, window_params = [{transform_indices = @transform_0, window_bounds = array<i64: 4096, 16>}, {pipeline_mode = #tpu.pipeline_mode<synchronous>, transform_indices = @transform_1, window_bounds = array<i64: 16, 128>}, {pipeline_mode = #tpu.pipeline_mode<synchronous>, transform_indices = @transform_2, window_bounds = array<i64: 1, 128>}, {transform_indices = @transform_3, window_bounds = array<i64: 4096, 128>}]} {
    %get3A = arith.constant 0 : index
    %get3A_0 = arith.constant 0 : index
    %get3A_1 = vector.load %arg1[%get3A, %get3A_0] : memref<4096x16xf32, #tpu.memory_space<vmem>>, vector<4096x16xf32>
    %get3A_2 = arith.constant 0 : index
    %get3A_3 = arith.constant 0 : index
    %get3A_4 = vector.load %arg2[%get3A_2, %get3A_3] : memref<16x128xf32, #tpu.memory_space<vmem>>, vector<16x128xf32>
    %dot_general3A = arith.constant dense<0.000000e+00> : vector<4096x128xf32>
    %dot_general3A_5 = tpu.matmul %get3A_1, %get3A_4, %dot_general3A {dimension_numbers = #tpu.dot_dimension_numbers<[1], [0], [0], [1], [0, 0, 1, 1], [], []>, transpose_lhs_hint = false} : vector<4096x16xf32>, vector<16x128xf32>, vector<4096x128xf32> -> vector<4096x128xf32>
    %get3A_6 = arith.constant 0 : index
    %get3A_7 = arith.constant 0 : index
    %get3A_8 = vector.load %arg3[%get3A_6, %get3A_7] : memref<1x128xf32, #tpu.memory_space<vmem>>, vector<1x128xf32>
    %add3A = vector.broadcast %get3A_8 : vector<1x128xf32> to vector<4096x128xf32>
    %add3A_9 = arith.addf %dot_general3A_5, %add3A : vector<4096x128xf32>
    %max3A = arith.constant 0.000000e+00 : f32
    %max3A_10 = vector.broadcast %max3A : f32 to vector<4096x128xf32>
    %max3A_11 = arith.maximumf %add3A_9, %max3A_10 : vector<4096x128xf32>
    %convert_element_type3A = arith.truncf %max3A_11 : vector<4096x128xf32> to vector<4096x128xbf16>
    %swap3A = arith.constant 0 : index
    %swap3A_12 = arith.constant 0 : index
    %swap3A_13 = vector.load %arg4[%swap3A, %swap3A_12] : memref<4096x128xbf16, #tpu.memory_space<vmem>>, vector<4096x128xbf16>
    tpu.vector_store %arg4[%swap3A, %swap3A_12], %convert_element_type3A {strides = array<i32>} : memref<4096x128xbf16, #tpu.memory_space<vmem>>, vector<4096x128xbf16>,
    return
  }
  func.func @transform_0(%arg0: i32) -> (i32, i32) {
    %c0_i32 = arith.constant 0 : i32
    %c0_i32_0 = arith.constant 0 : i32
    return %arg0, %c0_i32 : i32, i32
  }
  func.func @transform_1(%arg0: i32) -> (i32, i32) {
    %c0_i32 = arith.constant 0 : i32
    %c0_i32_0 = arith.constant 0 : i32
    %c0_i32_1 = arith.constant 0 : i32
    return %c0_i32, %c0_i32_0 : i32, i32
  }
  func.func @transform_2(%arg0: i32) -> (i32, i32) {
    %c0_i32 = arith.constant 0 : i32
    %c0_i32_0 = arith.constant 0 : i32
    %c0_i32_1 = arith.constant 0 : i32
    return %c0_i32, %c0_i32_0 : i32, i32
  }
  func.func @transform_3(%arg0: i32) -> (i32, i32) {
    %c0_i32 = arith.constant 0 : i32
    %c0_i32_0 = arith.constant 0 : i32
    return %arg0, %c0_i32 : i32, i32
  }
}

module attributes {stable_mosaic.version = 14 : i64} {
  func.func @_msg_body(%arg0: i32, %arg1: memref<512x128xf32, #tpu.memory_space<vmem>>, %arg2: memref<512x128xbf16, #tpu.memory_space<vmem>>, %arg3: memref<128x4096xbf16, #tpu.memory_space<vmem>>, %arg4: memref<4096x64xbf16, #tpu.memory_space<vmem>>, %arg5: memref<64x64xf32, #tpu.memory_space<vmem>>, %arg6: memref<512x128xf32, #tpu.memory_space<vmem>>) attributes {dimension_semantics = [#tpu.dimension_semantics<arbitrary>], iteration_bounds = array<i64: 320>, scalar_prefetch = 0 : i64, scratch_operands = 0 : i64, tpu.core_type = #tpu.core_type<tc>, window_params = [{transform_indices = @transform_0, window_bounds = array<i64: 512, 128>}, {transform_indices = @transform_1, window_bounds = array<i64: 512, 128>}, {pipeline_mode = #tpu.pipeline_mode<synchronous>, transform_indices = @transform_2, window_bounds = array<i64: 128, 4096>}, {pipeline_mode = #tpu.pipeline_mode<synchronous>, transform_indices = @transform_3, window_bounds = array<i64: 4096, 64>}, {pipeline_mode = #tpu.pipeline_mode<synchronous>, transform_indices = @transform_4, window_bounds = array<i64: 64, 64>}, {transform_indices = @transform_5, window_bounds = array<i64: 512, 128>}]} {
    %get3A = arith.constant 0 : index
    %get3A_0 = arith.constant 0 : index
    %get3A_1 = vector.load %arg2[%get3A, %get3A_0] : memref<512x128xbf16, #tpu.memory_space<vmem>>, vector<512x128xbf16>
    %get3A_2 = arith.constant 0 : index
    %get3A_3 = arith.constant 0 : index
    %get3A_4 = vector.load %arg3[%get3A_2, %get3A_3] : memref<128x4096xbf16, #tpu.memory_space<vmem>>, vector<128x4096xbf16>
    %dot_general3A = arith.constant dense<0.000000e+00> : vector<512x4096xf32>
    %dot_general3A_5 = tpu.matmul %get3A_1, %get3A_4, %dot_general3A {dimension_numbers = #tpu.dot_dimension_numbers<[1], [0], [0], [1], [0, 0, 1, 1], [], []>, transpose_lhs_hint = false} : vector<512x128xbf16>, vector<128x4096xbf16>, vector<512x4096xf32> -> vector<512x4096xf32>
    %convert_element_type3A = arith.truncf %dot_general3A_5 : vector<512x4096xf32> to vector<512x4096xbf16>
    %get3A_6 = arith.constant 0 : index
    %get3A_7 = arith.constant 0 : index
    %get3A_8 = vector.load %arg1[%get3A_6, %get3A_7] : memref<512x128xf32, #tpu.memory_space<vmem>>, vector<512x128xf32>
    %slice3A = vector.extract_strided_slice %get3A_8 {offsets = [0, 0], sizes = [512, 64], strides = [1, 1]} : vector<512x128xf32> to vector<512x64xf32>
    %convert_element_type3A_9 = arith.truncf %slice3A : vector<512x64xf32> to vector<512x64xbf16>
    %concatenate3A = tpu.concatenate %convert_element_type3A_9, %convert_element_type3A_9, %convert_element_type3A_9, %convert_element_type3A_9, %convert_element_type3A_9, %convert_element_type3A_9, %convert_element_type3A_9, %convert_element_type3A_9, %convert_element_type3A_9, %convert_element_type3A_9, %convert_element_type3A_9, %convert_element_type3A_9, %convert_element_type3A_9, %convert_element_type3A_9, %convert_element_type3A_9, %convert_element_type3A_9, %convert_element_type3A_9, %convert_element_type3A_9, %convert_element_type3A_9, %convert_element_type3A_9, %convert_element_type3A_9, %convert_element_type3A_9, %convert_element_type3A_9, %convert_element_type3A_9, %convert_element_type3A_9, %convert_element_type3A_9, %convert_element_type3A_9, %convert_element_type3A_9, %convert_element_type3A_9, %convert_element_type3A_9, %convert_element_type3A_9, %convert_element_type3A_9, %convert_element_type3A_9, %convert_element_type3A_9, %convert_element_type3A_9, %convert_element_type3A_9, %convert_element_type3A_9, %convert_element_type3A_9, %convert_element_type3A_9, %convert_element_type3A_9, %convert_element_type3A_9, %convert_element_type3A_9, %convert_element_type3A_9, %convert_element_type3A_9, %convert_element_type3A_9, %convert_element_type3A_9, %convert_element_type3A_9, %convert_element_type3A_9, %convert_element_type3A_9, %convert_element_type3A_9, %convert_element_type3A_9, %convert_element_type3A_9, %convert_element_type3A_9, %convert_element_type3A_9, %convert_element_type3A_9, %convert_element_type3A_9, %convert_element_type3A_9, %convert_element_type3A_9, %convert_element_type3A_9, %convert_element_type3A_9, %convert_element_type3A_9, %convert_element_type3A_9, %convert_element_type3A_9, %convert_element_type3A_9 in 1 : vector<512x64xbf16>, vector<512x64xbf16>, vector<512x64xbf16>, vector<512x64xbf16>, vector<512x64xbf16>, vector<512x64xbf16>, vector<512x64xbf16>, vector<512x64xbf16>, vector<512x64xbf16>, vector<512x64xbf16>, vector<512x64xbf16>, vector<512x64xbf16>, vector<512x64xbf16>, vector<512x64xbf16>, vector<512x64xbf16>, vector<512x64xbf16>, vector<512x64xbf16>, vector<512x64xbf16>, vector<512x64xbf16>, vector<512x64xbf16>, vector<512x64xbf16>, vector<512x64xbf16>, vector<512x64xbf16>, vector<512x64xbf16>, vector<512x64xbf16>, vector<512x64xbf16>, vector<512x64xbf16>, vector<512x64xbf16>, vector<512x64xbf16>, vector<512x64xbf16>, vector<512x64xbf16>, vector<512x64xbf16>, vector<512x64xbf16>, vector<512x64xbf16>, vector<512x64xbf16>, vector<512x64xbf16>, vector<512x64xbf16>, vector<512x64xbf16>, vector<512x64xbf16>, vector<512x64xbf16>, vector<512x64xbf16>, vector<512x64xbf16>, vector<512x64xbf16>, vector<512x64xbf16>, vector<512x64xbf16>, vector<512x64xbf16>, vector<512x64xbf16>, vector<512x64xbf16>, vector<512x64xbf16>, vector<512x64xbf16>, vector<512x64xbf16>, vector<512x64xbf16>, vector<512x64xbf16>, vector<512x64xbf16>, vector<512x64xbf16>, vector<512x64xbf16>, vector<512x64xbf16>, vector<512x64xbf16>, vector<512x64xbf16>, vector<512x64xbf16>, vector<512x64xbf16>, vector<512x64xbf16>, vector<512x64xbf16>, vector<512x64xbf16> -> vector<512x4096xbf16>
    %mul3A = arith.mulf %convert_element_type3A, %concatenate3A : vector<512x4096xbf16>
    %get3A_10 = arith.constant 0 : index
    %get3A_11 = arith.constant 0 : index
    %get3A_12 = vector.load %arg4[%get3A_10, %get3A_11] : memref<4096x64xbf16, #tpu.memory_space<vmem>>, vector<4096x64xbf16>
    %dot_general3A_13 = arith.constant dense<0.000000e+00> : vector<512x64xf32>
    %dot_general3A_14 = tpu.matmul %mul3A, %get3A_12, %dot_general3A_13 {dimension_numbers = #tpu.dot_dimension_numbers<[1], [0], [0], [1], [0, 0, 1, 1], [], []>, transpose_lhs_hint = false} : vector<512x4096xbf16>, vector<4096x64xbf16>, vector<512x64xf32> -> vector<512x64xf32>
    %get3A_15 = arith.constant 0 : index
    %get3A_16 = arith.constant 0 : index
    %get3A_17 = vector.load %arg5[%get3A_15, %get3A_16] : memref<64x64xf32, #tpu.memory_space<vmem>>, vector<64x64xf32>
    %dot_general3A_18 = arith.constant dense<0.000000e+00> : vector<512x64xf32>
    %dot_general3A_19 = tpu.matmul %slice3A, %get3A_17, %dot_general3A_18 {dimension_numbers = #tpu.dot_dimension_numbers<[1], [0], [0], [1], [0, 0, 1, 1], [], []>, transpose_lhs_hint = false} : vector<512x64xf32>, vector<64x64xf32>, vector<512x64xf32> -> vector<512x64xf32>
    %add3A = arith.addf %dot_general3A_14, %dot_general3A_19 : vector<512x64xf32>
    %broadcast_in_dim3A = arith.constant 1.000000e+00 : f32
    %broadcast_in_dim3A_20 = vector.broadcast %broadcast_in_dim3A : f32 to vector<512x1xf32>
    %broadcast_in_dim3A_21 = arith.constant 0.000000e+00 : f32
    %broadcast_in_dim3A_22 = vector.broadcast %broadcast_in_dim3A_21 : f32 to vector<512x63xf32>
    %concatenate3A_23 = tpu.concatenate %add3A, %broadcast_in_dim3A_20, %broadcast_in_dim3A_22 in 1 : vector<512x64xf32>, vector<512x1xf32>, vector<512x63xf32> -> vector<512x128xf32>
    %swap3A = arith.constant 0 : index
    %swap3A_24 = arith.constant 0 : index
    %swap3A_25 = vector.load %arg6[%swap3A, %swap3A_24] : memref<512x128xf32, #tpu.memory_space<vmem>>, vector<512x128xf32>
    tpu.vector_store %arg6[%swap3A, %swap3A_24], %concatenate3A_23 {strides = array<i32>} : memref<512x128xf32, #tpu.memory_space<vmem>>, vector<512x128xf32>,
    return
  }
  func.func @transform_0(%arg0: i32) -> (i32, i32) {
    %c0_i32 = arith.constant 0 : i32
    %c0_i32_0 = arith.constant 0 : i32
    return %arg0, %c0_i32 : i32, i32
  }
  func.func @transform_1(%arg0: i32) -> (i32, i32) {
    %c0_i32 = arith.constant 0 : i32
    %c0_i32_0 = arith.constant 0 : i32
    return %arg0, %c0_i32 : i32, i32
  }
  func.func @transform_2(%arg0: i32) -> (i32, i32) {
    %c0_i32 = arith.constant 0 : i32
    %c0_i32_0 = arith.constant 0 : i32
    %c0_i32_1 = arith.constant 0 : i32
    return %c0_i32, %c0_i32_0 : i32, i32
  }
  func.func @transform_3(%arg0: i32) -> (i32, i32) {
    %c0_i32 = arith.constant 0 : i32
    %c0_i32_0 = arith.constant 0 : i32
    %c0_i32_1 = arith.constant 0 : i32
    return %c0_i32, %c0_i32_0 : i32, i32
  }
  func.func @transform_4(%arg0: i32) -> (i32, i32) {
    %c0_i32 = arith.constant 0 : i32
    %c0_i32_0 = arith.constant 0 : i32
    %c0_i32_1 = arith.constant 0 : i32
    return %c0_i32, %c0_i32_0 : i32, i32
  }
  func.func @transform_5(%arg0: i32) -> (i32, i32) {
    %c0_i32 = arith.constant 0 : i32
    %c0_i32_0 = arith.constant 0 : i32
    return %arg0, %c0_i32 : i32, i32
  }
}

module attributes {stable_mosaic.version = 14 : i64} {
  func.func @_update_body(%arg0: i32, %arg1: memref<1024x128xf32, #tpu.memory_space<vmem>>, %arg2: memref<1024x128xf32, #tpu.memory_space<vmem>>, %arg3: memref<1024x128xf32, #tpu.memory_space<vmem>>, %arg4: memref<64x64xf32, #tpu.memory_space<vmem>>, %arg5: memref<1x64xf32, #tpu.memory_space<vmem>>, %arg6: memref<64x64xf32, #tpu.memory_space<vmem>>, %arg7: memref<64x64xf32, #tpu.memory_space<vmem>>, %arg8: memref<64x64xf32, #tpu.memory_space<vmem>>, %arg9: memref<64x64xf32, #tpu.memory_space<vmem>>, %arg10: memref<64x64xf32, #tpu.memory_space<vmem>>, %arg11: memref<64x64xf32, #tpu.memory_space<vmem>>, %arg12: memref<1x64xf32, #tpu.memory_space<vmem>>, %arg13: memref<1x64xf32, #tpu.memory_space<vmem>>, %arg14: memref<1x64xf32, #tpu.memory_space<vmem>>, %arg15: memref<1x64xf32, #tpu.memory_space<vmem>>, %arg16: memref<1024x128xf32, #tpu.memory_space<vmem>>) attributes {dimension_semantics = [#tpu.dimension_semantics<arbitrary>], iteration_bounds = array<i64: 10>, scalar_prefetch = 0 : i64, scratch_operands = 0 : i64, tpu.core_type = #tpu.core_type<tc>, window_params = [{transform_indices = @transform_0, window_bounds = array<i64: 1024, 128>}, {transform_indices = @transform_1, window_bounds = array<i64: 1024, 128>}, {transform_indices = @transform_2, window_bounds = array<i64: 1024, 128>}, {pipeline_mode = #tpu.pipeline_mode<synchronous>, transform_indices = @transform_3, window_bounds = array<i64: 64, 64>}, {pipeline_mode = #tpu.pipeline_mode<synchronous>, transform_indices = @transform_4, window_bounds = array<i64: 1, 64>}, {pipeline_mode = #tpu.pipeline_mode<synchronous>, transform_indices = @transform_5, window_bounds = array<i64: 64, 64>}, {pipeline_mode = #tpu.pipeline_mode<synchronous>, transform_indices = @transform_6, window_bounds = array<i64: 64, 64>}, {pipeline_mode = #tpu.pipeline_mode<synchronous>, transform_indices = @transform_7, window_bounds = array<i64: 64, 64>}, {pipeline_mode = #tpu.pipeline_mode<synchronous>, transform_indices = @transform_8, window_bounds = array<i64: 64, 64>}, {pipeline_mode = #tpu.pipeline_mode<synchronous>, transform_indices = @transform_9, window_bounds = array<i64: 64, 64>}, {pipeline_mode = #tpu.pipeline_mode<synchronous>, transform_indices = @transform_10, window_bounds = array<i64: 64, 64>}, {pipeline_mode = #tpu.pipeline_mode<synchronous>, transform_indices = @transform_11, window_bounds = array<i64: 1, 64>}, {pipeline_mode = #tpu.pipeline_mode<synchronous>, transform_indices = @transform_12, window_bounds = array<i64: 1, 64>}, {pipeline_mode = #tpu.pipeline_mode<synchronous>, transform_indices = @transform_13, window_bounds = array<i64: 1, 64>}, {pipeline_mode = #tpu.pipeline_mode<synchronous>, transform_indices = @transform_14, window_bounds = array<i64: 1, 64>}, {transform_indices = @transform_15, window_bounds = array<i64: 1024, 128>}]} {
    %get3A = arith.constant 0 : index
    %get3A_0 = arith.constant 0 : index
    %get3A_1 = vector.load %arg1[%get3A, %get3A_0] : memref<1024x128xf32, #tpu.memory_space<vmem>>, vector<1024x128xf32>
    %get3A_2 = arith.constant 0 : index
    %get3A_3 = arith.constant 0 : index
    %get3A_4 = vector.load %arg2[%get3A_2, %get3A_3] : memref<1024x128xf32, #tpu.memory_space<vmem>>, vector<1024x128xf32>
    %add3A = arith.addf %get3A_1, %get3A_4 : vector<1024x128xf32>
    %slice3A = vector.extract_strided_slice %add3A {offsets = [0, 64], sizes = [1024, 1], strides = [1, 1]} : vector<1024x128xf32> to vector<1024x1xf32>
    %max3A = arith.constant 1.000000e+00 : f32
    %max3A_5 = vector.broadcast %max3A : f32 to vector<1024x1xf32>
    %max3A_6 = arith.maximumf %slice3A, %max3A_5 : vector<1024x1xf32>
    %slice3A_7 = vector.extract_strided_slice %add3A {offsets = [0, 0], sizes = [1024, 64], strides = [1, 1]} : vector<1024x128xf32> to vector<1024x64xf32>
    %div3A = vector.broadcast %max3A_6 : vector<1024x1xf32> to vector<1024x64xf32>
    %div3A_8 = arith.divf %slice3A_7, %div3A : vector<1024x64xf32>
    %get3A_9 = arith.constant 0 : index
    %get3A_10 = arith.constant 0 : index
    %get3A_11 = vector.load %arg3[%get3A_9, %get3A_10] : memref<1024x128xf32, #tpu.memory_space<vmem>>, vector<1024x128xf32>
    %slice3A_12 = vector.extract_strided_slice %get3A_11 {offsets = [0, 0], sizes = [1024, 64], strides = [1, 1]} : vector<1024x128xf32> to vector<1024x64xf32>
    %get3A_13 = arith.constant 0 : index
    %get3A_14 = arith.constant 0 : index
    %get3A_15 = vector.load %arg4[%get3A_13, %get3A_14] : memref<64x64xf32, #tpu.memory_space<vmem>>, vector<64x64xf32>
    %dot_general3A = arith.constant dense<0.000000e+00> : vector<1024x64xf32>
    %dot_general3A_16 = tpu.matmul %slice3A_12, %get3A_15, %dot_general3A {dimension_numbers = #tpu.dot_dimension_numbers<[1], [0], [0], [1], [0, 0, 1, 1], [], []>, transpose_lhs_hint = false} : vector<1024x64xf32>, vector<64x64xf32>, vector<1024x64xf32> -> vector<1024x64xf32>
    %add3A_17 = arith.addf %div3A_8, %dot_general3A_16 : vector<1024x64xf32>
    %get3A_18 = arith.constant 0 : index
    %get3A_19 = arith.constant 0 : index
    %get3A_20 = vector.load %arg5[%get3A_18, %get3A_19] : memref<1x64xf32, #tpu.memory_space<vmem>>, vector<1x64xf32>
    %add3A_21 = vector.broadcast %get3A_20 : vector<1x64xf32> to vector<1024x64xf32>
    %add3A_22 = arith.addf %add3A_17, %add3A_21 : vector<1024x64xf32>
    %max3A_23 = arith.constant 0.000000e+00 : f32
    %max3A_24 = vector.broadcast %max3A_23 : f32 to vector<1024x64xf32>
    %max3A_25 = arith.maximumf %add3A_22, %max3A_24 : vector<1024x64xf32>
    %get3A_26 = arith.constant 0 : index
    %get3A_27 = arith.constant 0 : index
    %get3A_28 = vector.load %arg6[%get3A_26, %get3A_27] : memref<64x64xf32, #tpu.memory_space<vmem>>, vector<64x64xf32>
    %dot_general3A_29 = arith.constant dense<0.000000e+00> : vector<1024x64xf32>
    %dot_general3A_30 = tpu.matmul %max3A_25, %get3A_28, %dot_general3A_29 {dimension_numbers = #tpu.dot_dimension_numbers<[1], [0], [0], [1], [0, 0, 1, 1], [], []>, transpose_lhs_hint = false} : vector<1024x64xf32>, vector<64x64xf32>, vector<1024x64xf32> -> vector<1024x64xf32>
    %get3A_31 = arith.constant 0 : index
    %get3A_32 = arith.constant 0 : index
    %get3A_33 = vector.load %arg9[%get3A_31, %get3A_32] : memref<64x64xf32, #tpu.memory_space<vmem>>, vector<64x64xf32>
    %dot_general3A_34 = arith.constant dense<0.000000e+00> : vector<1024x64xf32>
    %dot_general3A_35 = tpu.matmul %slice3A_12, %get3A_33, %dot_general3A_34 {dimension_numbers = #tpu.dot_dimension_numbers<[1], [0], [0], [1], [0, 0, 1, 1], [], []>, transpose_lhs_hint = false} : vector<1024x64xf32>, vector<64x64xf32>, vector<1024x64xf32> -> vector<1024x64xf32>
    %add3A_36 = arith.addf %dot_general3A_30, %dot_general3A_35 : vector<1024x64xf32>
    %get3A_37 = arith.constant 0 : index
    %get3A_38 = arith.constant 0 : index
    %get3A_39 = vector.load %arg12[%get3A_37, %get3A_38] : memref<1x64xf32, #tpu.memory_space<vmem>>, vector<1x64xf32>
    %add3A_40 = vector.broadcast %get3A_39 : vector<1x64xf32> to vector<1024x64xf32>
    %add3A_41 = arith.addf %add3A_36, %add3A_40 : vector<1024x64xf32>
    %logistic3A = arith.negf %add3A_41 : vector<1024x64xf32>
    %logistic3A_42 = math.exp %logistic3A : vector<1024x64xf32>
    %logistic3A_43 = arith.constant 1.000000e+00 : f32
    %logistic3A_44 = vector.broadcast %logistic3A_43 : f32 to vector<1024x64xf32>
    %logistic3A_45 = arith.addf %logistic3A_44, %logistic3A_42 : vector<1024x64xf32>
    %logistic3A_46 = arith.divf %logistic3A_44, %logistic3A_45 : vector<1024x64xf32>
    %get3A_47 = arith.constant 0 : index
    %get3A_48 = arith.constant 0 : index
    %get3A_49 = vector.load %arg7[%get3A_47, %get3A_48] : memref<64x64xf32, #tpu.memory_space<vmem>>, vector<64x64xf32>
    %dot_general3A_50 = arith.constant dense<0.000000e+00> : vector<1024x64xf32>
    %dot_general3A_51 = tpu.matmul %max3A_25, %get3A_49, %dot_general3A_50 {dimension_numbers = #tpu.dot_dimension_numbers<[1], [0], [0], [1], [0, 0, 1, 1], [], []>, transpose_lhs_hint = false} : vector<1024x64xf32>, vector<64x64xf32>, vector<1024x64xf32> -> vector<1024x64xf32>
    %get3A_52 = arith.constant 0 : index
    %get3A_53 = arith.constant 0 : index
    %get3A_54 = vector.load %arg10[%get3A_52, %get3A_53] : memref<64x64xf32, #tpu.memory_space<vmem>>, vector<64x64xf32>
    %dot_general3A_55 = arith.constant dense<0.000000e+00> : vector<1024x64xf32>
    %dot_general3A_56 = tpu.matmul %slice3A_12, %get3A_54, %dot_general3A_55 {dimension_numbers = #tpu.dot_dimension_numbers<[1], [0], [0], [1], [0, 0, 1, 1], [], []>, transpose_lhs_hint = false} : vector<1024x64xf32>, vector<64x64xf32>, vector<1024x64xf32> -> vector<1024x64xf32>
    %add3A_57 = arith.addf %dot_general3A_51, %dot_general3A_56 : vector<1024x64xf32>
    %get3A_58 = arith.constant 0 : index
    %get3A_59 = arith.constant 0 : index
    %get3A_60 = vector.load %arg13[%get3A_58, %get3A_59] : memref<1x64xf32, #tpu.memory_space<vmem>>, vector<1x64xf32>
    %add3A_61 = vector.broadcast %get3A_60 : vector<1x64xf32> to vector<1024x64xf32>
    %add3A_62 = arith.addf %add3A_57, %add3A_61 : vector<1024x64xf32>
    %logistic3A_63 = arith.negf %add3A_62 : vector<1024x64xf32>
    %logistic3A_64 = math.exp %logistic3A_63 : vector<1024x64xf32>
    %logistic3A_65 = arith.constant 1.000000e+00 : f32
    %logistic3A_66 = vector.broadcast %logistic3A_65 : f32 to vector<1024x64xf32>
    %logistic3A_67 = arith.addf %logistic3A_66, %logistic3A_64 : vector<1024x64xf32>
    %logistic3A_68 = arith.divf %logistic3A_66, %logistic3A_67 : vector<1024x64xf32>
    %get3A_69 = arith.constant 0 : index
    %get3A_70 = arith.constant 0 : index
    %get3A_71 = vector.load %arg11[%get3A_69, %get3A_70] : memref<64x64xf32, #tpu.memory_space<vmem>>, vector<64x64xf32>
    %dot_general3A_72 = arith.constant dense<0.000000e+00> : vector<1024x64xf32>
    %dot_general3A_73 = tpu.matmul %slice3A_12, %get3A_71, %dot_general3A_72 {dimension_numbers = #tpu.dot_dimension_numbers<[1], [0], [0], [1], [0, 0, 1, 1], [], []>, transpose_lhs_hint = false} : vector<1024x64xf32>, vector<64x64xf32>, vector<1024x64xf32> -> vector<1024x64xf32>
    %get3A_74 = arith.constant 0 : index
    %get3A_75 = arith.constant 0 : index
    %get3A_76 = vector.load %arg15[%get3A_74, %get3A_75] : memref<1x64xf32, #tpu.memory_space<vmem>>, vector<1x64xf32>
    %add3A_77 = vector.broadcast %get3A_76 : vector<1x64xf32> to vector<1024x64xf32>
    %add3A_78 = arith.addf %dot_general3A_73, %add3A_77 : vector<1024x64xf32>
    %get3A_79 = arith.constant 0 : index
    %get3A_80 = arith.constant 0 : index
    %get3A_81 = vector.load %arg8[%get3A_79, %get3A_80] : memref<64x64xf32, #tpu.memory_space<vmem>>, vector<64x64xf32>
    %dot_general3A_82 = arith.constant dense<0.000000e+00> : vector<1024x64xf32>
    %dot_general3A_83 = tpu.matmul %max3A_25, %get3A_81, %dot_general3A_82 {dimension_numbers = #tpu.dot_dimension_numbers<[1], [0], [0], [1], [0, 0, 1, 1], [], []>, transpose_lhs_hint = false} : vector<1024x64xf32>, vector<64x64xf32>, vector<1024x64xf32> -> vector<1024x64xf32>
    %get3A_84 = arith.constant 0 : index
    %get3A_85 = arith.constant 0 : index
    %get3A_86 = vector.load %arg14[%get3A_84, %get3A_85] : memref<1x64xf32, #tpu.memory_space<vmem>>, vector<1x64xf32>
    %add3A_87 = vector.broadcast %get3A_86 : vector<1x64xf32> to vector<1024x64xf32>
    %add3A_88 = arith.addf %dot_general3A_83, %add3A_87 : vector<1024x64xf32>
    %mul3A = arith.mulf %logistic3A_46, %add3A_78 : vector<1024x64xf32>
    %add3A_89 = arith.addf %add3A_88, %mul3A : vector<1024x64xf32>
    %tanh3A = math.tanh %add3A_89 : vector<1024x64xf32>
    %sub3A = arith.constant 1.000000e+00 : f32
    %sub3A_90 = vector.broadcast %sub3A : f32 to vector<1024x64xf32>
    %sub3A_91 = arith.subf %sub3A_90, %logistic3A_68 : vector<1024x64xf32>
    %mul3A_92 = arith.mulf %sub3A_91, %tanh3A : vector<1024x64xf32>
    %mul3A_93 = arith.mulf %logistic3A_68, %slice3A_12 : vector<1024x64xf32>
    %add3A_94 = arith.addf %mul3A_92, %mul3A_93 : vector<1024x64xf32>
    %broadcast_in_dim3A = arith.constant 0.000000e+00 : f32
    %broadcast_in_dim3A_95 = vector.broadcast %broadcast_in_dim3A : f32 to vector<1024x64xf32>
    %concatenate3A = tpu.concatenate %add3A_94, %broadcast_in_dim3A_95 in 1 : vector<1024x64xf32>, vector<1024x64xf32> -> vector<1024x128xf32>
    %swap3A = arith.constant 0 : index
    %swap3A_96 = arith.constant 0 : index
    %swap3A_97 = vector.load %arg16[%swap3A, %swap3A_96] : memref<1024x128xf32, #tpu.memory_space<vmem>>, vector<1024x128xf32>
    tpu.vector_store %arg16[%swap3A, %swap3A_96], %concatenate3A {strides = array<i32>} : memref<1024x128xf32, #tpu.memory_space<vmem>>, vector<1024x128xf32>,
    return
  }
  func.func @transform_0(%arg0: i32) -> (i32, i32) {
    %c0_i32 = arith.constant 0 : i32
    %c0_i32_0 = arith.constant 0 : i32
    return %arg0, %c0_i32 : i32, i32
  }
  func.func @transform_1(%arg0: i32) -> (i32, i32) {
    %c0_i32 = arith.constant 0 : i32
    %c0_i32_0 = arith.constant 0 : i32
    return %arg0, %c0_i32 : i32, i32
  }
  func.func @transform_2(%arg0: i32) -> (i32, i32) {
    %c0_i32 = arith.constant 0 : i32
    %c0_i32_0 = arith.constant 0 : i32
    return %arg0, %c0_i32 : i32, i32
  }
  func.func @transform_3(%arg0: i32) -> (i32, i32) {
    %c0_i32 = arith.constant 0 : i32
    %c0_i32_0 = arith.constant 0 : i32
    %c0_i32_1 = arith.constant 0 : i32
    return %c0_i32, %c0_i32_0 : i32, i32
  }
  func.func @transform_4(%arg0: i32) -> (i32, i32) {
    %c0_i32 = arith.constant 0 : i32
    %c0_i32_0 = arith.constant 0 : i32
    %c0_i32_1 = arith.constant 0 : i32
    return %c0_i32, %c0_i32_0 : i32, i32
  }
  func.func @transform_5(%arg0: i32) -> (i32, i32) {
    %c0_i32 = arith.constant 0 : i32
    %c0_i32_0 = arith.constant 0 : i32
    %c0_i32_1 = arith.constant 0 : i32
    return %c0_i32, %c0_i32_0 : i32, i32
  }
  func.func @transform_6(%arg0: i32) -> (i32, i32) {
    %c0_i32 = arith.constant 0 : i32
    %c0_i32_0 = arith.constant 0 : i32
    %c0_i32_1 = arith.constant 0 : i32
    return %c0_i32, %c0_i32_0 : i32, i32
  }
  func.func @transform_7(%arg0: i32) -> (i32, i32) {
    %c0_i32 = arith.constant 0 : i32
    %c0_i32_0 = arith.constant 0 : i32
    %c0_i32_1 = arith.constant 0 : i32
    return %c0_i32, %c0_i32_0 : i32, i32
  }
  func.func @transform_8(%arg0: i32) -> (i32, i32) {
    %c0_i32 = arith.constant 0 : i32
    %c0_i32_0 = arith.constant 0 : i32
    %c0_i32_1 = arith.constant 0 : i32
    return %c0_i32, %c0_i32_0 : i32, i32
  }
  func.func @transform_9(%arg0: i32) -> (i32, i32) {
    %c0_i32 = arith.constant 0 : i32
    %c0_i32_0 = arith.constant 0 : i32
    %c0_i32_1 = arith.constant 0 : i32
    return %c0_i32, %c0_i32_0 : i32, i32
  }
  func.func @transform_10(%arg0: i32) -> (i32, i32) {
    %c0_i32 = arith.constant 0 : i32
    %c0_i32_0 = arith.constant 0 : i32
    %c0_i32_1 = arith.constant 0 : i32
    return %c0_i32, %c0_i32_0 : i32, i32
  }
  func.func @transform_11(%arg0: i32) -> (i32, i32) {
    %c0_i32 = arith.constant 0 : i32
    %c0_i32_0 = arith.constant 0 : i32
    %c0_i32_1 = arith.constant 0 : i32
    return %c0_i32, %c0_i32_0 : i32, i32
  }
  func.func @transform_12(%arg0: i32) -> (i32, i32) {
    %c0_i32 = arith.constant 0 : i32
    %c0_i32_0 = arith.constant 0 : i32
    %c0_i32_1 = arith.constant 0 : i32
    return %c0_i32, %c0_i32_0 : i32, i32
  }
  func.func @transform_13(%arg0: i32) -> (i32, i32) {
    %c0_i32 = arith.constant 0 : i32
    %c0_i32_0 = arith.constant 0 : i32
    %c0_i32_1 = arith.constant 0 : i32
    return %c0_i32, %c0_i32_0 : i32, i32
  }
  func.func @transform_14(%arg0: i32) -> (i32, i32) {
    %c0_i32 = arith.constant 0 : i32
    %c0_i32_0 = arith.constant 0 : i32
    %c0_i32_1 = arith.constant 0 : i32
    return %c0_i32, %c0_i32_0 : i32, i32
  }
  func.func @transform_15(%arg0: i32) -> (i32, i32) {
    %c0_i32 = arith.constant 0 : i32
    %c0_i32_0 = arith.constant 0 : i32
    return %arg0, %c0_i32 : i32, i32
  }
}

module attributes {stable_mosaic.version = 14 : i64} {
  func.func @_lstm_body(%arg0: memref<1024x128xf32, #tpu.memory_space<vmem>>, %arg1: memref<1024x64xf32, #tpu.memory_space<vmem>>, %arg2: memref<1024x64xf32, #tpu.memory_space<vmem>>, %arg3: memref<128x64xf32, #tpu.memory_space<vmem>>, %arg4: memref<128x64xf32, #tpu.memory_space<vmem>>, %arg5: memref<128x64xf32, #tpu.memory_space<vmem>>, %arg6: memref<128x64xf32, #tpu.memory_space<vmem>>, %arg7: memref<64x64xf32, #tpu.memory_space<vmem>>, %arg8: memref<64x64xf32, #tpu.memory_space<vmem>>, %arg9: memref<64x64xf32, #tpu.memory_space<vmem>>, %arg10: memref<64x64xf32, #tpu.memory_space<vmem>>, %arg11: memref<1x64xf32, #tpu.memory_space<vmem>>, %arg12: memref<1x64xf32, #tpu.memory_space<vmem>>, %arg13: memref<1x64xf32, #tpu.memory_space<vmem>>, %arg14: memref<1x64xf32, #tpu.memory_space<vmem>>, %arg15: memref<1024x64xf32, #tpu.memory_space<vmem>>, %arg16: memref<1024x64xf32, #tpu.memory_space<vmem>>) attributes {dimension_semantics = [], scalar_prefetch = 0 : i64, scratch_operands = 0 : i64, tpu.core_type = #tpu.core_type<tc>} {
    %get3A = arith.constant 0 : index
    %get3A_0 = arith.constant 0 : index
    %get3A_1 = vector.load %arg0[%get3A, %get3A_0] : memref<1024x128xf32, #tpu.memory_space<vmem>>, vector<1024x128xf32>
    %get3A_2 = arith.constant 0 : index
    %get3A_3 = arith.constant 0 : index
    %get3A_4 = vector.load %arg1[%get3A_2, %get3A_3] : memref<1024x64xf32, #tpu.memory_space<vmem>>, vector<1024x64xf32>
    %get3A_5 = arith.constant 0 : index
    %get3A_6 = arith.constant 0 : index
    %get3A_7 = vector.load %arg3[%get3A_5, %get3A_6] : memref<128x64xf32, #tpu.memory_space<vmem>>, vector<128x64xf32>
    %dot_general3A = arith.constant dense<0.000000e+00> : vector<1024x64xf32>
    %dot_general3A_8 = tpu.matmul %get3A_1, %get3A_7, %dot_general3A {dimension_numbers = #tpu.dot_dimension_numbers<[1], [0], [0], [1], [0, 0, 1, 1], [], []>, transpose_lhs_hint = false} : vector<1024x128xf32>, vector<128x64xf32>, vector<1024x64xf32> -> vector<1024x64xf32>
    %get3A_9 = arith.constant 0 : index
    %get3A_10 = arith.constant 0 : index
    %get3A_11 = vector.load %arg7[%get3A_9, %get3A_10] : memref<64x64xf32, #tpu.memory_space<vmem>>, vector<64x64xf32>
    %dot_general3A_12 = arith.constant dense<0.000000e+00> : vector<1024x64xf32>
    %dot_general3A_13 = tpu.matmul %get3A_4, %get3A_11, %dot_general3A_12 {dimension_numbers = #tpu.dot_dimension_numbers<[1], [0], [0], [1], [0, 0, 1, 1], [], []>, transpose_lhs_hint = false} : vector<1024x64xf32>, vector<64x64xf32>, vector<1024x64xf32> -> vector<1024x64xf32>
    %add3A = arith.addf %dot_general3A_8, %dot_general3A_13 : vector<1024x64xf32>
    %get3A_14 = arith.constant 0 : index
    %get3A_15 = arith.constant 0 : index
    %get3A_16 = vector.load %arg11[%get3A_14, %get3A_15] : memref<1x64xf32, #tpu.memory_space<vmem>>, vector<1x64xf32>
    %add3A_17 = vector.broadcast %get3A_16 : vector<1x64xf32> to vector<1024x64xf32>
    %add3A_18 = arith.addf %add3A, %add3A_17 : vector<1024x64xf32>
    %logistic3A = arith.negf %add3A_18 : vector<1024x64xf32>
    %logistic3A_19 = math.exp %logistic3A : vector<1024x64xf32>
    %logistic3A_20 = arith.constant 1.000000e+00 : f32
    %logistic3A_21 = vector.broadcast %logistic3A_20 : f32 to vector<1024x64xf32>
    %logistic3A_22 = arith.addf %logistic3A_21, %logistic3A_19 : vector<1024x64xf32>
    %logistic3A_23 = arith.divf %logistic3A_21, %logistic3A_22 : vector<1024x64xf32>
    %get3A_24 = arith.constant 0 : index
    %get3A_25 = arith.constant 0 : index
    %get3A_26 = vector.load %arg4[%get3A_24, %get3A_25] : memref<128x64xf32, #tpu.memory_space<vmem>>, vector<128x64xf32>
    %dot_general3A_27 = arith.constant dense<0.000000e+00> : vector<1024x64xf32>
    %dot_general3A_28 = tpu.matmul %get3A_1, %get3A_26, %dot_general3A_27 {dimension_numbers = #tpu.dot_dimension_numbers<[1], [0], [0], [1], [0, 0, 1, 1], [], []>, transpose_lhs_hint = false} : vector<1024x128xf32>, vector<128x64xf32>, vector<1024x64xf32> -> vector<1024x64xf32>
    %get3A_29 = arith.constant 0 : index
    %get3A_30 = arith.constant 0 : index
    %get3A_31 = vector.load %arg8[%get3A_29, %get3A_30] : memref<64x64xf32, #tpu.memory_space<vmem>>, vector<64x64xf32>
    %dot_general3A_32 = arith.constant dense<0.000000e+00> : vector<1024x64xf32>
    %dot_general3A_33 = tpu.matmul %get3A_4, %get3A_31, %dot_general3A_32 {dimension_numbers = #tpu.dot_dimension_numbers<[1], [0], [0], [1], [0, 0, 1, 1], [], []>, transpose_lhs_hint = false} : vector<1024x64xf32>, vector<64x64xf32>, vector<1024x64xf32> -> vector<1024x64xf32>
    %add3A_34 = arith.addf %dot_general3A_28, %dot_general3A_33 : vector<1024x64xf32>
    %get3A_35 = arith.constant 0 : index
    %get3A_36 = arith.constant 0 : index
    %get3A_37 = vector.load %arg12[%get3A_35, %get3A_36] : memref<1x64xf32, #tpu.memory_space<vmem>>, vector<1x64xf32>
    %add3A_38 = vector.broadcast %get3A_37 : vector<1x64xf32> to vector<1024x64xf32>
    %add3A_39 = arith.addf %add3A_34, %add3A_38 : vector<1024x64xf32>
    %logistic3A_40 = arith.negf %add3A_39 : vector<1024x64xf32>
    %logistic3A_41 = math.exp %logistic3A_40 : vector<1024x64xf32>
    %logistic3A_42 = arith.constant 1.000000e+00 : f32
    %logistic3A_43 = vector.broadcast %logistic3A_42 : f32 to vector<1024x64xf32>
    %logistic3A_44 = arith.addf %logistic3A_43, %logistic3A_41 : vector<1024x64xf32>
    %logistic3A_45 = arith.divf %logistic3A_43, %logistic3A_44 : vector<1024x64xf32>
    %get3A_46 = arith.constant 0 : index
    %get3A_47 = arith.constant 0 : index
    %get3A_48 = vector.load %arg5[%get3A_46, %get3A_47] : memref<128x64xf32, #tpu.memory_space<vmem>>, vector<128x64xf32>
    %dot_general3A_49 = arith.constant dense<0.000000e+00> : vector<1024x64xf32>
    %dot_general3A_50 = tpu.matmul %get3A_1, %get3A_48, %dot_general3A_49 {dimension_numbers = #tpu.dot_dimension_numbers<[1], [0], [0], [1], [0, 0, 1, 1], [], []>, transpose_lhs_hint = false} : vector<1024x128xf32>, vector<128x64xf32>, vector<1024x64xf32> -> vector<1024x64xf32>
    %get3A_51 = arith.constant 0 : index
    %get3A_52 = arith.constant 0 : index
    %get3A_53 = vector.load %arg9[%get3A_51, %get3A_52] : memref<64x64xf32, #tpu.memory_space<vmem>>, vector<64x64xf32>
    %dot_general3A_54 = arith.constant dense<0.000000e+00> : vector<1024x64xf32>
    %dot_general3A_55 = tpu.matmul %get3A_4, %get3A_53, %dot_general3A_54 {dimension_numbers = #tpu.dot_dimension_numbers<[1], [0], [0], [1], [0, 0, 1, 1], [], []>, transpose_lhs_hint = false} : vector<1024x64xf32>, vector<64x64xf32>, vector<1024x64xf32> -> vector<1024x64xf32>
    %add3A_56 = arith.addf %dot_general3A_50, %dot_general3A_55 : vector<1024x64xf32>
    %get3A_57 = arith.constant 0 : index
    %get3A_58 = arith.constant 0 : index
    %get3A_59 = vector.load %arg13[%get3A_57, %get3A_58] : memref<1x64xf32, #tpu.memory_space<vmem>>, vector<1x64xf32>
    %add3A_60 = vector.broadcast %get3A_59 : vector<1x64xf32> to vector<1024x64xf32>
    %add3A_61 = arith.addf %add3A_56, %add3A_60 : vector<1024x64xf32>
    %tanh3A = math.tanh %add3A_61 : vector<1024x64xf32>
    %get3A_62 = arith.constant 0 : index
    %get3A_63 = arith.constant 0 : index
    %get3A_64 = vector.load %arg6[%get3A_62, %get3A_63] : memref<128x64xf32, #tpu.memory_space<vmem>>, vector<128x64xf32>
    %dot_general3A_65 = arith.constant dense<0.000000e+00> : vector<1024x64xf32>
    %dot_general3A_66 = tpu.matmul %get3A_1, %get3A_64, %dot_general3A_65 {dimension_numbers = #tpu.dot_dimension_numbers<[1], [0], [0], [1], [0, 0, 1, 1], [], []>, transpose_lhs_hint = false} : vector<1024x128xf32>, vector<128x64xf32>, vector<1024x64xf32> -> vector<1024x64xf32>
    %get3A_67 = arith.constant 0 : index
    %get3A_68 = arith.constant 0 : index
    %get3A_69 = vector.load %arg10[%get3A_67, %get3A_68] : memref<64x64xf32, #tpu.memory_space<vmem>>, vector<64x64xf32>
    %dot_general3A_70 = arith.constant dense<0.000000e+00> : vector<1024x64xf32>
    %dot_general3A_71 = tpu.matmul %get3A_4, %get3A_69, %dot_general3A_70 {dimension_numbers = #tpu.dot_dimension_numbers<[1], [0], [0], [1], [0, 0, 1, 1], [], []>, transpose_lhs_hint = false} : vector<1024x64xf32>, vector<64x64xf32>, vector<1024x64xf32> -> vector<1024x64xf32>
    %add3A_72 = arith.addf %dot_general3A_66, %dot_general3A_71 : vector<1024x64xf32>
    %get3A_73 = arith.constant 0 : index
    %get3A_74 = arith.constant 0 : index
    %get3A_75 = vector.load %arg14[%get3A_73, %get3A_74] : memref<1x64xf32, #tpu.memory_space<vmem>>, vector<1x64xf32>
    %add3A_76 = vector.broadcast %get3A_75 : vector<1x64xf32> to vector<1024x64xf32>
    %add3A_77 = arith.addf %add3A_72, %add3A_76 : vector<1024x64xf32>
    %logistic3A_78 = arith.negf %add3A_77 : vector<1024x64xf32>
    %logistic3A_79 = math.exp %logistic3A_78 : vector<1024x64xf32>
    %logistic3A_80 = arith.constant 1.000000e+00 : f32
    %logistic3A_81 = vector.broadcast %logistic3A_80 : f32 to vector<1024x64xf32>
    %logistic3A_82 = arith.addf %logistic3A_81, %logistic3A_79 : vector<1024x64xf32>
    %logistic3A_83 = arith.divf %logistic3A_81, %logistic3A_82 : vector<1024x64xf32>
    %get3A_84 = arith.constant 0 : index
    %get3A_85 = arith.constant 0 : index
    %get3A_86 = vector.load %arg2[%get3A_84, %get3A_85] : memref<1024x64xf32, #tpu.memory_space<vmem>>, vector<1024x64xf32>
    %mul3A = arith.mulf %logistic3A_45, %get3A_86 : vector<1024x64xf32>
    %mul3A_87 = arith.mulf %logistic3A_23, %tanh3A : vector<1024x64xf32>
    %add3A_88 = arith.addf %mul3A, %mul3A_87 : vector<1024x64xf32>
    %swap3A = arith.constant 0 : index
    %swap3A_89 = arith.constant 0 : index
    %swap3A_90 = vector.load %arg16[%swap3A, %swap3A_89] : memref<1024x64xf32, #tpu.memory_space<vmem>>, vector<1024x64xf32>
    tpu.vector_store %arg16[%swap3A, %swap3A_89], %add3A_88 {strides = array<i32>} : memref<1024x64xf32, #tpu.memory_space<vmem>>, vector<1024x64xf32>,
    %tanh3A_91 = math.tanh %add3A_88 : vector<1024x64xf32>
    %mul3A_92 = arith.mulf %logistic3A_83, %tanh3A_91 : vector<1024x64xf32>
    %swap3A_93 = arith.constant 0 : index
    %swap3A_94 = arith.constant 0 : index
    %swap3A_95 = vector.load %arg15[%swap3A_93, %swap3A_94] : memref<1024x64xf32, #tpu.memory_space<vmem>>, vector<1024x64xf32>
    tpu.vector_store %arg15[%swap3A_93, %swap3A_94], %mul3A_92 {strides = array<i32>} : memref<1024x64xf32, #tpu.memory_space<vmem>>, vector<1024x64xf32>,
    return
  }
}

module attributes {stable_mosaic.version = 14 : i64} {
  func.func @_attn_body(%arg0: i32, %arg1: memref<1024x128xf32, #tpu.memory_space<vmem>>, %arg2: memref<1024x1xi32, #tpu.memory_space<vmem>>, %arg3: memref<1024x64xf32, #tpu.memory_space<vmem>>, %arg4: memref<1024x1xf32, #tpu.memory_space<vmem>>, %arg5: memref<1024x64xf32, #tpu.memory_space<vmem>>) attributes {dimension_semantics = [#tpu.dimension_semantics<arbitrary>], iteration_bounds = array<i64: 10>, scalar_prefetch = 0 : i64, scratch_operands = 0 : i64, tpu.core_type = #tpu.core_type<tc>, window_params = [{transform_indices = @transform_0, window_bounds = array<i64: 1024, 128>}, {transform_indices = @transform_1, window_bounds = array<i64: 1024, 1>}, {pipeline_mode = #tpu.pipeline_mode<synchronous>, transform_indices = @transform_2, window_bounds = array<i64: 1024, 64>}, {transform_indices = @transform_3, window_bounds = array<i64: 1024, 1>}, {transform_indices = @transform_4, window_bounds = array<i64: 1024, 64>}]} {
    %get3A = arith.constant 0 : index
    %get3A_0 = arith.constant 0 : index
    %get3A_1 = vector.load %arg2[%get3A, %get3A_0] : memref<1024x1xi32, #tpu.memory_space<vmem>>, vector<1024x1xi32>
    %iota3A = tpu.iota {dimensions = array<i32: 1>} : vector<1024x1024xi32>
    %eq3A = vector.broadcast %get3A_1 : vector<1024x1xi32> to vector<1024x1024xi32>
    %eq3A_2 = arith.cmpi eq, %eq3A, %iota3A : vector<1024x1024xi32>
    %convert_element_type3A = arith.extui %eq3A_2 : vector<1024x1024xi1> to vector<1024x1024xi32>
    %convert_element_type3A_3 = arith.sitofp %convert_element_type3A : vector<1024x1024xi32> to vector<1024x1024xf32>
    %get3A_4 = arith.constant 0 : index
    %get3A_5 = arith.constant 0 : index
    %get3A_6 = vector.load %arg3[%get3A_4, %get3A_5] : memref<1024x64xf32, #tpu.memory_space<vmem>>, vector<1024x64xf32>
    %dot_general3A = arith.constant dense<0.000000e+00> : vector<1024x64xf32>
    %dot_general3A_7 = tpu.matmul %convert_element_type3A_3, %get3A_6, %dot_general3A {dimension_numbers = #tpu.dot_dimension_numbers<[1], [0], [0], [1], [0, 0, 1, 1], [], []>, transpose_lhs_hint = false} : vector<1024x1024xf32>, vector<1024x64xf32>, vector<1024x64xf32> -> vector<1024x64xf32>
    %get3A_8 = arith.constant 0 : index
    %get3A_9 = arith.constant 0 : index
    %get3A_10 = vector.load %arg1[%get3A_8, %get3A_9] : memref<1024x128xf32, #tpu.memory_space<vmem>>, vector<1024x128xf32>
    %slice3A = vector.extract_strided_slice %get3A_10 {offsets = [0, 0], sizes = [1024, 64], strides = [1, 1]} : vector<1024x128xf32> to vector<1024x64xf32>
    %mul3A = arith.mulf %slice3A, %dot_general3A_7 : vector<1024x64xf32>
    %reduce_sum3A = arith.constant dense<0.000000e+00> : vector<1024xf32>
    %reduce_sum3A_11 = vector.multi_reduction <add>, %mul3A, %reduce_sum3A [1] : vector<1024x64xf32> to vector<1024xf32>
    %broadcast_in_dim3A = vector.shape_cast %reduce_sum3A_11 : vector<1024xf32> to vector<1024x1xf32>
    %exp3A = math.exp %broadcast_in_dim3A : vector<1024x1xf32>
    %swap3A = arith.constant 0 : index
    %swap3A_12 = arith.constant 0 : index
    %swap3A_13 = vector.load %arg4[%swap3A, %swap3A_12] : memref<1024x1xf32, #tpu.memory_space<vmem>>, vector<1024x1xf32>
    tpu.vector_store %arg4[%swap3A, %swap3A_12], %exp3A {strides = array<i32>} : memref<1024x1xf32, #tpu.memory_space<vmem>>, vector<1024x1xf32>,
    %mul3A_14 = vector.broadcast %exp3A : vector<1024x1xf32> to vector<1024x64xf32>
    %mul3A_15 = arith.mulf %mul3A_14, %slice3A : vector<1024x64xf32>
    %swap3A_16 = arith.constant 0 : index
    %swap3A_17 = arith.constant 0 : index
    %swap3A_18 = vector.load %arg5[%swap3A_16, %swap3A_17] : memref<1024x64xf32, #tpu.memory_space<vmem>>, vector<1024x64xf32>
    tpu.vector_store %arg5[%swap3A_16, %swap3A_17], %mul3A_15 {strides = array<i32>} : memref<1024x64xf32, #tpu.memory_space<vmem>>, vector<1024x64xf32>,
    return
  }
  func.func @transform_0(%arg0: i32) -> (i32, i32) {
    %c0_i32 = arith.constant 0 : i32
    %c0_i32_0 = arith.constant 0 : i32
    return %arg0, %c0_i32 : i32, i32
  }
  func.func @transform_1(%arg0: i32) -> (i32, i32) {
    %c0_i32 = arith.constant 0 : i32
    %c0_i32_0 = arith.constant 0 : i32
    return %arg0, %c0_i32 : i32, i32
  }
  func.func @transform_2(%arg0: i32) -> (i32, i32) {
    %c0_i32 = arith.constant 0 : i32
    %c0_i32_0 = arith.constant 0 : i32
    %c0_i32_1 = arith.constant 0 : i32
    return %c0_i32, %c0_i32_0 : i32, i32
  }
  func.func @transform_3(%arg0: i32) -> (i32, i32) {
    %c0_i32 = arith.constant 0 : i32
    %c0_i32_0 = arith.constant 0 : i32
    return %arg0, %c0_i32 : i32, i32
  }
  func.func @transform_4(%arg0: i32) -> (i32, i32) {
    %c0_i32 = arith.constant 0 : i32
    %c0_i32_0 = arith.constant 0 : i32
    return %arg0, %c0_i32 : i32, i32
  }
}

module attributes {stable_mosaic.version = 14 : i64} {
  func.func @_seg_body(%arg0: i32, %arg1: memref<1024x1xf32, #tpu.memory_space<vmem>>, %arg2: memref<1024x64xf32, #tpu.memory_space<vmem>>, %arg3: memref<1x1x1024xi32, #tpu.memory_space<vmem>>, %arg4: memref<1024x64xf32, #tpu.memory_space<vmem>>, %arg5: memref<1024x1xf32, #tpu.memory_space<vmem>>) attributes {dimension_semantics = [#tpu.dimension_semantics<arbitrary>], iteration_bounds = array<i64: 10>, scalar_prefetch = 0 : i64, scratch_operands = 0 : i64, tpu.core_type = #tpu.core_type<tc>, window_params = [{transform_indices = @transform_0, window_bounds = array<i64: 1024, 1>}, {transform_indices = @transform_1, window_bounds = array<i64: 1024, 64>}, {transform_indices = @transform_2, window_bounds = array<i64: 1, 1, 1024>}, {pipeline_mode = #tpu.pipeline_mode<synchronous>, transform_indices = @transform_3, window_bounds = array<i64: 1024, 64>}, {pipeline_mode = #tpu.pipeline_mode<synchronous>, transform_indices = @transform_4, window_bounds = array<i64: 1024, 1>}]} {
    %eq3A = arith.constant 0 : i32
    %eq3A_0 = arith.cmpi eq, %arg0, %eq3A : i32
    %convert_element_type3A = arith.extui %eq3A_0 : i1 to i32
    %cond3A = arith.constant 0 : i32
    %cond3A_1 = arith.cmpi ne, %convert_element_type3A, %cond3A : i32
    scf.if %cond3A_1 {
      %broadcast_in_dim3A = arith.constant 0.000000e+00 : f32
      %broadcast_in_dim3A_36 = vector.broadcast %broadcast_in_dim3A : f32 to vector<1024x64xf32>
      %swap3A_37 = arith.constant 0 : index
      %swap3A_38 = arith.constant 0 : index
      %swap3A_39 = vector.load %arg4[%swap3A_37, %swap3A_38] : memref<1024x64xf32, #tpu.memory_space<vmem>>, vector<1024x64xf32>
      tpu.vector_store %arg4[%swap3A_37, %swap3A_38], %broadcast_in_dim3A_36 {strides = array<i32>} : memref<1024x64xf32, #tpu.memory_space<vmem>>, vector<1024x64xf32>,
      %broadcast_in_dim3A_40 = arith.constant 0.000000e+00 : f32
      %broadcast_in_dim3A_41 = vector.broadcast %broadcast_in_dim3A_40 : f32 to vector<1024x1xf32>
      %swap3A_42 = arith.constant 0 : index
      %swap3A_43 = arith.constant 0 : index
      %swap3A_44 = vector.load %arg5[%swap3A_42, %swap3A_43] : memref<1024x1xf32, #tpu.memory_space<vmem>>, vector<1024x1xf32>
      tpu.vector_store %arg5[%swap3A_42, %swap3A_43], %broadcast_in_dim3A_41 {strides = array<i32>} : memref<1024x1xf32, #tpu.memory_space<vmem>>, vector<1024x1xf32>,
    } else {
    }
    %get3A = arith.constant 0 : index
    %get3A_2 = arith.constant 0 : index
    %get3A_3 = arith.constant 0 : index
    %get3A_4 = vector.load %arg3[%get3A, %get3A_2, %get3A_3] : memref<1x1x1024xi32, #tpu.memory_space<vmem>>, vector<1x1x1024xi32>
    %get3A_5 = vector.shape_cast %get3A_4 : vector<1x1x1024xi32> to vector<1x1024xi32>
    %iota3A = tpu.iota {dimensions = array<i32: 0>} : vector<1024x1024xi32>
    %eq3A_6 = vector.broadcast %get3A_5 : vector<1x1024xi32> to vector<1024x1024xi32>
    %eq3A_7 = arith.cmpi eq, %iota3A, %eq3A_6 : vector<1024x1024xi32>
    %convert_element_type3A_8 = arith.extui %eq3A_7 : vector<1024x1024xi1> to vector<1024x1024xi32>
    %convert_element_type3A_9 = arith.sitofp %convert_element_type3A_8 : vector<1024x1024xi32> to vector<1024x1024xf32>
    %get3A_10 = arith.constant 0 : index
    %get3A_11 = arith.constant 0 : index
    %get3A_12 = vector.load %arg4[%get3A_10, %get3A_11] : memref<1024x64xf32, #tpu.memory_space<vmem>>, vector<1024x64xf32>
    %get3A_13 = arith.constant 0 : index
    %get3A_14 = arith.constant 0 : index
    %get3A_15 = vector.load %arg2[%get3A_13, %get3A_14] : memref<1024x64xf32, #tpu.memory_space<vmem>>, vector<1024x64xf32>
    %dot_general3A = arith.constant dense<0.000000e+00> : vector<1024x64xf32>
    %dot_general3A_16 = tpu.matmul %convert_element_type3A_9, %get3A_15, %dot_general3A {dimension_numbers = #tpu.dot_dimension_numbers<[1], [0], [0], [1], [0, 0, 1, 1], [], []>, transpose_lhs_hint = false} : vector<1024x1024xf32>, vector<1024x64xf32>, vector<1024x64xf32> -> vector<1024x64xf32>
    %add3A = arith.addf %get3A_12, %dot_general3A_16 : vector<1024x64xf32>
    %swap3A = arith.constant 0 : index
    %swap3A_17 = arith.constant 0 : index
    %swap3A_18 = vector.load %arg4[%swap3A, %swap3A_17] : memref<1024x64xf32, #tpu.memory_space<vmem>>, vector<1024x64xf32>
    tpu.vector_store %arg4[%swap3A, %swap3A_17], %add3A {strides = array<i32>} : memref<1024x64xf32, #tpu.memory_space<vmem>>, vector<1024x64xf32>,
    %get3A_19 = arith.constant 0 : index
    %get3A_20 = arith.constant 0 : index
    %get3A_21 = vector.load %arg5[%get3A_19, %get3A_20] : memref<1024x1xf32, #tpu.memory_space<vmem>>, vector<1024x1xf32>
    %get3A_22 = arith.constant 0 : index
    %get3A_23 = arith.constant 0 : index
    %get3A_24 = vector.load %arg1[%get3A_22, %get3A_23] : memref<1024x1xf32, #tpu.memory_space<vmem>>, vector<1024x1xf32>
    %dot_general3A_25 = arith.constant dense<0.000000e+00> : vector<1024x1xf32>
    %dot_general3A_26 = tpu.matmul %convert_element_type3A_9, %get3A_24, %dot_general3A_25 {dimension_numbers = #tpu.dot_dimension_numbers<[1], [0], [0], [1], [0, 0, 1, 1], [], []>, transpose_lhs_hint = false} : vector<1024x1024xf32>, vector<1024x1xf32>, vector<1024x1xf32> -> vector<1024x1xf32>
    %add3A_27 = arith.addf %get3A_21, %dot_general3A_26 : vector<1024x1xf32>
    %swap3A_28 = arith.constant 0 : index
    %swap3A_29 = arith.constant 0 : index
    %swap3A_30 = vector.load %arg5[%swap3A_28, %swap3A_29] : memref<1024x1xf32, #tpu.memory_space<vmem>>, vector<1024x1xf32>
    tpu.vector_store %arg5[%swap3A_28, %swap3A_29], %add3A_27 {strides = array<i32>} : memref<1024x1xf32, #tpu.memory_space<vmem>>, vector<1024x1xf32>,
    %eq3A_31 = arith.constant 9 : i32
    %eq3A_32 = arith.cmpi eq, %arg0, %eq3A_31 : i32
    %convert_element_type3A_33 = arith.extui %eq3A_32 : i1 to i32
    %cond3A_34 = arith.constant 0 : i32
    %cond3A_35 = arith.cmpi ne, %convert_element_type3A_33, %cond3A_34 : i32
    scf.if %cond3A_35 {
      %get3A_36 = arith.constant 0 : index
      %get3A_37 = arith.constant 0 : index
      %get3A_38 = vector.load %arg4[%get3A_36, %get3A_37] : memref<1024x64xf32, #tpu.memory_space<vmem>>, vector<1024x64xf32>
      %get3A_39 = arith.constant 0 : index
      %get3A_40 = arith.constant 0 : index
      %get3A_41 = vector.load %arg5[%get3A_39, %get3A_40] : memref<1024x1xf32, #tpu.memory_space<vmem>>, vector<1024x1xf32>
      %add3A_42 = arith.constant 1.000000e-16 : f32
      %add3A_43 = vector.broadcast %add3A_42 : f32 to vector<1024x1xf32>
      %add3A_44 = arith.addf %get3A_41, %add3A_43 : vector<1024x1xf32>
      %div3A = vector.broadcast %add3A_44 : vector<1024x1xf32> to vector<1024x64xf32>
      %div3A_45 = arith.divf %get3A_38, %div3A : vector<1024x64xf32>
      %swap3A_46 = arith.constant 0 : index
      %swap3A_47 = arith.constant 0 : index
      %swap3A_48 = vector.load %arg4[%swap3A_46, %swap3A_47] : memref<1024x64xf32, #tpu.memory_space<vmem>>, vector<1024x64xf32>
      tpu.vector_store %arg4[%swap3A_46, %swap3A_47], %div3A_45 {strides = array<i32>} : memref<1024x64xf32, #tpu.memory_space<vmem>>, vector<1024x64xf32>,
    } else {
    }
    return
  }
  func.func @transform_0(%arg0: i32) -> (i32, i32) {
    %c0_i32 = arith.constant 0 : i32
    %c0_i32_0 = arith.constant 0 : i32
    return %arg0, %c0_i32 : i32, i32
  }
  func.func @transform_1(%arg0: i32) -> (i32, i32) {
    %c0_i32 = arith.constant 0 : i32
    %c0_i32_0 = arith.constant 0 : i32
    return %arg0, %c0_i32 : i32, i32
  }
  func.func @transform_2(%arg0: i32) -> (i32, i32, i32) {
    %c0_i32 = arith.constant 0 : i32
    %c0_i32_0 = arith.constant 0 : i32
    %c0_i32_1 = arith.constant 0 : i32
    return %arg0, %c0_i32, %c0_i32_0 : i32, i32, i32
  }
  func.func @transform_3(%arg0: i32) -> (i32, i32) {
    %c0_i32 = arith.constant 0 : i32
    %c0_i32_0 = arith.constant 0 : i32
    %c0_i32_1 = arith.constant 0 : i32
    return %c0_i32, %c0_i32_0 : i32, i32
  }
  func.func @transform_4(%arg0: i32) -> (i32, i32) {
    %c0_i32 = arith.constant 0 : i32
    %c0_i32_0 = arith.constant 0 : i32
    %c0_i32_1 = arith.constant 0 : i32
    return %c0_i32, %c0_i32_0 : i32, i32
  }
}

module attributes {stable_mosaic.version = 14 : i64} {
  func.func @_head_body(%arg0: memref<1024x128xf32, #tpu.memory_space<vmem>>, %arg1: memref<128x64xf32, #tpu.memory_space<vmem>>, %arg2: memref<1x64xf32, #tpu.memory_space<vmem>>, %arg3: memref<1x64xf32, #tpu.memory_space<vmem>>, %arg4: memref<1x1xf32, #tpu.memory_space<vmem>>, %arg5: memref<1024x1xf32, #tpu.memory_space<vmem>>) attributes {dimension_semantics = [], scalar_prefetch = 0 : i64, scratch_operands = 0 : i64, tpu.core_type = #tpu.core_type<tc>} {
    %get3A = arith.constant 0 : index
    %get3A_0 = arith.constant 0 : index
    %get3A_1 = vector.load %arg0[%get3A, %get3A_0] : memref<1024x128xf32, #tpu.memory_space<vmem>>, vector<1024x128xf32>
    %get3A_2 = arith.constant 0 : index
    %get3A_3 = arith.constant 0 : index
    %get3A_4 = vector.load %arg1[%get3A_2, %get3A_3] : memref<128x64xf32, #tpu.memory_space<vmem>>, vector<128x64xf32>
    %dot_general3A = arith.constant dense<0.000000e+00> : vector<1024x64xf32>
    %dot_general3A_5 = tpu.matmul %get3A_1, %get3A_4, %dot_general3A {dimension_numbers = #tpu.dot_dimension_numbers<[1], [0], [0], [1], [0, 0, 1, 1], [], []>, transpose_lhs_hint = false} : vector<1024x128xf32>, vector<128x64xf32>, vector<1024x64xf32> -> vector<1024x64xf32>
    %get3A_6 = arith.constant 0 : index
    %get3A_7 = arith.constant 0 : index
    %get3A_8 = vector.load %arg2[%get3A_6, %get3A_7] : memref<1x64xf32, #tpu.memory_space<vmem>>, vector<1x64xf32>
    %add3A = vector.broadcast %get3A_8 : vector<1x64xf32> to vector<1024x64xf32>
    %add3A_9 = arith.addf %dot_general3A_5, %add3A : vector<1024x64xf32>
    %max3A = arith.constant 0.000000e+00 : f32
    %max3A_10 = vector.broadcast %max3A : f32 to vector<1024x64xf32>
    %max3A_11 = arith.maximumf %add3A_9, %max3A_10 : vector<1024x64xf32>
    %get3A_12 = arith.constant 0 : index
    %get3A_13 = arith.constant 0 : index
    %get3A_14 = vector.load %arg3[%get3A_12, %get3A_13] : memref<1x64xf32, #tpu.memory_space<vmem>>, vector<1x64xf32>
    %mul3A = vector.broadcast %get3A_14 : vector<1x64xf32> to vector<1024x64xf32>
    %mul3A_15 = arith.mulf %max3A_11, %mul3A : vector<1024x64xf32>
    %reduce_sum3A = arith.constant dense<0.000000e+00> : vector<1024xf32>
    %reduce_sum3A_16 = vector.multi_reduction <add>, %mul3A_15, %reduce_sum3A [1] : vector<1024x64xf32> to vector<1024xf32>
    %broadcast_in_dim3A = vector.shape_cast %reduce_sum3A_16 : vector<1024xf32> to vector<1024x1xf32>
    %get3A_17 = arith.constant 0 : index
    %get3A_18 = arith.constant 0 : index
    %get3A_19 = vector.load %arg4[%get3A_17, %get3A_18] : memref<1x1xf32, #tpu.memory_space<vmem>>, vector<1x1xf32>
    %add3A_20 = vector.broadcast %get3A_19 : vector<1x1xf32> to vector<1024x1xf32>
    %add3A_21 = arith.addf %broadcast_in_dim3A, %add3A_20 : vector<1024x1xf32>
    %swap3A = arith.constant 0 : index
    %swap3A_22 = arith.constant 0 : index
    %swap3A_23 = vector.load %arg5[%swap3A, %swap3A_22] : memref<1024x1xf32, #tpu.memory_space<vmem>>, vector<1024x1xf32>
    tpu.vector_store %arg5[%swap3A, %swap3A_22], %add3A_21 {strides = array<i32>} : memref<1024x1xf32, #tpu.memory_space<vmem>>, vector<1024x1xf32>,
    return
  }
}

module attributes {stable_mosaic.version = 14 : i64} {
  func.func @_lstm_body(%arg0: memref<1024x128xf32, #tpu.memory_space<vmem>>, %arg1: memref<1024x64xf32, #tpu.memory_space<vmem>>, %arg2: memref<1024x64xf32, #tpu.memory_space<vmem>>, %arg3: memref<128x64xf32, #tpu.memory_space<vmem>>, %arg4: memref<128x64xf32, #tpu.memory_space<vmem>>, %arg5: memref<128x64xf32, #tpu.memory_space<vmem>>, %arg6: memref<128x64xf32, #tpu.memory_space<vmem>>, %arg7: memref<64x64xf32, #tpu.memory_space<vmem>>, %arg8: memref<64x64xf32, #tpu.memory_space<vmem>>, %arg9: memref<64x64xf32, #tpu.memory_space<vmem>>, %arg10: memref<64x64xf32, #tpu.memory_space<vmem>>, %arg11: memref<1x64xf32, #tpu.memory_space<vmem>>, %arg12: memref<1x64xf32, #tpu.memory_space<vmem>>, %arg13: memref<1x64xf32, #tpu.memory_space<vmem>>, %arg14: memref<1x64xf32, #tpu.memory_space<vmem>>, %arg15: memref<1024x64xf32, #tpu.memory_space<vmem>>, %arg16: memref<1024x64xf32, #tpu.memory_space<vmem>>) attributes {dimension_semantics = [], scalar_prefetch = 0 : i64, scratch_operands = 0 : i64, tpu.core_type = #tpu.core_type<tc>} {
    %get3A = arith.constant 0 : index
    %get3A_0 = arith.constant 0 : index
    %get3A_1 = vector.load %arg0[%get3A, %get3A_0] : memref<1024x128xf32, #tpu.memory_space<vmem>>, vector<1024x128xf32>
    %get3A_2 = arith.constant 0 : index
    %get3A_3 = arith.constant 0 : index
    %get3A_4 = vector.load %arg1[%get3A_2, %get3A_3] : memref<1024x64xf32, #tpu.memory_space<vmem>>, vector<1024x64xf32>
    %get3A_5 = arith.constant 0 : index
    %get3A_6 = arith.constant 0 : index
    %get3A_7 = vector.load %arg3[%get3A_5, %get3A_6] : memref<128x64xf32, #tpu.memory_space<vmem>>, vector<128x64xf32>
    %dot_general3A = arith.constant dense<0.000000e+00> : vector<1024x64xf32>
    %dot_general3A_8 = tpu.matmul %get3A_1, %get3A_7, %dot_general3A {dimension_numbers = #tpu.dot_dimension_numbers<[1], [0], [0], [1], [0, 0, 1, 1], [], []>, transpose_lhs_hint = false} : vector<1024x128xf32>, vector<128x64xf32>, vector<1024x64xf32> -> vector<1024x64xf32>
    %get3A_9 = arith.constant 0 : index
    %get3A_10 = arith.constant 0 : index
    %get3A_11 = vector.load %arg7[%get3A_9, %get3A_10] : memref<64x64xf32, #tpu.memory_space<vmem>>, vector<64x64xf32>
    %dot_general3A_12 = arith.constant dense<0.000000e+00> : vector<1024x64xf32>
    %dot_general3A_13 = tpu.matmul %get3A_4, %get3A_11, %dot_general3A_12 {dimension_numbers = #tpu.dot_dimension_numbers<[1], [0], [0], [1], [0, 0, 1, 1], [], []>, transpose_lhs_hint = false} : vector<1024x64xf32>, vector<64x64xf32>, vector<1024x64xf32> -> vector<1024x64xf32>
    %add3A = arith.addf %dot_general3A_8, %dot_general3A_13 : vector<1024x64xf32>
    %get3A_14 = arith.constant 0 : index
    %get3A_15 = arith.constant 0 : index
    %get3A_16 = vector.load %arg11[%get3A_14, %get3A_15] : memref<1x64xf32, #tpu.memory_space<vmem>>, vector<1x64xf32>
    %add3A_17 = vector.broadcast %get3A_16 : vector<1x64xf32> to vector<1024x64xf32>
    %add3A_18 = arith.addf %add3A, %add3A_17 : vector<1024x64xf32>
    %logistic3A = arith.negf %add3A_18 : vector<1024x64xf32>
    %logistic3A_19 = math.exp %logistic3A : vector<1024x64xf32>
    %logistic3A_20 = arith.constant 1.000000e+00 : f32
    %logistic3A_21 = vector.broadcast %logistic3A_20 : f32 to vector<1024x64xf32>
    %logistic3A_22 = arith.addf %logistic3A_21, %logistic3A_19 : vector<1024x64xf32>
    %logistic3A_23 = arith.divf %logistic3A_21, %logistic3A_22 : vector<1024x64xf32>
    %get3A_24 = arith.constant 0 : index
    %get3A_25 = arith.constant 0 : index
    %get3A_26 = vector.load %arg4[%get3A_24, %get3A_25] : memref<128x64xf32, #tpu.memory_space<vmem>>, vector<128x64xf32>
    %dot_general3A_27 = arith.constant dense<0.000000e+00> : vector<1024x64xf32>
    %dot_general3A_28 = tpu.matmul %get3A_1, %get3A_26, %dot_general3A_27 {dimension_numbers = #tpu.dot_dimension_numbers<[1], [0], [0], [1], [0, 0, 1, 1], [], []>, transpose_lhs_hint = false} : vector<1024x128xf32>, vector<128x64xf32>, vector<1024x64xf32> -> vector<1024x64xf32>
    %get3A_29 = arith.constant 0 : index
    %get3A_30 = arith.constant 0 : index
    %get3A_31 = vector.load %arg8[%get3A_29, %get3A_30] : memref<64x64xf32, #tpu.memory_space<vmem>>, vector<64x64xf32>
    %dot_general3A_32 = arith.constant dense<0.000000e+00> : vector<1024x64xf32>
    %dot_general3A_33 = tpu.matmul %get3A_4, %get3A_31, %dot_general3A_32 {dimension_numbers = #tpu.dot_dimension_numbers<[1], [0], [0], [1], [0, 0, 1, 1], [], []>, transpose_lhs_hint = false} : vector<1024x64xf32>, vector<64x64xf32>, vector<1024x64xf32> -> vector<1024x64xf32>
    %add3A_34 = arith.addf %dot_general3A_28, %dot_general3A_33 : vector<1024x64xf32>
    %get3A_35 = arith.constant 0 : index
    %get3A_36 = arith.constant 0 : index
    %get3A_37 = vector.load %arg12[%get3A_35, %get3A_36] : memref<1x64xf32, #tpu.memory_space<vmem>>, vector<1x64xf32>
    %add3A_38 = vector.broadcast %get3A_37 : vector<1x64xf32> to vector<1024x64xf32>
    %add3A_39 = arith.addf %add3A_34, %add3A_38 : vector<1024x64xf32>
    %logistic3A_40 = arith.negf %add3A_39 : vector<1024x64xf32>
    %logistic3A_41 = math.exp %logistic3A_40 : vector<1024x64xf32>
    %logistic3A_42 = arith.constant 1.000000e+00 : f32
    %logistic3A_43 = vector.broadcast %logistic3A_42 : f32 to vector<1024x64xf32>
    %logistic3A_44 = arith.addf %logistic3A_43, %logistic3A_41 : vector<1024x64xf32>
    %logistic3A_45 = arith.divf %logistic3A_43, %logistic3A_44 : vector<1024x64xf32>
    %get3A_46 = arith.constant 0 : index
    %get3A_47 = arith.constant 0 : index
    %get3A_48 = vector.load %arg5[%get3A_46, %get3A_47] : memref<128x64xf32, #tpu.memory_space<vmem>>, vector<128x64xf32>
    %dot_general3A_49 = arith.constant dense<0.000000e+00> : vector<1024x64xf32>
    %dot_general3A_50 = tpu.matmul %get3A_1, %get3A_48, %dot_general3A_49 {dimension_numbers = #tpu.dot_dimension_numbers<[1], [0], [0], [1], [0, 0, 1, 1], [], []>, transpose_lhs_hint = false} : vector<1024x128xf32>, vector<128x64xf32>, vector<1024x64xf32> -> vector<1024x64xf32>
    %get3A_51 = arith.constant 0 : index
    %get3A_52 = arith.constant 0 : index
    %get3A_53 = vector.load %arg9[%get3A_51, %get3A_52] : memref<64x64xf32, #tpu.memory_space<vmem>>, vector<64x64xf32>
    %dot_general3A_54 = arith.constant dense<0.000000e+00> : vector<1024x64xf32>
    %dot_general3A_55 = tpu.matmul %get3A_4, %get3A_53, %dot_general3A_54 {dimension_numbers = #tpu.dot_dimension_numbers<[1], [0], [0], [1], [0, 0, 1, 1], [], []>, transpose_lhs_hint = false} : vector<1024x64xf32>, vector<64x64xf32>, vector<1024x64xf32> -> vector<1024x64xf32>
    %add3A_56 = arith.addf %dot_general3A_50, %dot_general3A_55 : vector<1024x64xf32>
    %get3A_57 = arith.constant 0 : index
    %get3A_58 = arith.constant 0 : index
    %get3A_59 = vector.load %arg13[%get3A_57, %get3A_58] : memref<1x64xf32, #tpu.memory_space<vmem>>, vector<1x64xf32>
    %add3A_60 = vector.broadcast %get3A_59 : vector<1x64xf32> to vector<1024x64xf32>
    %add3A_61 = arith.addf %add3A_56, %add3A_60 : vector<1024x64xf32>
    %tanh3A = math.tanh %add3A_61 : vector<1024x64xf32>
    %get3A_62 = arith.constant 0 : index
    %get3A_63 = arith.constant 0 : index
    %get3A_64 = vector.load %arg6[%get3A_62, %get3A_63] : memref<128x64xf32, #tpu.memory_space<vmem>>, vector<128x64xf32>
    %dot_general3A_65 = arith.constant dense<0.000000e+00> : vector<1024x64xf32>
    %dot_general3A_66 = tpu.matmul %get3A_1, %get3A_64, %dot_general3A_65 {dimension_numbers = #tpu.dot_dimension_numbers<[1], [0], [0], [1], [0, 0, 1, 1], [], []>, transpose_lhs_hint = false} : vector<1024x128xf32>, vector<128x64xf32>, vector<1024x64xf32> -> vector<1024x64xf32>
    %get3A_67 = arith.constant 0 : index
    %get3A_68 = arith.constant 0 : index
    %get3A_69 = vector.load %arg10[%get3A_67, %get3A_68] : memref<64x64xf32, #tpu.memory_space<vmem>>, vector<64x64xf32>
    %dot_general3A_70 = arith.constant dense<0.000000e+00> : vector<1024x64xf32>
    %dot_general3A_71 = tpu.matmul %get3A_4, %get3A_69, %dot_general3A_70 {dimension_numbers = #tpu.dot_dimension_numbers<[1], [0], [0], [1], [0, 0, 1, 1], [], []>, transpose_lhs_hint = false} : vector<1024x64xf32>, vector<64x64xf32>, vector<1024x64xf32> -> vector<1024x64xf32>
    %add3A_72 = arith.addf %dot_general3A_66, %dot_general3A_71 : vector<1024x64xf32>
    %get3A_73 = arith.constant 0 : index
    %get3A_74 = arith.constant 0 : index
    %get3A_75 = vector.load %arg14[%get3A_73, %get3A_74] : memref<1x64xf32, #tpu.memory_space<vmem>>, vector<1x64xf32>
    %add3A_76 = vector.broadcast %get3A_75 : vector<1x64xf32> to vector<1024x64xf32>
    %add3A_77 = arith.addf %add3A_72, %add3A_76 : vector<1024x64xf32>
    %logistic3A_78 = arith.negf %add3A_77 : vector<1024x64xf32>
    %logistic3A_79 = math.exp %logistic3A_78 : vector<1024x64xf32>
    %logistic3A_80 = arith.constant 1.000000e+00 : f32
    %logistic3A_81 = vector.broadcast %logistic3A_80 : f32 to vector<1024x64xf32>
    %logistic3A_82 = arith.addf %logistic3A_81, %logistic3A_79 : vector<1024x64xf32>
    %logistic3A_83 = arith.divf %logistic3A_81, %logistic3A_82 : vector<1024x64xf32>
    %get3A_84 = arith.constant 0 : index
    %get3A_85 = arith.constant 0 : index
    %get3A_86 = vector.load %arg2[%get3A_84, %get3A_85] : memref<1024x64xf32, #tpu.memory_space<vmem>>, vector<1024x64xf32>
    %mul3A = arith.mulf %logistic3A_45, %get3A_86 : vector<1024x64xf32>
    %mul3A_87 = arith.mulf %logistic3A_23, %tanh3A : vector<1024x64xf32>
    %add3A_88 = arith.addf %mul3A, %mul3A_87 : vector<1024x64xf32>
    %swap3A = arith.constant 0 : index
    %swap3A_89 = arith.constant 0 : index
    %swap3A_90 = vector.load %arg16[%swap3A, %swap3A_89] : memref<1024x64xf32, #tpu.memory_space<vmem>>, vector<1024x64xf32>
    tpu.vector_store %arg16[%swap3A, %swap3A_89], %add3A_88 {strides = array<i32>} : memref<1024x64xf32, #tpu.memory_space<vmem>>, vector<1024x64xf32>,
    %tanh3A_91 = math.tanh %add3A_88 : vector<1024x64xf32>
    %mul3A_92 = arith.mulf %logistic3A_83, %tanh3A_91 : vector<1024x64xf32>
    %swap3A_93 = arith.constant 0 : index
    %swap3A_94 = arith.constant 0 : index
    %swap3A_95 = vector.load %arg15[%swap3A_93, %swap3A_94] : memref<1024x64xf32, #tpu.memory_space<vmem>>, vector<1024x64xf32>
    tpu.vector_store %arg15[%swap3A_93, %swap3A_94], %mul3A_92 {strides = array<i32>} : memref<1024x64xf32, #tpu.memory_space<vmem>>, vector<1024x64xf32>,
    return
  }
}

</mosaic_0001>

<sc_bundles>
// kernel: kernel.26.cloned.1.call-start
scs
__scs_entry_jumppad:
0x0: {  	(pc) =	sbr.rel $0x88, $3  }
0x1: {  	(tag) =	ssettag $0x0;
	lr =	simm.s32 $0x1  }
0x2: {  	[smem:$0x3F89] =	sst lr;
	_ =	strace $0xD0000000  }
0x3: {  	_ = 	snop  }
0x4: {  	_ = 	snop  }
0x5: {  	_ = 	snop  }
0x6: {  	_ = 	snop  }
0x7: {  	_ = 	snop  }
__scs_overlays_trampoline_lowered:
0x8: {  	[smem:$0x3F98] =	sst s0  }
0x9: {  	[smem:$0x3F99] =	sst s1  }
0xa: {  	[smem:$0x3F9A] =	sst s2  }
0xb: {  	[smem:$0x3F9B] =	sst s3  }
0xc: {  	[smem:$0x3F9C] =	sst s4  }
0xd: {  	[smem:$0x3F9D] =	sst s5  }
0xe: {  	[smem:$0x3F9E] =	sst s6  }
0xf: {  	[smem:$0x3F9F] =	sst s7  }
0x10: {  	[smem:$0x3FA0] =	sst s8  }
0x11: {  	[smem:$0x3FA1] =	sst s9;
	s0 =	simm.s32 @!p0 $0x0  }
0x12: {  	s1 =	sld [smem:$0x3F87];
	s0 =	simm.s32 @p0 $0x1  }
0x13: {  	[smem:$0x3FA2] =	sst s0;
	s0 =	simm.s32 @!p1 $0x0  }
0x14: {  	s2 =	sld [smem:$0x3F86];
	s0 =	simm.s32 @p1 $0x1  }
0x15: {  	[smem:$0x3FA3] =	sst s0;
	s0 =	simm.s32 @!p2 $0x0  }
0x16: {  	s3 =	sld [smem:$0x3FDB];
	s0 =	simm.s32 @p2 $0x1  }
0x17: {  	s4 =	simm.s32 $0x1BF5;
	[smem:$0x3FA5] =	sst s0  }
0x18: {  	s0 =	sld [smem:$0x3F88];
	_ =	swait.ge [sflag:s4], $0x0  }
0x19: {  	s7 =	sld [smem:$0x3F89]  }
0x1a: {  	s8 =	sadd.s32 $0xFFFFE003, lr  }
0x1b: {  	s9 =	sadd.s32 $0xFFFFFEF7, lr;
	s5 =	simm.s32 $0xFFFFFFFF;
	p2 =	slt.u32 s8, $0xFFFFF086  }
0x1c: {  	p1 =	slt.u32 s9, $0xF7A;
	s5 =	simm.s32 @!p2 $0x0  }
0x1d: {  	s5 =	simm.s32 @p1 $0x1;
	p0 =	seq.s32 s7, s2  }
0x1e: {  	s7 =	smul.u32 @!p0 $0xF7A, s2;
	p2 =	seq.s32 @!p0 s5, $0x0  }
0x1f: {  	s9 =	smul.u32 $0xF7A, s1;
	s8 =	simm.s32 @!p0 $0x1BF5;
	p2 =	por !p2, p0  }
0x20: {  	[sflag:s8] =	ssyncset.s32 @!p0 $0xFFFFF086;
	s6 =	sadd.s32 @!p0 s3, s7;
	s7 =	simm.s32 @!p0 $0x108  }
0x21: {  	s3 =	sadd.s32 s3, s9;
	s6 =	sadd.s32 @!p0 $0x88, s6;
	s7 =	simm.s32 @p2 $0x1082  }
0x22: {  	[simem:s7], [sflag:s8] =	dma.local @!p0 [hbm:s6], $0xF7A  }
0x23: {  	s9 =	sor.u32 $0xD0000000, s2;
	s6 =	simm.s32 $0x108;
	_ =	swait.ge @!p0 [sflag:s8], $0x0  }
0x24: {  	s3 =	sadd.s32 $0x88, s3;
	s6 =	simm.s32 @!p1 $0x1082;
	[sflag:s4] =	ssyncset.s32 $0xFFFFF086  }
0x25: {  	[simem:s6], [sflag:s4] =	dma.local [hbm:s3], $0xF7A  }
0x26: {  	[smem:$0x3F89] =	sst s1;
	(tag) =	ssettag s2;
	_ =	strace s9  }
0x27: {  	s1 =	sld [smem:$0x3F99]  }
0x28: {  	s2 =	sld [smem:$0x3F9A]  }
0x29: {  	s4 =	sld [smem:$0x3F9C]  }
0x2a: {  	p0 =	seq.s32 s5, $0x0;
	s5 =	sld [smem:$0x3F9D]  }
0x2b: {  	s6 =	sld [smem:$0x3F9E]  }
0x2c: {  	s7 =	sld [smem:$0x3F9F]  }
0x2d: {  	s3 =	simm.s32 $0x108;
	s8 =	sld [smem:$0x3FA0]  }
0x2e: {  	s3 =	simm.s32 @!p0 $0x1082;
	s9 =	sld [smem:$0x3FA1]  }
0x2f: {  	lr =	sadd.s32 s0, s3;
	s0 =	sld [smem:$0x3F98]  }
0x30: {  	s3 =	sld [smem:$0x3F9B]  }
0x31: {  	[smem:$0x3FA4] =	sst s10  }
0x32: {  	s10 =	sld [smem:$0x3FA2];
	_ =	sdelay $0x3  }
0x33: {  	p0 =	seq.s32 s10, $0x1;
	s10 =	sld [smem:$0x3FA4];
	_ =	sdelay $0x3  }
0x34: {  	[smem:$0x3FA4] =	sst s10  }
0x35: {  	s10 =	sld [smem:$0x3FA3];
	_ =	sdelay $0x3  }
0x36: {  	p1 =	seq.s32 s10, $0x1;
	s10 =	sld [smem:$0x3FA4];
	_ =	sdelay $0x3  }
0x37: {  	[smem:$0x3FA4] =	sst s10  }
0x38: {  	s10 =	sld [smem:$0x3FA5]  }
0x39: {  	_ = 	snop;
	(pc) =	sbr.ind lr, $3  }
0x3a: {  	_ = 	snop  }
0x3b: {  	_ = 	snop  }
0x3c: {  	p2 =	seq.s32 s10, $0x1;
	s10 =	sld [smem:$0x3FA4]  }
0x3d: {  	_ =	shalt  }
0x3e: {  	_ =	shalt  }
0x3f: {  	_ =	shalt  }
0x40: {  	_ =	shalt  }
0x41: {  	_ =	shalt  }
0x42: {  	_ =	shalt  }
0x43: {  	_ =	shalt  }
0x44: {  	_ =	shalt  }
0x45: {  	_ =	shalt  }
0x46: {  	_ =	shalt  }
0x47: {  	_ =	shalt  }
0x48: {  	_ =	shalt  }
0x49: {  	_ =	shalt  }
0x4a: {  	_ =	shalt  }
0x4b: {  	_ =	shalt  }
0x4c: {  	_ =	shalt  }
0x4d: {  	_ =	shalt  }
0x4e: {  	_ =	shalt  }
0x4f: {  	_ =	shalt  }
0x50: {  	_ =	shalt  }
0x51: {  	_ =	shalt  }
0x52: {  	_ =	shalt  }
0x53: {  	_ =	shalt  }
0x54: {  	_ =	shalt  }
0x55: {  	_ =	shalt  }
0x56: {  	_ =	shalt  }
0x57: {  	_ =	shalt  }
0x58: {  	_ =	shalt  }
0x59: {  	_ =	shalt  }
0x5a: {  	_ =	shalt  }
0x5b: {  	_ =	shalt  }
0x5c: {  	_ =	shalt  }
0x5d: {  	_ =	shalt  }
0x5e: {  	_ =	shalt  }
0x5f: {  	_ =	shalt  }
0x60: {  	_ =	shalt  }
0x61: {  	_ =	shalt  }
0x62: {  	_ =	shalt  }
0x63: {  	_ =	shalt  }
0x64: {  	_ =	shalt  }
0x65: {  	_ =	shalt  }
0x66: {  	_ =	shalt  }
0x67: {  	_ =	shalt  }
0x68: {  	_ =	shalt  }
0x69: {  	_ =	shalt  }
0x6a: {  	_ =	shalt  }
0x6b: {  	_ =	shalt  }
0x6c: {  	_ =	shalt  }
0x6d: {  	_ =	shalt  }
0x6e: {  	_ =	shalt  }
0x6f: {  	_ =	shalt  }
0x70: {  	_ =	shalt  }
0x71: {  	_ =	shalt  }
0x72: {  	_ =	shalt  }
0x73: {  	_ =	shalt  }
0x74: {  	_ =	shalt  }
0x75: {  	_ =	shalt  }
0x76: {  	_ =	shalt  }
0x77: {  	_ =	shalt  }
0x78: {  	_ =	shalt  }
0x79: {  	_ =	shalt  }
0x7a: {  	_ =	shalt  }
0x7b: {  	_ =	shalt  }
0x7c: {  	_ =	shalt  }
0x7d: {  	_ =	shalt  }
0x7e: {  	_ =	shalt  }
0x7f: {  	_ =	shalt  }
0x80: {  	_ =	shalt  }
0x81: {  	_ =	shalt  }
0x82: {  	_ =	shalt  }
0x83: {  	_ =	shalt  }
0x84: {  	_ =	shalt  }
0x85: {  	_ =	shalt  }
0x86: {  	_ =	shalt  }
0x87: {  	_ =	shalt  }
.Lfunc_end0:
.L_simem_size_0:
called_computation_lowered:
.L_overlay_start_0:
0x88: {  	s2 =	sld [smem:$0x3FD9]  }
0x89: {  	s3 =	sld [smem:$0x3FFE];
	_ =	sdelay $0x1  }
0x8a: {  	s1 =	srdreg.scid  }
0x8b: {  	s0 =	sand.u32 $0x1, s1  }
0x8c: {  	s16 =	sshll.u32 s0, $0xA;
	s2 =	sadd.s32 s3, s2  }
0x8d: {  	s2 =	sadd.s32 s2, s16  }
0x8e: {  	[smem:$0x3FB0] =	sst s2  }
0x8f: {  	_ = 	snop  }
0x90: {  	(tm) =	ssettm $0x1  }
0x91: {  	s17 =	sld [smem:$0x3FFB];
	_ =	sdelay $0x3  }
0x92: {  	_ =	strace s17  }
0x93: {  	s2 =	sld [smem:$0x3FFC];
	_ =	sdelay $0x3  }
0x94: {  	_ =	strace s2  }
0x95: {  	s2 =	sld [smem:$0x3FFD];
	_ =	sdelay $0x3  }
0x96: {  	_ =	strace s2  }
0x97: {  	_ =	strace $0x8FFFFFFF  }
0x98: {  	s18 =	sld [smem:$0x3FDB];
	_ =	sdelay $0x1  }
0x99: {  	s19 =	simm.s32 $_scs_section_size  }
0x9a: {  	s4 =	simm.s32 $_size__tile_overlayer_lowered;
	s5 =	simm.s32 $_tile_overlayer_lowered  }
0x9b: {  	s22 =	simm.s32 $0x1BFF;
	s21 =	sshll.u32 s5, $0x1;
	s2 =	sadd.s32 s19, s18  }
0x9c: {  	s6 =	simm.s32 $0x0;
	s20 =	sshll.u32 s4, $0x1;
	s4 =	sadd.s32 s21, s2  }
0x9d: {  	[timem:s6], [sflag:s22] =	dma.local [hbm:s4], s20  }
0x9e: {  	_ =	swait.ge [sflag:s22], s20  }
0x9f: {  	s3 =	ssub.s32 $0x0, s20;
	[sflag:s22] =	ssyncset.done $0x0  }
0xa0: {  	[sflag:s22] =	ssyncadd.s32 s3;
	_ =	sdelay $0x1  }
0xa1: {  	s23 =	simm.s32 $0x1B8B  }
0xa2: {  	_ =	swait.ge [sflag:s23], $0x1  }
0xa3: {  	[sflag:s23] =	ssyncset.done $0x0  }
0xa4: {  	s25 =	simm.s32 $0x1B8E;
	s24 =	sld [smem:$0x3FFE];
	[sflag:s23] =	ssyncadd.s32 $0xFFFFFFFF  }
0xa5: {  	s26 =	simm.s32 $execute0_lowered;
	[smem:$0x3FD2] =	sst s25  }
0xa6: {  	s4 =	sshll.u32 s26, $0x1;
	_ =	strace $0x80000046;
	[dreg:$0x1] =	wrdreg $0xFFFFFFFF  }
0xa7: {  	s28 =	simm.s32 $_size_execute0_lowered;
	s2 =	sadd.s32 s2, s4;
	[dreg:$0x0] =	wrdreg $0x0  }
0xa8: {  	s4 =	sshll.u32 s28, $0x1;
	[dreg:$0x2] =	wrdreg s2  }
0xa9: {  	[dreg:$0x3] =	wrdreg s4  }
0xaa: {  	[dreg:$0x4] =	wrdreg $0xC0  }
0xab: {  	_ =	task [dreg:s6], $0x5FFFF  }
0xac: {  	[dreg:$0x1] =	wrdreg $0xFFFFFFFF  }
0xad: {  	[dreg:$0x0] =	wrdreg $0x60  }
0xae: {  	[dreg:$0x2] =	wrdreg s24  }
0xaf: {  	[dreg:$0x3] =	wrdreg $0x9  }
0xb0: {  	_ =	task.clear_ibuf [dreg:s6], $0x4FFFF;
	_ =	strace $0x90000046  }
0xb1: {  	s29 =	simm.s32 $0x9;
	_ =	strace $0x80000048  }
0xb2: {  	_ =	swait.ge [sflag:s29], $0x1  }
0xb3: {  	[sflag:s29] =	ssyncadd.s32 $0xFFFFFFFF  }
0xb4: {  	_ =	strace $0x90000048  }
0xb5: {  	_ =	sfence  }
0xb6: {  	s30 =	sld [smem:$0x0];
	_ =	sdelay $0x2  }
0xb7: {  	s31 =	sshll.u32 s1, $0xD;
	s1 =	sshrl.u32 s1, $0x2  }
0xb8: {  	s3 =	sand.u32 $0x4000, s31;
	s1 =	sadd.s32 s1, s30  }
0xb9: {  	s0 =	sor.u32 s3, s0;
	s1 =	sshll.u32 s1, $0x11  }
0xba: {  	s0 =	sor.u32 s1, s0  }
0xbb: {  	s0 =	sadd.s32 $0x8F2B, s0  }
0xbc: {  	[sflag:s0] =	ssyncadd.remote.s32 $0x1  }
0xbd: {  	_ =	sfence.sel $0xFFFF  }
0xbe: {  	[dreg:$0x0] =	wrdreg $0xFFFFFFFF;
	(pc) =	sbr.abs _section_cstart, $3  }
0xbf: {  	[dreg:$0x1] =	wrdreg $0xFFFFFFFF  }
0xc0: {  	_ =	task.clear_ibuf [dreg:s6], $0x2FFFF;
	_ =	strace $0x9FFFFFFF  }
0xc1: {  	(tm) =	ssettm $0x7FFFFFFF  }
tec
execute0_lowered:
.L_overlay_start_1:
0x0: {  	(tag) =	ssettag $0x1  }
0x1: {  	s1 =	srdreg.scid  }
0x2: {  	s0 =	stileid.u32;
	s4 =	rddreg [dreg:$0x0];
	s2 =	simm.s32 $0x0  }
0x3: {  	s11 =	simm.s32 $0x5400;
	s12 =	simm.s32 $0x9400;
	s13 =	simm.s32 $0xD400  }
0x4: {  	s14 =	simm.s32 $0x1;
	s15 =	simm.s32 $0x0;
	s7 =	smul.u32 $0x140000, s0  }
0x5: {  	s5 =	sand.u32 $0x1, s1;
	s1 =	rddreg [dreg:$0x1];
	s28 =	smul.u32 $0x28000, s0  }
0x6: {  	s3 =	sshll.u32 s0, $0x1;
	[smem:$0x7FF] =	sst s2;
	s9 =	smul.u32 $0xA0000, s5  }
0x7: {  	s10 =	sadd.s32 $0x3F800, s4;
	s3 =	sor.u32 s5, s3;
	s30 =	smul.u32 $0x14000, s5  }
0x8: {  	_ =	strace $0x80000047;
	s8 =	ssub.s32 $0x2, s5;
	s6 =	smul.u32 $0x1400, s3  }
0x9: {  	s3 =	sadd.s32 $0x17800, s4;
	s26 =	sshrl.u32 s8, $0x1;
	s31 =	sadd.s32 s28, s10  }
0xa: {  	s8 =	ssub.s32 s8, s26;
	s7 =	sadd.s32 s9, s7;
	s9 =	simm.s32 $0x80  }
0xb: {  	s6 =	sshrl.u32 s6, $0x3;
	s29 =	sshrl.u32 s7, $0x3;
	s5 =	smax.u32 s8, $0x1  }
0xc: {  	s7 =	sadd.s32 s30, s31;
	s8 =	simm.s32 $0x2;
	s6 =	sadd.s32 s6, s4  }
0xd: {  	s4 =	sadd.s32 $0x12800, s6;
	s6 =	sadd.s32 s29, s10;
	s10 =	simm.s32 $0x1400  }
.LBB2_1:
0xe: {  	[tilespmem:s2], [sflag:$0x2] =	stream.linear.gather [hbm4b:s4+s2], $0x1400, $0x38;
	[tilespmem:$0x11400] =	vst v63  }
0xf: {  	_ =	swait.ge [sflag:s8], $0x1400  }
0x10: {  	[sflag:s8] =	ssyncset.done $0x0  }
0x11: {  	[sflag:s8] =	ssyncadd.s32 $0xFFFFEC00  }
0x12: {  	[tilespmem:s10], [sflag:$0x1] =	stream.indirect.gather [hbm4b:s3+s9], $0x80, s2, s9, $0xb8;
	[tilespmem:$0x11400] =	vst v63  }
0x13: {  	s16 =	simm.s32 $0x80  }
0x14: {  	[tilespmem:s11], [sflag:$0x1] =	stream.indirect.gather [hbm4b:s3+s9], $0x80, s16, s9, $0xb8;
	[tilespmem:$0x11400] =	vst v63  }
0x15: {  	s26 =	simm.s32 $0x100  }
0x16: {  	[tilespmem:s12], [sflag:$0x1] =	stream.indirect.gather [hbm4b:s3+s9], $0x80, s26, s9, $0xb8;
	[tilespmem:$0x11400] =	vst v63  }
0x17: {  	s28 =	simm.s32 $0x180  }
0x18: {  	[tilespmem:s13], [sflag:$0x1] =	stream.indirect.gather [hbm4b:s3+s9], $0x80, s28, s9, $0xb8;
	[tilespmem:$0x11400] =	vst v63  }
0x19: {  	_ =	swait.ge [sflag:s14], $0x4000  }
0x1a: {  	[sflag:s14] =	ssyncset.done $0x0  }
0x1b: {  	[sflag:s14] =	ssyncadd.s32 $0xFFFFC000  }
0x1c: {  	_ =	swait.ge [sflag:s14], $0x4000  }
0x1d: {  	[sflag:s14] =	ssyncset.done $0x0  }
0x1e: {  	[sflag:s14] =	ssyncadd.s32 $0xFFFFC000  }
0x1f: {  	_ =	swait.ge [sflag:s14], $0x4000  }
0x20: {  	[sflag:s14] =	ssyncset.done $0x0  }
0x21: {  	[sflag:s14] =	ssyncadd.s32 $0xFFFFC000  }
0x22: {  	_ =	swait.ge [sflag:s14], $0x4000  }
0x23: {  	[sflag:s14] =	ssyncset.done $0x0  }
0x24: {  	s29 =	sadd.s32 $0x0, s6;
	[sflag:s14] =	ssyncadd.s32 $0xFFFFC000  }
0x25: {  	[hbm4b:s29+s2] =	stream.linear.scatter [tilespmem:s10], [sflag:$0x2], $0x4000, $0x38;
	[tilespmem:$0x11400] =	vst v63  }
0x26: {  	_ =	swait.ge [sflag:s8], $0x4000  }
0x27: {  	s30 =	sadd.s32 $0x0, s7;
	[sflag:s8] =	ssyncset.done $0x0  }
0x28: {  	s17 =	sadd.s32 $0x800, s30;
	[sflag:s8] =	ssyncadd.s32 $0xFFFFC000  }
0x29: {  	[hbm4b:s17+s2] =	stream.linear.scatter [tilespmem:s11], [sflag:$0x2], $0x4000, $0x38;
	[tilespmem:$0x11400] =	vst v63  }
0x2a: {  	_ =	swait.ge [sflag:s8], $0x4000  }
0x2b: {  	[sflag:s8] =	ssyncset.done $0x0  }
0x2c: {  	s31 =	sadd.s32 $0x1000, s30;
	[sflag:s8] =	ssyncadd.s32 $0xFFFFC000  }
0x2d: {  	[hbm4b:s31+s2] =	stream.linear.scatter [tilespmem:s12], [sflag:$0x2], $0x4000, $0x38;
	[tilespmem:$0x11400] =	vst v63  }
0x2e: {  	_ =	swait.ge [sflag:s8], $0x4000  }
0x2f: {  	[sflag:s8] =	ssyncset.done $0x0  }
0x30: {  	s16 =	sadd.s32 $0x1800, s30;
	[sflag:s8] =	ssyncadd.s32 $0xFFFFC000  }
0x31: {  	[hbm4b:s16+s2] =	stream.linear.scatter [tilespmem:s13], [sflag:$0x2], $0x4000, $0x38;
	[tilespmem:$0x11400] =	vst v63  }
0x32: {  	_ =	swait.ge [sflag:s8], $0x4000  }
0x33: {  	s17 =	simm.s32 $0x0;
	s16 =	simm.s32 $0x2000;
	[sflag:s8] =	ssyncset.done $0x0  }
.LBB2_2:
0x34: {  	p0 =	sne.s32 s16, $0x12000;
	[sflag:s8] =	ssyncadd.s32 $0xFFFFC000;
	s17 =	sadd.s32 $0x200, s17  }
0x35: {  	[tilespmem:s10], [sflag:$0x1] =	stream.indirect.gather [hbm4b:s3+s9], $0x80, s17, s9, $0xb8;
	[tilespmem:$0x11400] =	vst v63  }
0x36: {  	s19 =	smov.u32 s16;
	s16 =	sadd.s32 $0x2000, s16;
	s18 =	sadd.s32 $0x80, s17  }
0x37: {  	[tilespmem:s11], [sflag:$0x1] =	stream.indirect.gather [hbm4b:s3+s9], $0x80, s18, s9, $0xb8;
	[tilespmem:$0x11400] =	vst v63  }
0x38: {  	s18 =	sadd.s32 $0x100, s17  }
0x39: {  	[tilespmem:s12], [sflag:$0x1] =	stream.indirect.gather [hbm4b:s3+s9], $0x80, s18, s9, $0xb8;
	[tilespmem:$0x11400] =	vst v63  }
0x3a: {  	s18 =	sadd.s32 $0x180, s17  }
0x3b: {  	[tilespmem:s13], [sflag:$0x1] =	stream.indirect.gather [hbm4b:s3+s9], $0x80, s18, s9, $0xb8;
	[tilespmem:$0x11400] =	vst v63  }
0x3c: {  	_ =	swait.ge [sflag:s14], $0x4000  }
0x3d: {  	[sflag:s14] =	ssyncset.done $0x0  }
0x3e: {  	[sflag:s14] =	ssyncadd.s32 $0xFFFFC000  }
0x3f: {  	_ =	swait.ge [sflag:s14], $0x4000  }
0x40: {  	[sflag:s14] =	ssyncset.done $0x0  }
0x41: {  	[sflag:s14] =	ssyncadd.s32 $0xFFFFC000  }
0x42: {  	_ =	swait.ge [sflag:s14], $0x4000  }
0x43: {  	[sflag:s14] =	ssyncset.done $0x0  }
0x44: {  	[sflag:s14] =	ssyncadd.s32 $0xFFFFC000  }
0x45: {  	_ =	swait.ge [sflag:s14], $0x4000  }
0x46: {  	[sflag:s14] =	ssyncset.done $0x0  }
0x47: {  	s18 =	sadd.s32 s19, s6;
	[sflag:s14] =	ssyncadd.s32 $0xFFFFC000  }
0x48: {  	[hbm4b:s18+s2] =	stream.linear.scatter [tilespmem:s10], [sflag:$0x2], $0x4000, $0x38;
	[tilespmem:$0x11400] =	vst v63  }
0x49: {  	_ =	swait.ge [sflag:s8], $0x4000  }
0x4a: {  	s18 =	sadd.s32 s19, s7;
	[sflag:s8] =	ssyncset.done $0x0  }
0x4b: {  	s19 =	sadd.s32 $0x800, s18;
	[sflag:s8] =	ssyncadd.s32 $0xFFFFC000  }
0x4c: {  	[hbm4b:s19+s2] =	stream.linear.scatter [tilespmem:s11], [sflag:$0x2], $0x4000, $0x38;
	[tilespmem:$0x11400] =	vst v63  }
0x4d: {  	_ =	swait.ge [sflag:s8], $0x4000  }
0x4e: {  	[sflag:s8] =	ssyncset.done $0x0  }
0x4f: {  	s19 =	sadd.s32 $0x1000, s18;
	[sflag:s8] =	ssyncadd.s32 $0xFFFFC000  }
0x50: {  	[hbm4b:s19+s2] =	stream.linear.scatter [tilespmem:s12], [sflag:$0x2], $0x4000, $0x38;
	[tilespmem:$0x11400] =	vst v63  }
0x51: {  	_ =	swait.ge [sflag:s8], $0x4000  }
.Ltmp0:
0x52: {  	[sflag:s8] =	ssyncset.done $0x0;
	(pc) =	sbr.rel @p0 .LBB2_2-.Ltmp0, $4  }
0x53: {  	s18 =	sadd.s32 $0x1800, s18;
	[sflag:s8] =	ssyncadd.s32 $0xFFFFC000  }
0x54: {  	[hbm4b:s18+s2] =	stream.linear.scatter [tilespmem:s13], [sflag:$0x2], $0x4000, $0x38;
	[tilespmem:$0x11400] =	vst v63  }
0x55: {  	_ =	swait.ge [sflag:s8], $0x4000  }
0x56: {  	[sflag:s8] =	ssyncset.done $0x0  }
0x57: {  	s15 =	sadd.s32 $0x1, s15  }
0x58: {  	p0 =	sne.s32 s15, s5  }
.Ltmp1:
0x59: {  	_ = 	snop;
	(pc) =	sbr.rel @p0 .LBB2_1-.Ltmp1, $2  }
0x5a: {  	_ =	sdelay $0x2  }
0x5b: {  	[sflag:s8] =	ssyncadd.s32 $0xFFFFC000  }
0x5c: {  	_ =	sfence.sel $0x180000  }
0x5d: {  	[bflag:$0x0] =	sbarrier.arrive $0xFFFF  }
0x5e: {  	p0 =	sne.s32 s0, $0x0;
	_ =	strace $0x90000047  }
0x5f: {  	s0 =	sadd.s32 @!p0 $0x100000, s1;
	[bflag:$0x2] =	sbarrier.arrive $0xFFFF  }
0x60: {  	[sflag:s0] =	ssyncadd.tile.s32 @!p0 $0x1;
	_ =	shalt  }
.Lfunc_end2:
_tile_overlayer_lowered:
.L_overlay_start_2:
0x61: {  	(tag) =	ssettag $0x2  }
0x62: {  	s0 =	rddreg [dreg:$0x0];
	s2 =	stileid.u32  }
0x63: {  	s1 =	rddreg [dreg:$0x1];
	p0 =	sne.s32 s2, $0x0  }
0x64: {  	s3 =	rddreg [dreg:$0x2];
	[bflag:$0x3] =	sbarrier.arrive $0xFFFF;
	s2 =	simm.s32 @!p0 $0x1C02  }
0x65: {  	[timem:s3], [sflag:s2] =	dma.local @!p0 [hbm:s0], s1  }
0x66: {  	s0 =	simm.s32 @!p0 $0x2  }
0x67: {  	_ =	swait.ge @!p0 [sflag:s0], s1  }
0x68: {  	s1 =	ssub.s32 @!p0 $0x0, s1;
	[sflag:s0] =	ssyncset.done @!p0 $0x0  }
0x69: {  	[sflag:s0] =	ssyncadd.s32 @!p0 s1  }
0x6a: {  	[bflag:$0x3] =	sbarrier.arrive $0xFFFF  }
0x6b: {  	_ =	shalt  }

// kernel: kernel.29.cloned.1.call-start
scs
__scs_entry_jumppad:
0x0: {  	(pc) =	sbr.rel $0x88, $3  }
0x1: {  	(tag) =	ssettag $0x0;
	lr =	simm.s32 $0x1  }
0x2: {  	[smem:$0x3F89] =	sst lr;
	_ =	strace $0xD0000000  }
0x3: {  	_ = 	snop  }
0x4: {  	_ = 	snop  }
0x5: {  	_ = 	snop  }
0x6: {  	_ = 	snop  }
0x7: {  	_ = 	snop  }
__scs_overlays_trampoline_lowered:
0x8: {  	[smem:$0x3F98] =	sst s0  }
0x9: {  	[smem:$0x3F99] =	sst s1  }
0xa: {  	[smem:$0x3F9A] =	sst s2  }
0xb: {  	[smem:$0x3F9B] =	sst s3  }
0xc: {  	[smem:$0x3F9C] =	sst s4  }
0xd: {  	[smem:$0x3F9D] =	sst s5  }
0xe: {  	[smem:$0x3F9E] =	sst s6  }
0xf: {  	[smem:$0x3F9F] =	sst s7  }
0x10: {  	[smem:$0x3FA0] =	sst s8  }
0x11: {  	[smem:$0x3FA1] =	sst s9;
	s0 =	simm.s32 @!p0 $0x0  }
0x12: {  	s1 =	sld [smem:$0x3F87];
	s0 =	simm.s32 @p0 $0x1  }
0x13: {  	[smem:$0x3FA2] =	sst s0;
	s0 =	simm.s32 @!p1 $0x0  }
0x14: {  	s2 =	sld [smem:$0x3F86];
	s0 =	simm.s32 @p1 $0x1  }
0x15: {  	[smem:$0x3FA3] =	sst s0;
	s0 =	simm.s32 @!p2 $0x0  }
0x16: {  	s3 =	sld [smem:$0x3FDB];
	s0 =	simm.s32 @p2 $0x1  }
0x17: {  	s4 =	simm.s32 $0x1BF5;
	[smem:$0x3FA5] =	sst s0  }
0x18: {  	s0 =	sld [smem:$0x3F88];
	_ =	swait.ge [sflag:s4], $0x0  }
0x19: {  	s7 =	sld [smem:$0x3F89]  }
0x1a: {  	s8 =	sadd.s32 $0xFFFFE003, lr  }
0x1b: {  	s9 =	sadd.s32 $0xFFFFFEF7, lr;
	s5 =	simm.s32 $0xFFFFFFFF;
	p2 =	slt.u32 s8, $0xFFFFF086  }
0x1c: {  	p1 =	slt.u32 s9, $0xF7A;
	s5 =	simm.s32 @!p2 $0x0  }
0x1d: {  	s5 =	simm.s32 @p1 $0x1;
	p0 =	seq.s32 s7, s2  }
0x1e: {  	s7 =	smul.u32 @!p0 $0xF7A, s2;
	p2 =	seq.s32 @!p0 s5, $0x0  }
0x1f: {  	s9 =	smul.u32 $0xF7A, s1;
	s8 =	simm.s32 @!p0 $0x1BF5;
	p2 =	por !p2, p0  }
0x20: {  	[sflag:s8] =	ssyncset.s32 @!p0 $0xFFFFF086;
	s6 =	sadd.s32 @!p0 s3, s7;
	s7 =	simm.s32 @!p0 $0x108  }
0x21: {  	s3 =	sadd.s32 s3, s9;
	s6 =	sadd.s32 @!p0 $0x88, s6;
	s7 =	simm.s32 @p2 $0x1082  }
0x22: {  	[simem:s7], [sflag:s8] =	dma.local @!p0 [hbm:s6], $0xF7A  }
0x23: {  	s9 =	sor.u32 $0xD0000000, s2;
	s6 =	simm.s32 $0x108;
	_ =	swait.ge @!p0 [sflag:s8], $0x0  }
0x24: {  	s3 =	sadd.s32 $0x88, s3;
	s6 =	simm.s32 @!p1 $0x1082;
	[sflag:s4] =	ssyncset.s32 $0xFFFFF086  }
0x25: {  	[simem:s6], [sflag:s4] =	dma.local [hbm:s3], $0xF7A  }
0x26: {  	[smem:$0x3F89] =	sst s1;
	(tag) =	ssettag s2;
	_ =	strace s9  }
0x27: {  	s1 =	sld [smem:$0x3F99]  }
0x28: {  	s2 =	sld [smem:$0x3F9A]  }
0x29: {  	s4 =	sld [smem:$0x3F9C]  }
0x2a: {  	p0 =	seq.s32 s5, $0x0;
	s5 =	sld [smem:$0x3F9D]  }
0x2b: {  	s6 =	sld [smem:$0x3F9E]  }
0x2c: {  	s7 =	sld [smem:$0x3F9F]  }
0x2d: {  	s3 =	simm.s32 $0x108;
	s8 =	sld [smem:$0x3FA0]  }
0x2e: {  	s3 =	simm.s32 @!p0 $0x1082;
	s9 =	sld [smem:$0x3FA1]  }
0x2f: {  	lr =	sadd.s32 s0, s3;
	s0 =	sld [smem:$0x3F98]  }
0x30: {  	s3 =	sld [smem:$0x3F9B]  }
0x31: {  	[smem:$0x3FA4] =	sst s10  }
0x32: {  	s10 =	sld [smem:$0x3FA2];
	_ =	sdelay $0x3  }
0x33: {  	p0 =	seq.s32 s10, $0x1;
	s10 =	sld [smem:$0x3FA4];
	_ =	sdelay $0x3  }
0x34: {  	[smem:$0x3FA4] =	sst s10  }
0x35: {  	s10 =	sld [smem:$0x3FA3];
	_ =	sdelay $0x3  }
0x36: {  	p1 =	seq.s32 s10, $0x1;
	s10 =	sld [smem:$0x3FA4];
	_ =	sdelay $0x3  }
0x37: {  	[smem:$0x3FA4] =	sst s10  }
0x38: {  	s10 =	sld [smem:$0x3FA5]  }
0x39: {  	_ = 	snop;
	(pc) =	sbr.ind lr, $3  }
0x3a: {  	_ = 	snop  }
0x3b: {  	_ = 	snop  }
0x3c: {  	p2 =	seq.s32 s10, $0x1;
	s10 =	sld [smem:$0x3FA4]  }
0x3d: {  	_ =	shalt  }
0x3e: {  	_ =	shalt  }
0x3f: {  	_ =	shalt  }
0x40: {  	_ =	shalt  }
0x41: {  	_ =	shalt  }
0x42: {  	_ =	shalt  }
0x43: {  	_ =	shalt  }
0x44: {  	_ =	shalt  }
0x45: {  	_ =	shalt  }
0x46: {  	_ =	shalt  }
0x47: {  	_ =	shalt  }
0x48: {  	_ =	shalt  }
0x49: {  	_ =	shalt  }
0x4a: {  	_ =	shalt  }
0x4b: {  	_ =	shalt  }
0x4c: {  	_ =	shalt  }
0x4d: {  	_ =	shalt  }
0x4e: {  	_ =	shalt  }
0x4f: {  	_ =	shalt  }
0x50: {  	_ =	shalt  }
0x51: {  	_ =	shalt  }
0x52: {  	_ =	shalt  }
0x53: {  	_ =	shalt  }
0x54: {  	_ =	shalt  }
0x55: {  	_ =	shalt  }
0x56: {  	_ =	shalt  }
0x57: {  	_ =	shalt  }
0x58: {  	_ =	shalt  }
0x59: {  	_ =	shalt  }
0x5a: {  	_ =	shalt  }
0x5b: {  	_ =	shalt  }
0x5c: {  	_ =	shalt  }
0x5d: {  	_ =	shalt  }
0x5e: {  	_ =	shalt  }
0x5f: {  	_ =	shalt  }
0x60: {  	_ =	shalt  }
0x61: {  	_ =	shalt  }
0x62: {  	_ =	shalt  }
0x63: {  	_ =	shalt  }
0x64: {  	_ =	shalt  }
0x65: {  	_ =	shalt  }
0x66: {  	_ =	shalt  }
0x67: {  	_ =	shalt  }
0x68: {  	_ =	shalt  }
0x69: {  	_ =	shalt  }
0x6a: {  	_ =	shalt  }
0x6b: {  	_ =	shalt  }
0x6c: {  	_ =	shalt  }
0x6d: {  	_ =	shalt  }
0x6e: {  	_ =	shalt  }
0x6f: {  	_ =	shalt  }
0x70: {  	_ =	shalt  }
0x71: {  	_ =	shalt  }
0x72: {  	_ =	shalt  }
0x73: {  	_ =	shalt  }
0x74: {  	_ =	shalt  }
0x75: {  	_ =	shalt  }
0x76: {  	_ =	shalt  }
0x77: {  	_ =	shalt  }
0x78: {  	_ =	shalt  }
0x79: {  	_ =	shalt  }
0x7a: {  	_ =	shalt  }
0x7b: {  	_ =	shalt  }
0x7c: {  	_ =	shalt  }
0x7d: {  	_ =	shalt  }
0x7e: {  	_ =	shalt  }
0x7f: {  	_ =	shalt  }
0x80: {  	_ =	shalt  }
0x81: {  	_ =	shalt  }
0x82: {  	_ =	shalt  }
0x83: {  	_ =	shalt  }
0x84: {  	_ =	shalt  }
0x85: {  	_ =	shalt  }
0x86: {  	_ =	shalt  }
0x87: {  	_ =	shalt  }
.Lfunc_end0:
.L_simem_size_0:
called_computation.1_lowered:
.L_overlay_start_0:
0x88: {  	s2 =	sld [smem:$0x3FD9]  }
0x89: {  	s3 =	sld [smem:$0x3FFE];
	_ =	sdelay $0x1  }
0x8a: {  	s1 =	srdreg.scid  }
0x8b: {  	s0 =	sand.u32 $0x1, s1  }
0x8c: {  	s16 =	sshll.u32 s0, $0xA;
	s2 =	sadd.s32 s3, s2  }
0x8d: {  	s2 =	sadd.s32 s2, s16  }
0x8e: {  	[smem:$0x3FB0] =	sst s2  }
0x8f: {  	_ = 	snop  }
0x90: {  	(tm) =	ssettm $0x1  }
0x91: {  	s17 =	sld [smem:$0x3FFB];
	_ =	sdelay $0x3  }
0x92: {  	_ =	strace s17  }
0x93: {  	s2 =	sld [smem:$0x3FFC];
	_ =	sdelay $0x3  }
0x94: {  	_ =	strace s2  }
0x95: {  	s2 =	sld [smem:$0x3FFD];
	_ =	sdelay $0x3  }
0x96: {  	_ =	strace s2  }
0x97: {  	_ =	strace $0x8FFFFFFF  }
0x98: {  	s18 =	sld [smem:$0x3FDB];
	_ =	sdelay $0x1  }
0x99: {  	s19 =	simm.s32 $_scs_section_size  }
0x9a: {  	s4 =	simm.s32 $_size__tile_overlayer_lowered;
	s5 =	simm.s32 $_tile_overlayer_lowered  }
0x9b: {  	s22 =	simm.s32 $0x1BFF;
	s21 =	sshll.u32 s5, $0x1;
	s2 =	sadd.s32 s19, s18  }
0x9c: {  	s6 =	simm.s32 $0x0;
	s20 =	sshll.u32 s4, $0x1;
	s4 =	sadd.s32 s21, s2  }
0x9d: {  	[timem:s6], [sflag:s22] =	dma.local [hbm:s4], s20  }
0x9e: {  	_ =	swait.ge [sflag:s22], s20  }
0x9f: {  	s3 =	ssub.s32 $0x0, s20;
	[sflag:s22] =	ssyncset.done $0x0  }
0xa0: {  	[sflag:s22] =	ssyncadd.s32 s3;
	_ =	sdelay $0x1  }
0xa1: {  	s23 =	simm.s32 $0x1B8B  }
0xa2: {  	_ =	swait.ge [sflag:s23], $0x1  }
0xa3: {  	[sflag:s23] =	ssyncset.done $0x0  }
0xa4: {  	s25 =	simm.s32 $0x1B8E;
	s24 =	sld [smem:$0x3FFE];
	[sflag:s23] =	ssyncadd.s32 $0xFFFFFFFF  }
0xa5: {  	s26 =	simm.s32 $execute0_lowered;
	[smem:$0x3FD2] =	sst s25  }
0xa6: {  	s4 =	sshll.u32 s26, $0x1;
	_ =	strace $0x80000049;
	[dreg:$0x1] =	wrdreg $0xFFFFFFFF  }
0xa7: {  	s28 =	simm.s32 $_size_execute0_lowered;
	s2 =	sadd.s32 s2, s4;
	[dreg:$0x0] =	wrdreg $0x0  }
0xa8: {  	s4 =	sshll.u32 s28, $0x1;
	[dreg:$0x2] =	wrdreg s2  }
0xa9: {  	[dreg:$0x3] =	wrdreg s4  }
0xaa: {  	[dreg:$0x4] =	wrdreg $0xC0  }
0xab: {  	_ =	task [dreg:s6], $0x5FFFF  }
0xac: {  	[dreg:$0x1] =	wrdreg $0xFFFFFFFF  }
0xad: {  	[dreg:$0x0] =	wrdreg $0x60  }
0xae: {  	[dreg:$0x2] =	wrdreg s24  }
0xaf: {  	[dreg:$0x3] =	wrdreg $0x81000  }
0xb0: {  	[dreg:$0x4] =	wrdreg $0x9  }
0xb1: {  	_ =	task.clear_ibuf [dreg:s6], $0x5FFFF;
	_ =	strace $0x90000049  }
0xb2: {  	s29 =	simm.s32 $0x9;
	_ =	strace $0x8000004B  }
0xb3: {  	_ =	swait.ge [sflag:s29], $0x1  }
0xb4: {  	[sflag:s29] =	ssyncadd.s32 $0xFFFFFFFF  }
0xb5: {  	_ =	strace $0x9000004B  }
0xb6: {  	_ =	sfence  }
0xb7: {  	s30 =	sld [smem:$0x0];
	_ =	sdelay $0x2  }
0xb8: {  	s31 =	sshll.u32 s1, $0xD;
	s1 =	sshrl.u32 s1, $0x2  }
0xb9: {  	s3 =	sand.u32 $0x4000, s31;
	s1 =	sadd.s32 s1, s30  }
0xba: {  	s0 =	sor.u32 s3, s0;
	s1 =	sshll.u32 s1, $0x11  }
0xbb: {  	s0 =	sor.u32 s1, s0  }
0xbc: {  	s0 =	sadd.s32 $0x8F2B, s0  }
0xbd: {  	[sflag:s0] =	ssyncadd.remote.s32 $0x1  }
0xbe: {  	_ =	sfence.sel $0xFFFF  }
0xbf: {  	[dreg:$0x0] =	wrdreg $0xFFFFFFFF;
	(pc) =	sbr.abs _section_cstart, $3  }
0xc0: {  	[dreg:$0x1] =	wrdreg $0xFFFFFFFF  }
0xc1: {  	_ =	task.clear_ibuf [dreg:s6], $0x2FFFF;
	_ =	strace $0x9FFFFFFF  }
0xc2: {  	(tm) =	ssettm $0x7FFFFFFF  }
0xc3: {  	_ =	shalt  }
tec
execute0_lowered:
.L_overlay_start_1:
0x0: {  	(tag) =	ssettag $0x1  }
0x1: {  	s7 =	rddreg [dreg:$0x0]  }
0x2: {  	s1 =	rddreg [dreg:$0x1];
	s2 =	srdreg.scid;
	s3 =	simm.s32 $0x0  }
0x3: {  	s18 =	simm.s32 $0x80;
	s19 =	simm.s32 $0x4100;
	s9 =	sand.u32 $0x1, s2  }
0x4: {  	s20 =	simm.s32 $0x1;
	s2 =	stileid.u32;
	s5 =	smul.u32 $0x140000, s9  }
0x5: {  	s21 =	simm.s32 $0x100;
	[smem:$0x7FF] =	sst s3;
	s6 =	smul.u32 $0x14000, s2  }
0x6: {  	s14 =	sadd.s32 $0x414C00, s7;
	s4 =	sshll.u32 s2, $0x1;
	s12 =	smul.u32 $0x50000, s2  }
0x7: {  	_ =	strace $0x8000004A;
	s22 =	ssub.s32 $0x2, s9;
	s23 =	smul.u32 $0x140000, s2  }
0x8: {  	s25 =	smul.u32 $0xA0000, s9;
	s31 =	sshll.u32 s2, $0x6;
	s8 =	sor.u32 s9, s4  }
0x9: {  	s4 =	sadd.s32 $0x2C7C00, s7;
	s10 =	sadd.s32 s6, s5;
	s5 =	smul.u32 $0x1400, s8  }
0xa: {  	s13 =	sshrl.u32 s22, $0x1;
	s6 =	sadd.s32 $0xD800, s7;
	s11 =	smul.u32 $0x14000, s8  }
0xb: {  	s16 =	smul.u32 $0xA0000, s8;
	s13 =	ssub.s32 s22, s13;
	s24 =	sshrl.u32 s12, $0x2  }
0xc: {  	s12 =	sadd.s32 s25, s23;
	s22 =	simm.s32 $0x2;
	s23 =	simm.s32 $0x0  }
0xd: {  	s10 =	sshrl.u32 s10, $0x3;
	s17 =	sadd.s32 s24, s1;
	s28 =	sor.u32 $0x8000, s12  }
0xe: {  	s10 =	sadd.s32 s10, s7;
	s15 =	sshrl.u32 s5, $0x3;
	s8 =	sadd.s32 s14, s11  }
0xf: {  	s26 =	sshrl.u32 s16, $0x3;
	s30 =	sshrl.u32 s28, $0x3;
	s16 =	sor.u32 $0x1C03, s31  }
0x10: {  	s17 =	sshrl.u32 s17, $0x3;
	s7 =	sadd.s32 s4, s15;
	s9 =	sadd.s32 $0x3F800, s10  }
0x11: {  	s10 =	smax.u32 s13, $0x1;
	s13 =	sadd.s32 s14, s26;
	s15 =	sor.u32 $0x4000, s12  }
0x12: {  	s11 =	sadd.s32 $0x270, s7;
	s12 =	sadd.s32 $0x13800, s13;
	s29 =	sshrl.u32 s15, $0x3  }
0x13: {  	s15 =	simm.s32 $0x3;
	s13 =	sadd.s32 s29, s14;
	s14 =	sadd.s32 s30, s14  }
.LBB2_1:
0x14: {  	[tilespmem:s3], [sflag:$0x3] =	stream.linear.gather [hbm4b:s7+s3], $0x80, $0x38;
	[tilespmem:$0x1C100] =	vst v63  }
0x15: {  	_ =	swait.ge [sflag:s15], $0x80  }
0x16: {  	s24 =	simm.s32 $0x0;
	[sflag:s15] =	ssyncset.done $0x0  }
0x17: {  	s25 =	simm.s32 $0x80;
	s24 =	sand.u32 $0x1C00, s24;
	[sflag:s15] =	ssyncadd.s32 $0xFFFFFF80  }
0x18: {  	[tilespmem:s21], [sflag:$0x1] =	stream.linear.gather [hbm4b:s8+s3], $0x4000, $0x38;
	[tilespmem:$0x1C100] =	vst v63  }
0x19: {  	[spmem:s17], [sflag:s16] =	dma.local [hbm:s6], $0x2800  }
0x1a: {  	s25 =	sand.u32 $0x380, s25;
	s24 =	sadd.s32 s5, s24;
	_ =	swait.ge [sflag:s15], $0x2800  }
0x1b: {  	s24 =	sor.u32 s24, s25;
	[sflag:s15] =	ssyncset.done $0x0  }
0x1c: {  	s24 =	sshrl.u32 s24, $0x3;
	[sflag:s15] =	ssyncadd.s32 $0xFFFFD800  }
0x1d: {  	s24 =	sadd.s32 s4, s24;
	[bflag:$0x0] =	sbarrier.arrive $0xFFFF  }
0x1e: {  	[tilespmem:s18], [sflag:$0x3] =	stream.linear.gather [hbm4b:s24+s3], $0x80, $0x38;
	[tilespmem:$0x1C100] =	vst v63  }
0x1f: {  	_ =	swait.ge [sflag:s15], $0x80  }
0x20: {  	[sflag:s15] =	ssyncset.done $0x0  }
0x21: {  	[sflag:s15] =	ssyncadd.s32 $0xFFFFFF80  }
0x22: {  	[tilespmem:s19], [sflag:$0x2] =	stream.linear.gather [hbm4b:s13+s3], $0x4000, $0x38;
	[tilespmem:$0x1C100] =	vst v63  }
0x23: {  	_ =	swait.ge [sflag:s20], $0x4000  }
0x24: {  	s28 =	sand.u32 $0x3C00, s21;
	[sflag:s20] =	ssyncset.done $0x0  }
0x25: {  	s31 =	sand.u32 $0x300, s21;
	s24 =	sadd.s32 s5, s28;
	[sflag:s20] =	ssyncadd.s32 $0xFFFFC000  }
0x26: {  	[spmem:s1] =	stream.indirect.scatter.add.f32 [tilespmem:s21], [sflag:$0x3], $0x80, s3, s18, $0xb8;
	[tilespmem:$0x1C100] =	vst v63  }
0x27: {  	s24 =	sor.u32 s31, s24;
	_ =	swait.ge [sflag:s15], $0x4000  }
0x28: {  	s24 =	sshrl.u32 s24, $0x3;
	[sflag:s15] =	ssyncset.done $0x0  }
0x29: {  	s24 =	sadd.s32 s4, s24;
	[sflag:s15] =	ssyncadd.s32 $0xFFFFC000  }
0x2a: {  	[tilespmem:s3], [sflag:$0x3] =	stream.linear.gather [hbm4b:s24+s3], $0x80, $0x38;
	[tilespmem:$0x1C100] =	vst v63  }
0x2b: {  	s29 =	simm.s32 $0x300;
	s26 =	simm.s32 $0x100;
	_ =	swait.ge [sflag:s15], $0x80  }
0x2c: {  	s26 =	sand.u32 $0x1C00, s26;
	s28 =	simm.s32 $0x180;
	[sflag:s15] =	ssyncset.done $0x0  }
0x2d: {  	s26 =	sadd.s32 s5, s26;
	s28 =	sand.u32 $0x380, s28;
	[sflag:s15] =	ssyncadd.s32 $0xFFFFFF80  }
0x2e: {  	[tilespmem:s21], [sflag:$0x1] =	stream.linear.gather [hbm4b:s14+s3], $0x4000, $0x38;
	[tilespmem:$0x1C100] =	vst v63  }
0x2f: {  	s25 =	simm.s32 $0x200;
	s30 =	sor.u32 s26, s28;
	_ =	swait.ge [sflag:s22], $0x4000  }
0x30: {  	s26 =	sadd.s32 $0x1000, s13;
	s24 =	sadd.s32 $0x1000, s14;
	[sflag:s22] =	ssyncset.done $0x0  }
.LBB2_2:
0x31: {  	s30 =	sshrl.u32 s30, $0x3;
	[sflag:s22] =	ssyncadd.s32 $0xFFFFC000  }
0x32: {  	s31 =	smov.u32 s29;
	s28 =	sadd.s32 $0x100, s29;
	s0 =	smov.u32 s24  }
0x33: {  	[spmem:s1] =	stream.indirect.scatter.add.f32 [tilespmem:s19], [sflag:$0x3], $0x80, s18, s18, $0xb8;
	[tilespmem:$0x1C100] =	vst v63  }
0x34: {  	p0 =	sne.s32 s29, $0x1300;
	_ =	swait.ge [sflag:s15], $0x4000  }
0x35: {  	[sflag:s15] =	ssyncset.done $0x0  }
0x36: {  	s29 =	sadd.s32 s4, s30;
	[sflag:s15] =	ssyncadd.s32 $0xFFFFC000  }
0x37: {  	[tilespmem:s18], [sflag:$0x3] =	stream.linear.gather [hbm4b:s29+s3], $0x80, $0x38;
	[tilespmem:$0x1C100] =	vst v63  }
0x38: {  	_ =	swait.ge [sflag:s15], $0x80  }
0x39: {  	[sflag:s15] =	ssyncset.done $0x0  }
0x3a: {  	[sflag:s15] =	ssyncadd.s32 $0xFFFFFF80  }
0x3b: {  	[tilespmem:s19], [sflag:$0x2] =	stream.linear.gather [hbm4b:s26+s3], $0x4000, $0x38;
	[tilespmem:$0x1C100] =	vst v63  }
0x3c: {  	_ =	swait.ge [sflag:s20], $0x4000  }
0x3d: {  	[sflag:s20] =	ssyncset.done $0x0  }
0x3e: {  	s29 =	sand.u32 $0x3C00, s25;
	[sflag:s20] =	ssyncadd.s32 $0xFFFFC000  }
0x3f: {  	[spmem:s1] =	stream.indirect.scatter.add.f32 [tilespmem:s21], [sflag:$0x3], $0x80, s3, s18, $0xb8;
	[tilespmem:$0x1C100] =	vst v63  }
0x40: {  	s25 =	sand.u32 $0x300, s25;
	s29 =	sadd.s32 s5, s29;
	_ =	swait.ge [sflag:s15], $0x4000  }
0x41: {  	s29 =	sor.u32 s25, s29;
	s25 =	smov.u32 s31;
	[sflag:s15] =	ssyncset.done $0x0  }
0x42: {  	s29 =	sshrl.u32 s29, $0x3;
	[sflag:s15] =	ssyncadd.s32 $0xFFFFC000  }
0x43: {  	s29 =	sadd.s32 s4, s29  }
0x44: {  	[tilespmem:s3], [sflag:$0x3] =	stream.linear.gather [hbm4b:s29+s3], $0x80, $0x38;
	[tilespmem:$0x1C100] =	vst v63  }
0x45: {  	s24 =	sadd.s32 $0x1000, s24;
	s30 =	sadd.s32 $0xFFFFFF80, s25;
	_ =	swait.ge [sflag:s15], $0x80  }
.Ltmp0:
0x46: {  	s29 =	sadd.s32 $0xFFFFFF00, s25;
	[sflag:s15] =	ssyncset.done $0x0;
	(pc) =	sbr.rel @p0 .LBB2_2-.Ltmp0, $4  }
0x47: {  	s26 =	sadd.s32 $0x1000, s26;
	s29 =	sand.u32 $0x1C00, s29;
	[sflag:s15] =	ssyncadd.s32 $0xFFFFFF80  }
0x48: {  	[tilespmem:s21], [sflag:$0x1] =	stream.linear.gather [hbm4b:s0+s3], $0x4000, $0x38;
	[tilespmem:$0x1C100] =	vst v63  }
0x49: {  	s0 =	sadd.s32 s5, s29;
	s29 =	sand.u32 $0x380, s30;
	_ =	swait.ge [sflag:s22], $0x4000  }
0x4a: {  	s30 =	sor.u32 s0, s29;
	s29 =	smov.u32 s28;
	[sflag:s22] =	ssyncset.done $0x0  }
0x4b: {  	[sflag:s22] =	ssyncadd.s32 $0xFFFFC000  }
0x4c: {  	[spmem:s1] =	stream.indirect.scatter.add.f32 [tilespmem:s19], [sflag:$0x3], $0x80, s18, s18, $0xb8;
	[tilespmem:$0x1C100] =	vst v63  }
0x4d: {  	_ =	swait.ge [sflag:s15], $0x4000  }
0x4e: {  	s0 =	sshrl.u32 s30, $0x3;
	[sflag:s15] =	ssyncset.done $0x0  }
0x4f: {  	s0 =	sadd.s32 s4, s0;
	[sflag:s15] =	ssyncadd.s32 $0xFFFFC000  }
0x50: {  	[tilespmem:s18], [sflag:$0x3] =	stream.linear.gather [hbm4b:s0+s3], $0x80, $0x38;
	[tilespmem:$0x1C100] =	vst v63  }
0x51: {  	_ =	swait.ge [sflag:s15], $0x80  }
0x52: {  	[sflag:s15] =	ssyncset.done $0x0  }
0x53: {  	[sflag:s15] =	ssyncadd.s32 $0xFFFFFF80  }
0x54: {  	[tilespmem:s19], [sflag:$0x2] =	stream.linear.gather [hbm4b:s26+s3], $0x4000, $0x38;
	[tilespmem:$0x1C100] =	vst v63  }
0x55: {  	_ =	swait.ge [sflag:s20], $0x4000  }
0x56: {  	s30 =	sand.u32 $0x3C00, s25;
	[sflag:s20] =	ssyncset.done $0x0  }
0x57: {  	s31 =	sand.u32 $0x300, s25;
	s0 =	sadd.s32 s5, s30;
	[sflag:s20] =	ssyncadd.s32 $0xFFFFC000  }
0x58: {  	[spmem:s1] =	stream.indirect.scatter.add.f32 [tilespmem:s21], [sflag:$0x3], $0x80, s3, s18, $0xb8;
	[tilespmem:$0x1C100] =	vst v63  }
0x59: {  	s0 =	sor.u32 s31, s0;
	_ =	swait.ge [sflag:s15], $0x4000  }
0x5a: {  	s0 =	sshrl.u32 s0, $0x3;
	[sflag:s15] =	ssyncset.done $0x0  }
0x5b: {  	s0 =	sadd.s32 s4, s0;
	[sflag:s15] =	ssyncadd.s32 $0xFFFFC000  }
0x5c: {  	[tilespmem:s3], [sflag:$0x3] =	stream.linear.gather [hbm4b:s0+s3], $0x80, $0x38;
	[tilespmem:$0x1C100] =	vst v63  }
0x5d: {  	_ =	swait.ge [sflag:s15], $0x80  }
0x5e: {  	[sflag:s15] =	ssyncset.done $0x0  }
0x5f: {  	[sflag:s15] =	ssyncadd.s32 $0xFFFFFF80  }
0x60: {  	[tilespmem:s21], [sflag:$0x1] =	stream.linear.gather [hbm4b:s24+s3], $0x4000, $0x38;
	[tilespmem:$0x1C100] =	vst v63  }
0x61: {  	_ =	swait.ge [sflag:s22], $0x4000  }
0x62: {  	[sflag:s22] =	ssyncset.done $0x0  }
0x63: {  	[sflag:s22] =	ssyncadd.s32 $0xFFFFC000  }
0x64: {  	[spmem:s1] =	stream.indirect.scatter.add.f32 [tilespmem:s19], [sflag:$0x3], $0x80, s18, s18, $0xb8;
	[tilespmem:$0x1C100] =	vst v63  }
0x65: {  	_ =	swait.ge [sflag:s15], $0x4000  }
0x66: {  	[sflag:s15] =	ssyncset.done $0x0  }
0x67: {  	[sflag:s15] =	ssyncadd.s32 $0xFFFFC000  }
0x68: {  	[tilespmem:s18], [sflag:$0x3] =	stream.linear.gather [hbm4b:s11+s3], $0x80, $0x38;
	[tilespmem:$0x1C100] =	vst v63  }
0x69: {  	_ =	swait.ge [sflag:s15], $0x80  }
0x6a: {  	[sflag:s15] =	ssyncset.done $0x0  }
0x6b: {  	[sflag:s15] =	ssyncadd.s32 $0xFFFFFF80  }
0x6c: {  	[tilespmem:s19], [sflag:$0x2] =	stream.linear.gather [hbm4b:s12+s3], $0x4000, $0x38;
	[tilespmem:$0x1C100] =	vst v63  }
0x6d: {  	_ =	swait.ge [sflag:s20], $0x4000  }
0x6e: {  	[sflag:s20] =	ssyncset.done $0x0  }
0x6f: {  	[sflag:s20] =	ssyncadd.s32 $0xFFFFC000  }
0x70: {  	[spmem:s1] =	stream.indirect.scatter.add.f32 [tilespmem:s21], [sflag:$0x3], $0x80, s3, s18, $0xb8;
	[tilespmem:$0x1C100] =	vst v63  }
0x71: {  	_ =	swait.ge [sflag:s15], $0x4000  }
0x72: {  	[sflag:s15] =	ssyncset.done $0x0  }
0x73: {  	[sflag:s15] =	ssyncadd.s32 $0xFFFFC000  }
0x74: {  	_ =	swait.ge [sflag:s22], $0x4000  }
0x75: {  	[sflag:s22] =	ssyncset.done $0x0  }
0x76: {  	[sflag:s22] =	ssyncadd.s32 $0xFFFFC000  }
0x77: {  	[spmem:s1] =	stream.indirect.scatter.add.f32 [tilespmem:s19], [sflag:$0x3], $0x80, s18, s18, $0xb8;
	[tilespmem:$0x1C100] =	vst v63  }
0x78: {  	_ =	swait.ge [sflag:s15], $0x4000  }
0x79: {  	s23 =	sadd.s32 $0x1, s23;
	[sflag:s15] =	ssyncset.done $0x0  }
0x7a: {  	p0 =	sne.s32 s23, s10;
	[sflag:s15] =	ssyncadd.s32 $0xFFFFC000  }
.Ltmp1:
0x7b: {  	[bflag:$0x0] =	sbarrier.arrive $0xFFFF;
	(pc) =	sbr.rel @p0 .LBB2_1-.Ltmp1, $4  }
0x7c: {  	[hbm:s9], [sflag:s16] =	dma.local [spmem:s17], $0x2800  }
0x7d: {  	_ =	swait.ge [sflag:s15], $0x2800  }
0x7e: {  	[sflag:s15] =	ssyncset.done $0x0  }
0x7f: {  	[sflag:s15] =	ssyncadd.s32 $0xFFFFD800  }
0x80: {  	_ =	sfence.sel $0x180000  }
0x81: {  	[bflag:$0x0] =	sbarrier.arrive $0xFFFF  }
0x82: {  	_ =	strace $0x9000004A  }
0x83: {  	[bflag:$0x2] =	sbarrier.arrive $0xFFFF  }
0x84: {  	p0 =	sne.s32 s2, $0x0;
	s0 =	rddreg [dreg:$0x2]  }
0x85: {  	s0 =	sadd.s32 @!p0 $0x100000, s0  }
0x86: {  	[sflag:s0] =	ssyncadd.tile.s32 @!p0 $0x1;
	_ =	shalt  }
.Lfunc_end2:
_tile_overlayer_lowered:
.L_overlay_start_2:
0x87: {  	(tag) =	ssettag $0x2  }
0x88: {  	s0 =	rddreg [dreg:$0x0];
	s2 =	stileid.u32  }
0x89: {  	s1 =	rddreg [dreg:$0x1];
	p0 =	sne.s32 s2, $0x0  }
0x8a: {  	s3 =	rddreg [dreg:$0x2];
	[bflag:$0x3] =	sbarrier.arrive $0xFFFF;
	s2 =	simm.s32 @!p0 $0x1C03  }
0x8b: {  	[timem:s3], [sflag:s2] =	dma.local @!p0 [hbm:s0], s1  }
0x8c: {  	s0 =	simm.s32 @!p0 $0x3  }
0x8d: {  	_ =	swait.ge @!p0 [sflag:s0], s1  }
0x8e: {  	s1 =	ssub.s32 @!p0 $0x0, s1;
	[sflag:s0] =	ssyncset.done @!p0 $0x0  }
0x8f: {  	[sflag:s0] =	ssyncadd.s32 @!p0 s1  }
0x90: {  	[bflag:$0x3] =	sbarrier.arrive $0xFFFF  }
0x91: {  	_ =	shalt  }

// kernel: kernel.32.cloned.1.call-start
scs
__scs_entry_jumppad:
0x0: {  	(pc) =	sbr.rel $0x88, $3  }
0x1: {  	(tag) =	ssettag $0x0;
	lr =	simm.s32 $0x1  }
0x2: {  	[smem:$0x3F89] =	sst lr;
	_ =	strace $0xD0000000  }
0x3: {  	_ = 	snop  }
0x4: {  	_ = 	snop  }
0x5: {  	_ = 	snop  }
0x6: {  	_ = 	snop  }
0x7: {  	_ = 	snop  }
__scs_overlays_trampoline_lowered:
0x8: {  	[smem:$0x3F98] =	sst s0  }
0x9: {  	[smem:$0x3F99] =	sst s1  }
0xa: {  	[smem:$0x3F9A] =	sst s2  }
0xb: {  	[smem:$0x3F9B] =	sst s3  }
0xc: {  	[smem:$0x3F9C] =	sst s4  }
0xd: {  	[smem:$0x3F9D] =	sst s5  }
0xe: {  	[smem:$0x3F9E] =	sst s6  }
0xf: {  	[smem:$0x3F9F] =	sst s7  }
0x10: {  	[smem:$0x3FA0] =	sst s8  }
0x11: {  	[smem:$0x3FA1] =	sst s9;
	s0 =	simm.s32 @!p0 $0x0  }
0x12: {  	s1 =	sld [smem:$0x3F87];
	s0 =	simm.s32 @p0 $0x1  }
0x13: {  	[smem:$0x3FA2] =	sst s0;
	s0 =	simm.s32 @!p1 $0x0  }
0x14: {  	s2 =	sld [smem:$0x3F86];
	s0 =	simm.s32 @p1 $0x1  }
0x15: {  	[smem:$0x3FA3] =	sst s0;
	s0 =	simm.s32 @!p2 $0x0  }
0x16: {  	s3 =	sld [smem:$0x3FDB];
	s0 =	simm.s32 @p2 $0x1  }
0x17: {  	s4 =	simm.s32 $0x1BF5;
	[smem:$0x3FA5] =	sst s0  }
0x18: {  	s0 =	sld [smem:$0x3F88];
	_ =	swait.ge [sflag:s4], $0x0  }
0x19: {  	s7 =	sld [smem:$0x3F89]  }
0x1a: {  	s8 =	sadd.s32 $0xFFFFE003, lr  }
0x1b: {  	s9 =	sadd.s32 $0xFFFFFEF7, lr;
	s5 =	simm.s32 $0xFFFFFFFF;
	p2 =	slt.u32 s8, $0xFFFFF086  }
0x1c: {  	p1 =	slt.u32 s9, $0xF7A;
	s5 =	simm.s32 @!p2 $0x0  }
0x1d: {  	s5 =	simm.s32 @p1 $0x1;
	p0 =	seq.s32 s7, s2  }
0x1e: {  	s7 =	smul.u32 @!p0 $0xF7A, s2;
	p2 =	seq.s32 @!p0 s5, $0x0  }
0x1f: {  	s9 =	smul.u32 $0xF7A, s1;
	s8 =	simm.s32 @!p0 $0x1BF5;
	p2 =	por !p2, p0  }
0x20: {  	[sflag:s8] =	ssyncset.s32 @!p0 $0xFFFFF086;
	s6 =	sadd.s32 @!p0 s3, s7;
	s7 =	simm.s32 @!p0 $0x108  }
0x21: {  	s3 =	sadd.s32 s3, s9;
	s6 =	sadd.s32 @!p0 $0x88, s6;
	s7 =	simm.s32 @p2 $0x1082  }
0x22: {  	[simem:s7], [sflag:s8] =	dma.local @!p0 [hbm:s6], $0xF7A  }
0x23: {  	s9 =	sor.u32 $0xD0000000, s2;
	s6 =	simm.s32 $0x108;
	_ =	swait.ge @!p0 [sflag:s8], $0x0  }
0x24: {  	s3 =	sadd.s32 $0x88, s3;
	s6 =	simm.s32 @!p1 $0x1082;
	[sflag:s4] =	ssyncset.s32 $0xFFFFF086  }
0x25: {  	[simem:s6], [sflag:s4] =	dma.local [hbm:s3], $0xF7A  }
0x26: {  	[smem:$0x3F89] =	sst s1;
	(tag) =	ssettag s2;
	_ =	strace s9  }
0x27: {  	s1 =	sld [smem:$0x3F99]  }
0x28: {  	s2 =	sld [smem:$0x3F9A]  }
0x29: {  	s4 =	sld [smem:$0x3F9C]  }
0x2a: {  	p0 =	seq.s32 s5, $0x0;
	s5 =	sld [smem:$0x3F9D]  }
0x2b: {  	s6 =	sld [smem:$0x3F9E]  }
0x2c: {  	s7 =	sld [smem:$0x3F9F]  }
0x2d: {  	s3 =	simm.s32 $0x108;
	s8 =	sld [smem:$0x3FA0]  }
0x2e: {  	s3 =	simm.s32 @!p0 $0x1082;
	s9 =	sld [smem:$0x3FA1]  }
0x2f: {  	lr =	sadd.s32 s0, s3;
	s0 =	sld [smem:$0x3F98]  }
0x30: {  	s3 =	sld [smem:$0x3F9B]  }
0x31: {  	[smem:$0x3FA4] =	sst s10  }
0x32: {  	s10 =	sld [smem:$0x3FA2];
	_ =	sdelay $0x3  }
0x33: {  	p0 =	seq.s32 s10, $0x1;
	s10 =	sld [smem:$0x3FA4];
	_ =	sdelay $0x3  }
0x34: {  	[smem:$0x3FA4] =	sst s10  }
0x35: {  	s10 =	sld [smem:$0x3FA3];
	_ =	sdelay $0x3  }
0x36: {  	p1 =	seq.s32 s10, $0x1;
	s10 =	sld [smem:$0x3FA4];
	_ =	sdelay $0x3  }
0x37: {  	[smem:$0x3FA4] =	sst s10  }
0x38: {  	s10 =	sld [smem:$0x3FA5]  }
0x39: {  	_ = 	snop;
	(pc) =	sbr.ind lr, $3  }
0x3a: {  	_ = 	snop  }
0x3b: {  	_ = 	snop  }
0x3c: {  	p2 =	seq.s32 s10, $0x1;
	s10 =	sld [smem:$0x3FA4]  }
0x3d: {  	_ =	shalt  }
0x3e: {  	_ =	shalt  }
0x3f: {  	_ =	shalt  }
0x40: {  	_ =	shalt  }
0x41: {  	_ =	shalt  }
0x42: {  	_ =	shalt  }
0x43: {  	_ =	shalt  }
0x44: {  	_ =	shalt  }
0x45: {  	_ =	shalt  }
0x46: {  	_ =	shalt  }
0x47: {  	_ =	shalt  }
0x48: {  	_ =	shalt  }
0x49: {  	_ =	shalt  }
0x4a: {  	_ =	shalt  }
0x4b: {  	_ =	shalt  }
0x4c: {  	_ =	shalt  }
0x4d: {  	_ =	shalt  }
0x4e: {  	_ =	shalt  }
0x4f: {  	_ =	shalt  }
0x50: {  	_ =	shalt  }
0x51: {  	_ =	shalt  }
0x52: {  	_ =	shalt  }
0x53: {  	_ =	shalt  }
0x54: {  	_ =	shalt  }
0x55: {  	_ =	shalt  }
0x56: {  	_ =	shalt  }
0x57: {  	_ =	shalt  }
0x58: {  	_ =	shalt  }
0x59: {  	_ =	shalt  }
0x5a: {  	_ =	shalt  }
0x5b: {  	_ =	shalt  }
0x5c: {  	_ =	shalt  }
0x5d: {  	_ =	shalt  }
0x5e: {  	_ =	shalt  }
0x5f: {  	_ =	shalt  }
0x60: {  	_ =	shalt  }
0x61: {  	_ =	shalt  }
0x62: {  	_ =	shalt  }
0x63: {  	_ =	shalt  }
0x64: {  	_ =	shalt  }
0x65: {  	_ =	shalt  }
0x66: {  	_ =	shalt  }
0x67: {  	_ =	shalt  }
0x68: {  	_ =	shalt  }
0x69: {  	_ =	shalt  }
0x6a: {  	_ =	shalt  }
0x6b: {  	_ =	shalt  }
0x6c: {  	_ =	shalt  }
0x6d: {  	_ =	shalt  }
0x6e: {  	_ =	shalt  }
0x6f: {  	_ =	shalt  }
0x70: {  	_ =	shalt  }
0x71: {  	_ =	shalt  }
0x72: {  	_ =	shalt  }
0x73: {  	_ =	shalt  }
0x74: {  	_ =	shalt  }
0x75: {  	_ =	shalt  }
0x76: {  	_ =	shalt  }
0x77: {  	_ =	shalt  }
0x78: {  	_ =	shalt  }
0x79: {  	_ =	shalt  }
0x7a: {  	_ =	shalt  }
0x7b: {  	_ =	shalt  }
0x7c: {  	_ =	shalt  }
0x7d: {  	_ =	shalt  }
0x7e: {  	_ =	shalt  }
0x7f: {  	_ =	shalt  }
0x80: {  	_ =	shalt  }
0x81: {  	_ =	shalt  }
0x82: {  	_ =	shalt  }
0x83: {  	_ =	shalt  }
0x84: {  	_ =	shalt  }
0x85: {  	_ =	shalt  }
0x86: {  	_ =	shalt  }
0x87: {  	_ =	shalt  }
.Lfunc_end0:
.L_simem_size_0:
called_computation.2_lowered:
.L_overlay_start_0:
0x88: {  	s2 =	sld [smem:$0x3FD9]  }
0x89: {  	s3 =	sld [smem:$0x3FFE];
	_ =	sdelay $0x1  }
0x8a: {  	s1 =	srdreg.scid  }
0x8b: {  	s0 =	sand.u32 $0x1, s1  }
0x8c: {  	s16 =	sshll.u32 s0, $0xA;
	s2 =	sadd.s32 s3, s2  }
0x8d: {  	s2 =	sadd.s32 s2, s16  }
0x8e: {  	[smem:$0x3FB0] =	sst s2  }
0x8f: {  	_ = 	snop  }
0x90: {  	(tm) =	ssettm $0x1  }
0x91: {  	s17 =	sld [smem:$0x3FFB];
	_ =	sdelay $0x3  }
0x92: {  	_ =	strace s17  }
0x93: {  	s2 =	sld [smem:$0x3FFC];
	_ =	sdelay $0x3  }
0x94: {  	_ =	strace s2  }
0x95: {  	s2 =	sld [smem:$0x3FFD];
	_ =	sdelay $0x3  }
0x96: {  	_ =	strace s2  }
0x97: {  	_ =	strace $0x8FFFFFFF  }
0x98: {  	s18 =	sld [smem:$0x3FDB];
	_ =	sdelay $0x1  }
0x99: {  	s19 =	simm.s32 $_scs_section_size  }
0x9a: {  	s4 =	simm.s32 $_size__tile_overlayer_lowered;
	s5 =	simm.s32 $_tile_overlayer_lowered  }
0x9b: {  	s22 =	simm.s32 $0x1BFF;
	s21 =	sshll.u32 s5, $0x1;
	s2 =	sadd.s32 s19, s18  }
0x9c: {  	s6 =	simm.s32 $0x0;
	s20 =	sshll.u32 s4, $0x1;
	s4 =	sadd.s32 s21, s2  }
0x9d: {  	[timem:s6], [sflag:s22] =	dma.local [hbm:s4], s20  }
0x9e: {  	_ =	swait.ge [sflag:s22], s20  }
0x9f: {  	s3 =	ssub.s32 $0x0, s20;
	[sflag:s22] =	ssyncset.done $0x0  }
0xa0: {  	[sflag:s22] =	ssyncadd.s32 s3;
	_ =	sdelay $0x1  }
0xa1: {  	s23 =	simm.s32 $0x1B8B  }
0xa2: {  	_ =	swait.ge [sflag:s23], $0x1  }
0xa3: {  	[sflag:s23] =	ssyncset.done $0x0  }
0xa4: {  	s25 =	simm.s32 $0x1B8E;
	s24 =	sld [smem:$0x3FFE];
	[sflag:s23] =	ssyncadd.s32 $0xFFFFFFFF  }
0xa5: {  	s26 =	simm.s32 $execute0_lowered;
	[smem:$0x3FD2] =	sst s25  }
0xa6: {  	s4 =	sshll.u32 s26, $0x1;
	_ =	strace $0x8000004C;
	[dreg:$0x1] =	wrdreg $0xFFFFFFFF  }
0xa7: {  	s28 =	simm.s32 $_size_execute0_lowered;
	s2 =	sadd.s32 s2, s4;
	[dreg:$0x0] =	wrdreg $0x0  }
0xa8: {  	s4 =	sshll.u32 s28, $0x1;
	[dreg:$0x2] =	wrdreg s2  }
0xa9: {  	[dreg:$0x3] =	wrdreg s4  }
0xaa: {  	[dreg:$0x4] =	wrdreg $0xC0  }
0xab: {  	_ =	task [dreg:s6], $0x5FFFF  }
0xac: {  	[dreg:$0x1] =	wrdreg $0xFFFFFFFF  }
0xad: {  	[dreg:$0x0] =	wrdreg $0x60  }
0xae: {  	[dreg:$0x2] =	wrdreg s24  }
0xaf: {  	[dreg:$0x3] =	wrdreg $0x9  }
0xb0: {  	_ =	task.clear_ibuf [dreg:s6], $0x4FFFF;
	_ =	strace $0x9000004C  }
0xb1: {  	s29 =	simm.s32 $0x9;
	_ =	strace $0x8000004E  }
0xb2: {  	_ =	swait.ge [sflag:s29], $0x1  }
0xb3: {  	[sflag:s29] =	ssyncadd.s32 $0xFFFFFFFF  }
0xb4: {  	_ =	strace $0x9000004E  }
0xb5: {  	_ =	sfence  }
0xb6: {  	s30 =	sld [smem:$0x0];
	_ =	sdelay $0x2  }
0xb7: {  	s31 =	sshll.u32 s1, $0xD;
	s1 =	sshrl.u32 s1, $0x2  }
0xb8: {  	s3 =	sand.u32 $0x4000, s31;
	s1 =	sadd.s32 s1, s30  }
0xb9: {  	s0 =	sor.u32 s3, s0;
	s1 =	sshll.u32 s1, $0x11  }
0xba: {  	s0 =	sor.u32 s1, s0  }
0xbb: {  	s0 =	sadd.s32 $0x8F2B, s0  }
0xbc: {  	[sflag:s0] =	ssyncadd.remote.s32 $0x1  }
0xbd: {  	_ =	sfence.sel $0xFFFF  }
0xbe: {  	[dreg:$0x0] =	wrdreg $0xFFFFFFFF;
	(pc) =	sbr.abs _section_cstart, $3  }
0xbf: {  	[dreg:$0x1] =	wrdreg $0xFFFFFFFF  }
0xc0: {  	_ =	task.clear_ibuf [dreg:s6], $0x2FFFF;
	_ =	strace $0x9FFFFFFF  }
0xc1: {  	(tm) =	ssettm $0x7FFFFFFF  }
tec
execute0_lowered:
.L_overlay_start_1:
0x0: {  	(tag) =	ssettag $0x1  }
0x1: {  	s1 =	srdreg.scid  }
0x2: {  	s0 =	stileid.u32;
	s4 =	rddreg [dreg:$0x0];
	s2 =	simm.s32 $0x0  }
0x3: {  	s11 =	simm.s32 $0x5400;
	s12 =	simm.s32 $0x9400;
	s13 =	simm.s32 $0xD400  }
0x4: {  	s14 =	simm.s32 $0x1;
	s15 =	simm.s32 $0x0;
	s7 =	smul.u32 $0x140000, s0  }
0x5: {  	s5 =	sand.u32 $0x1, s1;
	s1 =	rddreg [dreg:$0x1];
	s28 =	smul.u32 $0x28000, s0  }
0x6: {  	s3 =	sshll.u32 s0, $0x1;
	[smem:$0x7FF] =	sst s2;
	s9 =	smul.u32 $0xA0000, s5  }
0x7: {  	s10 =	sadd.s32 $0x3F800, s4;
	s3 =	sor.u32 s5, s3;
	s30 =	smul.u32 $0x14000, s5  }
0x8: {  	_ =	strace $0x8000004D;
	s8 =	ssub.s32 $0x2, s5;
	s6 =	smul.u32 $0x1400, s3  }
0x9: {  	s3 =	sadd.s32 $0x17800, s4;
	s26 =	sshrl.u32 s8, $0x1;
	s31 =	sadd.s32 s28, s10  }
0xa: {  	s8 =	ssub.s32 s8, s26;
	s7 =	sadd.s32 s9, s7;
	s9 =	simm.s32 $0x80  }
0xb: {  	s6 =	sshrl.u32 s6, $0x3;
	s29 =	sshrl.u32 s7, $0x3;
	s5 =	smax.u32 s8, $0x1  }
0xc: {  	s7 =	sadd.s32 s30, s31;
	s8 =	simm.s32 $0x2;
	s6 =	sadd.s32 s6, s4  }
0xd: {  	s4 =	sadd.s32 $0x12800, s6;
	s6 =	sadd.s32 s29, s10;
	s10 =	simm.s32 $0x1400  }
.LBB2_1:
0xe: {  	[tilespmem:s2], [sflag:$0x2] =	stream.linear.gather [hbm4b:s4+s2], $0x1400, $0x38;
	[tilespmem:$0x11400] =	vst v63  }
0xf: {  	_ =	swait.ge [sflag:s8], $0x1400  }
0x10: {  	[sflag:s8] =	ssyncset.done $0x0  }
0x11: {  	[sflag:s8] =	ssyncadd.s32 $0xFFFFEC00  }
0x12: {  	[tilespmem:s10], [sflag:$0x1] =	stream.indirect.gather [hbm4b:s3+s9], $0x80, s2, s9, $0xb8;
	[tilespmem:$0x11400] =	vst v63  }
0x13: {  	s16 =	simm.s32 $0x80  }
0x14: {  	[tilespmem:s11], [sflag:$0x1] =	stream.indirect.gather [hbm4b:s3+s9], $0x80, s16, s9, $0xb8;
	[tilespmem:$0x11400] =	vst v63  }
0x15: {  	s26 =	simm.s32 $0x100  }
0x16: {  	[tilespmem:s12], [sflag:$0x1] =	stream.indirect.gather [hbm4b:s3+s9], $0x80, s26, s9, $0xb8;
	[tilespmem:$0x11400] =	vst v63  }
0x17: {  	s28 =	simm.s32 $0x180  }
0x18: {  	[tilespmem:s13], [sflag:$0x1] =	stream.indirect.gather [hbm4b:s3+s9], $0x80, s28, s9, $0xb8;
	[tilespmem:$0x11400] =	vst v63  }
0x19: {  	_ =	swait.ge [sflag:s14], $0x4000  }
0x1a: {  	[sflag:s14] =	ssyncset.done $0x0  }
0x1b: {  	[sflag:s14] =	ssyncadd.s32 $0xFFFFC000  }
0x1c: {  	_ =	swait.ge [sflag:s14], $0x4000  }
0x1d: {  	[sflag:s14] =	ssyncset.done $0x0  }
0x1e: {  	[sflag:s14] =	ssyncadd.s32 $0xFFFFC000  }
0x1f: {  	_ =	swait.ge [sflag:s14], $0x4000  }
0x20: {  	[sflag:s14] =	ssyncset.done $0x0  }
0x21: {  	[sflag:s14] =	ssyncadd.s32 $0xFFFFC000  }
0x22: {  	_ =	swait.ge [sflag:s14], $0x4000  }
0x23: {  	[sflag:s14] =	ssyncset.done $0x0  }
0x24: {  	s29 =	sadd.s32 $0x0, s6;
	[sflag:s14] =	ssyncadd.s32 $0xFFFFC000  }
0x25: {  	[hbm4b:s29+s2] =	stream.linear.scatter [tilespmem:s10], [sflag:$0x2], $0x4000, $0x38;
	[tilespmem:$0x11400] =	vst v63  }
0x26: {  	_ =	swait.ge [sflag:s8], $0x4000  }
0x27: {  	s30 =	sadd.s32 $0x0, s7;
	[sflag:s8] =	ssyncset.done $0x0  }
0x28: {  	s17 =	sadd.s32 $0x800, s30;
	[sflag:s8] =	ssyncadd.s32 $0xFFFFC000  }
0x29: {  	[hbm4b:s17+s2] =	stream.linear.scatter [tilespmem:s11], [sflag:$0x2], $0x4000, $0x38;
	[tilespmem:$0x11400] =	vst v63  }
0x2a: {  	_ =	swait.ge [sflag:s8], $0x4000  }
0x2b: {  	[sflag:s8] =	ssyncset.done $0x0  }
0x2c: {  	s31 =	sadd.s32 $0x1000, s30;
	[sflag:s8] =	ssyncadd.s32 $0xFFFFC000  }
0x2d: {  	[hbm4b:s31+s2] =	stream.linear.scatter [tilespmem:s12], [sflag:$0x2], $0x4000, $0x38;
	[tilespmem:$0x11400] =	vst v63  }
0x2e: {  	_ =	swait.ge [sflag:s8], $0x4000  }
0x2f: {  	[sflag:s8] =	ssyncset.done $0x0  }
0x30: {  	s16 =	sadd.s32 $0x1800, s30;
	[sflag:s8] =	ssyncadd.s32 $0xFFFFC000  }
0x31: {  	[hbm4b:s16+s2] =	stream.linear.scatter [tilespmem:s13], [sflag:$0x2], $0x4000, $0x38;
	[tilespmem:$0x11400] =	vst v63  }
0x32: {  	_ =	swait.ge [sflag:s8], $0x4000  }
0x33: {  	s17 =	simm.s32 $0x0;
	s16 =	simm.s32 $0x2000;
	[sflag:s8] =	ssyncset.done $0x0  }
.LBB2_2:
0x34: {  	p0 =	sne.s32 s16, $0x12000;
	[sflag:s8] =	ssyncadd.s32 $0xFFFFC000;
	s17 =	sadd.s32 $0x200, s17  }
0x35: {  	[tilespmem:s10], [sflag:$0x1] =	stream.indirect.gather [hbm4b:s3+s9], $0x80, s17, s9, $0xb8;
	[tilespmem:$0x11400] =	vst v63  }
0x36: {  	s19 =	smov.u32 s16;
	s16 =	sadd.s32 $0x2000, s16;
	s18 =	sadd.s32 $0x80, s17  }
0x37: {  	[tilespmem:s11], [sflag:$0x1] =	stream.indirect.gather [hbm4b:s3+s9], $0x80, s18, s9, $0xb8;
	[tilespmem:$0x11400] =	vst v63  }
0x38: {  	s18 =	sadd.s32 $0x100, s17  }
0x39: {  	[tilespmem:s12], [sflag:$0x1] =	stream.indirect.gather [hbm4b:s3+s9], $0x80, s18, s9, $0xb8;
	[tilespmem:$0x11400] =	vst v63  }
0x3a: {  	s18 =	sadd.s32 $0x180, s17  }
0x3b: {  	[tilespmem:s13], [sflag:$0x1] =	stream.indirect.gather [hbm4b:s3+s9], $0x80, s18, s9, $0xb8;
	[tilespmem:$0x11400] =	vst v63  }
0x3c: {  	_ =	swait.ge [sflag:s14], $0x4000  }
0x3d: {  	[sflag:s14] =	ssyncset.done $0x0  }
0x3e: {  	[sflag:s14] =	ssyncadd.s32 $0xFFFFC000  }
0x3f: {  	_ =	swait.ge [sflag:s14], $0x4000  }
0x40: {  	[sflag:s14] =	ssyncset.done $0x0  }
0x41: {  	[sflag:s14] =	ssyncadd.s32 $0xFFFFC000  }
0x42: {  	_ =	swait.ge [sflag:s14], $0x4000  }
0x43: {  	[sflag:s14] =	ssyncset.done $0x0  }
0x44: {  	[sflag:s14] =	ssyncadd.s32 $0xFFFFC000  }
0x45: {  	_ =	swait.ge [sflag:s14], $0x4000  }
0x46: {  	[sflag:s14] =	ssyncset.done $0x0  }
0x47: {  	s18 =	sadd.s32 s19, s6;
	[sflag:s14] =	ssyncadd.s32 $0xFFFFC000  }
0x48: {  	[hbm4b:s18+s2] =	stream.linear.scatter [tilespmem:s10], [sflag:$0x2], $0x4000, $0x38;
	[tilespmem:$0x11400] =	vst v63  }
0x49: {  	_ =	swait.ge [sflag:s8], $0x4000  }
0x4a: {  	s18 =	sadd.s32 s19, s7;
	[sflag:s8] =	ssyncset.done $0x0  }
0x4b: {  	s19 =	sadd.s32 $0x800, s18;
	[sflag:s8] =	ssyncadd.s32 $0xFFFFC000  }
0x4c: {  	[hbm4b:s19+s2] =	stream.linear.scatter [tilespmem:s11], [sflag:$0x2], $0x4000, $0x38;
	[tilespmem:$0x11400] =	vst v63  }
0x4d: {  	_ =	swait.ge [sflag:s8], $0x4000  }
0x4e: {  	[sflag:s8] =	ssyncset.done $0x0  }
0x4f: {  	s19 =	sadd.s32 $0x1000, s18;
	[sflag:s8] =	ssyncadd.s32 $0xFFFFC000  }
0x50: {  	[hbm4b:s19+s2] =	stream.linear.scatter [tilespmem:s12], [sflag:$0x2], $0x4000, $0x38;
	[tilespmem:$0x11400] =	vst v63  }
0x51: {  	_ =	swait.ge [sflag:s8], $0x4000  }
.Ltmp0:
0x52: {  	[sflag:s8] =	ssyncset.done $0x0;
	(pc) =	sbr.rel @p0 .LBB2_2-.Ltmp0, $4  }
0x53: {  	s18 =	sadd.s32 $0x1800, s18;
	[sflag:s8] =	ssyncadd.s32 $0xFFFFC000  }
0x54: {  	[hbm4b:s18+s2] =	stream.linear.scatter [tilespmem:s13], [sflag:$0x2], $0x4000, $0x38;
	[tilespmem:$0x11400] =	vst v63  }
0x55: {  	_ =	swait.ge [sflag:s8], $0x4000  }
0x56: {  	[sflag:s8] =	ssyncset.done $0x0  }
0x57: {  	s15 =	sadd.s32 $0x1, s15  }
0x58: {  	p0 =	sne.s32 s15, s5  }
.Ltmp1:
0x59: {  	_ = 	snop;
	(pc) =	sbr.rel @p0 .LBB2_1-.Ltmp1, $2  }
0x5a: {  	_ =	sdelay $0x2  }
0x5b: {  	[sflag:s8] =	ssyncadd.s32 $0xFFFFC000  }
0x5c: {  	_ =	sfence.sel $0x180000  }
0x5d: {  	[bflag:$0x0] =	sbarrier.arrive $0xFFFF  }
0x5e: {  	p0 =	sne.s32 s0, $0x0;
	_ =	strace $0x9000004D  }
0x5f: {  	s0 =	sadd.s32 @!p0 $0x100000, s1;
	[bflag:$0x2] =	sbarrier.arrive $0xFFFF  }
0x60: {  	[sflag:s0] =	ssyncadd.tile.s32 @!p0 $0x1;
	_ =	shalt  }
.Lfunc_end2:
_tile_overlayer_lowered:
.L_overlay_start_2:
0x61: {  	(tag) =	ssettag $0x2  }
0x62: {  	s0 =	rddreg [dreg:$0x0];
	s2 =	stileid.u32  }
0x63: {  	s1 =	rddreg [dreg:$0x1];
	p0 =	sne.s32 s2, $0x0  }
0x64: {  	s3 =	rddreg [dreg:$0x2];
	[bflag:$0x3] =	sbarrier.arrive $0xFFFF;
	s2 =	simm.s32 @!p0 $0x1C02  }
0x65: {  	[timem:s3], [sflag:s2] =	dma.local @!p0 [hbm:s0], s1  }
0x66: {  	s0 =	simm.s32 @!p0 $0x2  }
0x67: {  	_ =	swait.ge @!p0 [sflag:s0], s1  }
0x68: {  	s1 =	ssub.s32 @!p0 $0x0, s1;
	[sflag:s0] =	ssyncset.done @!p0 $0x0  }
0x69: {  	[sflag:s0] =	ssyncadd.s32 @!p0 s1  }
0x6a: {  	[bflag:$0x3] =	sbarrier.arrive $0xFFFF  }
0x6b: {  	_ =	shalt  }

// kernel: kernel.35.cloned.1.call-start
scs
__scs_entry_jumppad:
0x0: {  	(pc) =	sbr.rel $0x88, $3  }
0x1: {  	(tag) =	ssettag $0x0;
	lr =	simm.s32 $0x1  }
0x2: {  	[smem:$0x3F89] =	sst lr;
	_ =	strace $0xD0000000  }
0x3: {  	_ = 	snop  }
0x4: {  	_ = 	snop  }
0x5: {  	_ = 	snop  }
0x6: {  	_ = 	snop  }
0x7: {  	_ = 	snop  }
__scs_overlays_trampoline_lowered:
0x8: {  	[smem:$0x3F98] =	sst s0  }
0x9: {  	[smem:$0x3F99] =	sst s1  }
0xa: {  	[smem:$0x3F9A] =	sst s2  }
0xb: {  	[smem:$0x3F9B] =	sst s3  }
0xc: {  	[smem:$0x3F9C] =	sst s4  }
0xd: {  	[smem:$0x3F9D] =	sst s5  }
0xe: {  	[smem:$0x3F9E] =	sst s6  }
0xf: {  	[smem:$0x3F9F] =	sst s7  }
0x10: {  	[smem:$0x3FA0] =	sst s8  }
0x11: {  	[smem:$0x3FA1] =	sst s9;
	s0 =	simm.s32 @!p0 $0x0  }
0x12: {  	s1 =	sld [smem:$0x3F87];
	s0 =	simm.s32 @p0 $0x1  }
0x13: {  	[smem:$0x3FA2] =	sst s0;
	s0 =	simm.s32 @!p1 $0x0  }
0x14: {  	s2 =	sld [smem:$0x3F86];
	s0 =	simm.s32 @p1 $0x1  }
0x15: {  	[smem:$0x3FA3] =	sst s0;
	s0 =	simm.s32 @!p2 $0x0  }
0x16: {  	s3 =	sld [smem:$0x3FDB];
	s0 =	simm.s32 @p2 $0x1  }
0x17: {  	s4 =	simm.s32 $0x1BF5;
	[smem:$0x3FA5] =	sst s0  }
0x18: {  	s0 =	sld [smem:$0x3F88];
	_ =	swait.ge [sflag:s4], $0x0  }
0x19: {  	s7 =	sld [smem:$0x3F89]  }
0x1a: {  	s8 =	sadd.s32 $0xFFFFE003, lr  }
0x1b: {  	s9 =	sadd.s32 $0xFFFFFEF7, lr;
	s5 =	simm.s32 $0xFFFFFFFF;
	p2 =	slt.u32 s8, $0xFFFFF086  }
0x1c: {  	p1 =	slt.u32 s9, $0xF7A;
	s5 =	simm.s32 @!p2 $0x0  }
0x1d: {  	s5 =	simm.s32 @p1 $0x1;
	p0 =	seq.s32 s7, s2  }
0x1e: {  	s7 =	smul.u32 @!p0 $0xF7A, s2;
	p2 =	seq.s32 @!p0 s5, $0x0  }
0x1f: {  	s9 =	smul.u32 $0xF7A, s1;
	s8 =	simm.s32 @!p0 $0x1BF5;
	p2 =	por !p2, p0  }
0x20: {  	[sflag:s8] =	ssyncset.s32 @!p0 $0xFFFFF086;
	s6 =	sadd.s32 @!p0 s3, s7;
	s7 =	simm.s32 @!p0 $0x108  }
0x21: {  	s3 =	sadd.s32 s3, s9;
	s6 =	sadd.s32 @!p0 $0x88, s6;
	s7 =	simm.s32 @p2 $0x1082  }
0x22: {  	[simem:s7], [sflag:s8] =	dma.local @!p0 [hbm:s6], $0xF7A  }
0x23: {  	s9 =	sor.u32 $0xD0000000, s2;
	s6 =	simm.s32 $0x108;
	_ =	swait.ge @!p0 [sflag:s8], $0x0  }
0x24: {  	s3 =	sadd.s32 $0x88, s3;
	s6 =	simm.s32 @!p1 $0x1082;
	[sflag:s4] =	ssyncset.s32 $0xFFFFF086  }
0x25: {  	[simem:s6], [sflag:s4] =	dma.local [hbm:s3], $0xF7A  }
0x26: {  	[smem:$0x3F89] =	sst s1;
	(tag) =	ssettag s2;
	_ =	strace s9  }
0x27: {  	s1 =	sld [smem:$0x3F99]  }
0x28: {  	s2 =	sld [smem:$0x3F9A]  }
0x29: {  	s4 =	sld [smem:$0x3F9C]  }
0x2a: {  	p0 =	seq.s32 s5, $0x0;
	s5 =	sld [smem:$0x3F9D]  }
0x2b: {  	s6 =	sld [smem:$0x3F9E]  }
0x2c: {  	s7 =	sld [smem:$0x3F9F]  }
0x2d: {  	s3 =	simm.s32 $0x108;
	s8 =	sld [smem:$0x3FA0]  }
0x2e: {  	s3 =	simm.s32 @!p0 $0x1082;
	s9 =	sld [smem:$0x3FA1]  }
0x2f: {  	lr =	sadd.s32 s0, s3;
	s0 =	sld [smem:$0x3F98]  }
0x30: {  	s3 =	sld [smem:$0x3F9B]  }
0x31: {  	[smem:$0x3FA4] =	sst s10  }
0x32: {  	s10 =	sld [smem:$0x3FA2];
	_ =	sdelay $0x3  }
0x33: {  	p0 =	seq.s32 s10, $0x1;
	s10 =	sld [smem:$0x3FA4];
	_ =	sdelay $0x3  }
0x34: {  	[smem:$0x3FA4] =	sst s10  }
0x35: {  	s10 =	sld [smem:$0x3FA3];
	_ =	sdelay $0x3  }
0x36: {  	p1 =	seq.s32 s10, $0x1;
	s10 =	sld [smem:$0x3FA4];
	_ =	sdelay $0x3  }
0x37: {  	[smem:$0x3FA4] =	sst s10  }
0x38: {  	s10 =	sld [smem:$0x3FA5]  }
0x39: {  	_ = 	snop;
	(pc) =	sbr.ind lr, $3  }
0x3a: {  	_ = 	snop  }
0x3b: {  	_ = 	snop  }
0x3c: {  	p2 =	seq.s32 s10, $0x1;
	s10 =	sld [smem:$0x3FA4]  }
0x3d: {  	_ =	shalt  }
0x3e: {  	_ =	shalt  }
0x3f: {  	_ =	shalt  }
0x40: {  	_ =	shalt  }
0x41: {  	_ =	shalt  }
0x42: {  	_ =	shalt  }
0x43: {  	_ =	shalt  }
0x44: {  	_ =	shalt  }
0x45: {  	_ =	shalt  }
0x46: {  	_ =	shalt  }
0x47: {  	_ =	shalt  }
0x48: {  	_ =	shalt  }
0x49: {  	_ =	shalt  }
0x4a: {  	_ =	shalt  }
0x4b: {  	_ =	shalt  }
0x4c: {  	_ =	shalt  }
0x4d: {  	_ =	shalt  }
0x4e: {  	_ =	shalt  }
0x4f: {  	_ =	shalt  }
0x50: {  	_ =	shalt  }
0x51: {  	_ =	shalt  }
0x52: {  	_ =	shalt  }
0x53: {  	_ =	shalt  }
0x54: {  	_ =	shalt  }
0x55: {  	_ =	shalt  }
0x56: {  	_ =	shalt  }
0x57: {  	_ =	shalt  }
0x58: {  	_ =	shalt  }
0x59: {  	_ =	shalt  }
0x5a: {  	_ =	shalt  }
0x5b: {  	_ =	shalt  }
0x5c: {  	_ =	shalt  }
0x5d: {  	_ =	shalt  }
0x5e: {  	_ =	shalt  }
0x5f: {  	_ =	shalt  }
0x60: {  	_ =	shalt  }
0x61: {  	_ =	shalt  }
0x62: {  	_ =	shalt  }
0x63: {  	_ =	shalt  }
0x64: {  	_ =	shalt  }
0x65: {  	_ =	shalt  }
0x66: {  	_ =	shalt  }
0x67: {  	_ =	shalt  }
0x68: {  	_ =	shalt  }
0x69: {  	_ =	shalt  }
0x6a: {  	_ =	shalt  }
0x6b: {  	_ =	shalt  }
0x6c: {  	_ =	shalt  }
0x6d: {  	_ =	shalt  }
0x6e: {  	_ =	shalt  }
0x6f: {  	_ =	shalt  }
0x70: {  	_ =	shalt  }
0x71: {  	_ =	shalt  }
0x72: {  	_ =	shalt  }
0x73: {  	_ =	shalt  }
0x74: {  	_ =	shalt  }
0x75: {  	_ =	shalt  }
0x76: {  	_ =	shalt  }
0x77: {  	_ =	shalt  }
0x78: {  	_ =	shalt  }
0x79: {  	_ =	shalt  }
0x7a: {  	_ =	shalt  }
0x7b: {  	_ =	shalt  }
0x7c: {  	_ =	shalt  }
0x7d: {  	_ =	shalt  }
0x7e: {  	_ =	shalt  }
0x7f: {  	_ =	shalt  }
0x80: {  	_ =	shalt  }
0x81: {  	_ =	shalt  }
0x82: {  	_ =	shalt  }
0x83: {  	_ =	shalt  }
0x84: {  	_ =	shalt  }
0x85: {  	_ =	shalt  }
0x86: {  	_ =	shalt  }
0x87: {  	_ =	shalt  }
.Lfunc_end0:
.L_simem_size_0:
called_computation.3_lowered:
.L_overlay_start_0:
0x88: {  	s2 =	sld [smem:$0x3FD9]  }
0x89: {  	s3 =	sld [smem:$0x3FFE];
	_ =	sdelay $0x1  }
0x8a: {  	s1 =	srdreg.scid  }
0x8b: {  	s0 =	sand.u32 $0x1, s1  }
0x8c: {  	s16 =	sshll.u32 s0, $0xA;
	s2 =	sadd.s32 s3, s2  }
0x8d: {  	s2 =	sadd.s32 s2, s16  }
0x8e: {  	[smem:$0x3FB0] =	sst s2  }
0x8f: {  	_ = 	snop  }
0x90: {  	(tm) =	ssettm $0x1  }
0x91: {  	s17 =	sld [smem:$0x3FFB];
	_ =	sdelay $0x3  }
0x92: {  	_ =	strace s17  }
0x93: {  	s2 =	sld [smem:$0x3FFC];
	_ =	sdelay $0x3  }
0x94: {  	_ =	strace s2  }
0x95: {  	s2 =	sld [smem:$0x3FFD];
	_ =	sdelay $0x3  }
0x96: {  	_ =	strace s2  }
0x97: {  	_ =	strace $0x8FFFFFFF  }
0x98: {  	s18 =	sld [smem:$0x3FDB];
	_ =	sdelay $0x1  }
0x99: {  	s19 =	simm.s32 $_scs_section_size  }
0x9a: {  	s4 =	simm.s32 $_size__tile_overlayer_lowered;
	s5 =	simm.s32 $_tile_overlayer_lowered  }
0x9b: {  	s22 =	simm.s32 $0x1BFF;
	s21 =	sshll.u32 s5, $0x1;
	s2 =	sadd.s32 s19, s18  }
0x9c: {  	s6 =	simm.s32 $0x0;
	s20 =	sshll.u32 s4, $0x1;
	s4 =	sadd.s32 s21, s2  }
0x9d: {  	[timem:s6], [sflag:s22] =	dma.local [hbm:s4], s20  }
0x9e: {  	_ =	swait.ge [sflag:s22], s20  }
0x9f: {  	s3 =	ssub.s32 $0x0, s20;
	[sflag:s22] =	ssyncset.done $0x0  }
0xa0: {  	[sflag:s22] =	ssyncadd.s32 s3;
	_ =	sdelay $0x1  }
0xa1: {  	s23 =	simm.s32 $0x1B8B  }
0xa2: {  	_ =	swait.ge [sflag:s23], $0x1  }
0xa3: {  	[sflag:s23] =	ssyncset.done $0x0  }
0xa4: {  	s25 =	simm.s32 $0x1B8E;
	s24 =	sld [smem:$0x3FFE];
	[sflag:s23] =	ssyncadd.s32 $0xFFFFFFFF  }
0xa5: {  	s26 =	simm.s32 $execute0_lowered;
	[smem:$0x3FD2] =	sst s25  }
0xa6: {  	s4 =	sshll.u32 s26, $0x1;
	_ =	strace $0x8000004F;
	[dreg:$0x1] =	wrdreg $0xFFFFFFFF  }
0xa7: {  	s28 =	simm.s32 $_size_execute0_lowered;
	s2 =	sadd.s32 s2, s4;
	[dreg:$0x0] =	wrdreg $0x0  }
0xa8: {  	s4 =	sshll.u32 s28, $0x1;
	[dreg:$0x2] =	wrdreg s2  }
0xa9: {  	[dreg:$0x3] =	wrdreg s4  }
0xaa: {  	[dreg:$0x4] =	wrdreg $0xC0  }
0xab: {  	_ =	task [dreg:s6], $0x5FFFF  }
0xac: {  	[dreg:$0x1] =	wrdreg $0xFFFFFFFF  }
0xad: {  	[dreg:$0x0] =	wrdreg $0x60  }
0xae: {  	[dreg:$0x2] =	wrdreg s24  }
0xaf: {  	[dreg:$0x3] =	wrdreg $0x81000  }
0xb0: {  	[dreg:$0x4] =	wrdreg $0x9  }
0xb1: {  	_ =	task.clear_ibuf [dreg:s6], $0x5FFFF;
	_ =	strace $0x9000004F  }
0xb2: {  	s29 =	simm.s32 $0x9;
	_ =	strace $0x80000051  }
0xb3: {  	_ =	swait.ge [sflag:s29], $0x1  }
0xb4: {  	[sflag:s29] =	ssyncadd.s32 $0xFFFFFFFF  }
0xb5: {  	_ =	strace $0x90000051  }
0xb6: {  	_ =	sfence  }
0xb7: {  	s30 =	sld [smem:$0x0];
	_ =	sdelay $0x2  }
0xb8: {  	s31 =	sshll.u32 s1, $0xD;
	s1 =	sshrl.u32 s1, $0x2  }
0xb9: {  	s3 =	sand.u32 $0x4000, s31;
	s1 =	sadd.s32 s1, s30  }
0xba: {  	s0 =	sor.u32 s3, s0;
	s1 =	sshll.u32 s1, $0x11  }
0xbb: {  	s0 =	sor.u32 s1, s0  }
0xbc: {  	s0 =	sadd.s32 $0x8F2B, s0  }
0xbd: {  	[sflag:s0] =	ssyncadd.remote.s32 $0x1  }
0xbe: {  	_ =	sfence.sel $0xFFFF  }
0xbf: {  	[dreg:$0x0] =	wrdreg $0xFFFFFFFF;
	(pc) =	sbr.abs _section_cstart, $3  }
0xc0: {  	[dreg:$0x1] =	wrdreg $0xFFFFFFFF  }
0xc1: {  	_ =	task.clear_ibuf [dreg:s6], $0x2FFFF;
	_ =	strace $0x9FFFFFFF  }
0xc2: {  	(tm) =	ssettm $0x7FFFFFFF  }
0xc3: {  	_ =	shalt  }
tec
execute0_lowered:
.L_overlay_start_1:
0x0: {  	(tag) =	ssettag $0x1  }
0x1: {  	s7 =	rddreg [dreg:$0x0]  }
0x2: {  	s1 =	rddreg [dreg:$0x1];
	s2 =	srdreg.scid;
	s3 =	simm.s32 $0x0  }
0x3: {  	s18 =	simm.s32 $0x80;
	s19 =	simm.s32 $0x4100;
	s9 =	sand.u32 $0x1, s2  }
0x4: {  	s20 =	simm.s32 $0x1;
	s2 =	stileid.u32;
	s5 =	smul.u32 $0x140000, s9  }
0x5: {  	s21 =	simm.s32 $0x100;
	[smem:$0x7FF] =	sst s3;
	s6 =	smul.u32 $0x14000, s2  }
0x6: {  	s14 =	sadd.s32 $0x414C00, s7;
	s4 =	sshll.u32 s2, $0x1;
	s12 =	smul.u32 $0x50000, s2  }
0x7: {  	_ =	strace $0x80000050;
	s22 =	ssub.s32 $0x2, s9;
	s23 =	smul.u32 $0x140000, s2  }
0x8: {  	s25 =	smul.u32 $0xA0000, s9;
	s31 =	sshll.u32 s2, $0x6;
	s8 =	sor.u32 s9, s4  }
0x9: {  	s4 =	sadd.s32 $0x2C7C00, s7;
	s10 =	sadd.s32 s6, s5;
	s5 =	smul.u32 $0x1400, s8  }
0xa: {  	s13 =	sshrl.u32 s22, $0x1;
	s6 =	sadd.s32 $0xD800, s7;
	s11 =	smul.u32 $0x14000, s8  }
0xb: {  	s16 =	smul.u32 $0xA0000, s8;
	s13 =	ssub.s32 s22, s13;
	s24 =	sshrl.u32 s12, $0x2  }
0xc: {  	s12 =	sadd.s32 s25, s23;
	s22 =	simm.s32 $0x2;
	s23 =	simm.s32 $0x0  }
0xd: {  	s10 =	sshrl.u32 s10, $0x3;
	s17 =	sadd.s32 s24, s1;
	s28 =	sor.u32 $0x8000, s12  }
0xe: {  	s10 =	sadd.s32 s10, s7;
	s15 =	sshrl.u32 s5, $0x3;
	s8 =	sadd.s32 s14, s11  }
0xf: {  	s26 =	sshrl.u32 s16, $0x3;
	s30 =	sshrl.u32 s28, $0x3;
	s16 =	sor.u32 $0x1C03, s31  }
0x10: {  	s17 =	sshrl.u32 s17, $0x3;
	s7 =	sadd.s32 s4, s15;
	s9 =	sadd.s32 $0x3F800, s10  }
0x11: {  	s10 =	smax.u32 s13, $0x1;
	s13 =	sadd.s32 s14, s26;
	s15 =	sor.u32 $0x4000, s12  }
0x12: {  	s11 =	sadd.s32 $0x270, s7;
	s12 =	sadd.s32 $0x13800, s13;
	s29 =	sshrl.u32 s15, $0x3  }
0x13: {  	s15 =	simm.s32 $0x3;
	s13 =	sadd.s32 s29, s14;
	s14 =	sadd.s32 s30, s14  }
.LBB2_1:
0x14: {  	[tilespmem:s3], [sflag:$0x3] =	stream.linear.gather [hbm4b:s7+s3], $0x80, $0x38;
	[tilespmem:$0x1C100] =	vst v63  }
0x15: {  	_ =	swait.ge [sflag:s15], $0x80  }
0x16: {  	s24 =	simm.s32 $0x0;
	[sflag:s15] =	ssyncset.done $0x0  }
0x17: {  	s25 =	simm.s32 $0x80;
	s24 =	sand.u32 $0x1C00, s24;
	[sflag:s15] =	ssyncadd.s32 $0xFFFFFF80  }
0x18: {  	[tilespmem:s21], [sflag:$0x1] =	stream.linear.gather [hbm4b:s8+s3], $0x4000, $0x38;
	[tilespmem:$0x1C100] =	vst v63  }
0x19: {  	[spmem:s17], [sflag:s16] =	dma.local [hbm:s6], $0x2800  }
0x1a: {  	s25 =	sand.u32 $0x380, s25;
	s24 =	sadd.s32 s5, s24;
	_ =	swait.ge [sflag:s15], $0x2800  }
0x1b: {  	s24 =	sor.u32 s24, s25;
	[sflag:s15] =	ssyncset.done $0x0  }
0x1c: {  	s24 =	sshrl.u32 s24, $0x3;
	[sflag:s15] =	ssyncadd.s32 $0xFFFFD800  }
0x1d: {  	s24 =	sadd.s32 s4, s24;
	[bflag:$0x0] =	sbarrier.arrive $0xFFFF  }
0x1e: {  	[tilespmem:s18], [sflag:$0x3] =	stream.linear.gather [hbm4b:s24+s3], $0x80, $0x38;
	[tilespmem:$0x1C100] =	vst v63  }
0x1f: {  	_ =	swait.ge [sflag:s15], $0x80  }
0x20: {  	[sflag:s15] =	ssyncset.done $0x0  }
0x21: {  	[sflag:s15] =	ssyncadd.s32 $0xFFFFFF80  }
0x22: {  	[tilespmem:s19], [sflag:$0x2] =	stream.linear.gather [hbm4b:s13+s3], $0x4000, $0x38;
	[tilespmem:$0x1C100] =	vst v63  }
0x23: {  	_ =	swait.ge [sflag:s20], $0x4000  }
0x24: {  	s28 =	sand.u32 $0x3C00, s21;
	[sflag:s20] =	ssyncset.done $0x0  }
0x25: {  	s31 =	sand.u32 $0x300, s21;
	s24 =	sadd.s32 s5, s28;
	[sflag:s20] =	ssyncadd.s32 $0xFFFFC000  }
0x26: {  	[spmem:s1] =	stream.indirect.scatter.add.f32 [tilespmem:s21], [sflag:$0x3], $0x80, s3, s18, $0xb8;
	[tilespmem:$0x1C100] =	vst v63  }
0x27: {  	s24 =	sor.u32 s31, s24;
	_ =	swait.ge [sflag:s15], $0x4000  }
0x28: {  	s24 =	sshrl.u32 s24, $0x3;
	[sflag:s15] =	ssyncset.done $0x0  }
0x29: {  	s24 =	sadd.s32 s4, s24;
	[sflag:s15] =	ssyncadd.s32 $0xFFFFC000  }
0x2a: {  	[tilespmem:s3], [sflag:$0x3] =	stream.linear.gather [hbm4b:s24+s3], $0x80, $0x38;
	[tilespmem:$0x1C100] =	vst v63  }
0x2b: {  	s29 =	simm.s32 $0x300;
	s26 =	simm.s32 $0x100;
	_ =	swait.ge [sflag:s15], $0x80  }
0x2c: {  	s26 =	sand.u32 $0x1C00, s26;
	s28 =	simm.s32 $0x180;
	[sflag:s15] =	ssyncset.done $0x0  }
0x2d: {  	s26 =	sadd.s32 s5, s26;
	s28 =	sand.u32 $0x380, s28;
	[sflag:s15] =	ssyncadd.s32 $0xFFFFFF80  }
0x2e: {  	[tilespmem:s21], [sflag:$0x1] =	stream.linear.gather [hbm4b:s14+s3], $0x4000, $0x38;
	[tilespmem:$0x1C100] =	vst v63  }
0x2f: {  	s25 =	simm.s32 $0x200;
	s30 =	sor.u32 s26, s28;
	_ =	swait.ge [sflag:s22], $0x4000  }
0x30: {  	s26 =	sadd.s32 $0x1000, s13;
	s24 =	sadd.s32 $0x1000, s14;
	[sflag:s22] =	ssyncset.done $0x0  }
.LBB2_2:
0x31: {  	s30 =	sshrl.u32 s30, $0x3;
	[sflag:s22] =	ssyncadd.s32 $0xFFFFC000  }
0x32: {  	s31 =	smov.u32 s29;
	s28 =	sadd.s32 $0x100, s29;
	s0 =	smov.u32 s24  }
0x33: {  	[spmem:s1] =	stream.indirect.scatter.add.f32 [tilespmem:s19], [sflag:$0x3], $0x80, s18, s18, $0xb8;
	[tilespmem:$0x1C100] =	vst v63  }
0x34: {  	p0 =	sne.s32 s29, $0x1300;
	_ =	swait.ge [sflag:s15], $0x4000  }
0x35: {  	[sflag:s15] =	ssyncset.done $0x0  }
0x36: {  	s29 =	sadd.s32 s4, s30;
	[sflag:s15] =	ssyncadd.s32 $0xFFFFC000  }
0x37: {  	[tilespmem:s18], [sflag:$0x3] =	stream.linear.gather [hbm4b:s29+s3], $0x80, $0x38;
	[tilespmem:$0x1C100] =	vst v63  }
0x38: {  	_ =	swait.ge [sflag:s15], $0x80  }
0x39: {  	[sflag:s15] =	ssyncset.done $0x0  }
0x3a: {  	[sflag:s15] =	ssyncadd.s32 $0xFFFFFF80  }
0x3b: {  	[tilespmem:s19], [sflag:$0x2] =	stream.linear.gather [hbm4b:s26+s3], $0x4000, $0x38;
	[tilespmem:$0x1C100] =	vst v63  }
0x3c: {  	_ =	swait.ge [sflag:s20], $0x4000  }
0x3d: {  	[sflag:s20] =	ssyncset.done $0x0  }
0x3e: {  	s29 =	sand.u32 $0x3C00, s25;
	[sflag:s20] =	ssyncadd.s32 $0xFFFFC000  }
0x3f: {  	[spmem:s1] =	stream.indirect.scatter.add.f32 [tilespmem:s21], [sflag:$0x3], $0x80, s3, s18, $0xb8;
	[tilespmem:$0x1C100] =	vst v63  }
0x40: {  	s25 =	sand.u32 $0x300, s25;
	s29 =	sadd.s32 s5, s29;
	_ =	swait.ge [sflag:s15], $0x4000  }
0x41: {  	s29 =	sor.u32 s25, s29;
	s25 =	smov.u32 s31;
	[sflag:s15] =	ssyncset.done $0x0  }
0x42: {  	s29 =	sshrl.u32 s29, $0x3;
	[sflag:s15] =	ssyncadd.s32 $0xFFFFC000  }
0x43: {  	s29 =	sadd.s32 s4, s29  }
0x44: {  	[tilespmem:s3], [sflag:$0x3] =	stream.linear.gather [hbm4b:s29+s3], $0x80, $0x38;
	[tilespmem:$0x1C100] =	vst v63  }
0x45: {  	s24 =	sadd.s32 $0x1000, s24;
	s30 =	sadd.s32 $0xFFFFFF80, s25;
	_ =	swait.ge [sflag:s15], $0x80  }
.Ltmp0:
0x46: {  	s29 =	sadd.s32 $0xFFFFFF00, s25;
	[sflag:s15] =	ssyncset.done $0x0;
	(pc) =	sbr.rel @p0 .LBB2_2-.Ltmp0, $4  }
0x47: {  	s26 =	sadd.s32 $0x1000, s26;
	s29 =	sand.u32 $0x1C00, s29;
	[sflag:s15] =	ssyncadd.s32 $0xFFFFFF80  }
0x48: {  	[tilespmem:s21], [sflag:$0x1] =	stream.linear.gather [hbm4b:s0+s3], $0x4000, $0x38;
	[tilespmem:$0x1C100] =	vst v63  }
0x49: {  	s0 =	sadd.s32 s5, s29;
	s29 =	sand.u32 $0x380, s30;
	_ =	swait.ge [sflag:s22], $0x4000  }
0x4a: {  	s30 =	sor.u32 s0, s29;
	s29 =	smov.u32 s28;
	[sflag:s22] =	ssyncset.done $0x0  }
0x4b: {  	[sflag:s22] =	ssyncadd.s32 $0xFFFFC000  }
0x4c: {  	[spmem:s1] =	stream.indirect.scatter.add.f32 [tilespmem:s19], [sflag:$0x3], $0x80, s18, s18, $0xb8;
	[tilespmem:$0x1C100] =	vst v63  }
0x4d: {  	_ =	swait.ge [sflag:s15], $0x4000  }
0x4e: {  	s0 =	sshrl.u32 s30, $0x3;
	[sflag:s15] =	ssyncset.done $0x0  }
0x4f: {  	s0 =	sadd.s32 s4, s0;
	[sflag:s15] =	ssyncadd.s32 $0xFFFFC000  }
0x50: {  	[tilespmem:s18], [sflag:$0x3] =	stream.linear.gather [hbm4b:s0+s3], $0x80, $0x38;
	[tilespmem:$0x1C100] =	vst v63  }
0x51: {  	_ =	swait.ge [sflag:s15], $0x80  }
0x52: {  	[sflag:s15] =	ssyncset.done $0x0  }
0x53: {  	[sflag:s15] =	ssyncadd.s32 $0xFFFFFF80  }
0x54: {  	[tilespmem:s19], [sflag:$0x2] =	stream.linear.gather [hbm4b:s26+s3], $0x4000, $0x38;
	[tilespmem:$0x1C100] =	vst v63  }
0x55: {  	_ =	swait.ge [sflag:s20], $0x4000  }
0x56: {  	s30 =	sand.u32 $0x3C00, s25;
	[sflag:s20] =	ssyncset.done $0x0  }
0x57: {  	s31 =	sand.u32 $0x300, s25;
	s0 =	sadd.s32 s5, s30;
	[sflag:s20] =	ssyncadd.s32 $0xFFFFC000  }
0x58: {  	[spmem:s1] =	stream.indirect.scatter.add.f32 [tilespmem:s21], [sflag:$0x3], $0x80, s3, s18, $0xb8;
	[tilespmem:$0x1C100] =	vst v63  }
0x59: {  	s0 =	sor.u32 s31, s0;
	_ =	swait.ge [sflag:s15], $0x4000  }
0x5a: {  	s0 =	sshrl.u32 s0, $0x3;
	[sflag:s15] =	ssyncset.done $0x0  }
0x5b: {  	s0 =	sadd.s32 s4, s0;
	[sflag:s15] =	ssyncadd.s32 $0xFFFFC000  }
0x5c: {  	[tilespmem:s3], [sflag:$0x3] =	stream.linear.gather [hbm4b:s0+s3], $0x80, $0x38;
	[tilespmem:$0x1C100] =	vst v63  }
0x5d: {  	_ =	swait.ge [sflag:s15], $0x80  }
0x5e: {  	[sflag:s15] =	ssyncset.done $0x0  }
0x5f: {  	[sflag:s15] =	ssyncadd.s32 $0xFFFFFF80  }
0x60: {  	[tilespmem:s21], [sflag:$0x1] =	stream.linear.gather [hbm4b:s24+s3], $0x4000, $0x38;
	[tilespmem:$0x1C100] =	vst v63  }
0x61: {  	_ =	swait.ge [sflag:s22], $0x4000  }
0x62: {  	[sflag:s22] =	ssyncset.done $0x0  }
0x63: {  	[sflag:s22] =	ssyncadd.s32 $0xFFFFC000  }
0x64: {  	[spmem:s1] =	stream.indirect.scatter.add.f32 [tilespmem:s19], [sflag:$0x3], $0x80, s18, s18, $0xb8;
	[tilespmem:$0x1C100] =	vst v63  }
0x65: {  	_ =	swait.ge [sflag:s15], $0x4000  }
0x66: {  	[sflag:s15] =	ssyncset.done $0x0  }
0x67: {  	[sflag:s15] =	ssyncadd.s32 $0xFFFFC000  }
0x68: {  	[tilespmem:s18], [sflag:$0x3] =	stream.linear.gather [hbm4b:s11+s3], $0x80, $0x38;
	[tilespmem:$0x1C100] =	vst v63  }
0x69: {  	_ =	swait.ge [sflag:s15], $0x80  }
0x6a: {  	[sflag:s15] =	ssyncset.done $0x0  }
0x6b: {  	[sflag:s15] =	ssyncadd.s32 $0xFFFFFF80  }
0x6c: {  	[tilespmem:s19], [sflag:$0x2] =	stream.linear.gather [hbm4b:s12+s3], $0x4000, $0x38;
	[tilespmem:$0x1C100] =	vst v63  }
0x6d: {  	_ =	swait.ge [sflag:s20], $0x4000  }
0x6e: {  	[sflag:s20] =	ssyncset.done $0x0  }
0x6f: {  	[sflag:s20] =	ssyncadd.s32 $0xFFFFC000  }
0x70: {  	[spmem:s1] =	stream.indirect.scatter.add.f32 [tilespmem:s21], [sflag:$0x3], $0x80, s3, s18, $0xb8;
	[tilespmem:$0x1C100] =	vst v63  }
0x71: {  	_ =	swait.ge [sflag:s15], $0x4000  }
0x72: {  	[sflag:s15] =	ssyncset.done $0x0  }
0x73: {  	[sflag:s15] =	ssyncadd.s32 $0xFFFFC000  }
0x74: {  	_ =	swait.ge [sflag:s22], $0x4000  }
0x75: {  	[sflag:s22] =	ssyncset.done $0x0  }
0x76: {  	[sflag:s22] =	ssyncadd.s32 $0xFFFFC000  }
0x77: {  	[spmem:s1] =	stream.indirect.scatter.add.f32 [tilespmem:s19], [sflag:$0x3], $0x80, s18, s18, $0xb8;
	[tilespmem:$0x1C100] =	vst v63  }
0x78: {  	_ =	swait.ge [sflag:s15], $0x4000  }
0x79: {  	s23 =	sadd.s32 $0x1, s23;
	[sflag:s15] =	ssyncset.done $0x0  }
0x7a: {  	p0 =	sne.s32 s23, s10;
	[sflag:s15] =	ssyncadd.s32 $0xFFFFC000  }
.Ltmp1:
0x7b: {  	[bflag:$0x0] =	sbarrier.arrive $0xFFFF;
	(pc) =	sbr.rel @p0 .LBB2_1-.Ltmp1, $4  }
0x7c: {  	[hbm:s9], [sflag:s16] =	dma.local [spmem:s17], $0x2800  }
0x7d: {  	_ =	swait.ge [sflag:s15], $0x2800  }
0x7e: {  	[sflag:s15] =	ssyncset.done $0x0  }
0x7f: {  	[sflag:s15] =	ssyncadd.s32 $0xFFFFD800  }
0x80: {  	_ =	sfence.sel $0x180000  }
0x81: {  	[bflag:$0x0] =	sbarrier.arrive $0xFFFF  }
0x82: {  	_ =	strace $0x90000050  }
0x83: {  	[bflag:$0x2] =	sbarrier.arrive $0xFFFF  }
0x84: {  	p0 =	sne.s32 s2, $0x0;
	s0 =	rddreg [dreg:$0x2]  }
0x85: {  	s0 =	sadd.s32 @!p0 $0x100000, s0  }
0x86: {  	[sflag:s0] =	ssyncadd.tile.s32 @!p0 $0x1;
	_ =	shalt  }
.Lfunc_end2:
_tile_overlayer_lowered:
.L_overlay_start_2:
0x87: {  	(tag) =	ssettag $0x2  }
0x88: {  	s0 =	rddreg [dreg:$0x0];
	s2 =	stileid.u32  }
0x89: {  	s1 =	rddreg [dreg:$0x1];
	p0 =	sne.s32 s2, $0x0  }
0x8a: {  	s3 =	rddreg [dreg:$0x2];
	[bflag:$0x3] =	sbarrier.arrive $0xFFFF;
	s2 =	simm.s32 @!p0 $0x1C03  }
0x8b: {  	[timem:s3], [sflag:s2] =	dma.local @!p0 [hbm:s0], s1  }
0x8c: {  	s0 =	simm.s32 @!p0 $0x3  }
0x8d: {  	_ =	swait.ge @!p0 [sflag:s0], s1  }
0x8e: {  	s1 =	ssub.s32 @!p0 $0x0, s1;
	[sflag:s0] =	ssyncset.done @!p0 $0x0  }
0x8f: {  	[sflag:s0] =	ssyncadd.s32 @!p0 s1  }
0x90: {  	[bflag:$0x3] =	sbarrier.arrive $0xFFFF  }
0x91: {  	_ =	shalt  }

// kernel: kernel.38.cloned.1.call-start
scs
__scs_entry_jumppad:
0x0: {  	(pc) =	sbr.rel $0x88, $3  }
0x1: {  	(tag) =	ssettag $0x0;
	lr =	simm.s32 $0x1  }
0x2: {  	[smem:$0x3F89] =	sst lr;
	_ =	strace $0xD0000000  }
0x3: {  	_ = 	snop  }
0x4: {  	_ = 	snop  }
0x5: {  	_ = 	snop  }
0x6: {  	_ = 	snop  }
0x7: {  	_ = 	snop  }
__scs_overlays_trampoline_lowered:
0x8: {  	[smem:$0x3F98] =	sst s0  }
0x9: {  	[smem:$0x3F99] =	sst s1  }
0xa: {  	[smem:$0x3F9A] =	sst s2  }
0xb: {  	[smem:$0x3F9B] =	sst s3  }
0xc: {  	[smem:$0x3F9C] =	sst s4  }
0xd: {  	[smem:$0x3F9D] =	sst s5  }
0xe: {  	[smem:$0x3F9E] =	sst s6  }
0xf: {  	[smem:$0x3F9F] =	sst s7  }
0x10: {  	[smem:$0x3FA0] =	sst s8  }
0x11: {  	[smem:$0x3FA1] =	sst s9;
	s0 =	simm.s32 @!p0 $0x0  }
0x12: {  	s1 =	sld [smem:$0x3F87];
	s0 =	simm.s32 @p0 $0x1  }
0x13: {  	[smem:$0x3FA2] =	sst s0;
	s0 =	simm.s32 @!p1 $0x0  }
0x14: {  	s2 =	sld [smem:$0x3F86];
	s0 =	simm.s32 @p1 $0x1  }
0x15: {  	[smem:$0x3FA3] =	sst s0;
	s0 =	simm.s32 @!p2 $0x0  }
0x16: {  	s3 =	sld [smem:$0x3FDB];
	s0 =	simm.s32 @p2 $0x1  }
0x17: {  	s4 =	simm.s32 $0x1BF5;
	[smem:$0x3FA5] =	sst s0  }
0x18: {  	s0 =	sld [smem:$0x3F88];
	_ =	swait.ge [sflag:s4], $0x0  }
0x19: {  	s7 =	sld [smem:$0x3F89]  }
0x1a: {  	s8 =	sadd.s32 $0xFFFFE003, lr  }
0x1b: {  	s9 =	sadd.s32 $0xFFFFFEF7, lr;
	s5 =	simm.s32 $0xFFFFFFFF;
	p2 =	slt.u32 s8, $0xFFFFF086  }
0x1c: {  	p1 =	slt.u32 s9, $0xF7A;
	s5 =	simm.s32 @!p2 $0x0  }
0x1d: {  	s5 =	simm.s32 @p1 $0x1;
	p0 =	seq.s32 s7, s2  }
0x1e: {  	s7 =	smul.u32 @!p0 $0xF7A, s2;
	p2 =	seq.s32 @!p0 s5, $0x0  }
0x1f: {  	s9 =	smul.u32 $0xF7A, s1;
	s8 =	simm.s32 @!p0 $0x1BF5;
	p2 =	por !p2, p0  }
0x20: {  	[sflag:s8] =	ssyncset.s32 @!p0 $0xFFFFF086;
	s6 =	sadd.s32 @!p0 s3, s7;
	s7 =	simm.s32 @!p0 $0x108  }
0x21: {  	s3 =	sadd.s32 s3, s9;
	s6 =	sadd.s32 @!p0 $0x88, s6;
	s7 =	simm.s32 @p2 $0x1082  }
0x22: {  	[simem:s7], [sflag:s8] =	dma.local @!p0 [hbm:s6], $0xF7A  }
0x23: {  	s9 =	sor.u32 $0xD0000000, s2;
	s6 =	simm.s32 $0x108;
	_ =	swait.ge @!p0 [sflag:s8], $0x0  }
0x24: {  	s3 =	sadd.s32 $0x88, s3;
	s6 =	simm.s32 @!p1 $0x1082;
	[sflag:s4] =	ssyncset.s32 $0xFFFFF086  }
0x25: {  	[simem:s6], [sflag:s4] =	dma.local [hbm:s3], $0xF7A  }
0x26: {  	[smem:$0x3F89] =	sst s1;
	(tag) =	ssettag s2;
	_ =	strace s9  }
0x27: {  	s1 =	sld [smem:$0x3F99]  }
0x28: {  	s2 =	sld [smem:$0x3F9A]  }
0x29: {  	s4 =	sld [smem:$0x3F9C]  }
0x2a: {  	p0 =	seq.s32 s5, $0x0;
	s5 =	sld [smem:$0x3F9D]  }
0x2b: {  	s6 =	sld [smem:$0x3F9E]  }
0x2c: {  	s7 =	sld [smem:$0x3F9F]  }
0x2d: {  	s3 =	simm.s32 $0x108;
	s8 =	sld [smem:$0x3FA0]  }
0x2e: {  	s3 =	simm.s32 @!p0 $0x1082;
	s9 =	sld [smem:$0x3FA1]  }
0x2f: {  	lr =	sadd.s32 s0, s3;
	s0 =	sld [smem:$0x3F98]  }
0x30: {  	s3 =	sld [smem:$0x3F9B]  }
0x31: {  	[smem:$0x3FA4] =	sst s10  }
0x32: {  	s10 =	sld [smem:$0x3FA2];
	_ =	sdelay $0x3  }
0x33: {  	p0 =	seq.s32 s10, $0x1;
	s10 =	sld [smem:$0x3FA4];
	_ =	sdelay $0x3  }
0x34: {  	[smem:$0x3FA4] =	sst s10  }
0x35: {  	s10 =	sld [smem:$0x3FA3];
	_ =	sdelay $0x3  }
0x36: {  	p1 =	seq.s32 s10, $0x1;
	s10 =	sld [smem:$0x3FA4];
	_ =	sdelay $0x3  }
0x37: {  	[smem:$0x3FA4] =	sst s10  }
0x38: {  	s10 =	sld [smem:$0x3FA5]  }
0x39: {  	_ = 	snop;
	(pc) =	sbr.ind lr, $3  }
0x3a: {  	_ = 	snop  }
0x3b: {  	_ = 	snop  }
0x3c: {  	p2 =	seq.s32 s10, $0x1;
	s10 =	sld [smem:$0x3FA4]  }
0x3d: {  	_ =	shalt  }
0x3e: {  	_ =	shalt  }
0x3f: {  	_ =	shalt  }
0x40: {  	_ =	shalt  }
0x41: {  	_ =	shalt  }
0x42: {  	_ =	shalt  }
0x43: {  	_ =	shalt  }
0x44: {  	_ =	shalt  }
0x45: {  	_ =	shalt  }
0x46: {  	_ =	shalt  }
0x47: {  	_ =	shalt  }
0x48: {  	_ =	shalt  }
0x49: {  	_ =	shalt  }
0x4a: {  	_ =	shalt  }
0x4b: {  	_ =	shalt  }
0x4c: {  	_ =	shalt  }
0x4d: {  	_ =	shalt  }
0x4e: {  	_ =	shalt  }
0x4f: {  	_ =	shalt  }
0x50: {  	_ =	shalt  }
0x51: {  	_ =	shalt  }
0x52: {  	_ =	shalt  }
0x53: {  	_ =	shalt  }
0x54: {  	_ =	shalt  }
0x55: {  	_ =	shalt  }
0x56: {  	_ =	shalt  }
0x57: {  	_ =	shalt  }
0x58: {  	_ =	shalt  }
0x59: {  	_ =	shalt  }
0x5a: {  	_ =	shalt  }
0x5b: {  	_ =	shalt  }
0x5c: {  	_ =	shalt  }
0x5d: {  	_ =	shalt  }
0x5e: {  	_ =	shalt  }
0x5f: {  	_ =	shalt  }
0x60: {  	_ =	shalt  }
0x61: {  	_ =	shalt  }
0x62: {  	_ =	shalt  }
0x63: {  	_ =	shalt  }
0x64: {  	_ =	shalt  }
0x65: {  	_ =	shalt  }
0x66: {  	_ =	shalt  }
0x67: {  	_ =	shalt  }
0x68: {  	_ =	shalt  }
0x69: {  	_ =	shalt  }
0x6a: {  	_ =	shalt  }
0x6b: {  	_ =	shalt  }
0x6c: {  	_ =	shalt  }
0x6d: {  	_ =	shalt  }
0x6e: {  	_ =	shalt  }
0x6f: {  	_ =	shalt  }
0x70: {  	_ =	shalt  }
0x71: {  	_ =	shalt  }
0x72: {  	_ =	shalt  }
0x73: {  	_ =	shalt  }
0x74: {  	_ =	shalt  }
0x75: {  	_ =	shalt  }
0x76: {  	_ =	shalt  }
0x77: {  	_ =	shalt  }
0x78: {  	_ =	shalt  }
0x79: {  	_ =	shalt  }
0x7a: {  	_ =	shalt  }
0x7b: {  	_ =	shalt  }
0x7c: {  	_ =	shalt  }
0x7d: {  	_ =	shalt  }
0x7e: {  	_ =	shalt  }
0x7f: {  	_ =	shalt  }
0x80: {  	_ =	shalt  }
0x81: {  	_ =	shalt  }
0x82: {  	_ =	shalt  }
0x83: {  	_ =	shalt  }
0x84: {  	_ =	shalt  }
0x85: {  	_ =	shalt  }
0x86: {  	_ =	shalt  }
0x87: {  	_ =	shalt  }
.Lfunc_end0:
.L_simem_size_0:
called_computation.4_lowered:
.L_overlay_start_0:
0x88: {  	s2 =	sld [smem:$0x3FD9]  }
0x89: {  	s3 =	sld [smem:$0x3FFE];
	_ =	sdelay $0x1  }
0x8a: {  	s1 =	srdreg.scid  }
0x8b: {  	s0 =	sand.u32 $0x1, s1  }
0x8c: {  	s16 =	sshll.u32 s0, $0xA;
	s2 =	sadd.s32 s3, s2  }
0x8d: {  	s2 =	sadd.s32 s2, s16  }
0x8e: {  	[smem:$0x3FB0] =	sst s2  }
0x8f: {  	_ = 	snop  }
0x90: {  	(tm) =	ssettm $0x1  }
0x91: {  	s17 =	sld [smem:$0x3FFB];
	_ =	sdelay $0x3  }
0x92: {  	_ =	strace s17  }
0x93: {  	s2 =	sld [smem:$0x3FFC];
	_ =	sdelay $0x3  }
0x94: {  	_ =	strace s2  }
0x95: {  	s2 =	sld [smem:$0x3FFD];
	_ =	sdelay $0x3  }
0x96: {  	_ =	strace s2  }
0x97: {  	_ =	strace $0x8FFFFFFF  }
0x98: {  	s18 =	sld [smem:$0x3FDB];
	_ =	sdelay $0x1  }
0x99: {  	s19 =	simm.s32 $_scs_section_size  }
0x9a: {  	s4 =	simm.s32 $_size__tile_overlayer_lowered;
	s5 =	simm.s32 $_tile_overlayer_lowered  }
0x9b: {  	s22 =	simm.s32 $0x1BFF;
	s21 =	sshll.u32 s5, $0x1;
	s2 =	sadd.s32 s19, s18  }
0x9c: {  	s6 =	simm.s32 $0x0;
	s20 =	sshll.u32 s4, $0x1;
	s4 =	sadd.s32 s21, s2  }
0x9d: {  	[timem:s6], [sflag:s22] =	dma.local [hbm:s4], s20  }
0x9e: {  	_ =	swait.ge [sflag:s22], s20  }
0x9f: {  	s3 =	ssub.s32 $0x0, s20;
	[sflag:s22] =	ssyncset.done $0x0  }
0xa0: {  	[sflag:s22] =	ssyncadd.s32 s3;
	_ =	sdelay $0x1  }
0xa1: {  	s23 =	simm.s32 $0x1B8B  }
0xa2: {  	_ =	swait.ge [sflag:s23], $0x1  }
0xa3: {  	[sflag:s23] =	ssyncset.done $0x0  }
0xa4: {  	s25 =	simm.s32 $0x1B8E;
	s24 =	sld [smem:$0x3FFE];
	[sflag:s23] =	ssyncadd.s32 $0xFFFFFFFF  }
0xa5: {  	s26 =	simm.s32 $execute0_lowered;
	[smem:$0x3FD2] =	sst s25  }
0xa6: {  	s4 =	sshll.u32 s26, $0x1;
	_ =	strace $0x80000052;
	[dreg:$0x1] =	wrdreg $0xFFFFFFFF  }
0xa7: {  	s28 =	simm.s32 $_size_execute0_lowered;
	s2 =	sadd.s32 s2, s4;
	[dreg:$0x0] =	wrdreg $0x0  }
0xa8: {  	s4 =	sshll.u32 s28, $0x1;
	[dreg:$0x2] =	wrdreg s2  }
0xa9: {  	[dreg:$0x3] =	wrdreg s4  }
0xaa: {  	[dreg:$0x4] =	wrdreg $0xC0  }
0xab: {  	_ =	task [dreg:s6], $0x5FFFF  }
0xac: {  	[dreg:$0x1] =	wrdreg $0xFFFFFFFF  }
0xad: {  	[dreg:$0x0] =	wrdreg $0x60  }
0xae: {  	[dreg:$0x2] =	wrdreg s24  }
0xaf: {  	[dreg:$0x3] =	wrdreg $0x9  }
0xb0: {  	_ =	task.clear_ibuf [dreg:s6], $0x4FFFF;
	_ =	strace $0x90000052  }
0xb1: {  	s29 =	simm.s32 $0x9;
	_ =	strace $0x80000054  }
0xb2: {  	_ =	swait.ge [sflag:s29], $0x1  }
0xb3: {  	[sflag:s29] =	ssyncadd.s32 $0xFFFFFFFF  }
0xb4: {  	_ =	strace $0x90000054  }
0xb5: {  	_ =	sfence  }
0xb6: {  	s30 =	sld [smem:$0x0];
	_ =	sdelay $0x2  }
0xb7: {  	s31 =	sshll.u32 s1, $0xD;
	s1 =	sshrl.u32 s1, $0x2  }
0xb8: {  	s3 =	sand.u32 $0x4000, s31;
	s1 =	sadd.s32 s1, s30  }
0xb9: {  	s0 =	sor.u32 s3, s0;
	s1 =	sshll.u32 s1, $0x11  }
0xba: {  	s0 =	sor.u32 s1, s0  }
0xbb: {  	s0 =	sadd.s32 $0x8F2B, s0  }
0xbc: {  	[sflag:s0] =	ssyncadd.remote.s32 $0x1  }
0xbd: {  	_ =	sfence.sel $0xFFFF  }
0xbe: {  	[dreg:$0x0] =	wrdreg $0xFFFFFFFF;
	(pc) =	sbr.abs _section_cstart, $3  }
0xbf: {  	[dreg:$0x1] =	wrdreg $0xFFFFFFFF  }
0xc0: {  	_ =	task.clear_ibuf [dreg:s6], $0x2FFFF;
	_ =	strace $0x9FFFFFFF  }
0xc1: {  	(tm) =	ssettm $0x7FFFFFFF  }
tec
execute0_lowered:
.L_overlay_start_1:
0x0: {  	(tag) =	ssettag $0x1  }
0x1: {  	s1 =	srdreg.scid  }
0x2: {  	s0 =	stileid.u32;
	s4 =	rddreg [dreg:$0x0];
	s2 =	simm.s32 $0x0  }
0x3: {  	s11 =	simm.s32 $0x5400;
	s12 =	simm.s32 $0x9400;
	s13 =	simm.s32 $0xD400  }
0x4: {  	s14 =	simm.s32 $0x1;
	s15 =	simm.s32 $0x0;
	s7 =	smul.u32 $0x140000, s0  }
0x5: {  	s5 =	sand.u32 $0x1, s1;
	s1 =	rddreg [dreg:$0x1];
	s28 =	smul.u32 $0x28000, s0  }
0x6: {  	s3 =	sshll.u32 s0, $0x1;
	[smem:$0x7FF] =	sst s2;
	s9 =	smul.u32 $0xA0000, s5  }
0x7: {  	s10 =	sadd.s32 $0x3F800, s4;
	s3 =	sor.u32 s5, s3;
	s30 =	smul.u32 $0x14000, s5  }
0x8: {  	_ =	strace $0x80000053;
	s8 =	ssub.s32 $0x2, s5;
	s6 =	smul.u32 $0x1400, s3  }
0x9: {  	s3 =	sadd.s32 $0x17800, s4;
	s26 =	sshrl.u32 s8, $0x1;
	s31 =	sadd.s32 s28, s10  }
0xa: {  	s8 =	ssub.s32 s8, s26;
	s7 =	sadd.s32 s9, s7;
	s9 =	simm.s32 $0x80  }
0xb: {  	s6 =	sshrl.u32 s6, $0x3;
	s29 =	sshrl.u32 s7, $0x3;
	s5 =	smax.u32 s8, $0x1  }
0xc: {  	s7 =	sadd.s32 s30, s31;
	s8 =	simm.s32 $0x2;
	s6 =	sadd.s32 s6, s4  }
0xd: {  	s4 =	sadd.s32 $0x12800, s6;
	s6 =	sadd.s32 s29, s10;
	s10 =	simm.s32 $0x1400  }
.LBB2_1:
0xe: {  	[tilespmem:s2], [sflag:$0x2] =	stream.linear.gather [hbm4b:s4+s2], $0x1400, $0x38;
	[tilespmem:$0x11400] =	vst v63  }
0xf: {  	_ =	swait.ge [sflag:s8], $0x1400  }
0x10: {  	[sflag:s8] =	ssyncset.done $0x0  }
0x11: {  	[sflag:s8] =	ssyncadd.s32 $0xFFFFEC00  }
0x12: {  	[tilespmem:s10], [sflag:$0x1] =	stream.indirect.gather [hbm4b:s3+s9], $0x80, s2, s9, $0xb8;
	[tilespmem:$0x11400] =	vst v63  }
0x13: {  	s16 =	simm.s32 $0x80  }
0x14: {  	[tilespmem:s11], [sflag:$0x1] =	stream.indirect.gather [hbm4b:s3+s9], $0x80, s16, s9, $0xb8;
	[tilespmem:$0x11400] =	vst v63  }
0x15: {  	s26 =	simm.s32 $0x100  }
0x16: {  	[tilespmem:s12], [sflag:$0x1] =	stream.indirect.gather [hbm4b:s3+s9], $0x80, s26, s9, $0xb8;
	[tilespmem:$0x11400] =	vst v63  }
0x17: {  	s28 =	simm.s32 $0x180  }
0x18: {  	[tilespmem:s13], [sflag:$0x1] =	stream.indirect.gather [hbm4b:s3+s9], $0x80, s28, s9, $0xb8;
	[tilespmem:$0x11400] =	vst v63  }
0x19: {  	_ =	swait.ge [sflag:s14], $0x4000  }
0x1a: {  	[sflag:s14] =	ssyncset.done $0x0  }
0x1b: {  	[sflag:s14] =	ssyncadd.s32 $0xFFFFC000  }
0x1c: {  	_ =	swait.ge [sflag:s14], $0x4000  }
0x1d: {  	[sflag:s14] =	ssyncset.done $0x0  }
0x1e: {  	[sflag:s14] =	ssyncadd.s32 $0xFFFFC000  }
0x1f: {  	_ =	swait.ge [sflag:s14], $0x4000  }
0x20: {  	[sflag:s14] =	ssyncset.done $0x0  }
0x21: {  	[sflag:s14] =	ssyncadd.s32 $0xFFFFC000  }
0x22: {  	_ =	swait.ge [sflag:s14], $0x4000  }
0x23: {  	[sflag:s14] =	ssyncset.done $0x0  }
0x24: {  	s29 =	sadd.s32 $0x0, s6;
	[sflag:s14] =	ssyncadd.s32 $0xFFFFC000  }
0x25: {  	[hbm4b:s29+s2] =	stream.linear.scatter [tilespmem:s10], [sflag:$0x2], $0x4000, $0x38;
	[tilespmem:$0x11400] =	vst v63  }
0x26: {  	_ =	swait.ge [sflag:s8], $0x4000  }
0x27: {  	s30 =	sadd.s32 $0x0, s7;
	[sflag:s8] =	ssyncset.done $0x0  }
0x28: {  	s17 =	sadd.s32 $0x800, s30;
	[sflag:s8] =	ssyncadd.s32 $0xFFFFC000  }
0x29: {  	[hbm4b:s17+s2] =	stream.linear.scatter [tilespmem:s11], [sflag:$0x2], $0x4000, $0x38;
	[tilespmem:$0x11400] =	vst v63  }
0x2a: {  	_ =	swait.ge [sflag:s8], $0x4000  }
0x2b: {  	[sflag:s8] =	ssyncset.done $0x0  }
0x2c: {  	s31 =	sadd.s32 $0x1000, s30;
	[sflag:s8] =	ssyncadd.s32 $0xFFFFC000  }
0x2d: {  	[hbm4b:s31+s2] =	stream.linear.scatter [tilespmem:s12], [sflag:$0x2], $0x4000, $0x38;
	[tilespmem:$0x11400] =	vst v63  }
0x2e: {  	_ =	swait.ge [sflag:s8], $0x4000  }
0x2f: {  	[sflag:s8] =	ssyncset.done $0x0  }
0x30: {  	s16 =	sadd.s32 $0x1800, s30;
	[sflag:s8] =	ssyncadd.s32 $0xFFFFC000  }
0x31: {  	[hbm4b:s16+s2] =	stream.linear.scatter [tilespmem:s13], [sflag:$0x2], $0x4000, $0x38;
	[tilespmem:$0x11400] =	vst v63  }
0x32: {  	_ =	swait.ge [sflag:s8], $0x4000  }
0x33: {  	s17 =	simm.s32 $0x0;
	s16 =	simm.s32 $0x2000;
	[sflag:s8] =	ssyncset.done $0x0  }
.LBB2_2:
0x34: {  	p0 =	sne.s32 s16, $0x12000;
	[sflag:s8] =	ssyncadd.s32 $0xFFFFC000;
	s17 =	sadd.s32 $0x200, s17  }
0x35: {  	[tilespmem:s10], [sflag:$0x1] =	stream.indirect.gather [hbm4b:s3+s9], $0x80, s17, s9, $0xb8;
	[tilespmem:$0x11400] =	vst v63  }
0x36: {  	s19 =	smov.u32 s16;
	s16 =	sadd.s32 $0x2000, s16;
	s18 =	sadd.s32 $0x80, s17  }
0x37: {  	[tilespmem:s11], [sflag:$0x1] =	stream.indirect.gather [hbm4b:s3+s9], $0x80, s18, s9, $0xb8;
	[tilespmem:$0x11400] =	vst v63  }
0x38: {  	s18 =	sadd.s32 $0x100, s17  }
0x39: {  	[tilespmem:s12], [sflag:$0x1] =	stream.indirect.gather [hbm4b:s3+s9], $0x80, s18, s9, $0xb8;
	[tilespmem:$0x11400] =	vst v63  }
0x3a: {  	s18 =	sadd.s32 $0x180, s17  }
0x3b: {  	[tilespmem:s13], [sflag:$0x1] =	stream.indirect.gather [hbm4b:s3+s9], $0x80, s18, s9, $0xb8;
	[tilespmem:$0x11400] =	vst v63  }
0x3c: {  	_ =	swait.ge [sflag:s14], $0x4000  }
0x3d: {  	[sflag:s14] =	ssyncset.done $0x0  }
0x3e: {  	[sflag:s14] =	ssyncadd.s32 $0xFFFFC000  }
0x3f: {  	_ =	swait.ge [sflag:s14], $0x4000  }
0x40: {  	[sflag:s14] =	ssyncset.done $0x0  }
0x41: {  	[sflag:s14] =	ssyncadd.s32 $0xFFFFC000  }
0x42: {  	_ =	swait.ge [sflag:s14], $0x4000  }
0x43: {  	[sflag:s14] =	ssyncset.done $0x0  }
0x44: {  	[sflag:s14] =	ssyncadd.s32 $0xFFFFC000  }
0x45: {  	_ =	swait.ge [sflag:s14], $0x4000  }
0x46: {  	[sflag:s14] =	ssyncset.done $0x0  }
0x47: {  	s18 =	sadd.s32 s19, s6;
	[sflag:s14] =	ssyncadd.s32 $0xFFFFC000  }
0x48: {  	[hbm4b:s18+s2] =	stream.linear.scatter [tilespmem:s10], [sflag:$0x2], $0x4000, $0x38;
	[tilespmem:$0x11400] =	vst v63  }
0x49: {  	_ =	swait.ge [sflag:s8], $0x4000  }
0x4a: {  	s18 =	sadd.s32 s19, s7;
	[sflag:s8] =	ssyncset.done $0x0  }
0x4b: {  	s19 =	sadd.s32 $0x800, s18;
	[sflag:s8] =	ssyncadd.s32 $0xFFFFC000  }
0x4c: {  	[hbm4b:s19+s2] =	stream.linear.scatter [tilespmem:s11], [sflag:$0x2], $0x4000, $0x38;
	[tilespmem:$0x11400] =	vst v63  }
0x4d: {  	_ =	swait.ge [sflag:s8], $0x4000  }
0x4e: {  	[sflag:s8] =	ssyncset.done $0x0  }
0x4f: {  	s19 =	sadd.s32 $0x1000, s18;
	[sflag:s8] =	ssyncadd.s32 $0xFFFFC000  }
0x50: {  	[hbm4b:s19+s2] =	stream.linear.scatter [tilespmem:s12], [sflag:$0x2], $0x4000, $0x38;
	[tilespmem:$0x11400] =	vst v63  }
0x51: {  	_ =	swait.ge [sflag:s8], $0x4000  }
.Ltmp0:
0x52: {  	[sflag:s8] =	ssyncset.done $0x0;
	(pc) =	sbr.rel @p0 .LBB2_2-.Ltmp0, $4  }
0x53: {  	s18 =	sadd.s32 $0x1800, s18;
	[sflag:s8] =	ssyncadd.s32 $0xFFFFC000  }
0x54: {  	[hbm4b:s18+s2] =	stream.linear.scatter [tilespmem:s13], [sflag:$0x2], $0x4000, $0x38;
	[tilespmem:$0x11400] =	vst v63  }
0x55: {  	_ =	swait.ge [sflag:s8], $0x4000  }
0x56: {  	[sflag:s8] =	ssyncset.done $0x0  }
0x57: {  	s15 =	sadd.s32 $0x1, s15  }
0x58: {  	p0 =	sne.s32 s15, s5  }
.Ltmp1:
0x59: {  	_ = 	snop;
	(pc) =	sbr.rel @p0 .LBB2_1-.Ltmp1, $2  }
0x5a: {  	_ =	sdelay $0x2  }
0x5b: {  	[sflag:s8] =	ssyncadd.s32 $0xFFFFC000  }
0x5c: {  	_ =	sfence.sel $0x180000  }
0x5d: {  	[bflag:$0x0] =	sbarrier.arrive $0xFFFF  }
0x5e: {  	p0 =	sne.s32 s0, $0x0;
	_ =	strace $0x90000053  }
0x5f: {  	s0 =	sadd.s32 @!p0 $0x100000, s1;
	[bflag:$0x2] =	sbarrier.arrive $0xFFFF  }
0x60: {  	[sflag:s0] =	ssyncadd.tile.s32 @!p0 $0x1;
	_ =	shalt  }
.Lfunc_end2:
_tile_overlayer_lowered:
.L_overlay_start_2:
0x61: {  	(tag) =	ssettag $0x2  }
0x62: {  	s0 =	rddreg [dreg:$0x0];
	s2 =	stileid.u32  }
0x63: {  	s1 =	rddreg [dreg:$0x1];
	p0 =	sne.s32 s2, $0x0  }
0x64: {  	s3 =	rddreg [dreg:$0x2];
	[bflag:$0x3] =	sbarrier.arrive $0xFFFF;
	s2 =	simm.s32 @!p0 $0x1C02  }
0x65: {  	[timem:s3], [sflag:s2] =	dma.local @!p0 [hbm:s0], s1  }
0x66: {  	s0 =	simm.s32 @!p0 $0x2  }
0x67: {  	_ =	swait.ge @!p0 [sflag:s0], s1  }
0x68: {  	s1 =	ssub.s32 @!p0 $0x0, s1;
	[sflag:s0] =	ssyncset.done @!p0 $0x0  }
0x69: {  	[sflag:s0] =	ssyncadd.s32 @!p0 s1  }
0x6a: {  	[bflag:$0x3] =	sbarrier.arrive $0xFFFF  }
0x6b: {  	_ =	shalt  }

// kernel: kernel.41.cloned.1.call-start
scs
__scs_entry_jumppad:
0x0: {  	(pc) =	sbr.rel $0x88, $3  }
0x1: {  	(tag) =	ssettag $0x0;
	lr =	simm.s32 $0x1  }
0x2: {  	[smem:$0x3F89] =	sst lr;
	_ =	strace $0xD0000000  }
0x3: {  	_ = 	snop  }
0x4: {  	_ = 	snop  }
0x5: {  	_ = 	snop  }
0x6: {  	_ = 	snop  }
0x7: {  	_ = 	snop  }
__scs_overlays_trampoline_lowered:
0x8: {  	[smem:$0x3F98] =	sst s0  }
0x9: {  	[smem:$0x3F99] =	sst s1  }
0xa: {  	[smem:$0x3F9A] =	sst s2  }
0xb: {  	[smem:$0x3F9B] =	sst s3  }
0xc: {  	[smem:$0x3F9C] =	sst s4  }
0xd: {  	[smem:$0x3F9D] =	sst s5  }
0xe: {  	[smem:$0x3F9E] =	sst s6  }
0xf: {  	[smem:$0x3F9F] =	sst s7  }
0x10: {  	[smem:$0x3FA0] =	sst s8  }
0x11: {  	[smem:$0x3FA1] =	sst s9;
	s0 =	simm.s32 @!p0 $0x0  }
0x12: {  	s1 =	sld [smem:$0x3F87];
	s0 =	simm.s32 @p0 $0x1  }
0x13: {  	[smem:$0x3FA2] =	sst s0;
	s0 =	simm.s32 @!p1 $0x0  }
0x14: {  	s2 =	sld [smem:$0x3F86];
	s0 =	simm.s32 @p1 $0x1  }
0x15: {  	[smem:$0x3FA3] =	sst s0;
	s0 =	simm.s32 @!p2 $0x0  }
0x16: {  	s3 =	sld [smem:$0x3FDB];
	s0 =	simm.s32 @p2 $0x1  }
0x17: {  	s4 =	simm.s32 $0x1BF5;
	[smem:$0x3FA5] =	sst s0  }
0x18: {  	s0 =	sld [smem:$0x3F88];
	_ =	swait.ge [sflag:s4], $0x0  }
0x19: {  	s7 =	sld [smem:$0x3F89]  }
0x1a: {  	s8 =	sadd.s32 $0xFFFFE003, lr  }
0x1b: {  	s9 =	sadd.s32 $0xFFFFFEF7, lr;
	s5 =	simm.s32 $0xFFFFFFFF;
	p2 =	slt.u32 s8, $0xFFFFF086  }
0x1c: {  	p1 =	slt.u32 s9, $0xF7A;
	s5 =	simm.s32 @!p2 $0x0  }
0x1d: {  	s5 =	simm.s32 @p1 $0x1;
	p0 =	seq.s32 s7, s2  }
0x1e: {  	s7 =	smul.u32 @!p0 $0xF7A, s2;
	p2 =	seq.s32 @!p0 s5, $0x0  }
0x1f: {  	s9 =	smul.u32 $0xF7A, s1;
	s8 =	simm.s32 @!p0 $0x1BF5;
	p2 =	por !p2, p0  }
0x20: {  	[sflag:s8] =	ssyncset.s32 @!p0 $0xFFFFF086;
	s6 =	sadd.s32 @!p0 s3, s7;
	s7 =	simm.s32 @!p0 $0x108  }
0x21: {  	s3 =	sadd.s32 s3, s9;
	s6 =	sadd.s32 @!p0 $0x88, s6;
	s7 =	simm.s32 @p2 $0x1082  }
0x22: {  	[simem:s7], [sflag:s8] =	dma.local @!p0 [hbm:s6], $0xF7A  }
0x23: {  	s9 =	sor.u32 $0xD0000000, s2;
	s6 =	simm.s32 $0x108;
	_ =	swait.ge @!p0 [sflag:s8], $0x0  }
0x24: {  	s3 =	sadd.s32 $0x88, s3;
	s6 =	simm.s32 @!p1 $0x1082;
	[sflag:s4] =	ssyncset.s32 $0xFFFFF086  }
0x25: {  	[simem:s6], [sflag:s4] =	dma.local [hbm:s3], $0xF7A  }
0x26: {  	[smem:$0x3F89] =	sst s1;
	(tag) =	ssettag s2;
	_ =	strace s9  }
0x27: {  	s1 =	sld [smem:$0x3F99]  }
0x28: {  	s2 =	sld [smem:$0x3F9A]  }
0x29: {  	s4 =	sld [smem:$0x3F9C]  }
0x2a: {  	p0 =	seq.s32 s5, $0x0;
	s5 =	sld [smem:$0x3F9D]  }
0x2b: {  	s6 =	sld [smem:$0x3F9E]  }
0x2c: {  	s7 =	sld [smem:$0x3F9F]  }
0x2d: {  	s3 =	simm.s32 $0x108;
	s8 =	sld [smem:$0x3FA0]  }
0x2e: {  	s3 =	simm.s32 @!p0 $0x1082;
	s9 =	sld [smem:$0x3FA1]  }
0x2f: {  	lr =	sadd.s32 s0, s3;
	s0 =	sld [smem:$0x3F98]  }
0x30: {  	s3 =	sld [smem:$0x3F9B]  }
0x31: {  	[smem:$0x3FA4] =	sst s10  }
0x32: {  	s10 =	sld [smem:$0x3FA2];
	_ =	sdelay $0x3  }
0x33: {  	p0 =	seq.s32 s10, $0x1;
	s10 =	sld [smem:$0x3FA4];
	_ =	sdelay $0x3  }
0x34: {  	[smem:$0x3FA4] =	sst s10  }
0x35: {  	s10 =	sld [smem:$0x3FA3];
	_ =	sdelay $0x3  }
0x36: {  	p1 =	seq.s32 s10, $0x1;
	s10 =	sld [smem:$0x3FA4];
	_ =	sdelay $0x3  }
0x37: {  	[smem:$0x3FA4] =	sst s10  }
0x38: {  	s10 =	sld [smem:$0x3FA5]  }
0x39: {  	_ = 	snop;
	(pc) =	sbr.ind lr, $3  }
0x3a: {  	_ = 	snop  }
0x3b: {  	_ = 	snop  }
0x3c: {  	p2 =	seq.s32 s10, $0x1;
	s10 =	sld [smem:$0x3FA4]  }
0x3d: {  	_ =	shalt  }
0x3e: {  	_ =	shalt  }
0x3f: {  	_ =	shalt  }
0x40: {  	_ =	shalt  }
0x41: {  	_ =	shalt  }
0x42: {  	_ =	shalt  }
0x43: {  	_ =	shalt  }
0x44: {  	_ =	shalt  }
0x45: {  	_ =	shalt  }
0x46: {  	_ =	shalt  }
0x47: {  	_ =	shalt  }
0x48: {  	_ =	shalt  }
0x49: {  	_ =	shalt  }
0x4a: {  	_ =	shalt  }
0x4b: {  	_ =	shalt  }
0x4c: {  	_ =	shalt  }
0x4d: {  	_ =	shalt  }
0x4e: {  	_ =	shalt  }
0x4f: {  	_ =	shalt  }
0x50: {  	_ =	shalt  }
0x51: {  	_ =	shalt  }
0x52: {  	_ =	shalt  }
0x53: {  	_ =	shalt  }
0x54: {  	_ =	shalt  }
0x55: {  	_ =	shalt  }
0x56: {  	_ =	shalt  }
0x57: {  	_ =	shalt  }
0x58: {  	_ =	shalt  }
0x59: {  	_ =	shalt  }
0x5a: {  	_ =	shalt  }
0x5b: {  	_ =	shalt  }
0x5c: {  	_ =	shalt  }
0x5d: {  	_ =	shalt  }
0x5e: {  	_ =	shalt  }
0x5f: {  	_ =	shalt  }
0x60: {  	_ =	shalt  }
0x61: {  	_ =	shalt  }
0x62: {  	_ =	shalt  }
0x63: {  	_ =	shalt  }
0x64: {  	_ =	shalt  }
0x65: {  	_ =	shalt  }
0x66: {  	_ =	shalt  }
0x67: {  	_ =	shalt  }
0x68: {  	_ =	shalt  }
0x69: {  	_ =	shalt  }
0x6a: {  	_ =	shalt  }
0x6b: {  	_ =	shalt  }
0x6c: {  	_ =	shalt  }
0x6d: {  	_ =	shalt  }
0x6e: {  	_ =	shalt  }
0x6f: {  	_ =	shalt  }
0x70: {  	_ =	shalt  }
0x71: {  	_ =	shalt  }
0x72: {  	_ =	shalt  }
0x73: {  	_ =	shalt  }
0x74: {  	_ =	shalt  }
0x75: {  	_ =	shalt  }
0x76: {  	_ =	shalt  }
0x77: {  	_ =	shalt  }
0x78: {  	_ =	shalt  }
0x79: {  	_ =	shalt  }
0x7a: {  	_ =	shalt  }
0x7b: {  	_ =	shalt  }
0x7c: {  	_ =	shalt  }
0x7d: {  	_ =	shalt  }
0x7e: {  	_ =	shalt  }
0x7f: {  	_ =	shalt  }
0x80: {  	_ =	shalt  }
0x81: {  	_ =	shalt  }
0x82: {  	_ =	shalt  }
0x83: {  	_ =	shalt  }
0x84: {  	_ =	shalt  }
0x85: {  	_ =	shalt  }
0x86: {  	_ =	shalt  }
0x87: {  	_ =	shalt  }
.Lfunc_end0:
.L_simem_size_0:
called_computation.5_lowered:
.L_overlay_start_0:
0x88: {  	s2 =	sld [smem:$0x3FD9]  }
0x89: {  	s3 =	sld [smem:$0x3FFE];
	_ =	sdelay $0x1  }
0x8a: {  	s1 =	srdreg.scid  }
0x8b: {  	s0 =	sand.u32 $0x1, s1  }
0x8c: {  	s16 =	sshll.u32 s0, $0xA;
	s2 =	sadd.s32 s3, s2  }
0x8d: {  	s2 =	sadd.s32 s2, s16  }
0x8e: {  	[smem:$0x3FB0] =	sst s2  }
0x8f: {  	_ = 	snop  }
0x90: {  	(tm) =	ssettm $0x1  }
0x91: {  	s17 =	sld [smem:$0x3FFB];
	_ =	sdelay $0x3  }
0x92: {  	_ =	strace s17  }
0x93: {  	s2 =	sld [smem:$0x3FFC];
	_ =	sdelay $0x3  }
0x94: {  	_ =	strace s2  }
0x95: {  	s2 =	sld [smem:$0x3FFD];
	_ =	sdelay $0x3  }
0x96: {  	_ =	strace s2  }
0x97: {  	_ =	strace $0x8FFFFFFF  }
0x98: {  	s18 =	sld [smem:$0x3FDB];
	_ =	sdelay $0x1  }
0x99: {  	s19 =	simm.s32 $_scs_section_size  }
0x9a: {  	s4 =	simm.s32 $_size__tile_overlayer_lowered;
	s5 =	simm.s32 $_tile_overlayer_lowered  }
0x9b: {  	s22 =	simm.s32 $0x1BFF;
	s21 =	sshll.u32 s5, $0x1;
	s2 =	sadd.s32 s19, s18  }
0x9c: {  	s6 =	simm.s32 $0x0;
	s20 =	sshll.u32 s4, $0x1;
	s4 =	sadd.s32 s21, s2  }
0x9d: {  	[timem:s6], [sflag:s22] =	dma.local [hbm:s4], s20  }
0x9e: {  	_ =	swait.ge [sflag:s22], s20  }
0x9f: {  	s3 =	ssub.s32 $0x0, s20;
	[sflag:s22] =	ssyncset.done $0x0  }
0xa0: {  	[sflag:s22] =	ssyncadd.s32 s3;
	_ =	sdelay $0x1  }
0xa1: {  	s23 =	simm.s32 $0x1B8B  }
0xa2: {  	_ =	swait.ge [sflag:s23], $0x1  }
0xa3: {  	[sflag:s23] =	ssyncset.done $0x0  }
0xa4: {  	s25 =	simm.s32 $0x1B8E;
	s24 =	sld [smem:$0x3FFE];
	[sflag:s23] =	ssyncadd.s32 $0xFFFFFFFF  }
0xa5: {  	s26 =	simm.s32 $execute0_lowered;
	[smem:$0x3FD2] =	sst s25  }
0xa6: {  	s4 =	sshll.u32 s26, $0x1;
	_ =	strace $0x80000055;
	[dreg:$0x1] =	wrdreg $0xFFFFFFFF  }
0xa7: {  	s28 =	simm.s32 $_size_execute0_lowered;
	s2 =	sadd.s32 s2, s4;
	[dreg:$0x0] =	wrdreg $0x0  }
0xa8: {  	s4 =	sshll.u32 s28, $0x1;
	[dreg:$0x2] =	wrdreg s2  }
0xa9: {  	[dreg:$0x3] =	wrdreg s4  }
0xaa: {  	[dreg:$0x4] =	wrdreg $0xC0  }
0xab: {  	_ =	task [dreg:s6], $0x5FFFF  }
0xac: {  	[dreg:$0x1] =	wrdreg $0xFFFFFFFF  }
0xad: {  	[dreg:$0x0] =	wrdreg $0x60  }
0xae: {  	[dreg:$0x2] =	wrdreg s24  }
0xaf: {  	[dreg:$0x3] =	wrdreg $0x81000  }
0xb0: {  	[dreg:$0x4] =	wrdreg $0x9  }
0xb1: {  	_ =	task.clear_ibuf [dreg:s6], $0x5FFFF;
	_ =	strace $0x90000055  }
0xb2: {  	s29 =	simm.s32 $0x9;
	_ =	strace $0x80000057  }
0xb3: {  	_ =	swait.ge [sflag:s29], $0x1  }
0xb4: {  	[sflag:s29] =	ssyncadd.s32 $0xFFFFFFFF  }
0xb5: {  	_ =	strace $0x90000057  }
0xb6: {  	_ =	sfence  }
0xb7: {  	s30 =	sld [smem:$0x0];
	_ =	sdelay $0x2  }
0xb8: {  	s31 =	sshll.u32 s1, $0xD;
	s1 =	sshrl.u32 s1, $0x2  }
0xb9: {  	s3 =	sand.u32 $0x4000, s31;
	s1 =	sadd.s32 s1, s30  }
0xba: {  	s0 =	sor.u32 s3, s0;
	s1 =	sshll.u32 s1, $0x11  }
0xbb: {  	s0 =	sor.u32 s1, s0  }
0xbc: {  	s0 =	sadd.s32 $0x8F2B, s0  }
0xbd: {  	[sflag:s0] =	ssyncadd.remote.s32 $0x1  }
0xbe: {  	_ =	sfence.sel $0xFFFF  }
0xbf: {  	[dreg:$0x0] =	wrdreg $0xFFFFFFFF;
	(pc) =	sbr.abs _section_cstart, $3  }
0xc0: {  	[dreg:$0x1] =	wrdreg $0xFFFFFFFF  }
0xc1: {  	_ =	task.clear_ibuf [dreg:s6], $0x2FFFF;
	_ =	strace $0x9FFFFFFF  }
0xc2: {  	(tm) =	ssettm $0x7FFFFFFF  }
0xc3: {  	_ =	shalt  }
tec
execute0_lowered:
.L_overlay_start_1:
0x0: {  	(tag) =	ssettag $0x1  }
0x1: {  	s7 =	rddreg [dreg:$0x0]  }
0x2: {  	s1 =	rddreg [dreg:$0x1];
	s2 =	srdreg.scid;
	s3 =	simm.s32 $0x0  }
0x3: {  	s18 =	simm.s32 $0x80;
	s19 =	simm.s32 $0x4100;
	s9 =	sand.u32 $0x1, s2  }
0x4: {  	s20 =	simm.s32 $0x1;
	s2 =	stileid.u32;
	s5 =	smul.u32 $0x140000, s9  }
0x5: {  	s21 =	simm.s32 $0x100;
	[smem:$0x7FF] =	sst s3;
	s6 =	smul.u32 $0x14000, s2  }
0x6: {  	s14 =	sadd.s32 $0x40CC00, s7;
	s4 =	sshll.u32 s2, $0x1;
	s12 =	smul.u32 $0x50000, s2  }
0x7: {  	_ =	strace $0x80000056;
	s22 =	ssub.s32 $0x2, s9;
	s23 =	smul.u32 $0x140000, s2  }
0x8: {  	s25 =	smul.u32 $0xA0000, s9;
	s31 =	sshll.u32 s2, $0x6;
	s8 =	sor.u32 s9, s4  }
0x9: {  	s4 =	sadd.s32 $0x2C7C00, s7;
	s10 =	sadd.s32 s6, s5;
	s5 =	smul.u32 $0x1400, s8  }
0xa: {  	s13 =	sshrl.u32 s22, $0x1;
	s6 =	sadd.s32 $0xD800, s7;
	s11 =	smul.u32 $0x14000, s8  }
0xb: {  	s16 =	smul.u32 $0xA0000, s8;
	s13 =	ssub.s32 s22, s13;
	s24 =	sshrl.u32 s12, $0x2  }
0xc: {  	s12 =	sadd.s32 s25, s23;
	s22 =	simm.s32 $0x2;
	s23 =	simm.s32 $0x0  }
0xd: {  	s10 =	sshrl.u32 s10, $0x3;
	s17 =	sadd.s32 s24, s1;
	s28 =	sor.u32 $0x8000, s12  }
0xe: {  	s10 =	sadd.s32 s10, s7;
	s15 =	sshrl.u32 s5, $0x3;
	s8 =	sadd.s32 s14, s11  }
0xf: {  	s26 =	sshrl.u32 s16, $0x3;
	s30 =	sshrl.u32 s28, $0x3;
	s16 =	sor.u32 $0x1C03, s31  }
0x10: {  	s17 =	sshrl.u32 s17, $0x3;
	s7 =	sadd.s32 s4, s15;
	s9 =	sadd.s32 $0x2CCC00, s10  }
0x11: {  	s10 =	smax.u32 s13, $0x1;
	s13 =	sadd.s32 s14, s26;
	s15 =	sor.u32 $0x4000, s12  }
0x12: {  	s11 =	sadd.s32 $0x270, s7;
	s12 =	sadd.s32 $0x13800, s13;
	s29 =	sshrl.u32 s15, $0x3  }
0x13: {  	s15 =	simm.s32 $0x3;
	s13 =	sadd.s32 s29, s14;
	s14 =	sadd.s32 s30, s14  }
.LBB2_1:
0x14: {  	[tilespmem:s3], [sflag:$0x3] =	stream.linear.gather [hbm4b:s7+s3], $0x80, $0x38;
	[tilespmem:$0x1C100] =	vst v63  }
0x15: {  	_ =	swait.ge [sflag:s15], $0x80  }
0x16: {  	s24 =	simm.s32 $0x0;
	[sflag:s15] =	ssyncset.done $0x0  }
0x17: {  	s25 =	simm.s32 $0x80;
	s24 =	sand.u32 $0x1C00, s24;
	[sflag:s15] =	ssyncadd.s32 $0xFFFFFF80  }
0x18: {  	[tilespmem:s21], [sflag:$0x1] =	stream.linear.gather [hbm4b:s8+s3], $0x4000, $0x38;
	[tilespmem:$0x1C100] =	vst v63  }
0x19: {  	[spmem:s17], [sflag:s16] =	dma.local [hbm:s6], $0x2800  }
0x1a: {  	s25 =	sand.u32 $0x380, s25;
	s24 =	sadd.s32 s5, s24;
	_ =	swait.ge [sflag:s15], $0x2800  }
0x1b: {  	s24 =	sor.u32 s24, s25;
	[sflag:s15] =	ssyncset.done $0x0  }
0x1c: {  	s24 =	sshrl.u32 s24, $0x3;
	[sflag:s15] =	ssyncadd.s32 $0xFFFFD800  }
0x1d: {  	s24 =	sadd.s32 s4, s24;
	[bflag:$0x0] =	sbarrier.arrive $0xFFFF  }
0x1e: {  	[tilespmem:s18], [sflag:$0x3] =	stream.linear.gather [hbm4b:s24+s3], $0x80, $0x38;
	[tilespmem:$0x1C100] =	vst v63  }
0x1f: {  	_ =	swait.ge [sflag:s15], $0x80  }
0x20: {  	[sflag:s15] =	ssyncset.done $0x0  }
0x21: {  	[sflag:s15] =	ssyncadd.s32 $0xFFFFFF80  }
0x22: {  	[tilespmem:s19], [sflag:$0x2] =	stream.linear.gather [hbm4b:s13+s3], $0x4000, $0x38;
	[tilespmem:$0x1C100] =	vst v63  }
0x23: {  	_ =	swait.ge [sflag:s20], $0x4000  }
0x24: {  	s28 =	sand.u32 $0x3C00, s21;
	[sflag:s20] =	ssyncset.done $0x0  }
0x25: {  	s31 =	sand.u32 $0x300, s21;
	s24 =	sadd.s32 s5, s28;
	[sflag:s20] =	ssyncadd.s32 $0xFFFFC000  }
0x26: {  	[spmem:s1] =	stream.indirect.scatter.add.f32 [tilespmem:s21], [sflag:$0x3], $0x80, s3, s18, $0xb8;
	[tilespmem:$0x1C100] =	vst v63  }
0x27: {  	s24 =	sor.u32 s31, s24;
	_ =	swait.ge [sflag:s15], $0x4000  }
0x28: {  	s24 =	sshrl.u32 s24, $0x3;
	[sflag:s15] =	ssyncset.done $0x0  }
0x29: {  	s24 =	sadd.s32 s4, s24;
	[sflag:s15] =	ssyncadd.s32 $0xFFFFC000  }
0x2a: {  	[tilespmem:s3], [sflag:$0x3] =	stream.linear.gather [hbm4b:s24+s3], $0x80, $0x38;
	[tilespmem:$0x1C100] =	vst v63  }
0x2b: {  	s29 =	simm.s32 $0x300;
	s26 =	simm.s32 $0x100;
	_ =	swait.ge [sflag:s15], $0x80  }
0x2c: {  	s26 =	sand.u32 $0x1C00, s26;
	s28 =	simm.s32 $0x180;
	[sflag:s15] =	ssyncset.done $0x0  }
0x2d: {  	s26 =	sadd.s32 s5, s26;
	s28 =	sand.u32 $0x380, s28;
	[sflag:s15] =	ssyncadd.s32 $0xFFFFFF80  }
0x2e: {  	[tilespmem:s21], [sflag:$0x1] =	stream.linear.gather [hbm4b:s14+s3], $0x4000, $0x38;
	[tilespmem:$0x1C100] =	vst v63  }
0x2f: {  	s25 =	simm.s32 $0x200;
	s30 =	sor.u32 s26, s28;
	_ =	swait.ge [sflag:s22], $0x4000  }
0x30: {  	s26 =	sadd.s32 $0x1000, s13;
	s24 =	sadd.s32 $0x1000, s14;
	[sflag:s22] =	ssyncset.done $0x0  }
.LBB2_2:
0x31: {  	s30 =	sshrl.u32 s30, $0x3;
	[sflag:s22] =	ssyncadd.s32 $0xFFFFC000  }
0x32: {  	s31 =	smov.u32 s29;
	s28 =	sadd.s32 $0x100, s29;
	s0 =	smov.u32 s24  }
0x33: {  	[spmem:s1] =	stream.indirect.scatter.add.f32 [tilespmem:s19], [sflag:$0x3], $0x80, s18, s18, $0xb8;
	[tilespmem:$0x1C100] =	vst v63  }
0x34: {  	p0 =	sne.s32 s29, $0x1300;
	_ =	swait.ge [sflag:s15], $0x4000  }
0x35: {  	[sflag:s15] =	ssyncset.done $0x0  }
0x36: {  	s29 =	sadd.s32 s4, s30;
	[sflag:s15] =	ssyncadd.s32 $0xFFFFC000  }
0x37: {  	[tilespmem:s18], [sflag:$0x3] =	stream.linear.gather [hbm4b:s29+s3], $0x80, $0x38;
	[tilespmem:$0x1C100] =	vst v63  }
0x38: {  	_ =	swait.ge [sflag:s15], $0x80  }
0x39: {  	[sflag:s15] =	ssyncset.done $0x0  }
0x3a: {  	[sflag:s15] =	ssyncadd.s32 $0xFFFFFF80  }
0x3b: {  	[tilespmem:s19], [sflag:$0x2] =	stream.linear.gather [hbm4b:s26+s3], $0x4000, $0x38;
	[tilespmem:$0x1C100] =	vst v63  }
0x3c: {  	_ =	swait.ge [sflag:s20], $0x4000  }
0x3d: {  	[sflag:s20] =	ssyncset.done $0x0  }
0x3e: {  	s29 =	sand.u32 $0x3C00, s25;
	[sflag:s20] =	ssyncadd.s32 $0xFFFFC000  }
0x3f: {  	[spmem:s1] =	stream.indirect.scatter.add.f32 [tilespmem:s21], [sflag:$0x3], $0x80, s3, s18, $0xb8;
	[tilespmem:$0x1C100] =	vst v63  }
0x40: {  	s25 =	sand.u32 $0x300, s25;
	s29 =	sadd.s32 s5, s29;
	_ =	swait.ge [sflag:s15], $0x4000  }
0x41: {  	s29 =	sor.u32 s25, s29;
	s25 =	smov.u32 s31;
	[sflag:s15] =	ssyncset.done $0x0  }
0x42: {  	s29 =	sshrl.u32 s29, $0x3;
	[sflag:s15] =	ssyncadd.s32 $0xFFFFC000  }
0x43: {  	s29 =	sadd.s32 s4, s29  }
0x44: {  	[tilespmem:s3], [sflag:$0x3] =	stream.linear.gather [hbm4b:s29+s3], $0x80, $0x38;
	[tilespmem:$0x1C100] =	vst v63  }
0x45: {  	s24 =	sadd.s32 $0x1000, s24;
	s30 =	sadd.s32 $0xFFFFFF80, s25;
	_ =	swait.ge [sflag:s15], $0x80  }
.Ltmp0:
0x46: {  	s29 =	sadd.s32 $0xFFFFFF00, s25;
	[sflag:s15] =	ssyncset.done $0x0;
	(pc) =	sbr.rel @p0 .LBB2_2-.Ltmp0, $4  }
0x47: {  	s26 =	sadd.s32 $0x1000, s26;
	s29 =	sand.u32 $0x1C00, s29;
	[sflag:s15] =	ssyncadd.s32 $0xFFFFFF80  }
0x48: {  	[tilespmem:s21], [sflag:$0x1] =	stream.linear.gather [hbm4b:s0+s3], $0x4000, $0x38;
	[tilespmem:$0x1C100] =	vst v63  }
0x49: {  	s0 =	sadd.s32 s5, s29;
	s29 =	sand.u32 $0x380, s30;
	_ =	swait.ge [sflag:s22], $0x4000  }
0x4a: {  	s30 =	sor.u32 s0, s29;
	s29 =	smov.u32 s28;
	[sflag:s22] =	ssyncset.done $0x0  }
0x4b: {  	[sflag:s22] =	ssyncadd.s32 $0xFFFFC000  }
0x4c: {  	[spmem:s1] =	stream.indirect.scatter.add.f32 [tilespmem:s19], [sflag:$0x3], $0x80, s18, s18, $0xb8;
	[tilespmem:$0x1C100] =	vst v63  }
0x4d: {  	_ =	swait.ge [sflag:s15], $0x4000  }
0x4e: {  	s0 =	sshrl.u32 s30, $0x3;
	[sflag:s15] =	ssyncset.done $0x0  }
0x4f: {  	s0 =	sadd.s32 s4, s0;
	[sflag:s15] =	ssyncadd.s32 $0xFFFFC000  }
0x50: {  	[tilespmem:s18], [sflag:$0x3] =	stream.linear.gather [hbm4b:s0+s3], $0x80, $0x38;
	[tilespmem:$0x1C100] =	vst v63  }
0x51: {  	_ =	swait.ge [sflag:s15], $0x80  }
0x52: {  	[sflag:s15] =	ssyncset.done $0x0  }
0x53: {  	[sflag:s15] =	ssyncadd.s32 $0xFFFFFF80  }
0x54: {  	[tilespmem:s19], [sflag:$0x2] =	stream.linear.gather [hbm4b:s26+s3], $0x4000, $0x38;
	[tilespmem:$0x1C100] =	vst v63  }
0x55: {  	_ =	swait.ge [sflag:s20], $0x4000  }
0x56: {  	s30 =	sand.u32 $0x3C00, s25;
	[sflag:s20] =	ssyncset.done $0x0  }
0x57: {  	s31 =	sand.u32 $0x300, s25;
	s0 =	sadd.s32 s5, s30;
	[sflag:s20] =	ssyncadd.s32 $0xFFFFC000  }
0x58: {  	[spmem:s1] =	stream.indirect.scatter.add.f32 [tilespmem:s21], [sflag:$0x3], $0x80, s3, s18, $0xb8;
	[tilespmem:$0x1C100] =	vst v63  }
0x59: {  	s0 =	sor.u32 s31, s0;
	_ =	swait.ge [sflag:s15], $0x4000  }
0x5a: {  	s0 =	sshrl.u32 s0, $0x3;
	[sflag:s15] =	ssyncset.done $0x0  }
0x5b: {  	s0 =	sadd.s32 s4, s0;
	[sflag:s15] =	ssyncadd.s32 $0xFFFFC000  }
0x5c: {  	[tilespmem:s3], [sflag:$0x3] =	stream.linear.gather [hbm4b:s0+s3], $0x80, $0x38;
	[tilespmem:$0x1C100] =	vst v63  }
0x5d: {  	_ =	swait.ge [sflag:s15], $0x80  }
0x5e: {  	[sflag:s15] =	ssyncset.done $0x0  }
0x5f: {  	[sflag:s15] =	ssyncadd.s32 $0xFFFFFF80  }
0x60: {  	[tilespmem:s21], [sflag:$0x1] =	stream.linear.gather [hbm4b:s24+s3], $0x4000, $0x38;
	[tilespmem:$0x1C100] =	vst v63  }
0x61: {  	_ =	swait.ge [sflag:s22], $0x4000  }
0x62: {  	[sflag:s22] =	ssyncset.done $0x0  }
0x63: {  	[sflag:s22] =	ssyncadd.s32 $0xFFFFC000  }
0x64: {  	[spmem:s1] =	stream.indirect.scatter.add.f32 [tilespmem:s19], [sflag:$0x3], $0x80, s18, s18, $0xb8;
	[tilespmem:$0x1C100] =	vst v63  }
0x65: {  	_ =	swait.ge [sflag:s15], $0x4000  }
0x66: {  	[sflag:s15] =	ssyncset.done $0x0  }
0x67: {  	[sflag:s15] =	ssyncadd.s32 $0xFFFFC000  }
0x68: {  	[tilespmem:s18], [sflag:$0x3] =	stream.linear.gather [hbm4b:s11+s3], $0x80, $0x38;
	[tilespmem:$0x1C100] =	vst v63  }
0x69: {  	_ =	swait.ge [sflag:s15], $0x80  }
0x6a: {  	[sflag:s15] =	ssyncset.done $0x0  }
0x6b: {  	[sflag:s15] =	ssyncadd.s32 $0xFFFFFF80  }
0x6c: {  	[tilespmem:s19], [sflag:$0x2] =	stream.linear.gather [hbm4b:s12+s3], $0x4000, $0x38;
	[tilespmem:$0x1C100] =	vst v63  }
0x6d: {  	_ =	swait.ge [sflag:s20], $0x4000  }
0x6e: {  	[sflag:s20] =	ssyncset.done $0x0  }
0x6f: {  	[sflag:s20] =	ssyncadd.s32 $0xFFFFC000  }
0x70: {  	[spmem:s1] =	stream.indirect.scatter.add.f32 [tilespmem:s21], [sflag:$0x3], $0x80, s3, s18, $0xb8;
	[tilespmem:$0x1C100] =	vst v63  }
0x71: {  	_ =	swait.ge [sflag:s15], $0x4000  }
0x72: {  	[sflag:s15] =	ssyncset.done $0x0  }
0x73: {  	[sflag:s15] =	ssyncadd.s32 $0xFFFFC000  }
0x74: {  	_ =	swait.ge [sflag:s22], $0x4000  }
0x75: {  	[sflag:s22] =	ssyncset.done $0x0  }
0x76: {  	[sflag:s22] =	ssyncadd.s32 $0xFFFFC000  }
0x77: {  	[spmem:s1] =	stream.indirect.scatter.add.f32 [tilespmem:s19], [sflag:$0x3], $0x80, s18, s18, $0xb8;
	[tilespmem:$0x1C100] =	vst v63  }
0x78: {  	_ =	swait.ge [sflag:s15], $0x4000  }
0x79: {  	s23 =	sadd.s32 $0x1, s23;
	[sflag:s15] =	ssyncset.done $0x0  }
0x7a: {  	p0 =	sne.s32 s23, s10;
	[sflag:s15] =	ssyncadd.s32 $0xFFFFC000  }
.Ltmp1:
0x7b: {  	[bflag:$0x0] =	sbarrier.arrive $0xFFFF;
	(pc) =	sbr.rel @p0 .LBB2_1-.Ltmp1, $4  }
0x7c: {  	[hbm:s9], [sflag:s16] =	dma.local [spmem:s17], $0x2800  }
0x7d: {  	_ =	swait.ge [sflag:s15], $0x2800  }
0x7e: {  	[sflag:s15] =	ssyncset.done $0x0  }
0x7f: {  	[sflag:s15] =	ssyncadd.s32 $0xFFFFD800  }
0x80: {  	_ =	sfence.sel $0x180000  }
0x81: {  	[bflag:$0x0] =	sbarrier.arrive $0xFFFF  }
0x82: {  	_ =	strace $0x90000056  }
0x83: {  	[bflag:$0x2] =	sbarrier.arrive $0xFFFF  }
0x84: {  	p0 =	sne.s32 s2, $0x0;
	s0 =	rddreg [dreg:$0x2]  }
0x85: {  	s0 =	sadd.s32 @!p0 $0x100000, s0  }
0x86: {  	[sflag:s0] =	ssyncadd.tile.s32 @!p0 $0x1;
	_ =	shalt  }
.Lfunc_end2:
_tile_overlayer_lowered:
.L_overlay_start_2:
0x87: {  	(tag) =	ssettag $0x2  }
0x88: {  	s0 =	rddreg [dreg:$0x0];
	s2 =	stileid.u32  }
0x89: {  	s1 =	rddreg [dreg:$0x1];
	p0 =	sne.s32 s2, $0x0  }
0x8a: {  	s3 =	rddreg [dreg:$0x2];
	[bflag:$0x3] =	sbarrier.arrive $0xFFFF;
	s2 =	simm.s32 @!p0 $0x1C03  }
0x8b: {  	[timem:s3], [sflag:s2] =	dma.local @!p0 [hbm:s0], s1  }
0x8c: {  	s0 =	simm.s32 @!p0 $0x3  }
0x8d: {  	_ =	swait.ge @!p0 [sflag:s0], s1  }
0x8e: {  	s1 =	ssub.s32 @!p0 $0x0, s1;
	[sflag:s0] =	ssyncset.done @!p0 $0x0  }
0x8f: {  	[sflag:s0] =	ssyncadd.s32 @!p0 s1  }
0x90: {  	[bflag:$0x3] =	sbarrier.arrive $0xFFFF  }
0x91: {  	_ =	shalt  }

</sc_bundles>
